<compile_context>
chip_gen: v7x
topology: tpu7x:2x2x1
jax: 0.10.2.dev20260603
libtpu: 0.0.44.dev20260713+nightly
codegen_flags: <defaults>
</compile_context>

<pallas_src>
import functools
import jax
import jax.numpy as jnp
import numpy as np
from jax import lax
from jax.experimental import pallas as pl
from jax.experimental.pallas import tpu as pltpu
from jax.experimental.pallas import tpu_sc as plsc

IN_C = 32
OUT_C = 64
STRIDE = 4
RADIUS = 0.1
NSAMPLE = 32


def _fps_body2(px_ref, py_ref, pz_ref, idx_ref, npx_ref, npy_ref, npz_ref,
               *, M, N, B, SUB, MSUB):
    LN = N // SUB
    ML = M // MSUB
    pxs = [px_ref[pl.ds(b * SUB, SUB), :] for b in range(B)]
    pys = [py_ref[pl.ds(b * SUB, SUB), :] for b in range(B)]
    pzs = [pz_ref[pl.ds(b * SUB, SUB), :] for b in range(B)]
    nidx = (lax.broadcasted_iota(jnp.int32, (SUB, LN), 0) * LN
            + lax.broadcasted_iota(jnp.int32, (SUB, LN), 1))
    midx = (lax.broadcasted_iota(jnp.int32, (MSUB, ML), 0) * ML
            + lax.broadcasted_iota(jnp.int32, (MSUB, ML), 1))

    def body(m, st):
        dists, fars, aidxs, axs, ays, azs = st
        sel = midx == m
        out = ([], [], [], [], [], [])
        for b in range(B):
            dist, far = dists[b], fars[b]
            px, py, pz = pxs[b], pys[b], pzs[b]
            aidx = jnp.where(sel, far, aidxs[b])
            onehot = nidx == far
            cx = jnp.sum(jnp.where(onehot, px, 0.0))
            cy = jnp.sum(jnp.where(onehot, py, 0.0))
            cz = jnp.sum(jnp.where(onehot, pz, 0.0))
            ax = jnp.where(sel, cx, axs[b])
            ay = jnp.where(sel, cy, ays[b])
            az = jnp.where(sel, cz, azs[b])
            dxv = px - cx
            dyv = py - cy
            dzv = pz - cz
            d = (dxv * dxv + dzv * dzv) + dyv * dyv
            dist = jnp.minimum(dist, d)
            mx = jnp.max(dist)
            far = jnp.min(jnp.where(dist == mx, nidx, N))
            for lst, v in zip(out, (dist, far, aidx, ax, ay, az)):
                lst.append(v)
        return out

    dist0 = [jnp.full((SUB, LN), 1e10, jnp.float32)] * B
    far0 = [jnp.int32(0)] * B
    z = [jnp.zeros((MSUB, ML), jnp.float32)] * B
    zi = [jnp.zeros((MSUB, ML), jnp.int32)] * B
    _, _, aidxs, axs, ays, azs = lax.fori_loop(
        0, M, body, (dist0, far0, zi, z, z, z))
    for b in range(B):
        idx_ref[b] = aidxs[b]
        npx_ref[b] = axs[b]
        npy_ref[b] = ays[b]
        npz_ref[b] = azs[b]


def _fps(p, M):
    B, N, _ = p.shape
    SUB = 8
    MSUB = 16
    pr = p.transpose(0, 2, 1).reshape(B, 3, SUB, N // SUB)
    px = pr[:, 0].reshape(B * SUB, N // SUB)
    py = pr[:, 1].reshape(B * SUB, N // SUB)
    pz = pr[:, 2].reshape(B * SUB, N // SUB)
    idx, npx, npy, npz = pl.pallas_call(
        functools.partial(_fps_body2, M=M, N=N, B=B, SUB=SUB, MSUB=MSUB),
        out_shape=[
            jax.ShapeDtypeStruct((B, MSUB, M // MSUB), jnp.int32),
            jax.ShapeDtypeStruct((B, MSUB, M // MSUB), jnp.float32),
            jax.ShapeDtypeStruct((B, MSUB, M // MSUB), jnp.float32),
            jax.ShapeDtypeStruct((B, MSUB, M // MSUB), jnp.float32),
        ],
    )(px, py, pz)
    new_p = jnp.stack([npx.reshape(B, M), npy.reshape(B, M),
                       npz.reshape(B, M)], axis=-1)
    return idx.reshape(B, M), new_p


def _ball_query(p, new_p, radius, K):
    B, N, _ = p.shape
    M = new_p.shape[1]
    NW = 32
    CPT = (B * M) // NW
    PW = NW // B
    CH = 128
    NCH = N // CH
    CBUF = 128
    r2 = np.float32(radius * radius)

    mesh = plsc.VectorSubcoreMesh(core_axis_name="c", subcore_axis_name="s")

    @functools.partial(
        pl.kernel,
        out_type=jax.ShapeDtypeStruct((B * M * K,), jnp.int32),
        mesh=mesh,
        scratch_types=[
            pltpu.VMEM((N,), jnp.float32),
            pltpu.VMEM((N,), jnp.float32),
            pltpu.VMEM((N,), jnp.float32),
            pltpu.VMEM((CPT + 16,), jnp.float32),
            pltpu.VMEM((CPT + 16,), jnp.float32),
            pltpu.VMEM((CPT + 16,), jnp.float32),
            pltpu.VMEM((CBUF,), jnp.int32),
            pltpu.VMEM((CPT * K,), jnp.int32),
        ],
    )
    def bq(px_h, py_h, pz_h, cx_h, cy_h, cz_h, out_h,
           pxv, pyv, pzv, cxv, cyv, czv, cand, gbuf):
        wid = lax.axis_index("s") * 2 + lax.axis_index("c")
        b = wid // PW
        part = wid % PW
        pltpu.sync_copy(px_h.at[pl.ds(b * N, N)], pxv)
        pltpu.sync_copy(py_h.at[pl.ds(b * N, N)], pyv)
        pltpu.sync_copy(pz_h.at[pl.ds(b * N, N)], pzv)
        cbase = b * M + part * CPT
        pltpu.sync_copy(cx_h.at[pl.ds(cbase, CPT)], cxv.at[pl.ds(0, CPT)])
        pltpu.sync_copy(cy_h.at[pl.ds(cbase, CPT)], cyv.at[pl.ds(0, CPT)])
        pltpu.sync_copy(cz_h.at[pl.ds(cbase, CPT)], czv.at[pl.ds(0, CPT)])

        lanes = lax.iota(jnp.int32, 16)
        zeros16 = jnp.zeros((16,), jnp.int32)

        bofs = b * N

        def per_centroid(i, carry):
            ccx = cxv[pl.ds(i, 16)][0]
            ccy = cyv[pl.ds(i, 16)][0]
            ccz = czv[pl.ds(i, 16)][0]
            cand[pl.ds(0, 16)] = zeros16 + bofs

            one16 = jnp.ones((16,), jnp.int32)
            zero16 = jnp.zeros((16,), jnp.int32)

            def hsum(v):
                s = v[0]
                for l in range(1, 16):
                    s = s + v[l]
                return s

            BIG = jnp.int32(1 << 30)
            big16 = jnp.zeros((16,), jnp.int32) + BIG

            def chunk(j, cnt):
                base = j * CH
                mi = []
                for r in range(CH // 16):
                    off = base + r * 16
                    dx = pxv[pl.ds(off, 16)] - ccx
                    dy = pyv[pl.ds(off, 16)] - ccy
                    dz = pzv[pl.ds(off, 16)] - ccz
                    d2 = (dx * dx + dz * dz) + dy * dy
                    mi.append(jnp.where(d2 <= r2, one16, zero16))
                tot = mi[0]
                for r in range(1, CH // 16):
                    tot = tot + mi[r]
                s1 = hsum(tot)

                def one_hit(cnt):
                    wv = mi[0] * (lanes + base)
                    for r in range(1, CH // 16):
                        wv = wv + mi[r] * (lanes + (base + r * 16))
                    gidx = hsum(wv) + bofs
                    app = jnp.where(lanes == 0, gidx, BIG)
                    cand[pl.ds(jnp.minimum(cnt, 64), 16)] = app
                    return cnt + 1

                def multi_hit(cnt):
                    for r in range(CH // 16):
                        v = big16
                        rank = jnp.int32(0)
                        for l in range(16):
                            ml = mi[r][l]
                            val = jnp.where(ml > 0,
                                            bofs + (base + r * 16 + l),
                                            BIG)
                            v = jnp.where(lanes == rank, val, v)
                            rank = rank + ml
                        cand[pl.ds(jnp.minimum(cnt, 64), 16)] = v
                        cnt = cnt + rank
                    return cnt

                def any_hit(cnt):
                    return lax.cond(s1 == 1, one_hit, multi_hit, cnt)

                return lax.cond(s1 > 0, any_hit, lambda c: c, cnt)

            cnt = lax.fori_loop(0, NCH, chunk, jnp.int32(0))

            first = jnp.zeros((16,), jnp.int32) + cand[pl.ds(0, 16)][0]
            row0 = jnp.where(lanes < cnt, cand[pl.ds(0, 16)], first)
            row1 = jnp.where(lanes + 16 < cnt, cand[pl.ds(16, 16)], first)
            gbuf[pl.ds(i * K, 16)] = row0
            gbuf[pl.ds(i * K + 16, 16)] = row1
            return carry

        lax.fori_loop(0, CPT, per_centroid, jnp.int32(0))
        pltpu.sync_copy(gbuf, out_h.at[pl.ds(wid * CPT * K, CPT * K)])

    pT = p.transpose(2, 0, 1).reshape(3, B * N)
    cT = new_p.transpose(2, 0, 1).reshape(3, B * M)
    return bq(pT[0], pT[1], pT[2], cT[0], cT[1], cT[2])


def _group_gather(T, gidx_flat, new_p):
    BN, D = T.shape
    B, M, _ = new_p.shape
    R = gidx_flat.shape[0]
    K = R // (B * M)
    NW = 32
    CPT = (B * M) // NW
    RPT = CPT * K
    SUB = 32
    SROWS = SUB * K

    mesh = plsc.VectorSubcoreMesh(core_axis_name="c", subcore_axis_name="s")

    @functools.partial(
        pl.kernel,
        out_type=jax.ShapeDtypeStruct((R, D), jnp.float32),
        mesh=mesh,
        scratch_types=[
            pltpu.VMEM((RPT,), jnp.int32),
            pltpu.VMEM((CPT + 16,), jnp.float32),
            pltpu.VMEM((CPT + 16,), jnp.float32),
            pltpu.VMEM((CPT + 16,), jnp.float32),
            pltpu.VMEM((SROWS, D), jnp.float32),
            pltpu.SemaphoreType.DMA,
        ],
        compiler_params=pltpu.CompilerParams(use_tc_tiling_on_sc=False),
    )
    def gg(t_h, gi_h, cx_h, cy_h, cz_h, x_h, giv, cxv, cyv, czv, xbuf, sem):
        wid = lax.axis_index("s") * 2 + lax.axis_index("c")
        pltpu.sync_copy(gi_h.at[pl.ds(wid * RPT, RPT)], giv)
        cb = wid * CPT
        pltpu.sync_copy(cx_h.at[pl.ds(cb, CPT)], cxv.at[pl.ds(0, CPT)])
        pltpu.sync_copy(cy_h.at[pl.ds(cb, CPT)], cyv.at[pl.ds(0, CPT)])
        pltpu.sync_copy(cz_h.at[pl.ds(cb, CPT)], czv.at[pl.ds(0, CPT)])

        lanes = lax.iota(jnp.int32, 16)
        zf = jnp.zeros((16,), jnp.float32)

        def sub_chunk(s, carry):
            cps = []
            for q in range(SROWS // 128):
                idxs = giv.at[pl.ds(s * SROWS + q * 128, 128)]
                cps.append(pltpu.async_copy(
                    t_h.at[idxs], xbuf.at[pl.ds(q * 128, 128)], sem))
            for cp in cps:
                cp.wait()
            def fix_c(ci, carry2):
                c = s * SUB + ci
                ccx = cxv[pl.ds(c, 16)][0]
                ccy = cyv[pl.ds(c, 16)][0]
                ccz = czv[pl.ds(c, 16)][0]
                cvec = jnp.where(lanes == 0, ccx,
                                 jnp.where(lanes == 1, ccy,
                                           jnp.where(lanes == 2, ccz, zf)))
                for r in range(K):
                    row = ci * K + r
                    v = xbuf[row, pl.ds(0, 16)]
                    xbuf[row, pl.ds(0, 16)] = v - cvec
                return carry2

            lax.fori_loop(0, SUB, fix_c, jnp.int32(0))
            pltpu.sync_copy(
                xbuf, x_h.at[pl.ds(wid * RPT + s * SROWS, SROWS)])
            return carry

        lax.fori_loop(0, CPT // SUB, sub_chunk, jnp.int32(0))

    cT = new_p.transpose(2, 0, 1).reshape(3, B * M)
    return gg(T, gidx_flat, cT[0], cT[1], cT[2])


def _conv_bn_act(x, W, gamma, beta):
    y = jnp.einsum('oc,bcmk->bomk', W, x)
    mean = jnp.mean(y, axis=(0, 2, 3), keepdims=True)
    var = jnp.var(y, axis=(0, 2, 3), keepdims=True)
    y = (y - mean) / jnp.sqrt(var + 1e-5)
    y = y * gamma[None, :, None, None] + beta[None, :, None, None]
    return jax.nn.relu(y)


def kernel(p, f, W1, g1, b1, W2, g2, b2):
    B, N, _ = p.shape
    M = N // STRIDE
    idx, new_p = _fps(p, M)
    del idx
    gidx = _ball_query(p, new_p, RADIUS, NSAMPLE)
    D = 40
    T = jnp.concatenate(
        [p, f.transpose(0, 2, 1),
         jnp.zeros((B, N, D - 3 - IN_C), jnp.float32)],
        axis=-1).reshape(B * N, D)
    X = _group_gather(T, gidx, new_p)
    x2 = X.reshape(B, M, NSAMPLE, D)
    W1p = jnp.pad(W1, ((0, 0), (0, D - W1.shape[1])))
    y = jnp.einsum('oc,bmkc->bomk', W1p, x2)
    mean = jnp.mean(y, axis=(0, 2, 3), keepdims=True)
    var = jnp.var(y, axis=(0, 2, 3), keepdims=True)
    y = (y - mean) / jnp.sqrt(var + 1e-5)
    y = jax.nn.relu(y * g1[None, :, None, None] + b1[None, :, None, None])
    x = _conv_bn_act(y, W2, g2, b2)
    f_out = jnp.max(x, axis=-1)
    return (new_p, f_out)

# --- scband reference (transcript-rebuilt; emitter-appended) ---
"""Pipeline reference for scband-set-abstraction-90202903151206 (READ-ONLY COPY).

The authoritative reference and input builder live on the scoring server;
editing this copy changes nothing except your own understanding.
"""

import jax, jax.numpy as jnp
import numpy as np

IN_C = 32
OUT_C = 64
STRIDE = 4
RADIUS = 0.1
NSAMPLE = 32


def fps(p, m):
    B, N, _ = p.shape
    dist0 = jnp.full((B, N), 1e10, jnp.float32)
    far0 = jnp.zeros((B,), jnp.int32)
    idx0 = jnp.zeros((B, m), jnp.int32)
    def body(i, st):
        dist, far, idx = st
        idx = idx.at[:, i].set(far)
        centroid = jnp.take_along_axis(p, far[:, None, None], axis=1)
        d = jnp.sum((p - centroid) ** 2, -1)
        dist = jnp.minimum(dist, d)
        far = jnp.argmax(dist, -1).astype(jnp.int32)
        return dist, far, idx
    _, _, idx = jax.lax.fori_loop(0, m, body, (dist0, far0, idx0))
    return idx


def ball_query(p, new_p, radius, K):
    N = p.shape[1]
    sqr = jnp.sum((new_p[:, :, None, :] - p[:, None, :, :]) ** 2, -1)
    ar = jnp.arange(N, dtype=jnp.int32)
    cand = jnp.where(sqr <= radius * radius, ar[None, None, :], N)
    cand = jnp.sort(cand, axis=-1)[:, :, :K]
    first = cand[:, :, :1]
    cand = jnp.where(cand == N, first, cand)
    cand = jnp.where(cand == N, 0, cand)
    return cand.astype(jnp.int32)


def conv_bn_act(x, W, gamma, beta):
    # 1x1 Conv2d (bias=False) + BatchNorm2d (training-mode batch stats) + ReLU
    y = jnp.einsum('oc,bcmk->bomk', W, x)
    mean = jnp.mean(y, axis=(0, 2, 3), keepdims=True)
    var = jnp.var(y, axis=(0, 2, 3), keepdims=True)
    y = (y - mean) / jnp.sqrt(var + 1e-5)
    y = y * gamma[None, :, None, None] + beta[None, :, None, None]
    return jax.nn.relu(y)


def setup_inputs(seed: int = 0):
    key = jax.random.key(seed)
    k1, k2, k3, k4 = jax.random.split(key, 4)
    B, N = 4, 8192
    p = jax.random.uniform(k1, (B, N, 3), jnp.float32)
    f = jax.random.normal(k2, (B, IN_C, N), jnp.float32)
    c0 = 3 + IN_C
    mid = OUT_C // 2
    W1 = jax.random.normal(k3, (mid, c0), jnp.float32) * (1.0 / np.sqrt(c0))
    W2 = jax.random.normal(k4, (OUT_C, mid), jnp.float32) * (1.0 / np.sqrt(mid))
    g1 = jnp.ones((mid,), jnp.float32)
    b1 = jnp.zeros((mid,), jnp.float32)
    g2 = jnp.ones((OUT_C,), jnp.float32)
    b2 = jnp.zeros((OUT_C,), jnp.float32)
    return {"p": p, "f": f, "W1": W1, "g1": g1, "b1": b1, "W2": W2, "g2": g2, "b2": b2}


def reference(p, f, W1, g1, b1, W2, g2, b2):
    B, N, _ = p.shape
    M = N // STRIDE
    idx = fps(p, M)  # [B, M] int32 (non-differentiable, as in torch FPS op)
    new_p = jnp.take_along_axis(p, idx[:, :, None], axis=1)  # [B, M, 3]
    gidx = ball_query(p, new_p, RADIUS, NSAMPLE)  # [B, M, K]
    bidx = jnp.arange(B)[:, None, None]
    grouped_p = p[bidx, gidx]  # [B, M, K, 3]
    dp = (grouped_p - new_p[:, :, None, :]).transpose(0, 3, 1, 2)  # [B, 3, M, K]
    fT = f.transpose(0, 2, 1)  # [B, N, C]
    fj = fT[bidx, gidx].transpose(0, 3, 1, 2)  # [B, C, M, K]
    x = jnp.concatenate([dp, fj], axis=1)  # [B, 3+C, M, K]
    x = conv_bn_act(x, W1, g1, b1)
    x = conv_bn_act(x, W2, g2, b2)
    f_out = jnp.max(x, axis=-1)  # [B, OUT_C, M]
    return (new_p, f_out)

if __name__ == "__main__":
    import jax
    _d = setup_inputs()
    print(jax.jit(kernel)(*tuple(_d.values())))

</pallas_src>

<mosaic_0001>
#map = affine_map<(d0, d1) -> (0)>
module attributes {stable_mosaic.version = 14 : i64} {
  func.func @bq(%arg0: i32, %arg1: i32, %arg2: memref<32768xf32, #tpu.memory_space<hbm>>, %arg3: memref<32768xf32, #tpu.memory_space<hbm>>, %arg4: memref<32768xf32, #tpu.memory_space<hbm>>, %arg5: memref<8192xf32, #tpu.memory_space<hbm>>, %arg6: memref<8192xf32, #tpu.memory_space<hbm>>, %arg7: memref<8192xf32, #tpu.memory_space<hbm>>, %arg8: memref<262144xi32, #tpu.memory_space<hbm>>, %arg9: memref<8192xf32, #tpu.memory_space<vmem>>, %arg10: memref<8192xf32, #tpu.memory_space<vmem>>, %arg11: memref<8192xf32, #tpu.memory_space<vmem>>, %arg12: memref<272xf32, #tpu.memory_space<vmem>>, %arg13: memref<272xf32, #tpu.memory_space<vmem>>, %arg14: memref<272xf32, #tpu.memory_space<vmem>>, %arg15: memref<128xi32, #tpu.memory_space<vmem>>, %arg16: memref<8192xi32, #tpu.memory_space<vmem>>) attributes {dimension_semantics = [#tpu.dimension_semantics<core_parallel>, #tpu.dimension_semantics<subcore_parallel>], iteration_bounds = array<i64: 2, 16>, scalar_prefetch = 0 : i64, scratch_operands = 8 : i64, tpu.core_type = #tpu.core_type<sc_vector_subcore>, window_params = [{transform_indices = #map}, {transform_indices = #map}, {transform_indices = #map}, {transform_indices = #map}, {transform_indices = #map}, {transform_indices = #map}, {transform_indices = #map}]} {
    %mul3A = arith.constant 2 : i32
    %mul3A_0 = arith.muli %arg1, %mul3A : i32
    %add3A = arith.addi %mul3A_0, %arg0 : i32
    %jit3A = arith.constant 8 : i32
    %div3A = arith.divsi %add3A, %jit3A : i32
    %sign3A = arith.constant 0 : i32
    %sign3A_1 = arith.cmpi sgt, %add3A, %sign3A : i32
    %sign3A_2 = arith.extui %sign3A_1 : i1 to i32
    %sign3A_3 = arith.constant 0 : i32
    %sign3A_4 = arith.cmpi slt, %add3A, %sign3A_3 : i32
    %sign3A_5 = arith.extui %sign3A_4 : i1 to i32
    %sign3A_6 = arith.subi %sign3A_2, %sign3A_5 : i32
    %sign3A_7 = arith.constant 0 : i32
    %sign3A_8 = arith.cmpi sgt, %jit3A, %sign3A_7 : i32
    %sign3A_9 = arith.extui %sign3A_8 : i1 to i32
    %sign3A_10 = arith.constant 0 : i32
    %sign3A_11 = arith.cmpi slt, %jit3A, %sign3A_10 : i32
    %sign3A_12 = arith.extui %sign3A_11 : i1 to i32
    %sign3A_13 = arith.subi %sign3A_9, %sign3A_12 : i32
    %ne3A = arith.cmpi ne, %sign3A_6, %sign3A_13 : i32
    %rem3A = arith.remsi %add3A, %jit3A : i32
    %ne3A_14 = arith.constant 0 : i32
    %ne3A_15 = arith.cmpi ne, %rem3A, %ne3A_14 : i32
    %and3A = arith.andi %ne3A, %ne3A_15 : i1
    %sub3A = arith.constant 1 : i32
    %sub3A_16 = arith.subi %div3A, %sub3A : i32
    %select_n3A = arith.select %and3A, %sub3A_16, %div3A : i32
    %jit3A_17 = arith.constant 8 : i32
    %eq3A = arith.constant 0 : i32
    %eq3A_18 = arith.cmpi eq, %jit3A_17, %eq3A : i32
    %jit3A_19 = arith.constant 1 : i32
    %select_n3A_20 = arith.select %eq3A_18, %jit3A_19, %jit3A_17 : i32
    %rem3A_21 = arith.remsi %add3A, %select_n3A_20 : i32
    %ne3A_22 = arith.constant 0 : i32
    %ne3A_23 = arith.cmpi ne, %rem3A_21, %ne3A_22 : i32
    %lt3A = arith.constant 0 : i32
    %lt3A_24 = arith.cmpi slt, %rem3A_21, %lt3A : i32
    %lt3A_25 = arith.constant 0 : i32
    %lt3A_26 = arith.cmpi slt, %select_n3A_20, %lt3A_25 : i32
    %ne3A_27 = arith.xori %lt3A_24, %lt3A_26 : i1
    %and3A_28 = arith.andi %ne3A_27, %ne3A_23 : i1
    %add3A_29 = arith.addi %rem3A_21, %select_n3A_20 : i32
    %select_n3A_30 = arith.select %and3A_28, %add3A_29, %rem3A_21 : i32
    %mul3A_31 = arith.constant 8192 : i32
    %mul3A_32 = arith.muli %select_n3A, %mul3A_31 : i32
    "tpu.region"() ({
      %run_scoped3A = tpu.sem_alloc : memref<!tpu.dma_semaphore, #tpu.memory_space<semaphore_mem>>
      %dma_start3A = tpu.memref_slice %arg2[%mul3A_32] : memref<32768xf32, #tpu.memory_space<hbm>> -> memref<8192xf32, #tpu.memory_space<hbm>>
      %dma_start3A_54 = tpu.memref_slice %arg2[%mul3A_32] : memref<32768xf32, #tpu.memory_space<hbm>> -> memref<8192xf32, #tpu.memory_space<hbm>>
      tpu.enqueue_dma source(%dma_start3A_54 : memref<8192xf32, #tpu.memory_space<hbm>>) target(%arg9 : memref<8192xf32, #tpu.memory_space<vmem>>) target_semaphore(%run_scoped3A : memref<!tpu.dma_semaphore, #tpu.memory_space<semaphore_mem>>)
      %dma_wait3A = tpu.memref_slice %arg2[%mul3A_32] : memref<32768xf32, #tpu.memory_space<hbm>> -> memref<8192xf32, #tpu.memory_space<hbm>>
      %dma_wait3A_55 = tpu.memref_slice %arg2[%mul3A_32] : memref<32768xf32, #tpu.memory_space<hbm>> -> memref<8192xf32, #tpu.memory_space<hbm>>
      tpu.wait_dma2 semaphore(%run_scoped3A : memref<!tpu.dma_semaphore, #tpu.memory_space<semaphore_mem>>) src(%dma_wait3A_55 : memref<8192xf32, #tpu.memory_space<hbm>>) dst(%arg9 : memref<8192xf32, #tpu.memory_space<vmem>>)
      tpu.yield
    }) : () -> ()
    %mul3A_33 = arith.constant 8192 : i32
    %mul3A_34 = arith.muli %select_n3A, %mul3A_33 : i32
    "tpu.region"() ({
      %run_scoped3A = tpu.sem_alloc : memref<!tpu.dma_semaphore, #tpu.memory_space<semaphore_mem>>
      %dma_start3A = tpu.memref_slice %arg3[%mul3A_34] : memref<32768xf32, #tpu.memory_space<hbm>> -> memref<8192xf32, #tpu.memory_space<hbm>>
      %dma_start3A_54 = tpu.memref_slice %arg3[%mul3A_34] : memref<32768xf32, #tpu.memory_space<hbm>> -> memref<8192xf32, #tpu.memory_space<hbm>>
      tpu.enqueue_dma source(%dma_start3A_54 : memref<8192xf32, #tpu.memory_space<hbm>>) target(%arg10 : memref<8192xf32, #tpu.memory_space<vmem>>) target_semaphore(%run_scoped3A : memref<!tpu.dma_semaphore, #tpu.memory_space<semaphore_mem>>)
      %dma_wait3A = tpu.memref_slice %arg3[%mul3A_34] : memref<32768xf32, #tpu.memory_space<hbm>> -> memref<8192xf32, #tpu.memory_space<hbm>>
      %dma_wait3A_55 = tpu.memref_slice %arg3[%mul3A_34] : memref<32768xf32, #tpu.memory_space<hbm>> -> memref<8192xf32, #tpu.memory_space<hbm>>
      tpu.wait_dma2 semaphore(%run_scoped3A : memref<!tpu.dma_semaphore, #tpu.memory_space<semaphore_mem>>) src(%dma_wait3A_55 : memref<8192xf32, #tpu.memory_space<hbm>>) dst(%arg10 : memref<8192xf32, #tpu.memory_space<vmem>>)
      tpu.yield
    }) : () -> ()
    %mul3A_35 = arith.constant 8192 : i32
    %mul3A_36 = arith.muli %select_n3A, %mul3A_35 : i32
    "tpu.region"() ({
      %run_scoped3A = tpu.sem_alloc : memref<!tpu.dma_semaphore, #tpu.memory_space<semaphore_mem>>
      %dma_start3A = tpu.memref_slice %arg4[%mul3A_36] : memref<32768xf32, #tpu.memory_space<hbm>> -> memref<8192xf32, #tpu.memory_space<hbm>>
      %dma_start3A_54 = tpu.memref_slice %arg4[%mul3A_36] : memref<32768xf32, #tpu.memory_space<hbm>> -> memref<8192xf32, #tpu.memory_space<hbm>>
      tpu.enqueue_dma source(%dma_start3A_54 : memref<8192xf32, #tpu.memory_space<hbm>>) target(%arg11 : memref<8192xf32, #tpu.memory_space<vmem>>) target_semaphore(%run_scoped3A : memref<!tpu.dma_semaphore, #tpu.memory_space<semaphore_mem>>)
      %dma_wait3A = tpu.memref_slice %arg4[%mul3A_36] : memref<32768xf32, #tpu.memory_space<hbm>> -> memref<8192xf32, #tpu.memory_space<hbm>>
      %dma_wait3A_55 = tpu.memref_slice %arg4[%mul3A_36] : memref<32768xf32, #tpu.memory_space<hbm>> -> memref<8192xf32, #tpu.memory_space<hbm>>
      tpu.wait_dma2 semaphore(%run_scoped3A : memref<!tpu.dma_semaphore, #tpu.memory_space<semaphore_mem>>) src(%dma_wait3A_55 : memref<8192xf32, #tpu.memory_space<hbm>>) dst(%arg11 : memref<8192xf32, #tpu.memory_space<vmem>>)
      tpu.yield
    }) : () -> ()
    %mul3A_37 = arith.constant 2048 : i32
    %mul3A_38 = arith.muli %select_n3A, %mul3A_37 : i32
    %mul3A_39 = arith.constant 256 : i32
    %mul3A_40 = arith.muli %select_n3A_30, %mul3A_39 : i32
    %add3A_41 = arith.addi %mul3A_38, %mul3A_40 : i32
    "tpu.region"() ({
      %run_scoped3A = tpu.sem_alloc : memref<!tpu.dma_semaphore, #tpu.memory_space<semaphore_mem>>
      %dma_start3A = arith.constant 0 : i32
      %dma_start3A_54 = tpu.memref_slice %arg12[%dma_start3A] : memref<272xf32, #tpu.memory_space<vmem>> -> memref<256xf32, #tpu.memory_space<vmem>>
      %dma_start3A_55 = tpu.memref_slice %arg5[%add3A_41] : memref<8192xf32, #tpu.memory_space<hbm>> -> memref<256xf32, #tpu.memory_space<hbm>>
      %dma_start3A_56 = arith.constant 0 : i32
      %dma_start3A_57 = tpu.memref_slice %arg12[%dma_start3A_56] : memref<272xf32, #tpu.memory_space<vmem>> -> memref<256xf32, #tpu.memory_space<vmem>>
      %dma_start3A_58 = tpu.memref_slice %arg5[%add3A_41] : memref<8192xf32, #tpu.memory_space<hbm>> -> memref<256xf32, #tpu.memory_space<hbm>>
      tpu.enqueue_dma source(%dma_start3A_58 : memref<256xf32, #tpu.memory_space<hbm>>) target(%dma_start3A_57 : memref<256xf32, #tpu.memory_space<vmem>>) target_semaphore(%run_scoped3A : memref<!tpu.dma_semaphore, #tpu.memory_space<semaphore_mem>>)
      %dma_wait3A = arith.constant 0 : i32
      %dma_wait3A_59 = tpu.memref_slice %arg12[%dma_wait3A] : memref<272xf32, #tpu.memory_space<vmem>> -> memref<256xf32, #tpu.memory_space<vmem>>
      %dma_wait3A_60 = tpu.memref_slice %arg5[%add3A_41] : memref<8192xf32, #tpu.memory_space<hbm>> -> memref<256xf32, #tpu.memory_space<hbm>>
      %dma_wait3A_61 = arith.constant 0 : i32
      %dma_wait3A_62 = tpu.memref_slice %arg12[%dma_wait3A_61] : memref<272xf32, #tpu.memory_space<vmem>> -> memref<256xf32, #tpu.memory_space<vmem>>
      %dma_wait3A_63 = tpu.memref_slice %arg5[%add3A_41] : memref<8192xf32, #tpu.memory_space<hbm>> -> memref<256xf32, #tpu.memory_space<hbm>>
      tpu.wait_dma2 semaphore(%run_scoped3A : memref<!tpu.dma_semaphore, #tpu.memory_space<semaphore_mem>>) src(%dma_wait3A_63 : memref<256xf32, #tpu.memory_space<hbm>>) dst(%dma_wait3A_62 : memref<256xf32, #tpu.memory_space<vmem>>)
      tpu.yield
    }) : () -> ()
    "tpu.region"() ({
      %run_scoped3A = tpu.sem_alloc : memref<!tpu.dma_semaphore, #tpu.memory_space<semaphore_mem>>
      %dma_start3A = arith.constant 0 : i32
      %dma_start3A_54 = tpu.memref_slice %arg13[%dma_start3A] : memref<272xf32, #tpu.memory_space<vmem>> -> memref<256xf32, #tpu.memory_space<vmem>>
      %dma_start3A_55 = tpu.memref_slice %arg6[%add3A_41] : memref<8192xf32, #tpu.memory_space<hbm>> -> memref<256xf32, #tpu.memory_space<hbm>>
      %dma_start3A_56 = arith.constant 0 : i32
      %dma_start3A_57 = tpu.memref_slice %arg13[%dma_start3A_56] : memref<272xf32, #tpu.memory_space<vmem>> -> memref<256xf32, #tpu.memory_space<vmem>>
      %dma_start3A_58 = tpu.memref_slice %arg6[%add3A_41] : memref<8192xf32, #tpu.memory_space<hbm>> -> memref<256xf32, #tpu.memory_space<hbm>>
      tpu.enqueue_dma source(%dma_start3A_58 : memref<256xf32, #tpu.memory_space<hbm>>) target(%dma_start3A_57 : memref<256xf32, #tpu.memory_space<vmem>>) target_semaphore(%run_scoped3A : memref<!tpu.dma_semaphore, #tpu.memory_space<semaphore_mem>>)
      %dma_wait3A = arith.constant 0 : i32
      %dma_wait3A_59 = tpu.memref_slice %arg13[%dma_wait3A] : memref<272xf32, #tpu.memory_space<vmem>> -> memref<256xf32, #tpu.memory_space<vmem>>
      %dma_wait3A_60 = tpu.memref_slice %arg6[%add3A_41] : memref<8192xf32, #tpu.memory_space<hbm>> -> memref<256xf32, #tpu.memory_space<hbm>>
      %dma_wait3A_61 = arith.constant 0 : i32
      %dma_wait3A_62 = tpu.memref_slice %arg13[%dma_wait3A_61] : memref<272xf32, #tpu.memory_space<vmem>> -> memref<256xf32, #tpu.memory_space<vmem>>
      %dma_wait3A_63 = tpu.memref_slice %arg6[%add3A_41] : memref<8192xf32, #tpu.memory_space<hbm>> -> memref<256xf32, #tpu.memory_space<hbm>>
      tpu.wait_dma2 semaphore(%run_scoped3A : memref<!tpu.dma_semaphore, #tpu.memory_space<semaphore_mem>>) src(%dma_wait3A_63 : memref<256xf32, #tpu.memory_space<hbm>>) dst(%dma_wait3A_62 : memref<256xf32, #tpu.memory_space<vmem>>)
      tpu.yield
    }) : () -> ()
    "tpu.region"() ({
      %run_scoped3A = tpu.sem_alloc : memref<!tpu.dma_semaphore, #tpu.memory_space<semaphore_mem>>
      %dma_start3A = arith.constant 0 : i32
      %dma_start3A_54 = tpu.memref_slice %arg14[%dma_start3A] : memref<272xf32, #tpu.memory_space<vmem>> -> memref<256xf32, #tpu.memory_space<vmem>>
      %dma_start3A_55 = tpu.memref_slice %arg7[%add3A_41] : memref<8192xf32, #tpu.memory_space<hbm>> -> memref<256xf32, #tpu.memory_space<hbm>>
      %dma_start3A_56 = arith.constant 0 : i32
      %dma_start3A_57 = tpu.memref_slice %arg14[%dma_start3A_56] : memref<272xf32, #tpu.memory_space<vmem>> -> memref<256xf32, #tpu.memory_space<vmem>>
      %dma_start3A_58 = tpu.memref_slice %arg7[%add3A_41] : memref<8192xf32, #tpu.memory_space<hbm>> -> memref<256xf32, #tpu.memory_space<hbm>>
      tpu.enqueue_dma source(%dma_start3A_58 : memref<256xf32, #tpu.memory_space<hbm>>) target(%dma_start3A_57 : memref<256xf32, #tpu.memory_space<vmem>>) target_semaphore(%run_scoped3A : memref<!tpu.dma_semaphore, #tpu.memory_space<semaphore_mem>>)
      %dma_wait3A = arith.constant 0 : i32
      %dma_wait3A_59 = tpu.memref_slice %arg14[%dma_wait3A] : memref<272xf32, #tpu.memory_space<vmem>> -> memref<256xf32, #tpu.memory_space<vmem>>
      %dma_wait3A_60 = tpu.memref_slice %arg7[%add3A_41] : memref<8192xf32, #tpu.memory_space<hbm>> -> memref<256xf32, #tpu.memory_space<hbm>>
      %dma_wait3A_61 = arith.constant 0 : i32
      %dma_wait3A_62 = tpu.memref_slice %arg14[%dma_wait3A_61] : memref<272xf32, #tpu.memory_space<vmem>> -> memref<256xf32, #tpu.memory_space<vmem>>
      %dma_wait3A_63 = tpu.memref_slice %arg7[%add3A_41] : memref<8192xf32, #tpu.memory_space<hbm>> -> memref<256xf32, #tpu.memory_space<hbm>>
      tpu.wait_dma2 semaphore(%run_scoped3A : memref<!tpu.dma_semaphore, #tpu.memory_space<semaphore_mem>>) src(%dma_wait3A_63 : memref<256xf32, #tpu.memory_space<hbm>>) dst(%dma_wait3A_62 : memref<256xf32, #tpu.memory_space<vmem>>)
      tpu.yield
    }) : () -> ()
    %iota3A = tpu.iota {dimensions = array<i32: 0>} : vector<16xi32>
    %broadcast_in_dim3A = arith.constant 0 : i32
    %broadcast_in_dim3A_42 = vector.broadcast %broadcast_in_dim3A : i32 to vector<16xi32>
    %mul3A_43 = arith.constant 8192 : i32
    %mul3A_44 = arith.muli %select_n3A, %mul3A_43 : i32
    %scan3A = arith.constant 0 : i32
    %scan3A_45 = arith.constant 0 : i32
    %scan3A_46 = arith.constant 256 : i32
    %scan3A_47 = arith.addi %scan3A_45, %scan3A_46 : i32
    %scan3A_48 = arith.constant 1 : i32
    scf.for %scan3A_54 = %scan3A_45 to %scan3A_47 step %scan3A_48  : i32 {
      %get3A = arith.index_cast %scan3A_54 : i32 to index
      %get3A_55 = tpu.vector_load %arg12[%get3A] {strides = array<i32>} : memref<272xf32, #tpu.memory_space<vmem>>, vector<16xf32>,
      %get3A_56 = vector.shape_cast %get3A_55 : vector<16xf32> to vector<16xf32>
      %slice3A = vector.extract_strided_slice %get3A_56 {offsets = [0], sizes = [1], strides = [1]} : vector<16xf32> to vector<1xf32>
      %squeeze3A = vector.extract %slice3A[0] : f32 from vector<1xf32>
      %get3A_57 = arith.index_cast %scan3A_54 : i32 to index
      %get3A_58 = tpu.vector_load %arg13[%get3A_57] {strides = array<i32>} : memref<272xf32, #tpu.memory_space<vmem>>, vector<16xf32>,
      %get3A_59 = vector.shape_cast %get3A_58 : vector<16xf32> to vector<16xf32>
      %slice3A_60 = vector.extract_strided_slice %get3A_59 {offsets = [0], sizes = [1], strides = [1]} : vector<16xf32> to vector<1xf32>
      %squeeze3A_61 = vector.extract %slice3A_60[0] : f32 from vector<1xf32>
      %get3A_62 = arith.index_cast %scan3A_54 : i32 to index
      %get3A_63 = tpu.vector_load %arg14[%get3A_62] {strides = array<i32>} : memref<272xf32, #tpu.memory_space<vmem>>, vector<16xf32>,
      %get3A_64 = vector.shape_cast %get3A_63 : vector<16xf32> to vector<16xf32>
      %slice3A_65 = vector.extract_strided_slice %get3A_64 {offsets = [0], sizes = [1], strides = [1]} : vector<16xf32> to vector<1xf32>
      %squeeze3A_66 = vector.extract %slice3A_65[0] : f32 from vector<1xf32>
      %add3A_67 = vector.broadcast %mul3A_44 : i32 to vector<16xi32>
      %add3A_68 = arith.addi %broadcast_in_dim3A_42, %add3A_67 : vector<16xi32>
      %swap3A = arith.constant 0 : index
      %swap3A_69 = tpu.vector_load %arg15[%swap3A] {strides = array<i32>} : memref<128xi32, #tpu.memory_space<vmem>>, vector<16xi32>,
      %swap3A_70 = vector.shape_cast %swap3A_69 : vector<16xi32> to vector<16xi32>
      %swap3A_71 = vector.shape_cast %add3A_68 : vector<16xi32> to vector<16xi32>
      tpu.vector_store %arg15[%swap3A], %swap3A_71 {strides = array<i32>} : memref<128xi32, #tpu.memory_space<vmem>>, vector<16xi32>,
      %broadcast_in_dim3A_72 = arith.constant 1 : i32
      %broadcast_in_dim3A_73 = vector.broadcast %broadcast_in_dim3A_72 : i32 to vector<16xi32>
      %broadcast_in_dim3A_74 = arith.constant 0 : i32
      %broadcast_in_dim3A_75 = vector.broadcast %broadcast_in_dim3A_74 : i32 to vector<16xi32>
      %broadcast_in_dim3A_76 = arith.constant 0 : i32
      %broadcast_in_dim3A_77 = vector.broadcast %broadcast_in_dim3A_76 : i32 to vector<16xi32>
      %add3A_78 = arith.constant 1073741824 : i32
      %add3A_79 = vector.broadcast %add3A_78 : i32 to vector<16xi32>
      %add3A_80 = arith.addi %broadcast_in_dim3A_77, %add3A_79 : vector<16xi32>
      %scan3A_81 = arith.constant 1073741824 : i32
      %scan3A_82 = arith.constant 0 : i32
      %scan3A_83 = arith.constant 0 : i32
      %scan3A_84 = arith.constant 64 : i32
      %scan3A_85 = arith.addi %scan3A_83, %scan3A_84 : i32
      %scan3A_86 = arith.constant 1 : i32
      %scan3A_87 = scf.for %scan3A_127 = %scan3A_83 to %scan3A_85 step %scan3A_86 iter_args(%scan3A_128 = %scan3A_82) -> (i32)  : i32 {
        %mul3A_129 = arith.constant 128 : i32
        %mul3A_130 = arith.muli %scan3A_127, %mul3A_129 : i32
        %add3A_131 = arith.constant 0 : i32
        %add3A_132 = arith.addi %mul3A_130, %add3A_131 : i32
        %get3A_133 = arith.index_cast %add3A_132 : i32 to index
        %get3A_134 = tpu.vector_load %arg9[%get3A_133] {strides = array<i32>} : memref<8192xf32, #tpu.memory_space<vmem>>, vector<16xf32>,
        %get3A_135 = vector.shape_cast %get3A_134 : vector<16xf32> to vector<16xf32>
        %sub3A_136 = vector.broadcast %squeeze3A : f32 to vector<16xf32>
        %sub3A_137 = arith.subf %get3A_135, %sub3A_136 : vector<16xf32>
        %get3A_138 = arith.index_cast %add3A_132 : i32 to index
        %get3A_139 = tpu.vector_load %arg10[%get3A_138] {strides = array<i32>} : memref<8192xf32, #tpu.memory_space<vmem>>, vector<16xf32>,
        %get3A_140 = vector.shape_cast %get3A_139 : vector<16xf32> to vector<16xf32>
        %sub3A_141 = vector.broadcast %squeeze3A_61 : f32 to vector<16xf32>
        %sub3A_142 = arith.subf %get3A_140, %sub3A_141 : vector<16xf32>
        %get3A_143 = arith.index_cast %add3A_132 : i32 to index
        %get3A_144 = tpu.vector_load %arg11[%get3A_143] {strides = array<i32>} : memref<8192xf32, #tpu.memory_space<vmem>>, vector<16xf32>,
        %get3A_145 = vector.shape_cast %get3A_144 : vector<16xf32> to vector<16xf32>
        %sub3A_146 = vector.broadcast %squeeze3A_66 : f32 to vector<16xf32>
        %sub3A_147 = arith.subf %get3A_145, %sub3A_146 : vector<16xf32>
        %mul3A_148 = arith.mulf %sub3A_137, %sub3A_137 : vector<16xf32>
        %mul3A_149 = arith.mulf %sub3A_147, %sub3A_147 : vector<16xf32>
        %add3A_150 = arith.addf %mul3A_148, %mul3A_149 : vector<16xf32>
        %mul3A_151 = arith.mulf %sub3A_142, %sub3A_142 : vector<16xf32>
        %add3A_152 = arith.addf %add3A_150, %mul3A_151 : vector<16xf32>
        %le3A = arith.constant 0.00999999977 : f32
        %le3A_153 = vector.broadcast %le3A : f32 to vector<16xf32>
        %le3A_154 = arith.cmpf ole, %add3A_152, %le3A_153 : vector<16xf32>
        %select_n3A_155 = arith.select %le3A_154, %broadcast_in_dim3A_73, %broadcast_in_dim3A_75 : vector<16xi1>, vector<16xi32>
        %add3A_156 = arith.constant 16 : i32
        %add3A_157 = arith.addi %mul3A_130, %add3A_156 : i32
        %get3A_158 = arith.index_cast %add3A_157 : i32 to index
        %get3A_159 = tpu.vector_load %arg9[%get3A_158] {strides = array<i32>} : memref<8192xf32, #tpu.memory_space<vmem>>, vector<16xf32>,
        %get3A_160 = vector.shape_cast %get3A_159 : vector<16xf32> to vector<16xf32>
        %sub3A_161 = vector.broadcast %squeeze3A : f32 to vector<16xf32>
        %sub3A_162 = arith.subf %get3A_160, %sub3A_161 : vector<16xf32>
        %get3A_163 = arith.index_cast %add3A_157 : i32 to index
        %get3A_164 = tpu.vector_load %arg10[%get3A_163] {strides = array<i32>} : memref<8192xf32, #tpu.memory_space<vmem>>, vector<16xf32>,
        %get3A_165 = vector.shape_cast %get3A_164 : vector<16xf32> to vector<16xf32>
        %sub3A_166 = vector.broadcast %squeeze3A_61 : f32 to vector<16xf32>
        %sub3A_167 = arith.subf %get3A_165, %sub3A_166 : vector<16xf32>
        %get3A_168 = arith.index_cast %add3A_157 : i32 to index
        %get3A_169 = tpu.vector_load %arg11[%get3A_168] {strides = array<i32>} : memref<8192xf32, #tpu.memory_space<vmem>>, vector<16xf32>,
        %get3A_170 = vector.shape_cast %get3A_169 : vector<16xf32> to vector<16xf32>
        %sub3A_171 = vector.broadcast %squeeze3A_66 : f32 to vector<16xf32>
        %sub3A_172 = arith.subf %get3A_170, %sub3A_171 : vector<16xf32>
        %mul3A_173 = arith.mulf %sub3A_162, %sub3A_162 : vector<16xf32>
        %mul3A_174 = arith.mulf %sub3A_172, %sub3A_172 : vector<16xf32>
        %add3A_175 = arith.addf %mul3A_173, %mul3A_174 : vector<16xf32>
        %mul3A_176 = arith.mulf %sub3A_167, %sub3A_167 : vector<16xf32>
        %add3A_177 = arith.addf %add3A_175, %mul3A_176 : vector<16xf32>
        %le3A_178 = arith.constant 0.00999999977 : f32
        %le3A_179 = vector.broadcast %le3A_178 : f32 to vector<16xf32>
        %le3A_180 = arith.cmpf ole, %add3A_177, %le3A_179 : vector<16xf32>
        %select_n3A_181 = arith.select %le3A_180, %broadcast_in_dim3A_73, %broadcast_in_dim3A_75 : vector<16xi1>, vector<16xi32>
        %add3A_182 = arith.constant 32 : i32
        %add3A_183 = arith.addi %mul3A_130, %add3A_182 : i32
        %get3A_184 = arith.index_cast %add3A_183 : i32 to index
        %get3A_185 = tpu.vector_load %arg9[%get3A_184] {strides = array<i32>} : memref<8192xf32, #tpu.memory_space<vmem>>, vector<16xf32>,
        %get3A_186 = vector.shape_cast %get3A_185 : vector<16xf32> to vector<16xf32>
        %sub3A_187 = vector.broadcast %squeeze3A : f32 to vector<16xf32>
        %sub3A_188 = arith.subf %get3A_186, %sub3A_187 : vector<16xf32>
        %get3A_189 = arith.index_cast %add3A_183 : i32 to index
        %get3A_190 = tpu.vector_load %arg10[%get3A_189] {strides = array<i32>} : memref<8192xf32, #tpu.memory_space<vmem>>, vector<16xf32>,
        %get3A_191 = vector.shape_cast %get3A_190 : vector<16xf32> to vector<16xf32>
        %sub3A_192 = vector.broadcast %squeeze3A_61 : f32 to vector<16xf32>
        %sub3A_193 = arith.subf %get3A_191, %sub3A_192 : vector<16xf32>
        %get3A_194 = arith.index_cast %add3A_183 : i32 to index
        %get3A_195 = tpu.vector_load %arg11[%get3A_194] {strides = array<i32>} : memref<8192xf32, #tpu.memory_space<vmem>>, vector<16xf32>,
        %get3A_196 = vector.shape_cast %get3A_195 : vector<16xf32> to vector<16xf32>
        %sub3A_197 = vector.broadcast %squeeze3A_66 : f32 to vector<16xf32>
        %sub3A_198 = arith.subf %get3A_196, %sub3A_197 : vector<16xf32>
        %mul3A_199 = arith.mulf %sub3A_188, %sub3A_188 : vector<16xf32>
        %mul3A_200 = arith.mulf %sub3A_198, %sub3A_198 : vector<16xf32>
        %add3A_201 = arith.addf %mul3A_199, %mul3A_200 : vector<16xf32>
        %mul3A_202 = arith.mulf %sub3A_193, %sub3A_193 : vector<16xf32>
        %add3A_203 = arith.addf %add3A_201, %mul3A_202 : vector<16xf32>
        %le3A_204 = arith.constant 0.00999999977 : f32
        %le3A_205 = vector.broadcast %le3A_204 : f32 to vector<16xf32>
        %le3A_206 = arith.cmpf ole, %add3A_203, %le3A_205 : vector<16xf32>
        %select_n3A_207 = arith.select %le3A_206, %broadcast_in_dim3A_73, %broadcast_in_dim3A_75 : vector<16xi1>, vector<16xi32>
        %add3A_208 = arith.constant 48 : i32
        %add3A_209 = arith.addi %mul3A_130, %add3A_208 : i32
        %get3A_210 = arith.index_cast %add3A_209 : i32 to index
        %get3A_211 = tpu.vector_load %arg9[%get3A_210] {strides = array<i32>} : memref<8192xf32, #tpu.memory_space<vmem>>, vector<16xf32>,
        %get3A_212 = vector.shape_cast %get3A_211 : vector<16xf32> to vector<16xf32>
        %sub3A_213 = vector.broadcast %squeeze3A : f32 to vector<16xf32>
        %sub3A_214 = arith.subf %get3A_212, %sub3A_213 : vector<16xf32>
        %get3A_215 = arith.index_cast %add3A_209 : i32 to index
        %get3A_216 = tpu.vector_load %arg10[%get3A_215] {strides = array<i32>} : memref<8192xf32, #tpu.memory_space<vmem>>, vector<16xf32>,
        %get3A_217 = vector.shape_cast %get3A_216 : vector<16xf32> to vector<16xf32>
        %sub3A_218 = vector.broadcast %squeeze3A_61 : f32 to vector<16xf32>
        %sub3A_219 = arith.subf %get3A_217, %sub3A_218 : vector<16xf32>
        %get3A_220 = arith.index_cast %add3A_209 : i32 to index
        %get3A_221 = tpu.vector_load %arg11[%get3A_220] {strides = array<i32>} : memref<8192xf32, #tpu.memory_space<vmem>>, vector<16xf32>,
        %get3A_222 = vector.shape_cast %get3A_221 : vector<16xf32> to vector<16xf32>
        %sub3A_223 = vector.broadcast %squeeze3A_66 : f32 to vector<16xf32>
        %sub3A_224 = arith.subf %get3A_222, %sub3A_223 : vector<16xf32>
        %mul3A_225 = arith.mulf %sub3A_214, %sub3A_214 : vector<16xf32>
        %mul3A_226 = arith.mulf %sub3A_224, %sub3A_224 : vector<16xf32>
        %add3A_227 = arith.addf %mul3A_225, %mul3A_226 : vector<16xf32>
        %mul3A_228 = arith.mulf %sub3A_219, %sub3A_219 : vector<16xf32>
        %add3A_229 = arith.addf %add3A_227, %mul3A_228 : vector<16xf32>
        %le3A_230 = arith.constant 0.00999999977 : f32
        %le3A_231 = vector.broadcast %le3A_230 : f32 to vector<16xf32>
        %le3A_232 = arith.cmpf ole, %add3A_229, %le3A_231 : vector<16xf32>
        %select_n3A_233 = arith.select %le3A_232, %broadcast_in_dim3A_73, %broadcast_in_dim3A_75 : vector<16xi1>, vector<16xi32>
        %add3A_234 = arith.constant 64 : i32
        %add3A_235 = arith.addi %mul3A_130, %add3A_234 : i32
        %get3A_236 = arith.index_cast %add3A_235 : i32 to index
        %get3A_237 = tpu.vector_load %arg9[%get3A_236] {strides = array<i32>} : memref<8192xf32, #tpu.memory_space<vmem>>, vector<16xf32>,
        %get3A_238 = vector.shape_cast %get3A_237 : vector<16xf32> to vector<16xf32>
        %sub3A_239 = vector.broadcast %squeeze3A : f32 to vector<16xf32>
        %sub3A_240 = arith.subf %get3A_238, %sub3A_239 : vector<16xf32>
        %get3A_241 = arith.index_cast %add3A_235 : i32 to index
        %get3A_242 = tpu.vector_load %arg10[%get3A_241] {strides = array<i32>} : memref<8192xf32, #tpu.memory_space<vmem>>, vector<16xf32>,
        %get3A_243 = vector.shape_cast %get3A_242 : vector<16xf32> to vector<16xf32>
        %sub3A_244 = vector.broadcast %squeeze3A_61 : f32 to vector<16xf32>
        %sub3A_245 = arith.subf %get3A_243, %sub3A_244 : vector<16xf32>
        %get3A_246 = arith.index_cast %add3A_235 : i32 to index
        %get3A_247 = tpu.vector_load %arg11[%get3A_246] {strides = array<i32>} : memref<8192xf32, #tpu.memory_space<vmem>>, vector<16xf32>,
        %get3A_248 = vector.shape_cast %get3A_247 : vector<16xf32> to vector<16xf32>
        %sub3A_249 = vector.broadcast %squeeze3A_66 : f32 to vector<16xf32>
        %sub3A_250 = arith.subf %get3A_248, %sub3A_249 : vector<16xf32>
        %mul3A_251 = arith.mulf %sub3A_240, %sub3A_240 : vector<16xf32>
        %mul3A_252 = arith.mulf %sub3A_250, %sub3A_250 : vector<16xf32>
        %add3A_253 = arith.addf %mul3A_251, %mul3A_252 : vector<16xf32>
        %mul3A_254 = arith.mulf %sub3A_245, %sub3A_245 : vector<16xf32>
        %add3A_255 = arith.addf %add3A_253, %mul3A_254 : vector<16xf32>
        %le3A_256 = arith.constant 0.00999999977 : f32
        %le3A_257 = vector.broadcast %le3A_256 : f32 to vector<16xf32>
        %le3A_258 = arith.cmpf ole, %add3A_255, %le3A_257 : vector<16xf32>
        %select_n3A_259 = arith.select %le3A_258, %broadcast_in_dim3A_73, %broadcast_in_dim3A_75 : vector<16xi1>, vector<16xi32>
        %add3A_260 = arith.constant 80 : i32
        %add3A_261 = arith.addi %mul3A_130, %add3A_260 : i32
        %get3A_262 = arith.index_cast %add3A_261 : i32 to index
        %get3A_263 = tpu.vector_load %arg9[%get3A_262] {strides = array<i32>} : memref<8192xf32, #tpu.memory_space<vmem>>, vector<16xf32>,
        %get3A_264 = vector.shape_cast %get3A_263 : vector<16xf32> to vector<16xf32>
        %sub3A_265 = vector.broadcast %squeeze3A : f32 to vector<16xf32>
        %sub3A_266 = arith.subf %get3A_264, %sub3A_265 : vector<16xf32>
        %get3A_267 = arith.index_cast %add3A_261 : i32 to index
        %get3A_268 = tpu.vector_load %arg10[%get3A_267] {strides = array<i32>} : memref<8192xf32, #tpu.memory_space<vmem>>, vector<16xf32>,
        %get3A_269 = vector.shape_cast %get3A_268 : vector<16xf32> to vector<16xf32>
        %sub3A_270 = vector.broadcast %squeeze3A_61 : f32 to vector<16xf32>
        %sub3A_271 = arith.subf %get3A_269, %sub3A_270 : vector<16xf32>
        %get3A_272 = arith.index_cast %add3A_261 : i32 to index
        %get3A_273 = tpu.vector_load %arg11[%get3A_272] {strides = array<i32>} : memref<8192xf32, #tpu.memory_space<vmem>>, vector<16xf32>,
        %get3A_274 = vector.shape_cast %get3A_273 : vector<16xf32> to vector<16xf32>
        %sub3A_275 = vector.broadcast %squeeze3A_66 : f32 to vector<16xf32>
        %sub3A_276 = arith.subf %get3A_274, %sub3A_275 : vector<16xf32>
        %mul3A_277 = arith.mulf %sub3A_266, %sub3A_266 : vector<16xf32>
        %mul3A_278 = arith.mulf %sub3A_276, %sub3A_276 : vector<16xf32>
        %add3A_279 = arith.addf %mul3A_277, %mul3A_278 : vector<16xf32>
        %mul3A_280 = arith.mulf %sub3A_271, %sub3A_271 : vector<16xf32>
        %add3A_281 = arith.addf %add3A_279, %mul3A_280 : vector<16xf32>
        %le3A_282 = arith.constant 0.00999999977 : f32
        %le3A_283 = vector.broadcast %le3A_282 : f32 to vector<16xf32>
        %le3A_284 = arith.cmpf ole, %add3A_281, %le3A_283 : vector<16xf32>
        %select_n3A_285 = arith.select %le3A_284, %broadcast_in_dim3A_73, %broadcast_in_dim3A_75 : vector<16xi1>, vector<16xi32>
        %add3A_286 = arith.constant 96 : i32
        %add3A_287 = arith.addi %mul3A_130, %add3A_286 : i32
        %get3A_288 = arith.index_cast %add3A_287 : i32 to index
        %get3A_289 = tpu.vector_load %arg9[%get3A_288] {strides = array<i32>} : memref<8192xf32, #tpu.memory_space<vmem>>, vector<16xf32>,
        %get3A_290 = vector.shape_cast %get3A_289 : vector<16xf32> to vector<16xf32>
        %sub3A_291 = vector.broadcast %squeeze3A : f32 to vector<16xf32>
        %sub3A_292 = arith.subf %get3A_290, %sub3A_291 : vector<16xf32>
        %get3A_293 = arith.index_cast %add3A_287 : i32 to index
        %get3A_294 = tpu.vector_load %arg10[%get3A_293] {strides = array<i32>} : memref<8192xf32, #tpu.memory_space<vmem>>, vector<16xf32>,
        %get3A_295 = vector.shape_cast %get3A_294 : vector<16xf32> to vector<16xf32>
        %sub3A_296 = vector.broadcast %squeeze3A_61 : f32 to vector<16xf32>
        %sub3A_297 = arith.subf %get3A_295, %sub3A_296 : vector<16xf32>
        %get3A_298 = arith.index_cast %add3A_287 : i32 to index
        %get3A_299 = tpu.vector_load %arg11[%get3A_298] {strides = array<i32>} : memref<8192xf32, #tpu.memory_space<vmem>>, vector<16xf32>,
        %get3A_300 = vector.shape_cast %get3A_299 : vector<16xf32> to vector<16xf32>
        %sub3A_301 = vector.broadcast %squeeze3A_66 : f32 to vector<16xf32>
        %sub3A_302 = arith.subf %get3A_300, %sub3A_301 : vector<16xf32>
        %mul3A_303 = arith.mulf %sub3A_292, %sub3A_292 : vector<16xf32>
        %mul3A_304 = arith.mulf %sub3A_302, %sub3A_302 : vector<16xf32>
        %add3A_305 = arith.addf %mul3A_303, %mul3A_304 : vector<16xf32>
        %mul3A_306 = arith.mulf %sub3A_297, %sub3A_297 : vector<16xf32>
        %add3A_307 = arith.addf %add3A_305, %mul3A_306 : vector<16xf32>
        %le3A_308 = arith.constant 0.00999999977 : f32
        %le3A_309 = vector.broadcast %le3A_308 : f32 to vector<16xf32>
        %le3A_310 = arith.cmpf ole, %add3A_307, %le3A_309 : vector<16xf32>
        %select_n3A_311 = arith.select %le3A_310, %broadcast_in_dim3A_73, %broadcast_in_dim3A_75 : vector<16xi1>, vector<16xi32>
        %add3A_312 = arith.constant 112 : i32
        %add3A_313 = arith.addi %mul3A_130, %add3A_312 : i32
        %get3A_314 = arith.index_cast %add3A_313 : i32 to index
        %get3A_315 = tpu.vector_load %arg9[%get3A_314] {strides = array<i32>} : memref<8192xf32, #tpu.memory_space<vmem>>, vector<16xf32>,
        %get3A_316 = vector.shape_cast %get3A_315 : vector<16xf32> to vector<16xf32>
        %sub3A_317 = vector.broadcast %squeeze3A : f32 to vector<16xf32>
        %sub3A_318 = arith.subf %get3A_316, %sub3A_317 : vector<16xf32>
        %get3A_319 = arith.index_cast %add3A_313 : i32 to index
        %get3A_320 = tpu.vector_load %arg10[%get3A_319] {strides = array<i32>} : memref<8192xf32, #tpu.memory_space<vmem>>, vector<16xf32>,
        %get3A_321 = vector.shape_cast %get3A_320 : vector<16xf32> to vector<16xf32>
        %sub3A_322 = vector.broadcast %squeeze3A_61 : f32 to vector<16xf32>
        %sub3A_323 = arith.subf %get3A_321, %sub3A_322 : vector<16xf32>
        %get3A_324 = arith.index_cast %add3A_313 : i32 to index
        %get3A_325 = tpu.vector_load %arg11[%get3A_324] {strides = array<i32>} : memref<8192xf32, #tpu.memory_space<vmem>>, vector<16xf32>,
        %get3A_326 = vector.shape_cast %get3A_325 : vector<16xf32> to vector<16xf32>
        %sub3A_327 = vector.broadcast %squeeze3A_66 : f32 to vector<16xf32>
        %sub3A_328 = arith.subf %get3A_326, %sub3A_327 : vector<16xf32>
        %mul3A_329 = arith.mulf %sub3A_318, %sub3A_318 : vector<16xf32>
        %mul3A_330 = arith.mulf %sub3A_328, %sub3A_328 : vector<16xf32>
        %add3A_331 = arith.addf %mul3A_329, %mul3A_330 : vector<16xf32>
        %mul3A_332 = arith.mulf %sub3A_323, %sub3A_323 : vector<16xf32>
        %add3A_333 = arith.addf %add3A_331, %mul3A_332 : vector<16xf32>
        %le3A_334 = arith.constant 0.00999999977 : f32
        %le3A_335 = vector.broadcast %le3A_334 : f32 to vector<16xf32>
        %le3A_336 = arith.cmpf ole, %add3A_333, %le3A_335 : vector<16xf32>
        %select_n3A_337 = arith.select %le3A_336, %broadcast_in_dim3A_73, %broadcast_in_dim3A_75 : vector<16xi1>, vector<16xi32>
        %add3A_338 = arith.addi %select_n3A_155, %select_n3A_181 : vector<16xi32>
        %add3A_339 = arith.addi %add3A_338, %select_n3A_207 : vector<16xi32>
        %add3A_340 = arith.addi %add3A_339, %select_n3A_233 : vector<16xi32>
        %add3A_341 = arith.addi %add3A_340, %select_n3A_259 : vector<16xi32>
        %add3A_342 = arith.addi %add3A_341, %select_n3A_285 : vector<16xi32>
        %add3A_343 = arith.addi %add3A_342, %select_n3A_311 : vector<16xi32>
        %add3A_344 = arith.addi %add3A_343, %select_n3A_337 : vector<16xi32>
        %slice3A_345 = vector.extract_strided_slice %add3A_344 {offsets = [0], sizes = [1], strides = [1]} : vector<16xi32> to vector<1xi32>
        %squeeze3A_346 = vector.extract %slice3A_345[0] : i32 from vector<1xi32>
        %slice3A_347 = vector.extract_strided_slice %add3A_344 {offsets = [1], sizes = [1], strides = [1]} : vector<16xi32> to vector<1xi32>
        %squeeze3A_348 = vector.extract %slice3A_347[0] : i32 from vector<1xi32>
        %add3A_349 = arith.addi %squeeze3A_346, %squeeze3A_348 : i32
        %slice3A_350 = vector.extract_strided_slice %add3A_344 {offsets = [2], sizes = [1], strides = [1]} : vector<16xi32> to vector<1xi32>
        %squeeze3A_351 = vector.extract %slice3A_350[0] : i32 from vector<1xi32>
        %add3A_352 = arith.addi %add3A_349, %squeeze3A_351 : i32
        %slice3A_353 = vector.extract_strided_slice %add3A_344 {offsets = [3], sizes = [1], strides = [1]} : vector<16xi32> to vector<1xi32>
        %squeeze3A_354 = vector.extract %slice3A_353[0] : i32 from vector<1xi32>
        %add3A_355 = arith.addi %add3A_352, %squeeze3A_354 : i32
        %slice3A_356 = vector.extract_strided_slice %add3A_344 {offsets = [4], sizes = [1], strides = [1]} : vector<16xi32> to vector<1xi32>
        %squeeze3A_357 = vector.extract %slice3A_356[0] : i32 from vector<1xi32>
        %add3A_358 = arith.addi %add3A_355, %squeeze3A_357 : i32
        %slice3A_359 = vector.extract_strided_slice %add3A_344 {offsets = [5], sizes = [1], strides = [1]} : vector<16xi32> to vector<1xi32>
        %squeeze3A_360 = vector.extract %slice3A_359[0] : i32 from vector<1xi32>
        %add3A_361 = arith.addi %add3A_358, %squeeze3A_360 : i32
        %slice3A_362 = vector.extract_strided_slice %add3A_344 {offsets = [6], sizes = [1], strides = [1]} : vector<16xi32> to vector<1xi32>
        %squeeze3A_363 = vector.extract %slice3A_362[0] : i32 from vector<1xi32>
        %add3A_364 = arith.addi %add3A_361, %squeeze3A_363 : i32
        %slice3A_365 = vector.extract_strided_slice %add3A_344 {offsets = [7], sizes = [1], strides = [1]} : vector<16xi32> to vector<1xi32>
        %squeeze3A_366 = vector.extract %slice3A_365[0] : i32 from vector<1xi32>
        %add3A_367 = arith.addi %add3A_364, %squeeze3A_366 : i32
        %slice3A_368 = vector.extract_strided_slice %add3A_344 {offsets = [8], sizes = [1], strides = [1]} : vector<16xi32> to vector<1xi32>
        %squeeze3A_369 = vector.extract %slice3A_368[0] : i32 from vector<1xi32>
        %add3A_370 = arith.addi %add3A_367, %squeeze3A_369 : i32
        %slice3A_371 = vector.extract_strided_slice %add3A_344 {offsets = [9], sizes = [1], strides = [1]} : vector<16xi32> to vector<1xi32>
        %squeeze3A_372 = vector.extract %slice3A_371[0] : i32 from vector<1xi32>
        %add3A_373 = arith.addi %add3A_370, %squeeze3A_372 : i32
        %slice3A_374 = vector.extract_strided_slice %add3A_344 {offsets = [10], sizes = [1], strides = [1]} : vector<16xi32> to vector<1xi32>
        %squeeze3A_375 = vector.extract %slice3A_374[0] : i32 from vector<1xi32>
        %add3A_376 = arith.addi %add3A_373, %squeeze3A_375 : i32
        %slice3A_377 = vector.extract_strided_slice %add3A_344 {offsets = [11], sizes = [1], strides = [1]} : vector<16xi32> to vector<1xi32>
        %squeeze3A_378 = vector.extract %slice3A_377[0] : i32 from vector<1xi32>
        %add3A_379 = arith.addi %add3A_376, %squeeze3A_378 : i32
        %slice3A_380 = vector.extract_strided_slice %add3A_344 {offsets = [12], sizes = [1], strides = [1]} : vector<16xi32> to vector<1xi32>
        %squeeze3A_381 = vector.extract %slice3A_380[0] : i32 from vector<1xi32>
        %add3A_382 = arith.addi %add3A_379, %squeeze3A_381 : i32
        %slice3A_383 = vector.extract_strided_slice %add3A_344 {offsets = [13], sizes = [1], strides = [1]} : vector<16xi32> to vector<1xi32>
        %squeeze3A_384 = vector.extract %slice3A_383[0] : i32 from vector<1xi32>
        %add3A_385 = arith.addi %add3A_382, %squeeze3A_384 : i32
        %slice3A_386 = vector.extract_strided_slice %add3A_344 {offsets = [14], sizes = [1], strides = [1]} : vector<16xi32> to vector<1xi32>
        %squeeze3A_387 = vector.extract %slice3A_386[0] : i32 from vector<1xi32>
        %add3A_388 = arith.addi %add3A_385, %squeeze3A_387 : i32
        %slice3A_389 = vector.extract_strided_slice %add3A_344 {offsets = [15], sizes = [1], strides = [1]} : vector<16xi32> to vector<1xi32>
        %squeeze3A_390 = vector.extract %slice3A_389[0] : i32 from vector<1xi32>
        %add3A_391 = arith.addi %add3A_388, %squeeze3A_390 : i32
        %gt3A = arith.constant 0 : i32
        %gt3A_392 = arith.cmpi sgt, %add3A_391, %gt3A : i32
        %convert_element_type3A = arith.extui %gt3A_392 : i1 to i32
        %cond3A = arith.constant 0 : i32
        %cond3A_393 = arith.cmpi ne, %convert_element_type3A, %cond3A : i32
        %cond3A_394 = scf.if %cond3A_393 -> (i32) {
          %eq3A_395 = arith.constant 1 : i32
          %eq3A_396 = arith.cmpi eq, %add3A_391, %eq3A_395 : i32
          %convert_element_type3A_397 = arith.extui %eq3A_396 : i1 to i32
          %cond3A_398 = arith.constant 0 : i32
          %cond3A_399 = arith.cmpi ne, %convert_element_type3A_397, %cond3A_398 : i32
          %cond3A_400 = scf.if %cond3A_399 -> (i32) {
            %add3A_401 = vector.broadcast %mul3A_130 : i32 to vector<16xi32>
            %add3A_402 = arith.addi %iota3A, %add3A_401 : vector<16xi32>
            %mul3A_403 = arith.muli %select_n3A_155, %add3A_402 : vector<16xi32>
            %add3A_404 = arith.constant 16 : i32
            %add3A_405 = arith.addi %mul3A_130, %add3A_404 : i32
            %add3A_406 = vector.broadcast %add3A_405 : i32 to vector<16xi32>
            %add3A_407 = arith.addi %iota3A, %add3A_406 : vector<16xi32>
            %mul3A_408 = arith.muli %select_n3A_181, %add3A_407 : vector<16xi32>
            %add3A_409 = arith.addi %mul3A_403, %mul3A_408 : vector<16xi32>
            %add3A_410 = arith.constant 32 : i32
            %add3A_411 = arith.addi %mul3A_130, %add3A_410 : i32
            %add3A_412 = vector.broadcast %add3A_411 : i32 to vector<16xi32>
            %add3A_413 = arith.addi %iota3A, %add3A_412 : vector<16xi32>
            %mul3A_414 = arith.muli %select_n3A_207, %add3A_413 : vector<16xi32>
            %add3A_415 = arith.addi %add3A_409, %mul3A_414 : vector<16xi32>
            %add3A_416 = arith.constant 48 : i32
            %add3A_417 = arith.addi %mul3A_130, %add3A_416 : i32
            %add3A_418 = vector.broadcast %add3A_417 : i32 to vector<16xi32>
            %add3A_419 = arith.addi %iota3A, %add3A_418 : vector<16xi32>
            %mul3A_420 = arith.muli %select_n3A_233, %add3A_419 : vector<16xi32>
            %add3A_421 = arith.addi %add3A_415, %mul3A_420 : vector<16xi32>
            %add3A_422 = arith.constant 64 : i32
            %add3A_423 = arith.addi %mul3A_130, %add3A_422 : i32
            %add3A_424 = vector.broadcast %add3A_423 : i32 to vector<16xi32>
            %add3A_425 = arith.addi %iota3A, %add3A_424 : vector<16xi32>
            %mul3A_426 = arith.muli %select_n3A_259, %add3A_425 : vector<16xi32>
            %add3A_427 = arith.addi %add3A_421, %mul3A_426 : vector<16xi32>
            %add3A_428 = arith.constant 80 : i32
            %add3A_429 = arith.addi %mul3A_130, %add3A_428 : i32
            %add3A_430 = vector.broadcast %add3A_429 : i32 to vector<16xi32>
            %add3A_431 = arith.addi %iota3A, %add3A_430 : vector<16xi32>
            %mul3A_432 = arith.muli %select_n3A_285, %add3A_431 : vector<16xi32>
            %add3A_433 = arith.addi %add3A_427, %mul3A_432 : vector<16xi32>
            %add3A_434 = arith.constant 96 : i32
            %add3A_435 = arith.addi %mul3A_130, %add3A_434 : i32
            %add3A_436 = vector.broadcast %add3A_435 : i32 to vector<16xi32>
            %add3A_437 = arith.addi %iota3A, %add3A_436 : vector<16xi32>
            %mul3A_438 = arith.muli %select_n3A_311, %add3A_437 : vector<16xi32>
            %add3A_439 = arith.addi %add3A_433, %mul3A_438 : vector<16xi32>
            %add3A_440 = arith.constant 112 : i32
            %add3A_441 = arith.addi %mul3A_130, %add3A_440 : i32
            %add3A_442 = vector.broadcast %add3A_441 : i32 to vector<16xi32>
            %add3A_443 = arith.addi %iota3A, %add3A_442 : vector<16xi32>
            %mul3A_444 = arith.muli %select_n3A_337, %add3A_443 : vector<16xi32>
            %add3A_445 = arith.addi %add3A_439, %mul3A_444 : vector<16xi32>
            %slice3A_446 = vector.extract_strided_slice %add3A_445 {offsets = [0], sizes = [1], strides = [1]} : vector<16xi32> to vector<1xi32>
            %squeeze3A_447 = vector.extract %slice3A_446[0] : i32 from vector<1xi32>
            %slice3A_448 = vector.extract_strided_slice %add3A_445 {offsets = [1], sizes = [1], strides = [1]} : vector<16xi32> to vector<1xi32>
            %squeeze3A_449 = vector.extract %slice3A_448[0] : i32 from vector<1xi32>
            %add3A_450 = arith.addi %squeeze3A_447, %squeeze3A_449 : i32
            %slice3A_451 = vector.extract_strided_slice %add3A_445 {offsets = [2], sizes = [1], strides = [1]} : vector<16xi32> to vector<1xi32>
            %squeeze3A_452 = vector.extract %slice3A_451[0] : i32 from vector<1xi32>
            %add3A_453 = arith.addi %add3A_450, %squeeze3A_452 : i32
            %slice3A_454 = vector.extract_strided_slice %add3A_445 {offsets = [3], sizes = [1], strides = [1]} : vector<16xi32> to vector<1xi32>
            %squeeze3A_455 = vector.extract %slice3A_454[0] : i32 from vector<1xi32>
            %add3A_456 = arith.addi %add3A_453, %squeeze3A_455 : i32
            %slice3A_457 = vector.extract_strided_slice %add3A_445 {offsets = [4], sizes = [1], strides = [1]} : vector<16xi32> to vector<1xi32>
            %squeeze3A_458 = vector.extract %slice3A_457[0] : i32 from vector<1xi32>
            %add3A_459 = arith.addi %add3A_456, %squeeze3A_458 : i32
            %slice3A_460 = vector.extract_strided_slice %add3A_445 {offsets = [5], sizes = [1], strides = [1]} : vector<16xi32> to vector<1xi32>
            %squeeze3A_461 = vector.extract %slice3A_460[0] : i32 from vector<1xi32>
            %add3A_462 = arith.addi %add3A_459, %squeeze3A_461 : i32
            %slice3A_463 = vector.extract_strided_slice %add3A_445 {offsets = [6], sizes = [1], strides = [1]} : vector<16xi32> to vector<1xi32>
            %squeeze3A_464 = vector.extract %slice3A_463[0] : i32 from vector<1xi32>
            %add3A_465 = arith.addi %add3A_462, %squeeze3A_464 : i32
            %slice3A_466 = vector.extract_strided_slice %add3A_445 {offsets = [7], sizes = [1], strides = [1]} : vector<16xi32> to vector<1xi32>
            %squeeze3A_467 = vector.extract %slice3A_466[0] : i32 from vector<1xi32>
            %add3A_468 = arith.addi %add3A_465, %squeeze3A_467 : i32
            %slice3A_469 = vector.extract_strided_slice %add3A_445 {offsets = [8], sizes = [1], strides = [1]} : vector<16xi32> to vector<1xi32>
            %squeeze3A_470 = vector.extract %slice3A_469[0] : i32 from vector<1xi32>
            %add3A_471 = arith.addi %add3A_468, %squeeze3A_470 : i32
            %slice3A_472 = vector.extract_strided_slice %add3A_445 {offsets = [9], sizes = [1], strides = [1]} : vector<16xi32> to vector<1xi32>
            %squeeze3A_473 = vector.extract %slice3A_472[0] : i32 from vector<1xi32>
            %add3A_474 = arith.addi %add3A_471, %squeeze3A_473 : i32
            %slice3A_475 = vector.extract_strided_slice %add3A_445 {offsets = [10], sizes = [1], strides = [1]} : vector<16xi32> to vector<1xi32>
            %squeeze3A_476 = vector.extract %slice3A_475[0] : i32 from vector<1xi32>
            %add3A_477 = arith.addi %add3A_474, %squeeze3A_476 : i32
            %slice3A_478 = vector.extract_strided_slice %add3A_445 {offsets = [11], sizes = [1], strides = [1]} : vector<16xi32> to vector<1xi32>
            %squeeze3A_479 = vector.extract %slice3A_478[0] : i32 from vector<1xi32>
            %add3A_480 = arith.addi %add3A_477, %squeeze3A_479 : i32
            %slice3A_481 = vector.extract_strided_slice %add3A_445 {offsets = [12], sizes = [1], strides = [1]} : vector<16xi32> to vector<1xi32>
            %squeeze3A_482 = vector.extract %slice3A_481[0] : i32 from vector<1xi32>
            %add3A_483 = arith.addi %add3A_480, %squeeze3A_482 : i32
            %slice3A_484 = vector.extract_strided_slice %add3A_445 {offsets = [13], sizes = [1], strides = [1]} : vector<16xi32> to vector<1xi32>
            %squeeze3A_485 = vector.extract %slice3A_484[0] : i32 from vector<1xi32>
            %add3A_486 = arith.addi %add3A_483, %squeeze3A_485 : i32
            %slice3A_487 = vector.extract_strided_slice %add3A_445 {offsets = [14], sizes = [1], strides = [1]} : vector<16xi32> to vector<1xi32>
            %squeeze3A_488 = vector.extract %slice3A_487[0] : i32 from vector<1xi32>
            %add3A_489 = arith.addi %add3A_486, %squeeze3A_488 : i32
            %slice3A_490 = vector.extract_strided_slice %add3A_445 {offsets = [15], sizes = [1], strides = [1]} : vector<16xi32> to vector<1xi32>
            %squeeze3A_491 = vector.extract %slice3A_490[0] : i32 from vector<1xi32>
            %add3A_492 = arith.addi %add3A_489, %squeeze3A_491 : i32
            %add3A_493 = arith.addi %add3A_492, %mul3A_44 : i32
            %eq3A_494 = arith.constant 0 : i32
            %eq3A_495 = vector.broadcast %eq3A_494 : i32 to vector<16xi32>
            %eq3A_496 = arith.cmpi eq, %iota3A, %eq3A_495 : vector<16xi32>
            %broadcast_in_dim3A_497 = vector.broadcast %add3A_493 : i32 to vector<16xi32>
            %broadcast_in_dim3A_498 = vector.broadcast %scan3A_81 : i32 to vector<16xi32>
            %select_n3A_499 = arith.select %eq3A_496, %broadcast_in_dim3A_497, %broadcast_in_dim3A_498 : vector<16xi1>, vector<16xi32>
            %min3A = arith.constant 64 : i32
            %min3A_500 = arith.minsi %scan3A_128, %min3A : i32
            %swap3A_501 = arith.index_cast %min3A_500 : i32 to index
            %swap3A_502 = tpu.vector_load %arg15[%swap3A_501] {strides = array<i32>} : memref<128xi32, #tpu.memory_space<vmem>>, vector<16xi32>,
            %swap3A_503 = vector.shape_cast %swap3A_502 : vector<16xi32> to vector<16xi32>
            %swap3A_504 = vector.shape_cast %select_n3A_499 : vector<16xi32> to vector<16xi32>
            tpu.vector_store %arg15[%swap3A_501], %swap3A_504 {strides = array<i32>} : memref<128xi32, #tpu.memory_space<vmem>>, vector<16xi32>,
            %add3A_505 = arith.constant 1 : i32
            %add3A_506 = arith.addi %scan3A_128, %add3A_505 : i32
            scf.yield %add3A_506 : i32
          } else {
            %slice3A_401 = vector.extract_strided_slice %select_n3A_155 {offsets = [0], sizes = [1], strides = [1]} : vector<16xi32> to vector<1xi32>
            %squeeze3A_402 = vector.extract %slice3A_401[0] : i32 from vector<1xi32>
            %gt3A_403 = arith.constant 0 : i32
            %gt3A_404 = arith.cmpi sgt, %squeeze3A_402, %gt3A_403 : i32
            %add3A_405 = arith.constant 0 : i32
            %add3A_406 = arith.addi %mul3A_130, %add3A_405 : i32
            %add3A_407 = arith.constant 0 : i32
            %add3A_408 = arith.addi %add3A_406, %add3A_407 : i32
            %add3A_409 = arith.addi %mul3A_44, %add3A_408 : i32
            %select_n3A_410 = arith.select %gt3A_404, %add3A_409, %scan3A_81 : i32
            %eq3A_411 = arith.constant 0 : i32
            %eq3A_412 = vector.broadcast %eq3A_411 : i32 to vector<16xi32>
            %eq3A_413 = arith.cmpi eq, %iota3A, %eq3A_412 : vector<16xi32>
            %broadcast_in_dim3A_414 = vector.broadcast %select_n3A_410 : i32 to vector<16xi32>
            %select_n3A_415 = arith.select %eq3A_413, %broadcast_in_dim3A_414, %add3A_80 : vector<16xi1>, vector<16xi32>
            %add3A_416 = arith.constant 0 : i32
            %add3A_417 = arith.addi %add3A_416, %squeeze3A_402 : i32
            %slice3A_418 = vector.extract_strided_slice %select_n3A_155 {offsets = [1], sizes = [1], strides = [1]} : vector<16xi32> to vector<1xi32>
            %squeeze3A_419 = vector.extract %slice3A_418[0] : i32 from vector<1xi32>
            %gt3A_420 = arith.constant 0 : i32
            %gt3A_421 = arith.cmpi sgt, %squeeze3A_419, %gt3A_420 : i32
            %add3A_422 = arith.constant 0 : i32
            %add3A_423 = arith.addi %mul3A_130, %add3A_422 : i32
            %add3A_424 = arith.constant 1 : i32
            %add3A_425 = arith.addi %add3A_423, %add3A_424 : i32
            %add3A_426 = arith.addi %mul3A_44, %add3A_425 : i32
            %select_n3A_427 = arith.select %gt3A_421, %add3A_426, %scan3A_81 : i32
            %eq3A_428 = vector.broadcast %add3A_417 : i32 to vector<16xi32>
            %eq3A_429 = arith.cmpi eq, %iota3A, %eq3A_428 : vector<16xi32>
            %broadcast_in_dim3A_430 = vector.broadcast %select_n3A_427 : i32 to vector<16xi32>
            %select_n3A_431 = arith.select %eq3A_429, %broadcast_in_dim3A_430, %select_n3A_415 : vector<16xi1>, vector<16xi32>
            %add3A_432 = arith.addi %add3A_417, %squeeze3A_419 : i32
            %slice3A_433 = vector.extract_strided_slice %select_n3A_155 {offsets = [2], sizes = [1], strides = [1]} : vector<16xi32> to vector<1xi32>
            %squeeze3A_434 = vector.extract %slice3A_433[0] : i32 from vector<1xi32>
            %gt3A_435 = arith.constant 0 : i32
            %gt3A_436 = arith.cmpi sgt, %squeeze3A_434, %gt3A_435 : i32
            %add3A_437 = arith.constant 0 : i32
            %add3A_438 = arith.addi %mul3A_130, %add3A_437 : i32
            %add3A_439 = arith.constant 2 : i32
            %add3A_440 = arith.addi %add3A_438, %add3A_439 : i32
            %add3A_441 = arith.addi %mul3A_44, %add3A_440 : i32
            %select_n3A_442 = arith.select %gt3A_436, %add3A_441, %scan3A_81 : i32
            %eq3A_443 = vector.broadcast %add3A_432 : i32 to vector<16xi32>
            %eq3A_444 = arith.cmpi eq, %iota3A, %eq3A_443 : vector<16xi32>
            %broadcast_in_dim3A_445 = vector.broadcast %select_n3A_442 : i32 to vector<16xi32>
            %select_n3A_446 = arith.select %eq3A_444, %broadcast_in_dim3A_445, %select_n3A_431 : vector<16xi1>, vector<16xi32>
            %add3A_447 = arith.addi %add3A_432, %squeeze3A_434 : i32
            %slice3A_448 = vector.extract_strided_slice %select_n3A_155 {offsets = [3], sizes = [1], strides = [1]} : vector<16xi32> to vector<1xi32>
            %squeeze3A_449 = vector.extract %slice3A_448[0] : i32 from vector<1xi32>
            %gt3A_450 = arith.constant 0 : i32
            %gt3A_451 = arith.cmpi sgt, %squeeze3A_449, %gt3A_450 : i32
            %add3A_452 = arith.constant 0 : i32
            %add3A_453 = arith.addi %mul3A_130, %add3A_452 : i32
            %add3A_454 = arith.constant 3 : i32
            %add3A_455 = arith.addi %add3A_453, %add3A_454 : i32
            %add3A_456 = arith.addi %mul3A_44, %add3A_455 : i32
            %select_n3A_457 = arith.select %gt3A_451, %add3A_456, %scan3A_81 : i32
            %eq3A_458 = vector.broadcast %add3A_447 : i32 to vector<16xi32>
            %eq3A_459 = arith.cmpi eq, %iota3A, %eq3A_458 : vector<16xi32>
            %broadcast_in_dim3A_460 = vector.broadcast %select_n3A_457 : i32 to vector<16xi32>
            %select_n3A_461 = arith.select %eq3A_459, %broadcast_in_dim3A_460, %select_n3A_446 : vector<16xi1>, vector<16xi32>
            %add3A_462 = arith.addi %add3A_447, %squeeze3A_449 : i32
            %slice3A_463 = vector.extract_strided_slice %select_n3A_155 {offsets = [4], sizes = [1], strides = [1]} : vector<16xi32> to vector<1xi32>
            %squeeze3A_464 = vector.extract %slice3A_463[0] : i32 from vector<1xi32>
            %gt3A_465 = arith.constant 0 : i32
            %gt3A_466 = arith.cmpi sgt, %squeeze3A_464, %gt3A_465 : i32
            %add3A_467 = arith.constant 0 : i32
            %add3A_468 = arith.addi %mul3A_130, %add3A_467 : i32
            %add3A_469 = arith.constant 4 : i32
            %add3A_470 = arith.addi %add3A_468, %add3A_469 : i32
            %add3A_471 = arith.addi %mul3A_44, %add3A_470 : i32
            %select_n3A_472 = arith.select %gt3A_466, %add3A_471, %scan3A_81 : i32
            %eq3A_473 = vector.broadcast %add3A_462 : i32 to vector<16xi32>
            %eq3A_474 = arith.cmpi eq, %iota3A, %eq3A_473 : vector<16xi32>
            %broadcast_in_dim3A_475 = vector.broadcast %select_n3A_472 : i32 to vector<16xi32>
            %select_n3A_476 = arith.select %eq3A_474, %broadcast_in_dim3A_475, %select_n3A_461 : vector<16xi1>, vector<16xi32>
            %add3A_477 = arith.addi %add3A_462, %squeeze3A_464 : i32
            %slice3A_478 = vector.extract_strided_slice %select_n3A_155 {offsets = [5], sizes = [1], strides = [1]} : vector<16xi32> to vector<1xi32>
            %squeeze3A_479 = vector.extract %slice3A_478[0] : i32 from vector<1xi32>
            %gt3A_480 = arith.constant 0 : i32
            %gt3A_481 = arith.cmpi sgt, %squeeze3A_479, %gt3A_480 : i32
            %add3A_482 = arith.constant 0 : i32
            %add3A_483 = arith.addi %mul3A_130, %add3A_482 : i32
            %add3A_484 = arith.constant 5 : i32
            %add3A_485 = arith.addi %add3A_483, %add3A_484 : i32
            %add3A_486 = arith.addi %mul3A_44, %add3A_485 : i32
            %select_n3A_487 = arith.select %gt3A_481, %add3A_486, %scan3A_81 : i32
            %eq3A_488 = vector.broadcast %add3A_477 : i32 to vector<16xi32>
            %eq3A_489 = arith.cmpi eq, %iota3A, %eq3A_488 : vector<16xi32>
            %broadcast_in_dim3A_490 = vector.broadcast %select_n3A_487 : i32 to vector<16xi32>
            %select_n3A_491 = arith.select %eq3A_489, %broadcast_in_dim3A_490, %select_n3A_476 : vector<16xi1>, vector<16xi32>
            %add3A_492 = arith.addi %add3A_477, %squeeze3A_479 : i32
            %slice3A_493 = vector.extract_strided_slice %select_n3A_155 {offsets = [6], sizes = [1], strides = [1]} : vector<16xi32> to vector<1xi32>
            %squeeze3A_494 = vector.extract %slice3A_493[0] : i32 from vector<1xi32>
            %gt3A_495 = arith.constant 0 : i32
            %gt3A_496 = arith.cmpi sgt, %squeeze3A_494, %gt3A_495 : i32
            %add3A_497 = arith.constant 0 : i32
            %add3A_498 = arith.addi %mul3A_130, %add3A_497 : i32
            %add3A_499 = arith.constant 6 : i32
            %add3A_500 = arith.addi %add3A_498, %add3A_499 : i32
            %add3A_501 = arith.addi %mul3A_44, %add3A_500 : i32
            %select_n3A_502 = arith.select %gt3A_496, %add3A_501, %scan3A_81 : i32
            %eq3A_503 = vector.broadcast %add3A_492 : i32 to vector<16xi32>
            %eq3A_504 = arith.cmpi eq, %iota3A, %eq3A_503 : vector<16xi32>
            %broadcast_in_dim3A_505 = vector.broadcast %select_n3A_502 : i32 to vector<16xi32>
            %select_n3A_506 = arith.select %eq3A_504, %broadcast_in_dim3A_505, %select_n3A_491 : vector<16xi1>, vector<16xi32>
            %add3A_507 = arith.addi %add3A_492, %squeeze3A_494 : i32
            %slice3A_508 = vector.extract_strided_slice %select_n3A_155 {offsets = [7], sizes = [1], strides = [1]} : vector<16xi32> to vector<1xi32>
            %squeeze3A_509 = vector.extract %slice3A_508[0] : i32 from vector<1xi32>
            %gt3A_510 = arith.constant 0 : i32
            %gt3A_511 = arith.cmpi sgt, %squeeze3A_509, %gt3A_510 : i32
            %add3A_512 = arith.constant 0 : i32
            %add3A_513 = arith.addi %mul3A_130, %add3A_512 : i32
            %add3A_514 = arith.constant 7 : i32
            %add3A_515 = arith.addi %add3A_513, %add3A_514 : i32
            %add3A_516 = arith.addi %mul3A_44, %add3A_515 : i32
            %select_n3A_517 = arith.select %gt3A_511, %add3A_516, %scan3A_81 : i32
            %eq3A_518 = vector.broadcast %add3A_507 : i32 to vector<16xi32>
            %eq3A_519 = arith.cmpi eq, %iota3A, %eq3A_518 : vector<16xi32>
            %broadcast_in_dim3A_520 = vector.broadcast %select_n3A_517 : i32 to vector<16xi32>
            %select_n3A_521 = arith.select %eq3A_519, %broadcast_in_dim3A_520, %select_n3A_506 : vector<16xi1>, vector<16xi32>
            %add3A_522 = arith.addi %add3A_507, %squeeze3A_509 : i32
            %slice3A_523 = vector.extract_strided_slice %select_n3A_155 {offsets = [8], sizes = [1], strides = [1]} : vector<16xi32> to vector<1xi32>
            %squeeze3A_524 = vector.extract %slice3A_523[0] : i32 from vector<1xi32>
            %gt3A_525 = arith.constant 0 : i32
            %gt3A_526 = arith.cmpi sgt, %squeeze3A_524, %gt3A_525 : i32
            %add3A_527 = arith.constant 0 : i32
            %add3A_528 = arith.addi %mul3A_130, %add3A_527 : i32
            %add3A_529 = arith.constant 8 : i32
            %add3A_530 = arith.addi %add3A_528, %add3A_529 : i32
            %add3A_531 = arith.addi %mul3A_44, %add3A_530 : i32
            %select_n3A_532 = arith.select %gt3A_526, %add3A_531, %scan3A_81 : i32
            %eq3A_533 = vector.broadcast %add3A_522 : i32 to vector<16xi32>
            %eq3A_534 = arith.cmpi eq, %iota3A, %eq3A_533 : vector<16xi32>
            %broadcast_in_dim3A_535 = vector.broadcast %select_n3A_532 : i32 to vector<16xi32>
            %select_n3A_536 = arith.select %eq3A_534, %broadcast_in_dim3A_535, %select_n3A_521 : vector<16xi1>, vector<16xi32>
            %add3A_537 = arith.addi %add3A_522, %squeeze3A_524 : i32
            %slice3A_538 = vector.extract_strided_slice %select_n3A_155 {offsets = [9], sizes = [1], strides = [1]} : vector<16xi32> to vector<1xi32>
            %squeeze3A_539 = vector.extract %slice3A_538[0] : i32 from vector<1xi32>
            %gt3A_540 = arith.constant 0 : i32
            %gt3A_541 = arith.cmpi sgt, %squeeze3A_539, %gt3A_540 : i32
            %add3A_542 = arith.constant 0 : i32
            %add3A_543 = arith.addi %mul3A_130, %add3A_542 : i32
            %add3A_544 = arith.constant 9 : i32
            %add3A_545 = arith.addi %add3A_543, %add3A_544 : i32
            %add3A_546 = arith.addi %mul3A_44, %add3A_545 : i32
            %select_n3A_547 = arith.select %gt3A_541, %add3A_546, %scan3A_81 : i32
            %eq3A_548 = vector.broadcast %add3A_537 : i32 to vector<16xi32>
            %eq3A_549 = arith.cmpi eq, %iota3A, %eq3A_548 : vector<16xi32>
            %broadcast_in_dim3A_550 = vector.broadcast %select_n3A_547 : i32 to vector<16xi32>
            %select_n3A_551 = arith.select %eq3A_549, %broadcast_in_dim3A_550, %select_n3A_536 : vector<16xi1>, vector<16xi32>
            %add3A_552 = arith.addi %add3A_537, %squeeze3A_539 : i32
            %slice3A_553 = vector.extract_strided_slice %select_n3A_155 {offsets = [10], sizes = [1], strides = [1]} : vector<16xi32> to vector<1xi32>
            %squeeze3A_554 = vector.extract %slice3A_553[0] : i32 from vector<1xi32>
            %gt3A_555 = arith.constant 0 : i32
            %gt3A_556 = arith.cmpi sgt, %squeeze3A_554, %gt3A_555 : i32
            %add3A_557 = arith.constant 0 : i32
            %add3A_558 = arith.addi %mul3A_130, %add3A_557 : i32
            %add3A_559 = arith.constant 10 : i32
            %add3A_560 = arith.addi %add3A_558, %add3A_559 : i32
            %add3A_561 = arith.addi %mul3A_44, %add3A_560 : i32
            %select_n3A_562 = arith.select %gt3A_556, %add3A_561, %scan3A_81 : i32
            %eq3A_563 = vector.broadcast %add3A_552 : i32 to vector<16xi32>
            %eq3A_564 = arith.cmpi eq, %iota3A, %eq3A_563 : vector<16xi32>
            %broadcast_in_dim3A_565 = vector.broadcast %select_n3A_562 : i32 to vector<16xi32>
            %select_n3A_566 = arith.select %eq3A_564, %broadcast_in_dim3A_565, %select_n3A_551 : vector<16xi1>, vector<16xi32>
            %add3A_567 = arith.addi %add3A_552, %squeeze3A_554 : i32
            %slice3A_568 = vector.extract_strided_slice %select_n3A_155 {offsets = [11], sizes = [1], strides = [1]} : vector<16xi32> to vector<1xi32>
            %squeeze3A_569 = vector.extract %slice3A_568[0] : i32 from vector<1xi32>
            %gt3A_570 = arith.constant 0 : i32
            %gt3A_571 = arith.cmpi sgt, %squeeze3A_569, %gt3A_570 : i32
            %add3A_572 = arith.constant 0 : i32
            %add3A_573 = arith.addi %mul3A_130, %add3A_572 : i32
            %add3A_574 = arith.constant 11 : i32
            %add3A_575 = arith.addi %add3A_573, %add3A_574 : i32
            %add3A_576 = arith.addi %mul3A_44, %add3A_575 : i32
            %select_n3A_577 = arith.select %gt3A_571, %add3A_576, %scan3A_81 : i32
            %eq3A_578 = vector.broadcast %add3A_567 : i32 to vector<16xi32>
            %eq3A_579 = arith.cmpi eq, %iota3A, %eq3A_578 : vector<16xi32>
            %broadcast_in_dim3A_580 = vector.broadcast %select_n3A_577 : i32 to vector<16xi32>
            %select_n3A_581 = arith.select %eq3A_579, %broadcast_in_dim3A_580, %select_n3A_566 : vector<16xi1>, vector<16xi32>
            %add3A_582 = arith.addi %add3A_567, %squeeze3A_569 : i32
            %slice3A_583 = vector.extract_strided_slice %select_n3A_155 {offsets = [12], sizes = [1], strides = [1]} : vector<16xi32> to vector<1xi32>
            %squeeze3A_584 = vector.extract %slice3A_583[0] : i32 from vector<1xi32>
            %gt3A_585 = arith.constant 0 : i32
            %gt3A_586 = arith.cmpi sgt, %squeeze3A_584, %gt3A_585 : i32
            %add3A_587 = arith.constant 0 : i32
            %add3A_588 = arith.addi %mul3A_130, %add3A_587 : i32
            %add3A_589 = arith.constant 12 : i32
            %add3A_590 = arith.addi %add3A_588, %add3A_589 : i32
            %add3A_591 = arith.addi %mul3A_44, %add3A_590 : i32
            %select_n3A_592 = arith.select %gt3A_586, %add3A_591, %scan3A_81 : i32
            %eq3A_593 = vector.broadcast %add3A_582 : i32 to vector<16xi32>
            %eq3A_594 = arith.cmpi eq, %iota3A, %eq3A_593 : vector<16xi32>
            %broadcast_in_dim3A_595 = vector.broadcast %select_n3A_592 : i32 to vector<16xi32>
            %select_n3A_596 = arith.select %eq3A_594, %broadcast_in_dim3A_595, %select_n3A_581 : vector<16xi1>, vector<16xi32>
            %add3A_597 = arith.addi %add3A_582, %squeeze3A_584 : i32
            %slice3A_598 = vector.extract_strided_slice %select_n3A_155 {offsets = [13], sizes = [1], strides = [1]} : vector<16xi32> to vector<1xi32>
            %squeeze3A_599 = vector.extract %slice3A_598[0] : i32 from vector<1xi32>
            %gt3A_600 = arith.constant 0 : i32
            %gt3A_601 = arith.cmpi sgt, %squeeze3A_599, %gt3A_600 : i32
            %add3A_602 = arith.constant 0 : i32
            %add3A_603 = arith.addi %mul3A_130, %add3A_602 : i32
            %add3A_604 = arith.constant 13 : i32
            %add3A_605 = arith.addi %add3A_603, %add3A_604 : i32
            %add3A_606 = arith.addi %mul3A_44, %add3A_605 : i32
            %select_n3A_607 = arith.select %gt3A_601, %add3A_606, %scan3A_81 : i32
            %eq3A_608 = vector.broadcast %add3A_597 : i32 to vector<16xi32>
            %eq3A_609 = arith.cmpi eq, %iota3A, %eq3A_608 : vector<16xi32>
            %broadcast_in_dim3A_610 = vector.broadcast %select_n3A_607 : i32 to vector<16xi32>
            %select_n3A_611 = arith.select %eq3A_609, %broadcast_in_dim3A_610, %select_n3A_596 : vector<16xi1>, vector<16xi32>
            %add3A_612 = arith.addi %add3A_597, %squeeze3A_599 : i32
            %slice3A_613 = vector.extract_strided_slice %select_n3A_155 {offsets = [14], sizes = [1], strides = [1]} : vector<16xi32> to vector<1xi32>
            %squeeze3A_614 = vector.extract %slice3A_613[0] : i32 from vector<1xi32>
            %gt3A_615 = arith.constant 0 : i32
            %gt3A_616 = arith.cmpi sgt, %squeeze3A_614, %gt3A_615 : i32
            %add3A_617 = arith.constant 0 : i32
            %add3A_618 = arith.addi %mul3A_130, %add3A_617 : i32
            %add3A_619 = arith.constant 14 : i32
            %add3A_620 = arith.addi %add3A_618, %add3A_619 : i32
            %add3A_621 = arith.addi %mul3A_44, %add3A_620 : i32
            %select_n3A_622 = arith.select %gt3A_616, %add3A_621, %scan3A_81 : i32
            %eq3A_623 = vector.broadcast %add3A_612 : i32 to vector<16xi32>
            %eq3A_624 = arith.cmpi eq, %iota3A, %eq3A_623 : vector<16xi32>
            %broadcast_in_dim3A_625 = vector.broadcast %select_n3A_622 : i32 to vector<16xi32>
            %select_n3A_626 = arith.select %eq3A_624, %broadcast_in_dim3A_625, %select_n3A_611 : vector<16xi1>, vector<16xi32>
            %add3A_627 = arith.addi %add3A_612, %squeeze3A_614 : i32
            %slice3A_628 = vector.extract_strided_slice %select_n3A_155 {offsets = [15], sizes = [1], strides = [1]} : vector<16xi32> to vector<1xi32>
            %squeeze3A_629 = vector.extract %slice3A_628[0] : i32 from vector<1xi32>
            %gt3A_630 = arith.constant 0 : i32
            %gt3A_631 = arith.cmpi sgt, %squeeze3A_629, %gt3A_630 : i32
            %add3A_632 = arith.constant 0 : i32
            %add3A_633 = arith.addi %mul3A_130, %add3A_632 : i32
            %add3A_634 = arith.constant 15 : i32
            %add3A_635 = arith.addi %add3A_633, %add3A_634 : i32
            %add3A_636 = arith.addi %mul3A_44, %add3A_635 : i32
            %select_n3A_637 = arith.select %gt3A_631, %add3A_636, %scan3A_81 : i32
            %eq3A_638 = vector.broadcast %add3A_627 : i32 to vector<16xi32>
            %eq3A_639 = arith.cmpi eq, %iota3A, %eq3A_638 : vector<16xi32>
            %broadcast_in_dim3A_640 = vector.broadcast %select_n3A_637 : i32 to vector<16xi32>
            %select_n3A_641 = arith.select %eq3A_639, %broadcast_in_dim3A_640, %select_n3A_626 : vector<16xi1>, vector<16xi32>
            %add3A_642 = arith.addi %add3A_627, %squeeze3A_629 : i32
            %min3A = arith.constant 64 : i32
            %min3A_643 = arith.minsi %scan3A_128, %min3A : i32
            %swap3A_644 = arith.index_cast %min3A_643 : i32 to index
            %swap3A_645 = tpu.vector_load %arg15[%swap3A_644] {strides = array<i32>} : memref<128xi32, #tpu.memory_space<vmem>>, vector<16xi32>,
            %swap3A_646 = vector.shape_cast %swap3A_645 : vector<16xi32> to vector<16xi32>
            %swap3A_647 = vector.shape_cast %select_n3A_641 : vector<16xi32> to vector<16xi32>
            tpu.vector_store %arg15[%swap3A_644], %swap3A_647 {strides = array<i32>} : memref<128xi32, #tpu.memory_space<vmem>>, vector<16xi32>,
            %add3A_648 = arith.addi %scan3A_128, %add3A_642 : i32
            %slice3A_649 = vector.extract_strided_slice %select_n3A_181 {offsets = [0], sizes = [1], strides = [1]} : vector<16xi32> to vector<1xi32>
            %squeeze3A_650 = vector.extract %slice3A_649[0] : i32 from vector<1xi32>
            %gt3A_651 = arith.constant 0 : i32
            %gt3A_652 = arith.cmpi sgt, %squeeze3A_650, %gt3A_651 : i32
            %add3A_653 = arith.constant 16 : i32
            %add3A_654 = arith.addi %mul3A_130, %add3A_653 : i32
            %add3A_655 = arith.constant 0 : i32
            %add3A_656 = arith.addi %add3A_654, %add3A_655 : i32
            %add3A_657 = arith.addi %mul3A_44, %add3A_656 : i32
            %select_n3A_658 = arith.select %gt3A_652, %add3A_657, %scan3A_81 : i32
            %eq3A_659 = arith.constant 0 : i32
            %eq3A_660 = vector.broadcast %eq3A_659 : i32 to vector<16xi32>
            %eq3A_661 = arith.cmpi eq, %iota3A, %eq3A_660 : vector<16xi32>
            %broadcast_in_dim3A_662 = vector.broadcast %select_n3A_658 : i32 to vector<16xi32>
            %select_n3A_663 = arith.select %eq3A_661, %broadcast_in_dim3A_662, %add3A_80 : vector<16xi1>, vector<16xi32>
            %add3A_664 = arith.constant 0 : i32
            %add3A_665 = arith.addi %add3A_664, %squeeze3A_650 : i32
            %slice3A_666 = vector.extract_strided_slice %select_n3A_181 {offsets = [1], sizes = [1], strides = [1]} : vector<16xi32> to vector<1xi32>
            %squeeze3A_667 = vector.extract %slice3A_666[0] : i32 from vector<1xi32>
            %gt3A_668 = arith.constant 0 : i32
            %gt3A_669 = arith.cmpi sgt, %squeeze3A_667, %gt3A_668 : i32
            %add3A_670 = arith.constant 16 : i32
            %add3A_671 = arith.addi %mul3A_130, %add3A_670 : i32
            %add3A_672 = arith.constant 1 : i32
            %add3A_673 = arith.addi %add3A_671, %add3A_672 : i32
            %add3A_674 = arith.addi %mul3A_44, %add3A_673 : i32
            %select_n3A_675 = arith.select %gt3A_669, %add3A_674, %scan3A_81 : i32
            %eq3A_676 = vector.broadcast %add3A_665 : i32 to vector<16xi32>
            %eq3A_677 = arith.cmpi eq, %iota3A, %eq3A_676 : vector<16xi32>
            %broadcast_in_dim3A_678 = vector.broadcast %select_n3A_675 : i32 to vector<16xi32>
            %select_n3A_679 = arith.select %eq3A_677, %broadcast_in_dim3A_678, %select_n3A_663 : vector<16xi1>, vector<16xi32>
            %add3A_680 = arith.addi %add3A_665, %squeeze3A_667 : i32
            %slice3A_681 = vector.extract_strided_slice %select_n3A_181 {offsets = [2], sizes = [1], strides = [1]} : vector<16xi32> to vector<1xi32>
            %squeeze3A_682 = vector.extract %slice3A_681[0] : i32 from vector<1xi32>
            %gt3A_683 = arith.constant 0 : i32
            %gt3A_684 = arith.cmpi sgt, %squeeze3A_682, %gt3A_683 : i32
            %add3A_685 = arith.constant 16 : i32
            %add3A_686 = arith.addi %mul3A_130, %add3A_685 : i32
            %add3A_687 = arith.constant 2 : i32
            %add3A_688 = arith.addi %add3A_686, %add3A_687 : i32
            %add3A_689 = arith.addi %mul3A_44, %add3A_688 : i32
            %select_n3A_690 = arith.select %gt3A_684, %add3A_689, %scan3A_81 : i32
            %eq3A_691 = vector.broadcast %add3A_680 : i32 to vector<16xi32>
            %eq3A_692 = arith.cmpi eq, %iota3A, %eq3A_691 : vector<16xi32>
            %broadcast_in_dim3A_693 = vector.broadcast %select_n3A_690 : i32 to vector<16xi32>
            %select_n3A_694 = arith.select %eq3A_692, %broadcast_in_dim3A_693, %select_n3A_679 : vector<16xi1>, vector<16xi32>
            %add3A_695 = arith.addi %add3A_680, %squeeze3A_682 : i32
            %slice3A_696 = vector.extract_strided_slice %select_n3A_181 {offsets = [3], sizes = [1], strides = [1]} : vector<16xi32> to vector<1xi32>
            %squeeze3A_697 = vector.extract %slice3A_696[0] : i32 from vector<1xi32>
            %gt3A_698 = arith.constant 0 : i32
            %gt3A_699 = arith.cmpi sgt, %squeeze3A_697, %gt3A_698 : i32
            %add3A_700 = arith.constant 16 : i32
            %add3A_701 = arith.addi %mul3A_130, %add3A_700 : i32
            %add3A_702 = arith.constant 3 : i32
            %add3A_703 = arith.addi %add3A_701, %add3A_702 : i32
            %add3A_704 = arith.addi %mul3A_44, %add3A_703 : i32
            %select_n3A_705 = arith.select %gt3A_699, %add3A_704, %scan3A_81 : i32
            %eq3A_706 = vector.broadcast %add3A_695 : i32 to vector<16xi32>
            %eq3A_707 = arith.cmpi eq, %iota3A, %eq3A_706 : vector<16xi32>
            %broadcast_in_dim3A_708 = vector.broadcast %select_n3A_705 : i32 to vector<16xi32>
            %select_n3A_709 = arith.select %eq3A_707, %broadcast_in_dim3A_708, %select_n3A_694 : vector<16xi1>, vector<16xi32>
            %add3A_710 = arith.addi %add3A_695, %squeeze3A_697 : i32
            %slice3A_711 = vector.extract_strided_slice %select_n3A_181 {offsets = [4], sizes = [1], strides = [1]} : vector<16xi32> to vector<1xi32>
            %squeeze3A_712 = vector.extract %slice3A_711[0] : i32 from vector<1xi32>
            %gt3A_713 = arith.constant 0 : i32
            %gt3A_714 = arith.cmpi sgt, %squeeze3A_712, %gt3A_713 : i32
            %add3A_715 = arith.constant 16 : i32
            %add3A_716 = arith.addi %mul3A_130, %add3A_715 : i32
            %add3A_717 = arith.constant 4 : i32
            %add3A_718 = arith.addi %add3A_716, %add3A_717 : i32
            %add3A_719 = arith.addi %mul3A_44, %add3A_718 : i32
            %select_n3A_720 = arith.select %gt3A_714, %add3A_719, %scan3A_81 : i32
            %eq3A_721 = vector.broadcast %add3A_710 : i32 to vector<16xi32>
            %eq3A_722 = arith.cmpi eq, %iota3A, %eq3A_721 : vector<16xi32>
            %broadcast_in_dim3A_723 = vector.broadcast %select_n3A_720 : i32 to vector<16xi32>
            %select_n3A_724 = arith.select %eq3A_722, %broadcast_in_dim3A_723, %select_n3A_709 : vector<16xi1>, vector<16xi32>
            %add3A_725 = arith.addi %add3A_710, %squeeze3A_712 : i32
            %slice3A_726 = vector.extract_strided_slice %select_n3A_181 {offsets = [5], sizes = [1], strides = [1]} : vector<16xi32> to vector<1xi32>
            %squeeze3A_727 = vector.extract %slice3A_726[0] : i32 from vector<1xi32>
            %gt3A_728 = arith.constant 0 : i32
            %gt3A_729 = arith.cmpi sgt, %squeeze3A_727, %gt3A_728 : i32
            %add3A_730 = arith.constant 16 : i32
            %add3A_731 = arith.addi %mul3A_130, %add3A_730 : i32
            %add3A_732 = arith.constant 5 : i32
            %add3A_733 = arith.addi %add3A_731, %add3A_732 : i32
            %add3A_734 = arith.addi %mul3A_44, %add3A_733 : i32
            %select_n3A_735 = arith.select %gt3A_729, %add3A_734, %scan3A_81 : i32
            %eq3A_736 = vector.broadcast %add3A_725 : i32 to vector<16xi32>
            %eq3A_737 = arith.cmpi eq, %iota3A, %eq3A_736 : vector<16xi32>
            %broadcast_in_dim3A_738 = vector.broadcast %select_n3A_735 : i32 to vector<16xi32>
            %select_n3A_739 = arith.select %eq3A_737, %broadcast_in_dim3A_738, %select_n3A_724 : vector<16xi1>, vector<16xi32>
            %add3A_740 = arith.addi %add3A_725, %squeeze3A_727 : i32
            %slice3A_741 = vector.extract_strided_slice %select_n3A_181 {offsets = [6], sizes = [1], strides = [1]} : vector<16xi32> to vector<1xi32>
            %squeeze3A_742 = vector.extract %slice3A_741[0] : i32 from vector<1xi32>
            %gt3A_743 = arith.constant 0 : i32
            %gt3A_744 = arith.cmpi sgt, %squeeze3A_742, %gt3A_743 : i32
            %add3A_745 = arith.constant 16 : i32
            %add3A_746 = arith.addi %mul3A_130, %add3A_745 : i32
            %add3A_747 = arith.constant 6 : i32
            %add3A_748 = arith.addi %add3A_746, %add3A_747 : i32
            %add3A_749 = arith.addi %mul3A_44, %add3A_748 : i32
            %select_n3A_750 = arith.select %gt3A_744, %add3A_749, %scan3A_81 : i32
            %eq3A_751 = vector.broadcast %add3A_740 : i32 to vector<16xi32>
            %eq3A_752 = arith.cmpi eq, %iota3A, %eq3A_751 : vector<16xi32>
            %broadcast_in_dim3A_753 = vector.broadcast %select_n3A_750 : i32 to vector<16xi32>
            %select_n3A_754 = arith.select %eq3A_752, %broadcast_in_dim3A_753, %select_n3A_739 : vector<16xi1>, vector<16xi32>
            %add3A_755 = arith.addi %add3A_740, %squeeze3A_742 : i32
            %slice3A_756 = vector.extract_strided_slice %select_n3A_181 {offsets = [7], sizes = [1], strides = [1]} : vector<16xi32> to vector<1xi32>
            %squeeze3A_757 = vector.extract %slice3A_756[0] : i32 from vector<1xi32>
            %gt3A_758 = arith.constant 0 : i32
            %gt3A_759 = arith.cmpi sgt, %squeeze3A_757, %gt3A_758 : i32
            %add3A_760 = arith.constant 16 : i32
            %add3A_761 = arith.addi %mul3A_130, %add3A_760 : i32
            %add3A_762 = arith.constant 7 : i32
            %add3A_763 = arith.addi %add3A_761, %add3A_762 : i32
            %add3A_764 = arith.addi %mul3A_44, %add3A_763 : i32
            %select_n3A_765 = arith.select %gt3A_759, %add3A_764, %scan3A_81 : i32
            %eq3A_766 = vector.broadcast %add3A_755 : i32 to vector<16xi32>
            %eq3A_767 = arith.cmpi eq, %iota3A, %eq3A_766 : vector<16xi32>
            %broadcast_in_dim3A_768 = vector.broadcast %select_n3A_765 : i32 to vector<16xi32>
            %select_n3A_769 = arith.select %eq3A_767, %broadcast_in_dim3A_768, %select_n3A_754 : vector<16xi1>, vector<16xi32>
            %add3A_770 = arith.addi %add3A_755, %squeeze3A_757 : i32
            %slice3A_771 = vector.extract_strided_slice %select_n3A_181 {offsets = [8], sizes = [1], strides = [1]} : vector<16xi32> to vector<1xi32>
            %squeeze3A_772 = vector.extract %slice3A_771[0] : i32 from vector<1xi32>
            %gt3A_773 = arith.constant 0 : i32
            %gt3A_774 = arith.cmpi sgt, %squeeze3A_772, %gt3A_773 : i32
            %add3A_775 = arith.constant 16 : i32
            %add3A_776 = arith.addi %mul3A_130, %add3A_775 : i32
            %add3A_777 = arith.constant 8 : i32
            %add3A_778 = arith.addi %add3A_776, %add3A_777 : i32
            %add3A_779 = arith.addi %mul3A_44, %add3A_778 : i32
            %select_n3A_780 = arith.select %gt3A_774, %add3A_779, %scan3A_81 : i32
            %eq3A_781 = vector.broadcast %add3A_770 : i32 to vector<16xi32>
            %eq3A_782 = arith.cmpi eq, %iota3A, %eq3A_781 : vector<16xi32>
            %broadcast_in_dim3A_783 = vector.broadcast %select_n3A_780 : i32 to vector<16xi32>
            %select_n3A_784 = arith.select %eq3A_782, %broadcast_in_dim3A_783, %select_n3A_769 : vector<16xi1>, vector<16xi32>
            %add3A_785 = arith.addi %add3A_770, %squeeze3A_772 : i32
            %slice3A_786 = vector.extract_strided_slice %select_n3A_181 {offsets = [9], sizes = [1], strides = [1]} : vector<16xi32> to vector<1xi32>
            %squeeze3A_787 = vector.extract %slice3A_786[0] : i32 from vector<1xi32>
            %gt3A_788 = arith.constant 0 : i32
            %gt3A_789 = arith.cmpi sgt, %squeeze3A_787, %gt3A_788 : i32
            %add3A_790 = arith.constant 16 : i32
            %add3A_791 = arith.addi %mul3A_130, %add3A_790 : i32
            %add3A_792 = arith.constant 9 : i32
            %add3A_793 = arith.addi %add3A_791, %add3A_792 : i32
            %add3A_794 = arith.addi %mul3A_44, %add3A_793 : i32
            %select_n3A_795 = arith.select %gt3A_789, %add3A_794, %scan3A_81 : i32
            %eq3A_796 = vector.broadcast %add3A_785 : i32 to vector<16xi32>
            %eq3A_797 = arith.cmpi eq, %iota3A, %eq3A_796 : vector<16xi32>
            %broadcast_in_dim3A_798 = vector.broadcast %select_n3A_795 : i32 to vector<16xi32>
            %select_n3A_799 = arith.select %eq3A_797, %broadcast_in_dim3A_798, %select_n3A_784 : vector<16xi1>, vector<16xi32>
            %add3A_800 = arith.addi %add3A_785, %squeeze3A_787 : i32
            %slice3A_801 = vector.extract_strided_slice %select_n3A_181 {offsets = [10], sizes = [1], strides = [1]} : vector<16xi32> to vector<1xi32>
            %squeeze3A_802 = vector.extract %slice3A_801[0] : i32 from vector<1xi32>
            %gt3A_803 = arith.constant 0 : i32
            %gt3A_804 = arith.cmpi sgt, %squeeze3A_802, %gt3A_803 : i32
            %add3A_805 = arith.constant 16 : i32
            %add3A_806 = arith.addi %mul3A_130, %add3A_805 : i32
            %add3A_807 = arith.constant 10 : i32
            %add3A_808 = arith.addi %add3A_806, %add3A_807 : i32
            %add3A_809 = arith.addi %mul3A_44, %add3A_808 : i32
            %select_n3A_810 = arith.select %gt3A_804, %add3A_809, %scan3A_81 : i32
            %eq3A_811 = vector.broadcast %add3A_800 : i32 to vector<16xi32>
            %eq3A_812 = arith.cmpi eq, %iota3A, %eq3A_811 : vector<16xi32>
            %broadcast_in_dim3A_813 = vector.broadcast %select_n3A_810 : i32 to vector<16xi32>
            %select_n3A_814 = arith.select %eq3A_812, %broadcast_in_dim3A_813, %select_n3A_799 : vector<16xi1>, vector<16xi32>
            %add3A_815 = arith.addi %add3A_800, %squeeze3A_802 : i32
            %slice3A_816 = vector.extract_strided_slice %select_n3A_181 {offsets = [11], sizes = [1], strides = [1]} : vector<16xi32> to vector<1xi32>
            %squeeze3A_817 = vector.extract %slice3A_816[0] : i32 from vector<1xi32>
            %gt3A_818 = arith.constant 0 : i32
            %gt3A_819 = arith.cmpi sgt, %squeeze3A_817, %gt3A_818 : i32
            %add3A_820 = arith.constant 16 : i32
            %add3A_821 = arith.addi %mul3A_130, %add3A_820 : i32
            %add3A_822 = arith.constant 11 : i32
            %add3A_823 = arith.addi %add3A_821, %add3A_822 : i32
            %add3A_824 = arith.addi %mul3A_44, %add3A_823 : i32
            %select_n3A_825 = arith.select %gt3A_819, %add3A_824, %scan3A_81 : i32
            %eq3A_826 = vector.broadcast %add3A_815 : i32 to vector<16xi32>
            %eq3A_827 = arith.cmpi eq, %iota3A, %eq3A_826 : vector<16xi32>
            %broadcast_in_dim3A_828 = vector.broadcast %select_n3A_825 : i32 to vector<16xi32>
            %select_n3A_829 = arith.select %eq3A_827, %broadcast_in_dim3A_828, %select_n3A_814 : vector<16xi1>, vector<16xi32>
            %add3A_830 = arith.addi %add3A_815, %squeeze3A_817 : i32
            %slice3A_831 = vector.extract_strided_slice %select_n3A_181 {offsets = [12], sizes = [1], strides = [1]} : vector<16xi32> to vector<1xi32>
            %squeeze3A_832 = vector.extract %slice3A_831[0] : i32 from vector<1xi32>
            %gt3A_833 = arith.constant 0 : i32
            %gt3A_834 = arith.cmpi sgt, %squeeze3A_832, %gt3A_833 : i32
            %add3A_835 = arith.constant 16 : i32
            %add3A_836 = arith.addi %mul3A_130, %add3A_835 : i32
            %add3A_837 = arith.constant 12 : i32
            %add3A_838 = arith.addi %add3A_836, %add3A_837 : i32
            %add3A_839 = arith.addi %mul3A_44, %add3A_838 : i32
            %select_n3A_840 = arith.select %gt3A_834, %add3A_839, %scan3A_81 : i32
            %eq3A_841 = vector.broadcast %add3A_830 : i32 to vector<16xi32>
            %eq3A_842 = arith.cmpi eq, %iota3A, %eq3A_841 : vector<16xi32>
            %broadcast_in_dim3A_843 = vector.broadcast %select_n3A_840 : i32 to vector<16xi32>
            %select_n3A_844 = arith.select %eq3A_842, %broadcast_in_dim3A_843, %select_n3A_829 : vector<16xi1>, vector<16xi32>
            %add3A_845 = arith.addi %add3A_830, %squeeze3A_832 : i32
            %slice3A_846 = vector.extract_strided_slice %select_n3A_181 {offsets = [13], sizes = [1], strides = [1]} : vector<16xi32> to vector<1xi32>
            %squeeze3A_847 = vector.extract %slice3A_846[0] : i32 from vector<1xi32>
            %gt3A_848 = arith.constant 0 : i32
            %gt3A_849 = arith.cmpi sgt, %squeeze3A_847, %gt3A_848 : i32
            %add3A_850 = arith.constant 16 : i32
            %add3A_851 = arith.addi %mul3A_130, %add3A_850 : i32
            %add3A_852 = arith.constant 13 : i32
            %add3A_853 = arith.addi %add3A_851, %add3A_852 : i32
            %add3A_854 = arith.addi %mul3A_44, %add3A_853 : i32
            %select_n3A_855 = arith.select %gt3A_849, %add3A_854, %scan3A_81 : i32
            %eq3A_856 = vector.broadcast %add3A_845 : i32 to vector<16xi32>
            %eq3A_857 = arith.cmpi eq, %iota3A, %eq3A_856 : vector<16xi32>
            %broadcast_in_dim3A_858 = vector.broadcast %select_n3A_855 : i32 to vector<16xi32>
            %select_n3A_859 = arith.select %eq3A_857, %broadcast_in_dim3A_858, %select_n3A_844 : vector<16xi1>, vector<16xi32>
            %add3A_860 = arith.addi %add3A_845, %squeeze3A_847 : i32
            %slice3A_861 = vector.extract_strided_slice %select_n3A_181 {offsets = [14], sizes = [1], strides = [1]} : vector<16xi32> to vector<1xi32>
            %squeeze3A_862 = vector.extract %slice3A_861[0] : i32 from vector<1xi32>
            %gt3A_863 = arith.constant 0 : i32
            %gt3A_864 = arith.cmpi sgt, %squeeze3A_862, %gt3A_863 : i32
            %add3A_865 = arith.constant 16 : i32
            %add3A_866 = arith.addi %mul3A_130, %add3A_865 : i32
            %add3A_867 = arith.constant 14 : i32
            %add3A_868 = arith.addi %add3A_866, %add3A_867 : i32
            %add3A_869 = arith.addi %mul3A_44, %add3A_868 : i32
            %select_n3A_870 = arith.select %gt3A_864, %add3A_869, %scan3A_81 : i32
            %eq3A_871 = vector.broadcast %add3A_860 : i32 to vector<16xi32>
            %eq3A_872 = arith.cmpi eq, %iota3A, %eq3A_871 : vector<16xi32>
            %broadcast_in_dim3A_873 = vector.broadcast %select_n3A_870 : i32 to vector<16xi32>
            %select_n3A_874 = arith.select %eq3A_872, %broadcast_in_dim3A_873, %select_n3A_859 : vector<16xi1>, vector<16xi32>
            %add3A_875 = arith.addi %add3A_860, %squeeze3A_862 : i32
            %slice3A_876 = vector.extract_strided_slice %select_n3A_181 {offsets = [15], sizes = [1], strides = [1]} : vector<16xi32> to vector<1xi32>
            %squeeze3A_877 = vector.extract %slice3A_876[0] : i32 from vector<1xi32>
            %gt3A_878 = arith.constant 0 : i32
            %gt3A_879 = arith.cmpi sgt, %squeeze3A_877, %gt3A_878 : i32
            %add3A_880 = arith.constant 16 : i32
            %add3A_881 = arith.addi %mul3A_130, %add3A_880 : i32
            %add3A_882 = arith.constant 15 : i32
            %add3A_883 = arith.addi %add3A_881, %add3A_882 : i32
            %add3A_884 = arith.addi %mul3A_44, %add3A_883 : i32
            %select_n3A_885 = arith.select %gt3A_879, %add3A_884, %scan3A_81 : i32
            %eq3A_886 = vector.broadcast %add3A_875 : i32 to vector<16xi32>
            %eq3A_887 = arith.cmpi eq, %iota3A, %eq3A_886 : vector<16xi32>
            %broadcast_in_dim3A_888 = vector.broadcast %select_n3A_885 : i32 to vector<16xi32>
            %select_n3A_889 = arith.select %eq3A_887, %broadcast_in_dim3A_888, %select_n3A_874 : vector<16xi1>, vector<16xi32>
            %add3A_890 = arith.addi %add3A_875, %squeeze3A_877 : i32
            %min3A_891 = arith.constant 64 : i32
            %min3A_892 = arith.minsi %add3A_648, %min3A_891 : i32
            %swap3A_893 = arith.index_cast %min3A_892 : i32 to index
            %swap3A_894 = tpu.vector_load %arg15[%swap3A_893] {strides = array<i32>} : memref<128xi32, #tpu.memory_space<vmem>>, vector<16xi32>,
            %swap3A_895 = vector.shape_cast %swap3A_894 : vector<16xi32> to vector<16xi32>
            %swap3A_896 = vector.shape_cast %select_n3A_889 : vector<16xi32> to vector<16xi32>
            tpu.vector_store %arg15[%swap3A_893], %swap3A_896 {strides = array<i32>} : memref<128xi32, #tpu.memory_space<vmem>>, vector<16xi32>,
            %add3A_897 = arith.addi %add3A_648, %add3A_890 : i32
            %slice3A_898 = vector.extract_strided_slice %select_n3A_207 {offsets = [0], sizes = [1], strides = [1]} : vector<16xi32> to vector<1xi32>
            %squeeze3A_899 = vector.extract %slice3A_898[0] : i32 from vector<1xi32>
            %gt3A_900 = arith.constant 0 : i32
            %gt3A_901 = arith.cmpi sgt, %squeeze3A_899, %gt3A_900 : i32
            %add3A_902 = arith.constant 32 : i32
            %add3A_903 = arith.addi %mul3A_130, %add3A_902 : i32
            %add3A_904 = arith.constant 0 : i32
            %add3A_905 = arith.addi %add3A_903, %add3A_904 : i32
            %add3A_906 = arith.addi %mul3A_44, %add3A_905 : i32
            %select_n3A_907 = arith.select %gt3A_901, %add3A_906, %scan3A_81 : i32
            %eq3A_908 = arith.constant 0 : i32
            %eq3A_909 = vector.broadcast %eq3A_908 : i32 to vector<16xi32>
            %eq3A_910 = arith.cmpi eq, %iota3A, %eq3A_909 : vector<16xi32>
            %broadcast_in_dim3A_911 = vector.broadcast %select_n3A_907 : i32 to vector<16xi32>
            %select_n3A_912 = arith.select %eq3A_910, %broadcast_in_dim3A_911, %add3A_80 : vector<16xi1>, vector<16xi32>
            %add3A_913 = arith.constant 0 : i32
            %add3A_914 = arith.addi %add3A_913, %squeeze3A_899 : i32
            %slice3A_915 = vector.extract_strided_slice %select_n3A_207 {offsets = [1], sizes = [1], strides = [1]} : vector<16xi32> to vector<1xi32>
            %squeeze3A_916 = vector.extract %slice3A_915[0] : i32 from vector<1xi32>
            %gt3A_917 = arith.constant 0 : i32
            %gt3A_918 = arith.cmpi sgt, %squeeze3A_916, %gt3A_917 : i32
            %add3A_919 = arith.constant 32 : i32
            %add3A_920 = arith.addi %mul3A_130, %add3A_919 : i32
            %add3A_921 = arith.constant 1 : i32
            %add3A_922 = arith.addi %add3A_920, %add3A_921 : i32
            %add3A_923 = arith.addi %mul3A_44, %add3A_922 : i32
            %select_n3A_924 = arith.select %gt3A_918, %add3A_923, %scan3A_81 : i32
            %eq3A_925 = vector.broadcast %add3A_914 : i32 to vector<16xi32>
            %eq3A_926 = arith.cmpi eq, %iota3A, %eq3A_925 : vector<16xi32>
            %broadcast_in_dim3A_927 = vector.broadcast %select_n3A_924 : i32 to vector<16xi32>
            %select_n3A_928 = arith.select %eq3A_926, %broadcast_in_dim3A_927, %select_n3A_912 : vector<16xi1>, vector<16xi32>
            %add3A_929 = arith.addi %add3A_914, %squeeze3A_916 : i32
            %slice3A_930 = vector.extract_strided_slice %select_n3A_207 {offsets = [2], sizes = [1], strides = [1]} : vector<16xi32> to vector<1xi32>
            %squeeze3A_931 = vector.extract %slice3A_930[0] : i32 from vector<1xi32>
            %gt3A_932 = arith.constant 0 : i32
            %gt3A_933 = arith.cmpi sgt, %squeeze3A_931, %gt3A_932 : i32
            %add3A_934 = arith.constant 32 : i32
            %add3A_935 = arith.addi %mul3A_130, %add3A_934 : i32
            %add3A_936 = arith.constant 2 : i32
            %add3A_937 = arith.addi %add3A_935, %add3A_936 : i32
            %add3A_938 = arith.addi %mul3A_44, %add3A_937 : i32
            %select_n3A_939 = arith.select %gt3A_933, %add3A_938, %scan3A_81 : i32
            %eq3A_940 = vector.broadcast %add3A_929 : i32 to vector<16xi32>
            %eq3A_941 = arith.cmpi eq, %iota3A, %eq3A_940 : vector<16xi32>
            %broadcast_in_dim3A_942 = vector.broadcast %select_n3A_939 : i32 to vector<16xi32>
            %select_n3A_943 = arith.select %eq3A_941, %broadcast_in_dim3A_942, %select_n3A_928 : vector<16xi1>, vector<16xi32>
            %add3A_944 = arith.addi %add3A_929, %squeeze3A_931 : i32
            %slice3A_945 = vector.extract_strided_slice %select_n3A_207 {offsets = [3], sizes = [1], strides = [1]} : vector<16xi32> to vector<1xi32>
            %squeeze3A_946 = vector.extract %slice3A_945[0] : i32 from vector<1xi32>
            %gt3A_947 = arith.constant 0 : i32
            %gt3A_948 = arith.cmpi sgt, %squeeze3A_946, %gt3A_947 : i32
            %add3A_949 = arith.constant 32 : i32
            %add3A_950 = arith.addi %mul3A_130, %add3A_949 : i32
            %add3A_951 = arith.constant 3 : i32
            %add3A_952 = arith.addi %add3A_950, %add3A_951 : i32
            %add3A_953 = arith.addi %mul3A_44, %add3A_952 : i32
            %select_n3A_954 = arith.select %gt3A_948, %add3A_953, %scan3A_81 : i32
            %eq3A_955 = vector.broadcast %add3A_944 : i32 to vector<16xi32>
            %eq3A_956 = arith.cmpi eq, %iota3A, %eq3A_955 : vector<16xi32>
            %broadcast_in_dim3A_957 = vector.broadcast %select_n3A_954 : i32 to vector<16xi32>
            %select_n3A_958 = arith.select %eq3A_956, %broadcast_in_dim3A_957, %select_n3A_943 : vector<16xi1>, vector<16xi32>
            %add3A_959 = arith.addi %add3A_944, %squeeze3A_946 : i32
            %slice3A_960 = vector.extract_strided_slice %select_n3A_207 {offsets = [4], sizes = [1], strides = [1]} : vector<16xi32> to vector<1xi32>
            %squeeze3A_961 = vector.extract %slice3A_960[0] : i32 from vector<1xi32>
            %gt3A_962 = arith.constant 0 : i32
            %gt3A_963 = arith.cmpi sgt, %squeeze3A_961, %gt3A_962 : i32
            %add3A_964 = arith.constant 32 : i32
            %add3A_965 = arith.addi %mul3A_130, %add3A_964 : i32
            %add3A_966 = arith.constant 4 : i32
            %add3A_967 = arith.addi %add3A_965, %add3A_966 : i32
            %add3A_968 = arith.addi %mul3A_44, %add3A_967 : i32
            %select_n3A_969 = arith.select %gt3A_963, %add3A_968, %scan3A_81 : i32
            %eq3A_970 = vector.broadcast %add3A_959 : i32 to vector<16xi32>
            %eq3A_971 = arith.cmpi eq, %iota3A, %eq3A_970 : vector<16xi32>
            %broadcast_in_dim3A_972 = vector.broadcast %select_n3A_969 : i32 to vector<16xi32>
            %select_n3A_973 = arith.select %eq3A_971, %broadcast_in_dim3A_972, %select_n3A_958 : vector<16xi1>, vector<16xi32>
            %add3A_974 = arith.addi %add3A_959, %squeeze3A_961 : i32
            %slice3A_975 = vector.extract_strided_slice %select_n3A_207 {offsets = [5], sizes = [1], strides = [1]} : vector<16xi32> to vector<1xi32>
            %squeeze3A_976 = vector.extract %slice3A_975[0] : i32 from vector<1xi32>
            %gt3A_977 = arith.constant 0 : i32
            %gt3A_978 = arith.cmpi sgt, %squeeze3A_976, %gt3A_977 : i32
            %add3A_979 = arith.constant 32 : i32
            %add3A_980 = arith.addi %mul3A_130, %add3A_979 : i32
            %add3A_981 = arith.constant 5 : i32
            %add3A_982 = arith.addi %add3A_980, %add3A_981 : i32
            %add3A_983 = arith.addi %mul3A_44, %add3A_982 : i32
            %select_n3A_984 = arith.select %gt3A_978, %add3A_983, %scan3A_81 : i32
            %eq3A_985 = vector.broadcast %add3A_974 : i32 to vector<16xi32>
            %eq3A_986 = arith.cmpi eq, %iota3A, %eq3A_985 : vector<16xi32>
            %broadcast_in_dim3A_987 = vector.broadcast %select_n3A_984 : i32 to vector<16xi32>
            %select_n3A_988 = arith.select %eq3A_986, %broadcast_in_dim3A_987, %select_n3A_973 : vector<16xi1>, vector<16xi32>
            %add3A_989 = arith.addi %add3A_974, %squeeze3A_976 : i32
            %slice3A_990 = vector.extract_strided_slice %select_n3A_207 {offsets = [6], sizes = [1], strides = [1]} : vector<16xi32> to vector<1xi32>
            %squeeze3A_991 = vector.extract %slice3A_990[0] : i32 from vector<1xi32>
            %gt3A_992 = arith.constant 0 : i32
            %gt3A_993 = arith.cmpi sgt, %squeeze3A_991, %gt3A_992 : i32
            %add3A_994 = arith.constant 32 : i32
            %add3A_995 = arith.addi %mul3A_130, %add3A_994 : i32
            %add3A_996 = arith.constant 6 : i32
            %add3A_997 = arith.addi %add3A_995, %add3A_996 : i32
            %add3A_998 = arith.addi %mul3A_44, %add3A_997 : i32
            %select_n3A_999 = arith.select %gt3A_993, %add3A_998, %scan3A_81 : i32
            %eq3A_1000 = vector.broadcast %add3A_989 : i32 to vector<16xi32>
            %eq3A_1001 = arith.cmpi eq, %iota3A, %eq3A_1000 : vector<16xi32>
            %broadcast_in_dim3A_1002 = vector.broadcast %select_n3A_999 : i32 to vector<16xi32>
            %select_n3A_1003 = arith.select %eq3A_1001, %broadcast_in_dim3A_1002, %select_n3A_988 : vector<16xi1>, vector<16xi32>
            %add3A_1004 = arith.addi %add3A_989, %squeeze3A_991 : i32
            %slice3A_1005 = vector.extract_strided_slice %select_n3A_207 {offsets = [7], sizes = [1], strides = [1]} : vector<16xi32> to vector<1xi32>
            %squeeze3A_1006 = vector.extract %slice3A_1005[0] : i32 from vector<1xi32>
            %gt3A_1007 = arith.constant 0 : i32
            %gt3A_1008 = arith.cmpi sgt, %squeeze3A_1006, %gt3A_1007 : i32
            %add3A_1009 = arith.constant 32 : i32
            %add3A_1010 = arith.addi %mul3A_130, %add3A_1009 : i32
            %add3A_1011 = arith.constant 7 : i32
            %add3A_1012 = arith.addi %add3A_1010, %add3A_1011 : i32
            %add3A_1013 = arith.addi %mul3A_44, %add3A_1012 : i32
            %select_n3A_1014 = arith.select %gt3A_1008, %add3A_1013, %scan3A_81 : i32
            %eq3A_1015 = vector.broadcast %add3A_1004 : i32 to vector<16xi32>
            %eq3A_1016 = arith.cmpi eq, %iota3A, %eq3A_1015 : vector<16xi32>
            %broadcast_in_dim3A_1017 = vector.broadcast %select_n3A_1014 : i32 to vector<16xi32>
            %select_n3A_1018 = arith.select %eq3A_1016, %broadcast_in_dim3A_1017, %select_n3A_1003 : vector<16xi1>, vector<16xi32>
            %add3A_1019 = arith.addi %add3A_1004, %squeeze3A_1006 : i32
            %slice3A_1020 = vector.extract_strided_slice %select_n3A_207 {offsets = [8], sizes = [1], strides = [1]} : vector<16xi32> to vector<1xi32>
            %squeeze3A_1021 = vector.extract %slice3A_1020[0] : i32 from vector<1xi32>
            %gt3A_1022 = arith.constant 0 : i32
            %gt3A_1023 = arith.cmpi sgt, %squeeze3A_1021, %gt3A_1022 : i32
            %add3A_1024 = arith.constant 32 : i32
            %add3A_1025 = arith.addi %mul3A_130, %add3A_1024 : i32
            %add3A_1026 = arith.constant 8 : i32
            %add3A_1027 = arith.addi %add3A_1025, %add3A_1026 : i32
            %add3A_1028 = arith.addi %mul3A_44, %add3A_1027 : i32
            %select_n3A_1029 = arith.select %gt3A_1023, %add3A_1028, %scan3A_81 : i32
            %eq3A_1030 = vector.broadcast %add3A_1019 : i32 to vector<16xi32>
            %eq3A_1031 = arith.cmpi eq, %iota3A, %eq3A_1030 : vector<16xi32>
            %broadcast_in_dim3A_1032 = vector.broadcast %select_n3A_1029 : i32 to vector<16xi32>
            %select_n3A_1033 = arith.select %eq3A_1031, %broadcast_in_dim3A_1032, %select_n3A_1018 : vector<16xi1>, vector<16xi32>
            %add3A_1034 = arith.addi %add3A_1019, %squeeze3A_1021 : i32
            %slice3A_1035 = vector.extract_strided_slice %select_n3A_207 {offsets = [9], sizes = [1], strides = [1]} : vector<16xi32> to vector<1xi32>
            %squeeze3A_1036 = vector.extract %slice3A_1035[0] : i32 from vector<1xi32>
            %gt3A_1037 = arith.constant 0 : i32
            %gt3A_1038 = arith.cmpi sgt, %squeeze3A_1036, %gt3A_1037 : i32
            %add3A_1039 = arith.constant 32 : i32
            %add3A_1040 = arith.addi %mul3A_130, %add3A_1039 : i32
            %add3A_1041 = arith.constant 9 : i32
            %add3A_1042 = arith.addi %add3A_1040, %add3A_1041 : i32
            %add3A_1043 = arith.addi %mul3A_44, %add3A_1042 : i32
            %select_n3A_1044 = arith.select %gt3A_1038, %add3A_1043, %scan3A_81 : i32
            %eq3A_1045 = vector.broadcast %add3A_1034 : i32 to vector<16xi32>
            %eq3A_1046 = arith.cmpi eq, %iota3A, %eq3A_1045 : vector<16xi32>
            %broadcast_in_dim3A_1047 = vector.broadcast %select_n3A_1044 : i32 to vector<16xi32>
            %select_n3A_1048 = arith.select %eq3A_1046, %broadcast_in_dim3A_1047, %select_n3A_1033 : vector<16xi1>, vector<16xi32>
            %add3A_1049 = arith.addi %add3A_1034, %squeeze3A_1036 : i32
            %slice3A_1050 = vector.extract_strided_slice %select_n3A_207 {offsets = [10], sizes = [1], strides = [1]} : vector<16xi32> to vector<1xi32>
            %squeeze3A_1051 = vector.extract %slice3A_1050[0] : i32 from vector<1xi32>
            %gt3A_1052 = arith.constant 0 : i32
            %gt3A_1053 = arith.cmpi sgt, %squeeze3A_1051, %gt3A_1052 : i32
            %add3A_1054 = arith.constant 32 : i32
            %add3A_1055 = arith.addi %mul3A_130, %add3A_1054 : i32
            %add3A_1056 = arith.constant 10 : i32
            %add3A_1057 = arith.addi %add3A_1055, %add3A_1056 : i32
            %add3A_1058 = arith.addi %mul3A_44, %add3A_1057 : i32
            %select_n3A_1059 = arith.select %gt3A_1053, %add3A_1058, %scan3A_81 : i32
            %eq3A_1060 = vector.broadcast %add3A_1049 : i32 to vector<16xi32>
            %eq3A_1061 = arith.cmpi eq, %iota3A, %eq3A_1060 : vector<16xi32>
            %broadcast_in_dim3A_1062 = vector.broadcast %select_n3A_1059 : i32 to vector<16xi32>
            %select_n3A_1063 = arith.select %eq3A_1061, %broadcast_in_dim3A_1062, %select_n3A_1048 : vector<16xi1>, vector<16xi32>
            %add3A_1064 = arith.addi %add3A_1049, %squeeze3A_1051 : i32
            %slice3A_1065 = vector.extract_strided_slice %select_n3A_207 {offsets = [11], sizes = [1], strides = [1]} : vector<16xi32> to vector<1xi32>
            %squeeze3A_1066 = vector.extract %slice3A_1065[0] : i32 from vector<1xi32>
            %gt3A_1067 = arith.constant 0 : i32
            %gt3A_1068 = arith.cmpi sgt, %squeeze3A_1066, %gt3A_1067 : i32
            %add3A_1069 = arith.constant 32 : i32
            %add3A_1070 = arith.addi %mul3A_130, %add3A_1069 : i32
            %add3A_1071 = arith.constant 11 : i32
            %add3A_1072 = arith.addi %add3A_1070, %add3A_1071 : i32
            %add3A_1073 = arith.addi %mul3A_44, %add3A_1072 : i32
            %select_n3A_1074 = arith.select %gt3A_1068, %add3A_1073, %scan3A_81 : i32
            %eq3A_1075 = vector.broadcast %add3A_1064 : i32 to vector<16xi32>
            %eq3A_1076 = arith.cmpi eq, %iota3A, %eq3A_1075 : vector<16xi32>
            %broadcast_in_dim3A_1077 = vector.broadcast %select_n3A_1074 : i32 to vector<16xi32>
            %select_n3A_1078 = arith.select %eq3A_1076, %broadcast_in_dim3A_1077, %select_n3A_1063 : vector<16xi1>, vector<16xi32>
            %add3A_1079 = arith.addi %add3A_1064, %squeeze3A_1066 : i32
            %slice3A_1080 = vector.extract_strided_slice %select_n3A_207 {offsets = [12], sizes = [1], strides = [1]} : vector<16xi32> to vector<1xi32>
            %squeeze3A_1081 = vector.extract %slice3A_1080[0] : i32 from vector<1xi32>
            %gt3A_1082 = arith.constant 0 : i32
            %gt3A_1083 = arith.cmpi sgt, %squeeze3A_1081, %gt3A_1082 : i32
            %add3A_1084 = arith.constant 32 : i32
            %add3A_1085 = arith.addi %mul3A_130, %add3A_1084 : i32
            %add3A_1086 = arith.constant 12 : i32
            %add3A_1087 = arith.addi %add3A_1085, %add3A_1086 : i32
            %add3A_1088 = arith.addi %mul3A_44, %add3A_1087 : i32
            %select_n3A_1089 = arith.select %gt3A_1083, %add3A_1088, %scan3A_81 : i32
            %eq3A_1090 = vector.broadcast %add3A_1079 : i32 to vector<16xi32>
            %eq3A_1091 = arith.cmpi eq, %iota3A, %eq3A_1090 : vector<16xi32>
            %broadcast_in_dim3A_1092 = vector.broadcast %select_n3A_1089 : i32 to vector<16xi32>
            %select_n3A_1093 = arith.select %eq3A_1091, %broadcast_in_dim3A_1092, %select_n3A_1078 : vector<16xi1>, vector<16xi32>
            %add3A_1094 = arith.addi %add3A_1079, %squeeze3A_1081 : i32
            %slice3A_1095 = vector.extract_strided_slice %select_n3A_207 {offsets = [13], sizes = [1], strides = [1]} : vector<16xi32> to vector<1xi32>
            %squeeze3A_1096 = vector.extract %slice3A_1095[0] : i32 from vector<1xi32>
            %gt3A_1097 = arith.constant 0 : i32
            %gt3A_1098 = arith.cmpi sgt, %squeeze3A_1096, %gt3A_1097 : i32
            %add3A_1099 = arith.constant 32 : i32
            %add3A_1100 = arith.addi %mul3A_130, %add3A_1099 : i32
            %add3A_1101 = arith.constant 13 : i32
            %add3A_1102 = arith.addi %add3A_1100, %add3A_1101 : i32
            %add3A_1103 = arith.addi %mul3A_44, %add3A_1102 : i32
            %select_n3A_1104 = arith.select %gt3A_1098, %add3A_1103, %scan3A_81 : i32
            %eq3A_1105 = vector.broadcast %add3A_1094 : i32 to vector<16xi32>
            %eq3A_1106 = arith.cmpi eq, %iota3A, %eq3A_1105 : vector<16xi32>
            %broadcast_in_dim3A_1107 = vector.broadcast %select_n3A_1104 : i32 to vector<16xi32>
            %select_n3A_1108 = arith.select %eq3A_1106, %broadcast_in_dim3A_1107, %select_n3A_1093 : vector<16xi1>, vector<16xi32>
            %add3A_1109 = arith.addi %add3A_1094, %squeeze3A_1096 : i32
            %slice3A_1110 = vector.extract_strided_slice %select_n3A_207 {offsets = [14], sizes = [1], strides = [1]} : vector<16xi32> to vector<1xi32>
            %squeeze3A_1111 = vector.extract %slice3A_1110[0] : i32 from vector<1xi32>
            %gt3A_1112 = arith.constant 0 : i32
            %gt3A_1113 = arith.cmpi sgt, %squeeze3A_1111, %gt3A_1112 : i32
            %add3A_1114 = arith.constant 32 : i32
            %add3A_1115 = arith.addi %mul3A_130, %add3A_1114 : i32
            %add3A_1116 = arith.constant 14 : i32
            %add3A_1117 = arith.addi %add3A_1115, %add3A_1116 : i32
            %add3A_1118 = arith.addi %mul3A_44, %add3A_1117 : i32
            %select_n3A_1119 = arith.select %gt3A_1113, %add3A_1118, %scan3A_81 : i32
            %eq3A_1120 = vector.broadcast %add3A_1109 : i32 to vector<16xi32>
            %eq3A_1121 = arith.cmpi eq, %iota3A, %eq3A_1120 : vector<16xi32>
            %broadcast_in_dim3A_1122 = vector.broadcast %select_n3A_1119 : i32 to vector<16xi32>
            %select_n3A_1123 = arith.select %eq3A_1121, %broadcast_in_dim3A_1122, %select_n3A_1108 : vector<16xi1>, vector<16xi32>
            %add3A_1124 = arith.addi %add3A_1109, %squeeze3A_1111 : i32
            %slice3A_1125 = vector.extract_strided_slice %select_n3A_207 {offsets = [15], sizes = [1], strides = [1]} : vector<16xi32> to vector<1xi32>
            %squeeze3A_1126 = vector.extract %slice3A_1125[0] : i32 from vector<1xi32>
            %gt3A_1127 = arith.constant 0 : i32
            %gt3A_1128 = arith.cmpi sgt, %squeeze3A_1126, %gt3A_1127 : i32
            %add3A_1129 = arith.constant 32 : i32
            %add3A_1130 = arith.addi %mul3A_130, %add3A_1129 : i32
            %add3A_1131 = arith.constant 15 : i32
            %add3A_1132 = arith.addi %add3A_1130, %add3A_1131 : i32
            %add3A_1133 = arith.addi %mul3A_44, %add3A_1132 : i32
            %select_n3A_1134 = arith.select %gt3A_1128, %add3A_1133, %scan3A_81 : i32
            %eq3A_1135 = vector.broadcast %add3A_1124 : i32 to vector<16xi32>
            %eq3A_1136 = arith.cmpi eq, %iota3A, %eq3A_1135 : vector<16xi32>
            %broadcast_in_dim3A_1137 = vector.broadcast %select_n3A_1134 : i32 to vector<16xi32>
            %select_n3A_1138 = arith.select %eq3A_1136, %broadcast_in_dim3A_1137, %select_n3A_1123 : vector<16xi1>, vector<16xi32>
            %add3A_1139 = arith.addi %add3A_1124, %squeeze3A_1126 : i32
            %min3A_1140 = arith.constant 64 : i32
            %min3A_1141 = arith.minsi %add3A_897, %min3A_1140 : i32
            %swap3A_1142 = arith.index_cast %min3A_1141 : i32 to index
            %swap3A_1143 = tpu.vector_load %arg15[%swap3A_1142] {strides = array<i32>} : memref<128xi32, #tpu.memory_space<vmem>>, vector<16xi32>,
            %swap3A_1144 = vector.shape_cast %swap3A_1143 : vector<16xi32> to vector<16xi32>
            %swap3A_1145 = vector.shape_cast %select_n3A_1138 : vector<16xi32> to vector<16xi32>
            tpu.vector_store %arg15[%swap3A_1142], %swap3A_1145 {strides = array<i32>} : memref<128xi32, #tpu.memory_space<vmem>>, vector<16xi32>,
            %add3A_1146 = arith.addi %add3A_897, %add3A_1139 : i32
            %slice3A_1147 = vector.extract_strided_slice %select_n3A_233 {offsets = [0], sizes = [1], strides = [1]} : vector<16xi32> to vector<1xi32>
            %squeeze3A_1148 = vector.extract %slice3A_1147[0] : i32 from vector<1xi32>
            %gt3A_1149 = arith.constant 0 : i32
            %gt3A_1150 = arith.cmpi sgt, %squeeze3A_1148, %gt3A_1149 : i32
            %add3A_1151 = arith.constant 48 : i32
            %add3A_1152 = arith.addi %mul3A_130, %add3A_1151 : i32
            %add3A_1153 = arith.constant 0 : i32
            %add3A_1154 = arith.addi %add3A_1152, %add3A_1153 : i32
            %add3A_1155 = arith.addi %mul3A_44, %add3A_1154 : i32
            %select_n3A_1156 = arith.select %gt3A_1150, %add3A_1155, %scan3A_81 : i32
            %eq3A_1157 = arith.constant 0 : i32
            %eq3A_1158 = vector.broadcast %eq3A_1157 : i32 to vector<16xi32>
            %eq3A_1159 = arith.cmpi eq, %iota3A, %eq3A_1158 : vector<16xi32>
            %broadcast_in_dim3A_1160 = vector.broadcast %select_n3A_1156 : i32 to vector<16xi32>
            %select_n3A_1161 = arith.select %eq3A_1159, %broadcast_in_dim3A_1160, %add3A_80 : vector<16xi1>, vector<16xi32>
            %add3A_1162 = arith.constant 0 : i32
            %add3A_1163 = arith.addi %add3A_1162, %squeeze3A_1148 : i32
            %slice3A_1164 = vector.extract_strided_slice %select_n3A_233 {offsets = [1], sizes = [1], strides = [1]} : vector<16xi32> to vector<1xi32>
            %squeeze3A_1165 = vector.extract %slice3A_1164[0] : i32 from vector<1xi32>
            %gt3A_1166 = arith.constant 0 : i32
            %gt3A_1167 = arith.cmpi sgt, %squeeze3A_1165, %gt3A_1166 : i32
            %add3A_1168 = arith.constant 48 : i32
            %add3A_1169 = arith.addi %mul3A_130, %add3A_1168 : i32
            %add3A_1170 = arith.constant 1 : i32
            %add3A_1171 = arith.addi %add3A_1169, %add3A_1170 : i32
            %add3A_1172 = arith.addi %mul3A_44, %add3A_1171 : i32
            %select_n3A_1173 = arith.select %gt3A_1167, %add3A_1172, %scan3A_81 : i32
            %eq3A_1174 = vector.broadcast %add3A_1163 : i32 to vector<16xi32>
            %eq3A_1175 = arith.cmpi eq, %iota3A, %eq3A_1174 : vector<16xi32>
            %broadcast_in_dim3A_1176 = vector.broadcast %select_n3A_1173 : i32 to vector<16xi32>
            %select_n3A_1177 = arith.select %eq3A_1175, %broadcast_in_dim3A_1176, %select_n3A_1161 : vector<16xi1>, vector<16xi32>
            %add3A_1178 = arith.addi %add3A_1163, %squeeze3A_1165 : i32
            %slice3A_1179 = vector.extract_strided_slice %select_n3A_233 {offsets = [2], sizes = [1], strides = [1]} : vector<16xi32> to vector<1xi32>
            %squeeze3A_1180 = vector.extract %slice3A_1179[0] : i32 from vector<1xi32>
            %gt3A_1181 = arith.constant 0 : i32
            %gt3A_1182 = arith.cmpi sgt, %squeeze3A_1180, %gt3A_1181 : i32
            %add3A_1183 = arith.constant 48 : i32
            %add3A_1184 = arith.addi %mul3A_130, %add3A_1183 : i32
            %add3A_1185 = arith.constant 2 : i32
            %add3A_1186 = arith.addi %add3A_1184, %add3A_1185 : i32
            %add3A_1187 = arith.addi %mul3A_44, %add3A_1186 : i32
            %select_n3A_1188 = arith.select %gt3A_1182, %add3A_1187, %scan3A_81 : i32
            %eq3A_1189 = vector.broadcast %add3A_1178 : i32 to vector<16xi32>
            %eq3A_1190 = arith.cmpi eq, %iota3A, %eq3A_1189 : vector<16xi32>
            %broadcast_in_dim3A_1191 = vector.broadcast %select_n3A_1188 : i32 to vector<16xi32>
            %select_n3A_1192 = arith.select %eq3A_1190, %broadcast_in_dim3A_1191, %select_n3A_1177 : vector<16xi1>, vector<16xi32>
            %add3A_1193 = arith.addi %add3A_1178, %squeeze3A_1180 : i32
            %slice3A_1194 = vector.extract_strided_slice %select_n3A_233 {offsets = [3], sizes = [1], strides = [1]} : vector<16xi32> to vector<1xi32>
            %squeeze3A_1195 = vector.extract %slice3A_1194[0] : i32 from vector<1xi32>
            %gt3A_1196 = arith.constant 0 : i32
            %gt3A_1197 = arith.cmpi sgt, %squeeze3A_1195, %gt3A_1196 : i32
            %add3A_1198 = arith.constant 48 : i32
            %add3A_1199 = arith.addi %mul3A_130, %add3A_1198 : i32
            %add3A_1200 = arith.constant 3 : i32
            %add3A_1201 = arith.addi %add3A_1199, %add3A_1200 : i32
            %add3A_1202 = arith.addi %mul3A_44, %add3A_1201 : i32
            %select_n3A_1203 = arith.select %gt3A_1197, %add3A_1202, %scan3A_81 : i32
            %eq3A_1204 = vector.broadcast %add3A_1193 : i32 to vector<16xi32>
            %eq3A_1205 = arith.cmpi eq, %iota3A, %eq3A_1204 : vector<16xi32>
            %broadcast_in_dim3A_1206 = vector.broadcast %select_n3A_1203 : i32 to vector<16xi32>
            %select_n3A_1207 = arith.select %eq3A_1205, %broadcast_in_dim3A_1206, %select_n3A_1192 : vector<16xi1>, vector<16xi32>
            %add3A_1208 = arith.addi %add3A_1193, %squeeze3A_1195 : i32
            %slice3A_1209 = vector.extract_strided_slice %select_n3A_233 {offsets = [4], sizes = [1], strides = [1]} : vector<16xi32> to vector<1xi32>
            %squeeze3A_1210 = vector.extract %slice3A_1209[0] : i32 from vector<1xi32>
            %gt3A_1211 = arith.constant 0 : i32
            %gt3A_1212 = arith.cmpi sgt, %squeeze3A_1210, %gt3A_1211 : i32
            %add3A_1213 = arith.constant 48 : i32
            %add3A_1214 = arith.addi %mul3A_130, %add3A_1213 : i32
            %add3A_1215 = arith.constant 4 : i32
            %add3A_1216 = arith.addi %add3A_1214, %add3A_1215 : i32
            %add3A_1217 = arith.addi %mul3A_44, %add3A_1216 : i32
            %select_n3A_1218 = arith.select %gt3A_1212, %add3A_1217, %scan3A_81 : i32
            %eq3A_1219 = vector.broadcast %add3A_1208 : i32 to vector<16xi32>
            %eq3A_1220 = arith.cmpi eq, %iota3A, %eq3A_1219 : vector<16xi32>
            %broadcast_in_dim3A_1221 = vector.broadcast %select_n3A_1218 : i32 to vector<16xi32>
            %select_n3A_1222 = arith.select %eq3A_1220, %broadcast_in_dim3A_1221, %select_n3A_1207 : vector<16xi1>, vector<16xi32>
            %add3A_1223 = arith.addi %add3A_1208, %squeeze3A_1210 : i32
            %slice3A_1224 = vector.extract_strided_slice %select_n3A_233 {offsets = [5], sizes = [1], strides = [1]} : vector<16xi32> to vector<1xi32>
            %squeeze3A_1225 = vector.extract %slice3A_1224[0] : i32 from vector<1xi32>
            %gt3A_1226 = arith.constant 0 : i32
            %gt3A_1227 = arith.cmpi sgt, %squeeze3A_1225, %gt3A_1226 : i32
            %add3A_1228 = arith.constant 48 : i32
            %add3A_1229 = arith.addi %mul3A_130, %add3A_1228 : i32
            %add3A_1230 = arith.constant 5 : i32
            %add3A_1231 = arith.addi %add3A_1229, %add3A_1230 : i32
            %add3A_1232 = arith.addi %mul3A_44, %add3A_1231 : i32
            %select_n3A_1233 = arith.select %gt3A_1227, %add3A_1232, %scan3A_81 : i32
            %eq3A_1234 = vector.broadcast %add3A_1223 : i32 to vector<16xi32>
            %eq3A_1235 = arith.cmpi eq, %iota3A, %eq3A_1234 : vector<16xi32>
            %broadcast_in_dim3A_1236 = vector.broadcast %select_n3A_1233 : i32 to vector<16xi32>
            %select_n3A_1237 = arith.select %eq3A_1235, %broadcast_in_dim3A_1236, %select_n3A_1222 : vector<16xi1>, vector<16xi32>
            %add3A_1238 = arith.addi %add3A_1223, %squeeze3A_1225 : i32
            %slice3A_1239 = vector.extract_strided_slice %select_n3A_233 {offsets = [6], sizes = [1], strides = [1]} : vector<16xi32> to vector<1xi32>
            %squeeze3A_1240 = vector.extract %slice3A_1239[0] : i32 from vector<1xi32>
            %gt3A_1241 = arith.constant 0 : i32
            %gt3A_1242 = arith.cmpi sgt, %squeeze3A_1240, %gt3A_1241 : i32
            %add3A_1243 = arith.constant 48 : i32
            %add3A_1244 = arith.addi %mul3A_130, %add3A_1243 : i32
            %add3A_1245 = arith.constant 6 : i32
            %add3A_1246 = arith.addi %add3A_1244, %add3A_1245 : i32
            %add3A_1247 = arith.addi %mul3A_44, %add3A_1246 : i32
            %select_n3A_1248 = arith.select %gt3A_1242, %add3A_1247, %scan3A_81 : i32
            %eq3A_1249 = vector.broadcast %add3A_1238 : i32 to vector<16xi32>
            %eq3A_1250 = arith.cmpi eq, %iota3A, %eq3A_1249 : vector<16xi32>
            %broadcast_in_dim3A_1251 = vector.broadcast %select_n3A_1248 : i32 to vector<16xi32>
            %select_n3A_1252 = arith.select %eq3A_1250, %broadcast_in_dim3A_1251, %select_n3A_1237 : vector<16xi1>, vector<16xi32>
            %add3A_1253 = arith.addi %add3A_1238, %squeeze3A_1240 : i32
            %slice3A_1254 = vector.extract_strided_slice %select_n3A_233 {offsets = [7], sizes = [1], strides = [1]} : vector<16xi32> to vector<1xi32>
            %squeeze3A_1255 = vector.extract %slice3A_1254[0] : i32 from vector<1xi32>
            %gt3A_1256 = arith.constant 0 : i32
            %gt3A_1257 = arith.cmpi sgt, %squeeze3A_1255, %gt3A_1256 : i32
            %add3A_1258 = arith.constant 48 : i32
            %add3A_1259 = arith.addi %mul3A_130, %add3A_1258 : i32
            %add3A_1260 = arith.constant 7 : i32
            %add3A_1261 = arith.addi %add3A_1259, %add3A_1260 : i32
            %add3A_1262 = arith.addi %mul3A_44, %add3A_1261 : i32
            %select_n3A_1263 = arith.select %gt3A_1257, %add3A_1262, %scan3A_81 : i32
            %eq3A_1264 = vector.broadcast %add3A_1253 : i32 to vector<16xi32>
            %eq3A_1265 = arith.cmpi eq, %iota3A, %eq3A_1264 : vector<16xi32>
            %broadcast_in_dim3A_1266 = vector.broadcast %select_n3A_1263 : i32 to vector<16xi32>
            %select_n3A_1267 = arith.select %eq3A_1265, %broadcast_in_dim3A_1266, %select_n3A_1252 : vector<16xi1>, vector<16xi32>
            %add3A_1268 = arith.addi %add3A_1253, %squeeze3A_1255 : i32
            %slice3A_1269 = vector.extract_strided_slice %select_n3A_233 {offsets = [8], sizes = [1], strides = [1]} : vector<16xi32> to vector<1xi32>
            %squeeze3A_1270 = vector.extract %slice3A_1269[0] : i32 from vector<1xi32>
            %gt3A_1271 = arith.constant 0 : i32
            %gt3A_1272 = arith.cmpi sgt, %squeeze3A_1270, %gt3A_1271 : i32
            %add3A_1273 = arith.constant 48 : i32
            %add3A_1274 = arith.addi %mul3A_130, %add3A_1273 : i32
            %add3A_1275 = arith.constant 8 : i32
            %add3A_1276 = arith.addi %add3A_1274, %add3A_1275 : i32
            %add3A_1277 = arith.addi %mul3A_44, %add3A_1276 : i32
            %select_n3A_1278 = arith.select %gt3A_1272, %add3A_1277, %scan3A_81 : i32
            %eq3A_1279 = vector.broadcast %add3A_1268 : i32 to vector<16xi32>
            %eq3A_1280 = arith.cmpi eq, %iota3A, %eq3A_1279 : vector<16xi32>
            %broadcast_in_dim3A_1281 = vector.broadcast %select_n3A_1278 : i32 to vector<16xi32>
            %select_n3A_1282 = arith.select %eq3A_1280, %broadcast_in_dim3A_1281, %select_n3A_1267 : vector<16xi1>, vector<16xi32>
            %add3A_1283 = arith.addi %add3A_1268, %squeeze3A_1270 : i32
            %slice3A_1284 = vector.extract_strided_slice %select_n3A_233 {offsets = [9], sizes = [1], strides = [1]} : vector<16xi32> to vector<1xi32>
            %squeeze3A_1285 = vector.extract %slice3A_1284[0] : i32 from vector<1xi32>
            %gt3A_1286 = arith.constant 0 : i32
            %gt3A_1287 = arith.cmpi sgt, %squeeze3A_1285, %gt3A_1286 : i32
            %add3A_1288 = arith.constant 48 : i32
            %add3A_1289 = arith.addi %mul3A_130, %add3A_1288 : i32
            %add3A_1290 = arith.constant 9 : i32
            %add3A_1291 = arith.addi %add3A_1289, %add3A_1290 : i32
            %add3A_1292 = arith.addi %mul3A_44, %add3A_1291 : i32
            %select_n3A_1293 = arith.select %gt3A_1287, %add3A_1292, %scan3A_81 : i32
            %eq3A_1294 = vector.broadcast %add3A_1283 : i32 to vector<16xi32>
            %eq3A_1295 = arith.cmpi eq, %iota3A, %eq3A_1294 : vector<16xi32>
            %broadcast_in_dim3A_1296 = vector.broadcast %select_n3A_1293 : i32 to vector<16xi32>
            %select_n3A_1297 = arith.select %eq3A_1295, %broadcast_in_dim3A_1296, %select_n3A_1282 : vector<16xi1>, vector<16xi32>
            %add3A_1298 = arith.addi %add3A_1283, %squeeze3A_1285 : i32
            %slice3A_1299 = vector.extract_strided_slice %select_n3A_233 {offsets = [10], sizes = [1], strides = [1]} : vector<16xi32> to vector<1xi32>
            %squeeze3A_1300 = vector.extract %slice3A_1299[0] : i32 from vector<1xi32>
            %gt3A_1301 = arith.constant 0 : i32
            %gt3A_1302 = arith.cmpi sgt, %squeeze3A_1300, %gt3A_1301 : i32
            %add3A_1303 = arith.constant 48 : i32
            %add3A_1304 = arith.addi %mul3A_130, %add3A_1303 : i32
            %add3A_1305 = arith.constant 10 : i32
            %add3A_1306 = arith.addi %add3A_1304, %add3A_1305 : i32
            %add3A_1307 = arith.addi %mul3A_44, %add3A_1306 : i32
            %select_n3A_1308 = arith.select %gt3A_1302, %add3A_1307, %scan3A_81 : i32
            %eq3A_1309 = vector.broadcast %add3A_1298 : i32 to vector<16xi32>
            %eq3A_1310 = arith.cmpi eq, %iota3A, %eq3A_1309 : vector<16xi32>
            %broadcast_in_dim3A_1311 = vector.broadcast %select_n3A_1308 : i32 to vector<16xi32>
            %select_n3A_1312 = arith.select %eq3A_1310, %broadcast_in_dim3A_1311, %select_n3A_1297 : vector<16xi1>, vector<16xi32>
            %add3A_1313 = arith.addi %add3A_1298, %squeeze3A_1300 : i32
            %slice3A_1314 = vector.extract_strided_slice %select_n3A_233 {offsets = [11], sizes = [1], strides = [1]} : vector<16xi32> to vector<1xi32>
            %squeeze3A_1315 = vector.extract %slice3A_1314[0] : i32 from vector<1xi32>
            %gt3A_1316 = arith.constant 0 : i32
            %gt3A_1317 = arith.cmpi sgt, %squeeze3A_1315, %gt3A_1316 : i32
            %add3A_1318 = arith.constant 48 : i32
            %add3A_1319 = arith.addi %mul3A_130, %add3A_1318 : i32
            %add3A_1320 = arith.constant 11 : i32
            %add3A_1321 = arith.addi %add3A_1319, %add3A_1320 : i32
            %add3A_1322 = arith.addi %mul3A_44, %add3A_1321 : i32
            %select_n3A_1323 = arith.select %gt3A_1317, %add3A_1322, %scan3A_81 : i32
            %eq3A_1324 = vector.broadcast %add3A_1313 : i32 to vector<16xi32>
            %eq3A_1325 = arith.cmpi eq, %iota3A, %eq3A_1324 : vector<16xi32>
            %broadcast_in_dim3A_1326 = vector.broadcast %select_n3A_1323 : i32 to vector<16xi32>
            %select_n3A_1327 = arith.select %eq3A_1325, %broadcast_in_dim3A_1326, %select_n3A_1312 : vector<16xi1>, vector<16xi32>
            %add3A_1328 = arith.addi %add3A_1313, %squeeze3A_1315 : i32
            %slice3A_1329 = vector.extract_strided_slice %select_n3A_233 {offsets = [12], sizes = [1], strides = [1]} : vector<16xi32> to vector<1xi32>
            %squeeze3A_1330 = vector.extract %slice3A_1329[0] : i32 from vector<1xi32>
            %gt3A_1331 = arith.constant 0 : i32
            %gt3A_1332 = arith.cmpi sgt, %squeeze3A_1330, %gt3A_1331 : i32
            %add3A_1333 = arith.constant 48 : i32
            %add3A_1334 = arith.addi %mul3A_130, %add3A_1333 : i32
            %add3A_1335 = arith.constant 12 : i32
            %add3A_1336 = arith.addi %add3A_1334, %add3A_1335 : i32
            %add3A_1337 = arith.addi %mul3A_44, %add3A_1336 : i32
            %select_n3A_1338 = arith.select %gt3A_1332, %add3A_1337, %scan3A_81 : i32
            %eq3A_1339 = vector.broadcast %add3A_1328 : i32 to vector<16xi32>
            %eq3A_1340 = arith.cmpi eq, %iota3A, %eq3A_1339 : vector<16xi32>
            %broadcast_in_dim3A_1341 = vector.broadcast %select_n3A_1338 : i32 to vector<16xi32>
            %select_n3A_1342 = arith.select %eq3A_1340, %broadcast_in_dim3A_1341, %select_n3A_1327 : vector<16xi1>, vector<16xi32>
            %add3A_1343 = arith.addi %add3A_1328, %squeeze3A_1330 : i32
            %slice3A_1344 = vector.extract_strided_slice %select_n3A_233 {offsets = [13], sizes = [1], strides = [1]} : vector<16xi32> to vector<1xi32>
            %squeeze3A_1345 = vector.extract %slice3A_1344[0] : i32 from vector<1xi32>
            %gt3A_1346 = arith.constant 0 : i32
            %gt3A_1347 = arith.cmpi sgt, %squeeze3A_1345, %gt3A_1346 : i32
            %add3A_1348 = arith.constant 48 : i32
            %add3A_1349 = arith.addi %mul3A_130, %add3A_1348 : i32
            %add3A_1350 = arith.constant 13 : i32
            %add3A_1351 = arith.addi %add3A_1349, %add3A_1350 : i32
            %add3A_1352 = arith.addi %mul3A_44, %add3A_1351 : i32
            %select_n3A_1353 = arith.select %gt3A_1347, %add3A_1352, %scan3A_81 : i32
            %eq3A_1354 = vector.broadcast %add3A_1343 : i32 to vector<16xi32>
            %eq3A_1355 = arith.cmpi eq, %iota3A, %eq3A_1354 : vector<16xi32>
            %broadcast_in_dim3A_1356 = vector.broadcast %select_n3A_1353 : i32 to vector<16xi32>
            %select_n3A_1357 = arith.select %eq3A_1355, %broadcast_in_dim3A_1356, %select_n3A_1342 : vector<16xi1>, vector<16xi32>
            %add3A_1358 = arith.addi %add3A_1343, %squeeze3A_1345 : i32
            %slice3A_1359 = vector.extract_strided_slice %select_n3A_233 {offsets = [14], sizes = [1], strides = [1]} : vector<16xi32> to vector<1xi32>
            %squeeze3A_1360 = vector.extract %slice3A_1359[0] : i32 from vector<1xi32>
            %gt3A_1361 = arith.constant 0 : i32
            %gt3A_1362 = arith.cmpi sgt, %squeeze3A_1360, %gt3A_1361 : i32
            %add3A_1363 = arith.constant 48 : i32
            %add3A_1364 = arith.addi %mul3A_130, %add3A_1363 : i32
            %add3A_1365 = arith.constant 14 : i32
            %add3A_1366 = arith.addi %add3A_1364, %add3A_1365 : i32
            %add3A_1367 = arith.addi %mul3A_44, %add3A_1366 : i32
            %select_n3A_1368 = arith.select %gt3A_1362, %add3A_1367, %scan3A_81 : i32
            %eq3A_1369 = vector.broadcast %add3A_1358 : i32 to vector<16xi32>
            %eq3A_1370 = arith.cmpi eq, %iota3A, %eq3A_1369 : vector<16xi32>
            %broadcast_in_dim3A_1371 = vector.broadcast %select_n3A_1368 : i32 to vector<16xi32>
            %select_n3A_1372 = arith.select %eq3A_1370, %broadcast_in_dim3A_1371, %select_n3A_1357 : vector<16xi1>, vector<16xi32>
            %add3A_1373 = arith.addi %add3A_1358, %squeeze3A_1360 : i32
            %slice3A_1374 = vector.extract_strided_slice %select_n3A_233 {offsets = [15], sizes = [1], strides = [1]} : vector<16xi32> to vector<1xi32>
            %squeeze3A_1375 = vector.extract %slice3A_1374[0] : i32 from vector<1xi32>
            %gt3A_1376 = arith.constant 0 : i32
            %gt3A_1377 = arith.cmpi sgt, %squeeze3A_1375, %gt3A_1376 : i32
            %add3A_1378 = arith.constant 48 : i32
            %add3A_1379 = arith.addi %mul3A_130, %add3A_1378 : i32
            %add3A_1380 = arith.constant 15 : i32
            %add3A_1381 = arith.addi %add3A_1379, %add3A_1380 : i32
            %add3A_1382 = arith.addi %mul3A_44, %add3A_1381 : i32
            %select_n3A_1383 = arith.select %gt3A_1377, %add3A_1382, %scan3A_81 : i32
            %eq3A_1384 = vector.broadcast %add3A_1373 : i32 to vector<16xi32>
            %eq3A_1385 = arith.cmpi eq, %iota3A, %eq3A_1384 : vector<16xi32>
            %broadcast_in_dim3A_1386 = vector.broadcast %select_n3A_1383 : i32 to vector<16xi32>
            %select_n3A_1387 = arith.select %eq3A_1385, %broadcast_in_dim3A_1386, %select_n3A_1372 : vector<16xi1>, vector<16xi32>
            %add3A_1388 = arith.addi %add3A_1373, %squeeze3A_1375 : i32
            %min3A_1389 = arith.constant 64 : i32
            %min3A_1390 = arith.minsi %add3A_1146, %min3A_1389 : i32
            %swap3A_1391 = arith.index_cast %min3A_1390 : i32 to index
            %swap3A_1392 = tpu.vector_load %arg15[%swap3A_1391] {strides = array<i32>} : memref<128xi32, #tpu.memory_space<vmem>>, vector<16xi32>,
            %swap3A_1393 = vector.shape_cast %swap3A_1392 : vector<16xi32> to vector<16xi32>
            %swap3A_1394 = vector.shape_cast %select_n3A_1387 : vector<16xi32> to vector<16xi32>
            tpu.vector_store %arg15[%swap3A_1391], %swap3A_1394 {strides = array<i32>} : memref<128xi32, #tpu.memory_space<vmem>>, vector<16xi32>,
            %add3A_1395 = arith.addi %add3A_1146, %add3A_1388 : i32
            %slice3A_1396 = vector.extract_strided_slice %select_n3A_259 {offsets = [0], sizes = [1], strides = [1]} : vector<16xi32> to vector<1xi32>
            %squeeze3A_1397 = vector.extract %slice3A_1396[0] : i32 from vector<1xi32>
            %gt3A_1398 = arith.constant 0 : i32
            %gt3A_1399 = arith.cmpi sgt, %squeeze3A_1397, %gt3A_1398 : i32
            %add3A_1400 = arith.constant 64 : i32
            %add3A_1401 = arith.addi %mul3A_130, %add3A_1400 : i32
            %add3A_1402 = arith.constant 0 : i32
            %add3A_1403 = arith.addi %add3A_1401, %add3A_1402 : i32
            %add3A_1404 = arith.addi %mul3A_44, %add3A_1403 : i32
            %select_n3A_1405 = arith.select %gt3A_1399, %add3A_1404, %scan3A_81 : i32
            %eq3A_1406 = arith.constant 0 : i32
            %eq3A_1407 = vector.broadcast %eq3A_1406 : i32 to vector<16xi32>
            %eq3A_1408 = arith.cmpi eq, %iota3A, %eq3A_1407 : vector<16xi32>
            %broadcast_in_dim3A_1409 = vector.broadcast %select_n3A_1405 : i32 to vector<16xi32>
            %select_n3A_1410 = arith.select %eq3A_1408, %broadcast_in_dim3A_1409, %add3A_80 : vector<16xi1>, vector<16xi32>
            %add3A_1411 = arith.constant 0 : i32
            %add3A_1412 = arith.addi %add3A_1411, %squeeze3A_1397 : i32
            %slice3A_1413 = vector.extract_strided_slice %select_n3A_259 {offsets = [1], sizes = [1], strides = [1]} : vector<16xi32> to vector<1xi32>
            %squeeze3A_1414 = vector.extract %slice3A_1413[0] : i32 from vector<1xi32>
            %gt3A_1415 = arith.constant 0 : i32
            %gt3A_1416 = arith.cmpi sgt, %squeeze3A_1414, %gt3A_1415 : i32
            %add3A_1417 = arith.constant 64 : i32
            %add3A_1418 = arith.addi %mul3A_130, %add3A_1417 : i32
            %add3A_1419 = arith.constant 1 : i32
            %add3A_1420 = arith.addi %add3A_1418, %add3A_1419 : i32
            %add3A_1421 = arith.addi %mul3A_44, %add3A_1420 : i32
            %select_n3A_1422 = arith.select %gt3A_1416, %add3A_1421, %scan3A_81 : i32
            %eq3A_1423 = vector.broadcast %add3A_1412 : i32 to vector<16xi32>
            %eq3A_1424 = arith.cmpi eq, %iota3A, %eq3A_1423 : vector<16xi32>
            %broadcast_in_dim3A_1425 = vector.broadcast %select_n3A_1422 : i32 to vector<16xi32>
            %select_n3A_1426 = arith.select %eq3A_1424, %broadcast_in_dim3A_1425, %select_n3A_1410 : vector<16xi1>, vector<16xi32>
            %add3A_1427 = arith.addi %add3A_1412, %squeeze3A_1414 : i32
            %slice3A_1428 = vector.extract_strided_slice %select_n3A_259 {offsets = [2], sizes = [1], strides = [1]} : vector<16xi32> to vector<1xi32>
            %squeeze3A_1429 = vector.extract %slice3A_1428[0] : i32 from vector<1xi32>
            %gt3A_1430 = arith.constant 0 : i32
            %gt3A_1431 = arith.cmpi sgt, %squeeze3A_1429, %gt3A_1430 : i32
            %add3A_1432 = arith.constant 64 : i32
            %add3A_1433 = arith.addi %mul3A_130, %add3A_1432 : i32
            %add3A_1434 = arith.constant 2 : i32
            %add3A_1435 = arith.addi %add3A_1433, %add3A_1434 : i32
            %add3A_1436 = arith.addi %mul3A_44, %add3A_1435 : i32
            %select_n3A_1437 = arith.select %gt3A_1431, %add3A_1436, %scan3A_81 : i32
            %eq3A_1438 = vector.broadcast %add3A_1427 : i32 to vector<16xi32>
            %eq3A_1439 = arith.cmpi eq, %iota3A, %eq3A_1438 : vector<16xi32>
            %broadcast_in_dim3A_1440 = vector.broadcast %select_n3A_1437 : i32 to vector<16xi32>
            %select_n3A_1441 = arith.select %eq3A_1439, %broadcast_in_dim3A_1440, %select_n3A_1426 : vector<16xi1>, vector<16xi32>
            %add3A_1442 = arith.addi %add3A_1427, %squeeze3A_1429 : i32
            %slice3A_1443 = vector.extract_strided_slice %select_n3A_259 {offsets = [3], sizes = [1], strides = [1]} : vector<16xi32> to vector<1xi32>
            %squeeze3A_1444 = vector.extract %slice3A_1443[0] : i32 from vector<1xi32>
            %gt3A_1445 = arith.constant 0 : i32
            %gt3A_1446 = arith.cmpi sgt, %squeeze3A_1444, %gt3A_1445 : i32
            %add3A_1447 = arith.constant 64 : i32
            %add3A_1448 = arith.addi %mul3A_130, %add3A_1447 : i32
            %add3A_1449 = arith.constant 3 : i32
            %add3A_1450 = arith.addi %add3A_1448, %add3A_1449 : i32
            %add3A_1451 = arith.addi %mul3A_44, %add3A_1450 : i32
            %select_n3A_1452 = arith.select %gt3A_1446, %add3A_1451, %scan3A_81 : i32
            %eq3A_1453 = vector.broadcast %add3A_1442 : i32 to vector<16xi32>
            %eq3A_1454 = arith.cmpi eq, %iota3A, %eq3A_1453 : vector<16xi32>
            %broadcast_in_dim3A_1455 = vector.broadcast %select_n3A_1452 : i32 to vector<16xi32>
            %select_n3A_1456 = arith.select %eq3A_1454, %broadcast_in_dim3A_1455, %select_n3A_1441 : vector<16xi1>, vector<16xi32>
            %add3A_1457 = arith.addi %add3A_1442, %squeeze3A_1444 : i32
            %slice3A_1458 = vector.extract_strided_slice %select_n3A_259 {offsets = [4], sizes = [1], strides = [1]} : vector<16xi32> to vector<1xi32>
            %squeeze3A_1459 = vector.extract %slice3A_1458[0] : i32 from vector<1xi32>
            %gt3A_1460 = arith.constant 0 : i32
            %gt3A_1461 = arith.cmpi sgt, %squeeze3A_1459, %gt3A_1460 : i32
            %add3A_1462 = arith.constant 64 : i32
            %add3A_1463 = arith.addi %mul3A_130, %add3A_1462 : i32
            %add3A_1464 = arith.constant 4 : i32
            %add3A_1465 = arith.addi %add3A_1463, %add3A_1464 : i32
            %add3A_1466 = arith.addi %mul3A_44, %add3A_1465 : i32
            %select_n3A_1467 = arith.select %gt3A_1461, %add3A_1466, %scan3A_81 : i32
            %eq3A_1468 = vector.broadcast %add3A_1457 : i32 to vector<16xi32>
            %eq3A_1469 = arith.cmpi eq, %iota3A, %eq3A_1468 : vector<16xi32>
            %broadcast_in_dim3A_1470 = vector.broadcast %select_n3A_1467 : i32 to vector<16xi32>
            %select_n3A_1471 = arith.select %eq3A_1469, %broadcast_in_dim3A_1470, %select_n3A_1456 : vector<16xi1>, vector<16xi32>
            %add3A_1472 = arith.addi %add3A_1457, %squeeze3A_1459 : i32
            %slice3A_1473 = vector.extract_strided_slice %select_n3A_259 {offsets = [5], sizes = [1], strides = [1]} : vector<16xi32> to vector<1xi32>
            %squeeze3A_1474 = vector.extract %slice3A_1473[0] : i32 from vector<1xi32>
            %gt3A_1475 = arith.constant 0 : i32
            %gt3A_1476 = arith.cmpi sgt, %squeeze3A_1474, %gt3A_1475 : i32
            %add3A_1477 = arith.constant 64 : i32
            %add3A_1478 = arith.addi %mul3A_130, %add3A_1477 : i32
            %add3A_1479 = arith.constant 5 : i32
            %add3A_1480 = arith.addi %add3A_1478, %add3A_1479 : i32
            %add3A_1481 = arith.addi %mul3A_44, %add3A_1480 : i32
            %select_n3A_1482 = arith.select %gt3A_1476, %add3A_1481, %scan3A_81 : i32
            %eq3A_1483 = vector.broadcast %add3A_1472 : i32 to vector<16xi32>
            %eq3A_1484 = arith.cmpi eq, %iota3A, %eq3A_1483 : vector<16xi32>
            %broadcast_in_dim3A_1485 = vector.broadcast %select_n3A_1482 : i32 to vector<16xi32>
            %select_n3A_1486 = arith.select %eq3A_1484, %broadcast_in_dim3A_1485, %select_n3A_1471 : vector<16xi1>, vector<16xi32>
            %add3A_1487 = arith.addi %add3A_1472, %squeeze3A_1474 : i32
            %slice3A_1488 = vector.extract_strided_slice %select_n3A_259 {offsets = [6], sizes = [1], strides = [1]} : vector<16xi32> to vector<1xi32>
            %squeeze3A_1489 = vector.extract %slice3A_1488[0] : i32 from vector<1xi32>
            %gt3A_1490 = arith.constant 0 : i32
            %gt3A_1491 = arith.cmpi sgt, %squeeze3A_1489, %gt3A_1490 : i32
            %add3A_1492 = arith.constant 64 : i32
            %add3A_1493 = arith.addi %mul3A_130, %add3A_1492 : i32
            %add3A_1494 = arith.constant 6 : i32
            %add3A_1495 = arith.addi %add3A_1493, %add3A_1494 : i32
            %add3A_1496 = arith.addi %mul3A_44, %add3A_1495 : i32
            %select_n3A_1497 = arith.select %gt3A_1491, %add3A_1496, %scan3A_81 : i32
            %eq3A_1498 = vector.broadcast %add3A_1487 : i32 to vector<16xi32>
            %eq3A_1499 = arith.cmpi eq, %iota3A, %eq3A_1498 : vector<16xi32>
            %broadcast_in_dim3A_1500 = vector.broadcast %select_n3A_1497 : i32 to vector<16xi32>
            %select_n3A_1501 = arith.select %eq3A_1499, %broadcast_in_dim3A_1500, %select_n3A_1486 : vector<16xi1>, vector<16xi32>
            %add3A_1502 = arith.addi %add3A_1487, %squeeze3A_1489 : i32
            %slice3A_1503 = vector.extract_strided_slice %select_n3A_259 {offsets = [7], sizes = [1], strides = [1]} : vector<16xi32> to vector<1xi32>
            %squeeze3A_1504 = vector.extract %slice3A_1503[0] : i32 from vector<1xi32>
            %gt3A_1505 = arith.constant 0 : i32
            %gt3A_1506 = arith.cmpi sgt, %squeeze3A_1504, %gt3A_1505 : i32
            %add3A_1507 = arith.constant 64 : i32
            %add3A_1508 = arith.addi %mul3A_130, %add3A_1507 : i32
            %add3A_1509 = arith.constant 7 : i32
            %add3A_1510 = arith.addi %add3A_1508, %add3A_1509 : i32
            %add3A_1511 = arith.addi %mul3A_44, %add3A_1510 : i32
            %select_n3A_1512 = arith.select %gt3A_1506, %add3A_1511, %scan3A_81 : i32
            %eq3A_1513 = vector.broadcast %add3A_1502 : i32 to vector<16xi32>
            %eq3A_1514 = arith.cmpi eq, %iota3A, %eq3A_1513 : vector<16xi32>
            %broadcast_in_dim3A_1515 = vector.broadcast %select_n3A_1512 : i32 to vector<16xi32>
            %select_n3A_1516 = arith.select %eq3A_1514, %broadcast_in_dim3A_1515, %select_n3A_1501 : vector<16xi1>, vector<16xi32>
            %add3A_1517 = arith.addi %add3A_1502, %squeeze3A_1504 : i32
            %slice3A_1518 = vector.extract_strided_slice %select_n3A_259 {offsets = [8], sizes = [1], strides = [1]} : vector<16xi32> to vector<1xi32>
            %squeeze3A_1519 = vector.extract %slice3A_1518[0] : i32 from vector<1xi32>
            %gt3A_1520 = arith.constant 0 : i32
            %gt3A_1521 = arith.cmpi sgt, %squeeze3A_1519, %gt3A_1520 : i32
            %add3A_1522 = arith.constant 64 : i32
            %add3A_1523 = arith.addi %mul3A_130, %add3A_1522 : i32
            %add3A_1524 = arith.constant 8 : i32
            %add3A_1525 = arith.addi %add3A_1523, %add3A_1524 : i32
            %add3A_1526 = arith.addi %mul3A_44, %add3A_1525 : i32
            %select_n3A_1527 = arith.select %gt3A_1521, %add3A_1526, %scan3A_81 : i32
            %eq3A_1528 = vector.broadcast %add3A_1517 : i32 to vector<16xi32>
            %eq3A_1529 = arith.cmpi eq, %iota3A, %eq3A_1528 : vector<16xi32>
            %broadcast_in_dim3A_1530 = vector.broadcast %select_n3A_1527 : i32 to vector<16xi32>
            %select_n3A_1531 = arith.select %eq3A_1529, %broadcast_in_dim3A_1530, %select_n3A_1516 : vector<16xi1>, vector<16xi32>
            %add3A_1532 = arith.addi %add3A_1517, %squeeze3A_1519 : i32
            %slice3A_1533 = vector.extract_strided_slice %select_n3A_259 {offsets = [9], sizes = [1], strides = [1]} : vector<16xi32> to vector<1xi32>
            %squeeze3A_1534 = vector.extract %slice3A_1533[0] : i32 from vector<1xi32>
            %gt3A_1535 = arith.constant 0 : i32
            %gt3A_1536 = arith.cmpi sgt, %squeeze3A_1534, %gt3A_1535 : i32
            %add3A_1537 = arith.constant 64 : i32
            %add3A_1538 = arith.addi %mul3A_130, %add3A_1537 : i32
            %add3A_1539 = arith.constant 9 : i32
            %add3A_1540 = arith.addi %add3A_1538, %add3A_1539 : i32
            %add3A_1541 = arith.addi %mul3A_44, %add3A_1540 : i32
            %select_n3A_1542 = arith.select %gt3A_1536, %add3A_1541, %scan3A_81 : i32
            %eq3A_1543 = vector.broadcast %add3A_1532 : i32 to vector<16xi32>
            %eq3A_1544 = arith.cmpi eq, %iota3A, %eq3A_1543 : vector<16xi32>
            %broadcast_in_dim3A_1545 = vector.broadcast %select_n3A_1542 : i32 to vector<16xi32>
            %select_n3A_1546 = arith.select %eq3A_1544, %broadcast_in_dim3A_1545, %select_n3A_1531 : vector<16xi1>, vector<16xi32>
            %add3A_1547 = arith.addi %add3A_1532, %squeeze3A_1534 : i32
            %slice3A_1548 = vector.extract_strided_slice %select_n3A_259 {offsets = [10], sizes = [1], strides = [1]} : vector<16xi32> to vector<1xi32>
            %squeeze3A_1549 = vector.extract %slice3A_1548[0] : i32 from vector<1xi32>
            %gt3A_1550 = arith.constant 0 : i32
            %gt3A_1551 = arith.cmpi sgt, %squeeze3A_1549, %gt3A_1550 : i32
            %add3A_1552 = arith.constant 64 : i32
            %add3A_1553 = arith.addi %mul3A_130, %add3A_1552 : i32
            %add3A_1554 = arith.constant 10 : i32
            %add3A_1555 = arith.addi %add3A_1553, %add3A_1554 : i32
            %add3A_1556 = arith.addi %mul3A_44, %add3A_1555 : i32
            %select_n3A_1557 = arith.select %gt3A_1551, %add3A_1556, %scan3A_81 : i32
            %eq3A_1558 = vector.broadcast %add3A_1547 : i32 to vector<16xi32>
            %eq3A_1559 = arith.cmpi eq, %iota3A, %eq3A_1558 : vector<16xi32>
            %broadcast_in_dim3A_1560 = vector.broadcast %select_n3A_1557 : i32 to vector<16xi32>
            %select_n3A_1561 = arith.select %eq3A_1559, %broadcast_in_dim3A_1560, %select_n3A_1546 : vector<16xi1>, vector<16xi32>
            %add3A_1562 = arith.addi %add3A_1547, %squeeze3A_1549 : i32
            %slice3A_1563 = vector.extract_strided_slice %select_n3A_259 {offsets = [11], sizes = [1], strides = [1]} : vector<16xi32> to vector<1xi32>
            %squeeze3A_1564 = vector.extract %slice3A_1563[0] : i32 from vector<1xi32>
            %gt3A_1565 = arith.constant 0 : i32
            %gt3A_1566 = arith.cmpi sgt, %squeeze3A_1564, %gt3A_1565 : i32
            %add3A_1567 = arith.constant 64 : i32
            %add3A_1568 = arith.addi %mul3A_130, %add3A_1567 : i32
            %add3A_1569 = arith.constant 11 : i32
            %add3A_1570 = arith.addi %add3A_1568, %add3A_1569 : i32
            %add3A_1571 = arith.addi %mul3A_44, %add3A_1570 : i32
            %select_n3A_1572 = arith.select %gt3A_1566, %add3A_1571, %scan3A_81 : i32
            %eq3A_1573 = vector.broadcast %add3A_1562 : i32 to vector<16xi32>
            %eq3A_1574 = arith.cmpi eq, %iota3A, %eq3A_1573 : vector<16xi32>
            %broadcast_in_dim3A_1575 = vector.broadcast %select_n3A_1572 : i32 to vector<16xi32>
            %select_n3A_1576 = arith.select %eq3A_1574, %broadcast_in_dim3A_1575, %select_n3A_1561 : vector<16xi1>, vector<16xi32>
            %add3A_1577 = arith.addi %add3A_1562, %squeeze3A_1564 : i32
            %slice3A_1578 = vector.extract_strided_slice %select_n3A_259 {offsets = [12], sizes = [1], strides = [1]} : vector<16xi32> to vector<1xi32>
            %squeeze3A_1579 = vector.extract %slice3A_1578[0] : i32 from vector<1xi32>
            %gt3A_1580 = arith.constant 0 : i32
            %gt3A_1581 = arith.cmpi sgt, %squeeze3A_1579, %gt3A_1580 : i32
            %add3A_1582 = arith.constant 64 : i32
            %add3A_1583 = arith.addi %mul3A_130, %add3A_1582 : i32
            %add3A_1584 = arith.constant 12 : i32
            %add3A_1585 = arith.addi %add3A_1583, %add3A_1584 : i32
            %add3A_1586 = arith.addi %mul3A_44, %add3A_1585 : i32
            %select_n3A_1587 = arith.select %gt3A_1581, %add3A_1586, %scan3A_81 : i32
            %eq3A_1588 = vector.broadcast %add3A_1577 : i32 to vector<16xi32>
            %eq3A_1589 = arith.cmpi eq, %iota3A, %eq3A_1588 : vector<16xi32>
            %broadcast_in_dim3A_1590 = vector.broadcast %select_n3A_1587 : i32 to vector<16xi32>
            %select_n3A_1591 = arith.select %eq3A_1589, %broadcast_in_dim3A_1590, %select_n3A_1576 : vector<16xi1>, vector<16xi32>
            %add3A_1592 = arith.addi %add3A_1577, %squeeze3A_1579 : i32
            %slice3A_1593 = vector.extract_strided_slice %select_n3A_259 {offsets = [13], sizes = [1], strides = [1]} : vector<16xi32> to vector<1xi32>
            %squeeze3A_1594 = vector.extract %slice3A_1593[0] : i32 from vector<1xi32>
            %gt3A_1595 = arith.constant 0 : i32
            %gt3A_1596 = arith.cmpi sgt, %squeeze3A_1594, %gt3A_1595 : i32
            %add3A_1597 = arith.constant 64 : i32
            %add3A_1598 = arith.addi %mul3A_130, %add3A_1597 : i32
            %add3A_1599 = arith.constant 13 : i32
            %add3A_1600 = arith.addi %add3A_1598, %add3A_1599 : i32
            %add3A_1601 = arith.addi %mul3A_44, %add3A_1600 : i32
            %select_n3A_1602 = arith.select %gt3A_1596, %add3A_1601, %scan3A_81 : i32
            %eq3A_1603 = vector.broadcast %add3A_1592 : i32 to vector<16xi32>
            %eq3A_1604 = arith.cmpi eq, %iota3A, %eq3A_1603 : vector<16xi32>
            %broadcast_in_dim3A_1605 = vector.broadcast %select_n3A_1602 : i32 to vector<16xi32>
            %select_n3A_1606 = arith.select %eq3A_1604, %broadcast_in_dim3A_1605, %select_n3A_1591 : vector<16xi1>, vector<16xi32>
            %add3A_1607 = arith.addi %add3A_1592, %squeeze3A_1594 : i32
            %slice3A_1608 = vector.extract_strided_slice %select_n3A_259 {offsets = [14], sizes = [1], strides = [1]} : vector<16xi32> to vector<1xi32>
            %squeeze3A_1609 = vector.extract %slice3A_1608[0] : i32 from vector<1xi32>
            %gt3A_1610 = arith.constant 0 : i32
            %gt3A_1611 = arith.cmpi sgt, %squeeze3A_1609, %gt3A_1610 : i32
            %add3A_1612 = arith.constant 64 : i32
            %add3A_1613 = arith.addi %mul3A_130, %add3A_1612 : i32
            %add3A_1614 = arith.constant 14 : i32
            %add3A_1615 = arith.addi %add3A_1613, %add3A_1614 : i32
            %add3A_1616 = arith.addi %mul3A_44, %add3A_1615 : i32
            %select_n3A_1617 = arith.select %gt3A_1611, %add3A_1616, %scan3A_81 : i32
            %eq3A_1618 = vector.broadcast %add3A_1607 : i32 to vector<16xi32>
            %eq3A_1619 = arith.cmpi eq, %iota3A, %eq3A_1618 : vector<16xi32>
            %broadcast_in_dim3A_1620 = vector.broadcast %select_n3A_1617 : i32 to vector<16xi32>
            %select_n3A_1621 = arith.select %eq3A_1619, %broadcast_in_dim3A_1620, %select_n3A_1606 : vector<16xi1>, vector<16xi32>
            %add3A_1622 = arith.addi %add3A_1607, %squeeze3A_1609 : i32
            %slice3A_1623 = vector.extract_strided_slice %select_n3A_259 {offsets = [15], sizes = [1], strides = [1]} : vector<16xi32> to vector<1xi32>
            %squeeze3A_1624 = vector.extract %slice3A_1623[0] : i32 from vector<1xi32>
            %gt3A_1625 = arith.constant 0 : i32
            %gt3A_1626 = arith.cmpi sgt, %squeeze3A_1624, %gt3A_1625 : i32
            %add3A_1627 = arith.constant 64 : i32
            %add3A_1628 = arith.addi %mul3A_130, %add3A_1627 : i32
            %add3A_1629 = arith.constant 15 : i32
            %add3A_1630 = arith.addi %add3A_1628, %add3A_1629 : i32
            %add3A_1631 = arith.addi %mul3A_44, %add3A_1630 : i32
            %select_n3A_1632 = arith.select %gt3A_1626, %add3A_1631, %scan3A_81 : i32
            %eq3A_1633 = vector.broadcast %add3A_1622 : i32 to vector<16xi32>
            %eq3A_1634 = arith.cmpi eq, %iota3A, %eq3A_1633 : vector<16xi32>
            %broadcast_in_dim3A_1635 = vector.broadcast %select_n3A_1632 : i32 to vector<16xi32>
            %select_n3A_1636 = arith.select %eq3A_1634, %broadcast_in_dim3A_1635, %select_n3A_1621 : vector<16xi1>, vector<16xi32>
            %add3A_1637 = arith.addi %add3A_1622, %squeeze3A_1624 : i32
            %min3A_1638 = arith.constant 64 : i32
            %min3A_1639 = arith.minsi %add3A_1395, %min3A_1638 : i32
            %swap3A_1640 = arith.index_cast %min3A_1639 : i32 to index
            %swap3A_1641 = tpu.vector_load %arg15[%swap3A_1640] {strides = array<i32>} : memref<128xi32, #tpu.memory_space<vmem>>, vector<16xi32>,
            %swap3A_1642 = vector.shape_cast %swap3A_1641 : vector<16xi32> to vector<16xi32>
            %swap3A_1643 = vector.shape_cast %select_n3A_1636 : vector<16xi32> to vector<16xi32>
            tpu.vector_store %arg15[%swap3A_1640], %swap3A_1643 {strides = array<i32>} : memref<128xi32, #tpu.memory_space<vmem>>, vector<16xi32>,
            %add3A_1644 = arith.addi %add3A_1395, %add3A_1637 : i32
            %slice3A_1645 = vector.extract_strided_slice %select_n3A_285 {offsets = [0], sizes = [1], strides = [1]} : vector<16xi32> to vector<1xi32>
            %squeeze3A_1646 = vector.extract %slice3A_1645[0] : i32 from vector<1xi32>
            %gt3A_1647 = arith.constant 0 : i32
            %gt3A_1648 = arith.cmpi sgt, %squeeze3A_1646, %gt3A_1647 : i32
            %add3A_1649 = arith.constant 80 : i32
            %add3A_1650 = arith.addi %mul3A_130, %add3A_1649 : i32
            %add3A_1651 = arith.constant 0 : i32
            %add3A_1652 = arith.addi %add3A_1650, %add3A_1651 : i32
            %add3A_1653 = arith.addi %mul3A_44, %add3A_1652 : i32
            %select_n3A_1654 = arith.select %gt3A_1648, %add3A_1653, %scan3A_81 : i32
            %eq3A_1655 = arith.constant 0 : i32
            %eq3A_1656 = vector.broadcast %eq3A_1655 : i32 to vector<16xi32>
            %eq3A_1657 = arith.cmpi eq, %iota3A, %eq3A_1656 : vector<16xi32>
            %broadcast_in_dim3A_1658 = vector.broadcast %select_n3A_1654 : i32 to vector<16xi32>
            %select_n3A_1659 = arith.select %eq3A_1657, %broadcast_in_dim3A_1658, %add3A_80 : vector<16xi1>, vector<16xi32>
            %add3A_1660 = arith.constant 0 : i32
            %add3A_1661 = arith.addi %add3A_1660, %squeeze3A_1646 : i32
            %slice3A_1662 = vector.extract_strided_slice %select_n3A_285 {offsets = [1], sizes = [1], strides = [1]} : vector<16xi32> to vector<1xi32>
            %squeeze3A_1663 = vector.extract %slice3A_1662[0] : i32 from vector<1xi32>
            %gt3A_1664 = arith.constant 0 : i32
            %gt3A_1665 = arith.cmpi sgt, %squeeze3A_1663, %gt3A_1664 : i32
            %add3A_1666 = arith.constant 80 : i32
            %add3A_1667 = arith.addi %mul3A_130, %add3A_1666 : i32
            %add3A_1668 = arith.constant 1 : i32
            %add3A_1669 = arith.addi %add3A_1667, %add3A_1668 : i32
            %add3A_1670 = arith.addi %mul3A_44, %add3A_1669 : i32
            %select_n3A_1671 = arith.select %gt3A_1665, %add3A_1670, %scan3A_81 : i32
            %eq3A_1672 = vector.broadcast %add3A_1661 : i32 to vector<16xi32>
            %eq3A_1673 = arith.cmpi eq, %iota3A, %eq3A_1672 : vector<16xi32>
            %broadcast_in_dim3A_1674 = vector.broadcast %select_n3A_1671 : i32 to vector<16xi32>
            %select_n3A_1675 = arith.select %eq3A_1673, %broadcast_in_dim3A_1674, %select_n3A_1659 : vector<16xi1>, vector<16xi32>
            %add3A_1676 = arith.addi %add3A_1661, %squeeze3A_1663 : i32
            %slice3A_1677 = vector.extract_strided_slice %select_n3A_285 {offsets = [2], sizes = [1], strides = [1]} : vector<16xi32> to vector<1xi32>
            %squeeze3A_1678 = vector.extract %slice3A_1677[0] : i32 from vector<1xi32>
            %gt3A_1679 = arith.constant 0 : i32
            %gt3A_1680 = arith.cmpi sgt, %squeeze3A_1678, %gt3A_1679 : i32
            %add3A_1681 = arith.constant 80 : i32
            %add3A_1682 = arith.addi %mul3A_130, %add3A_1681 : i32
            %add3A_1683 = arith.constant 2 : i32
            %add3A_1684 = arith.addi %add3A_1682, %add3A_1683 : i32
            %add3A_1685 = arith.addi %mul3A_44, %add3A_1684 : i32
            %select_n3A_1686 = arith.select %gt3A_1680, %add3A_1685, %scan3A_81 : i32
            %eq3A_1687 = vector.broadcast %add3A_1676 : i32 to vector<16xi32>
            %eq3A_1688 = arith.cmpi eq, %iota3A, %eq3A_1687 : vector<16xi32>
            %broadcast_in_dim3A_1689 = vector.broadcast %select_n3A_1686 : i32 to vector<16xi32>
            %select_n3A_1690 = arith.select %eq3A_1688, %broadcast_in_dim3A_1689, %select_n3A_1675 : vector<16xi1>, vector<16xi32>
            %add3A_1691 = arith.addi %add3A_1676, %squeeze3A_1678 : i32
            %slice3A_1692 = vector.extract_strided_slice %select_n3A_285 {offsets = [3], sizes = [1], strides = [1]} : vector<16xi32> to vector<1xi32>
            %squeeze3A_1693 = vector.extract %slice3A_1692[0] : i32 from vector<1xi32>
            %gt3A_1694 = arith.constant 0 : i32
            %gt3A_1695 = arith.cmpi sgt, %squeeze3A_1693, %gt3A_1694 : i32
            %add3A_1696 = arith.constant 80 : i32
            %add3A_1697 = arith.addi %mul3A_130, %add3A_1696 : i32
            %add3A_1698 = arith.constant 3 : i32
            %add3A_1699 = arith.addi %add3A_1697, %add3A_1698 : i32
            %add3A_1700 = arith.addi %mul3A_44, %add3A_1699 : i32
            %select_n3A_1701 = arith.select %gt3A_1695, %add3A_1700, %scan3A_81 : i32
            %eq3A_1702 = vector.broadcast %add3A_1691 : i32 to vector<16xi32>
            %eq3A_1703 = arith.cmpi eq, %iota3A, %eq3A_1702 : vector<16xi32>
            %broadcast_in_dim3A_1704 = vector.broadcast %select_n3A_1701 : i32 to vector<16xi32>
            %select_n3A_1705 = arith.select %eq3A_1703, %broadcast_in_dim3A_1704, %select_n3A_1690 : vector<16xi1>, vector<16xi32>
            %add3A_1706 = arith.addi %add3A_1691, %squeeze3A_1693 : i32
            %slice3A_1707 = vector.extract_strided_slice %select_n3A_285 {offsets = [4], sizes = [1], strides = [1]} : vector<16xi32> to vector<1xi32>
            %squeeze3A_1708 = vector.extract %slice3A_1707[0] : i32 from vector<1xi32>
            %gt3A_1709 = arith.constant 0 : i32
            %gt3A_1710 = arith.cmpi sgt, %squeeze3A_1708, %gt3A_1709 : i32
            %add3A_1711 = arith.constant 80 : i32
            %add3A_1712 = arith.addi %mul3A_130, %add3A_1711 : i32
            %add3A_1713 = arith.constant 4 : i32
            %add3A_1714 = arith.addi %add3A_1712, %add3A_1713 : i32
            %add3A_1715 = arith.addi %mul3A_44, %add3A_1714 : i32
            %select_n3A_1716 = arith.select %gt3A_1710, %add3A_1715, %scan3A_81 : i32
            %eq3A_1717 = vector.broadcast %add3A_1706 : i32 to vector<16xi32>
            %eq3A_1718 = arith.cmpi eq, %iota3A, %eq3A_1717 : vector<16xi32>
            %broadcast_in_dim3A_1719 = vector.broadcast %select_n3A_1716 : i32 to vector<16xi32>
            %select_n3A_1720 = arith.select %eq3A_1718, %broadcast_in_dim3A_1719, %select_n3A_1705 : vector<16xi1>, vector<16xi32>
            %add3A_1721 = arith.addi %add3A_1706, %squeeze3A_1708 : i32
            %slice3A_1722 = vector.extract_strided_slice %select_n3A_285 {offsets = [5], sizes = [1], strides = [1]} : vector<16xi32> to vector<1xi32>
            %squeeze3A_1723 = vector.extract %slice3A_1722[0] : i32 from vector<1xi32>
            %gt3A_1724 = arith.constant 0 : i32
            %gt3A_1725 = arith.cmpi sgt, %squeeze3A_1723, %gt3A_1724 : i32
            %add3A_1726 = arith.constant 80 : i32
            %add3A_1727 = arith.addi %mul3A_130, %add3A_1726 : i32
            %add3A_1728 = arith.constant 5 : i32
            %add3A_1729 = arith.addi %add3A_1727, %add3A_1728 : i32
            %add3A_1730 = arith.addi %mul3A_44, %add3A_1729 : i32
            %select_n3A_1731 = arith.select %gt3A_1725, %add3A_1730, %scan3A_81 : i32
            %eq3A_1732 = vector.broadcast %add3A_1721 : i32 to vector<16xi32>
            %eq3A_1733 = arith.cmpi eq, %iota3A, %eq3A_1732 : vector<16xi32>
            %broadcast_in_dim3A_1734 = vector.broadcast %select_n3A_1731 : i32 to vector<16xi32>
            %select_n3A_1735 = arith.select %eq3A_1733, %broadcast_in_dim3A_1734, %select_n3A_1720 : vector<16xi1>, vector<16xi32>
            %add3A_1736 = arith.addi %add3A_1721, %squeeze3A_1723 : i32
            %slice3A_1737 = vector.extract_strided_slice %select_n3A_285 {offsets = [6], sizes = [1], strides = [1]} : vector<16xi32> to vector<1xi32>
            %squeeze3A_1738 = vector.extract %slice3A_1737[0] : i32 from vector<1xi32>
            %gt3A_1739 = arith.constant 0 : i32
            %gt3A_1740 = arith.cmpi sgt, %squeeze3A_1738, %gt3A_1739 : i32
            %add3A_1741 = arith.constant 80 : i32
            %add3A_1742 = arith.addi %mul3A_130, %add3A_1741 : i32
            %add3A_1743 = arith.constant 6 : i32
            %add3A_1744 = arith.addi %add3A_1742, %add3A_1743 : i32
            %add3A_1745 = arith.addi %mul3A_44, %add3A_1744 : i32
            %select_n3A_1746 = arith.select %gt3A_1740, %add3A_1745, %scan3A_81 : i32
            %eq3A_1747 = vector.broadcast %add3A_1736 : i32 to vector<16xi32>
            %eq3A_1748 = arith.cmpi eq, %iota3A, %eq3A_1747 : vector<16xi32>
            %broadcast_in_dim3A_1749 = vector.broadcast %select_n3A_1746 : i32 to vector<16xi32>
            %select_n3A_1750 = arith.select %eq3A_1748, %broadcast_in_dim3A_1749, %select_n3A_1735 : vector<16xi1>, vector<16xi32>
            %add3A_1751 = arith.addi %add3A_1736, %squeeze3A_1738 : i32
            %slice3A_1752 = vector.extract_strided_slice %select_n3A_285 {offsets = [7], sizes = [1], strides = [1]} : vector<16xi32> to vector<1xi32>
            %squeeze3A_1753 = vector.extract %slice3A_1752[0] : i32 from vector<1xi32>
            %gt3A_1754 = arith.constant 0 : i32
            %gt3A_1755 = arith.cmpi sgt, %squeeze3A_1753, %gt3A_1754 : i32
            %add3A_1756 = arith.constant 80 : i32
            %add3A_1757 = arith.addi %mul3A_130, %add3A_1756 : i32
            %add3A_1758 = arith.constant 7 : i32
            %add3A_1759 = arith.addi %add3A_1757, %add3A_1758 : i32
            %add3A_1760 = arith.addi %mul3A_44, %add3A_1759 : i32
            %select_n3A_1761 = arith.select %gt3A_1755, %add3A_1760, %scan3A_81 : i32
            %eq3A_1762 = vector.broadcast %add3A_1751 : i32 to vector<16xi32>
            %eq3A_1763 = arith.cmpi eq, %iota3A, %eq3A_1762 : vector<16xi32>
            %broadcast_in_dim3A_1764 = vector.broadcast %select_n3A_1761 : i32 to vector<16xi32>
            %select_n3A_1765 = arith.select %eq3A_1763, %broadcast_in_dim3A_1764, %select_n3A_1750 : vector<16xi1>, vector<16xi32>
            %add3A_1766 = arith.addi %add3A_1751, %squeeze3A_1753 : i32
            %slice3A_1767 = vector.extract_strided_slice %select_n3A_285 {offsets = [8], sizes = [1], strides = [1]} : vector<16xi32> to vector<1xi32>
            %squeeze3A_1768 = vector.extract %slice3A_1767[0] : i32 from vector<1xi32>
            %gt3A_1769 = arith.constant 0 : i32
            %gt3A_1770 = arith.cmpi sgt, %squeeze3A_1768, %gt3A_1769 : i32
            %add3A_1771 = arith.constant 80 : i32
            %add3A_1772 = arith.addi %mul3A_130, %add3A_1771 : i32
            %add3A_1773 = arith.constant 8 : i32
            %add3A_1774 = arith.addi %add3A_1772, %add3A_1773 : i32
            %add3A_1775 = arith.addi %mul3A_44, %add3A_1774 : i32
            %select_n3A_1776 = arith.select %gt3A_1770, %add3A_1775, %scan3A_81 : i32
            %eq3A_1777 = vector.broadcast %add3A_1766 : i32 to vector<16xi32>
            %eq3A_1778 = arith.cmpi eq, %iota3A, %eq3A_1777 : vector<16xi32>
            %broadcast_in_dim3A_1779 = vector.broadcast %select_n3A_1776 : i32 to vector<16xi32>
            %select_n3A_1780 = arith.select %eq3A_1778, %broadcast_in_dim3A_1779, %select_n3A_1765 : vector<16xi1>, vector<16xi32>
            %add3A_1781 = arith.addi %add3A_1766, %squeeze3A_1768 : i32
            %slice3A_1782 = vector.extract_strided_slice %select_n3A_285 {offsets = [9], sizes = [1], strides = [1]} : vector<16xi32> to vector<1xi32>
            %squeeze3A_1783 = vector.extract %slice3A_1782[0] : i32 from vector<1xi32>
            %gt3A_1784 = arith.constant 0 : i32
            %gt3A_1785 = arith.cmpi sgt, %squeeze3A_1783, %gt3A_1784 : i32
            %add3A_1786 = arith.constant 80 : i32
            %add3A_1787 = arith.addi %mul3A_130, %add3A_1786 : i32
            %add3A_1788 = arith.constant 9 : i32
            %add3A_1789 = arith.addi %add3A_1787, %add3A_1788 : i32
            %add3A_1790 = arith.addi %mul3A_44, %add3A_1789 : i32
            %select_n3A_1791 = arith.select %gt3A_1785, %add3A_1790, %scan3A_81 : i32
            %eq3A_1792 = vector.broadcast %add3A_1781 : i32 to vector<16xi32>
            %eq3A_1793 = arith.cmpi eq, %iota3A, %eq3A_1792 : vector<16xi32>
            %broadcast_in_dim3A_1794 = vector.broadcast %select_n3A_1791 : i32 to vector<16xi32>
            %select_n3A_1795 = arith.select %eq3A_1793, %broadcast_in_dim3A_1794, %select_n3A_1780 : vector<16xi1>, vector<16xi32>
            %add3A_1796 = arith.addi %add3A_1781, %squeeze3A_1783 : i32
            %slice3A_1797 = vector.extract_strided_slice %select_n3A_285 {offsets = [10], sizes = [1], strides = [1]} : vector<16xi32> to vector<1xi32>
            %squeeze3A_1798 = vector.extract %slice3A_1797[0] : i32 from vector<1xi32>
            %gt3A_1799 = arith.constant 0 : i32
            %gt3A_1800 = arith.cmpi sgt, %squeeze3A_1798, %gt3A_1799 : i32
            %add3A_1801 = arith.constant 80 : i32
            %add3A_1802 = arith.addi %mul3A_130, %add3A_1801 : i32
            %add3A_1803 = arith.constant 10 : i32
            %add3A_1804 = arith.addi %add3A_1802, %add3A_1803 : i32
            %add3A_1805 = arith.addi %mul3A_44, %add3A_1804 : i32
            %select_n3A_1806 = arith.select %gt3A_1800, %add3A_1805, %scan3A_81 : i32
            %eq3A_1807 = vector.broadcast %add3A_1796 : i32 to vector<16xi32>
            %eq3A_1808 = arith.cmpi eq, %iota3A, %eq3A_1807 : vector<16xi32>
            %broadcast_in_dim3A_1809 = vector.broadcast %select_n3A_1806 : i32 to vector<16xi32>
            %select_n3A_1810 = arith.select %eq3A_1808, %broadcast_in_dim3A_1809, %select_n3A_1795 : vector<16xi1>, vector<16xi32>
            %add3A_1811 = arith.addi %add3A_1796, %squeeze3A_1798 : i32
            %slice3A_1812 = vector.extract_strided_slice %select_n3A_285 {offsets = [11], sizes = [1], strides = [1]} : vector<16xi32> to vector<1xi32>
            %squeeze3A_1813 = vector.extract %slice3A_1812[0] : i32 from vector<1xi32>
            %gt3A_1814 = arith.constant 0 : i32
            %gt3A_1815 = arith.cmpi sgt, %squeeze3A_1813, %gt3A_1814 : i32
            %add3A_1816 = arith.constant 80 : i32
            %add3A_1817 = arith.addi %mul3A_130, %add3A_1816 : i32
            %add3A_1818 = arith.constant 11 : i32
            %add3A_1819 = arith.addi %add3A_1817, %add3A_1818 : i32
            %add3A_1820 = arith.addi %mul3A_44, %add3A_1819 : i32
            %select_n3A_1821 = arith.select %gt3A_1815, %add3A_1820, %scan3A_81 : i32
            %eq3A_1822 = vector.broadcast %add3A_1811 : i32 to vector<16xi32>
            %eq3A_1823 = arith.cmpi eq, %iota3A, %eq3A_1822 : vector<16xi32>
            %broadcast_in_dim3A_1824 = vector.broadcast %select_n3A_1821 : i32 to vector<16xi32>
            %select_n3A_1825 = arith.select %eq3A_1823, %broadcast_in_dim3A_1824, %select_n3A_1810 : vector<16xi1>, vector<16xi32>
            %add3A_1826 = arith.addi %add3A_1811, %squeeze3A_1813 : i32
            %slice3A_1827 = vector.extract_strided_slice %select_n3A_285 {offsets = [12], sizes = [1], strides = [1]} : vector<16xi32> to vector<1xi32>
            %squeeze3A_1828 = vector.extract %slice3A_1827[0] : i32 from vector<1xi32>
            %gt3A_1829 = arith.constant 0 : i32
            %gt3A_1830 = arith.cmpi sgt, %squeeze3A_1828, %gt3A_1829 : i32
            %add3A_1831 = arith.constant 80 : i32
            %add3A_1832 = arith.addi %mul3A_130, %add3A_1831 : i32
            %add3A_1833 = arith.constant 12 : i32
            %add3A_1834 = arith.addi %add3A_1832, %add3A_1833 : i32
            %add3A_1835 = arith.addi %mul3A_44, %add3A_1834 : i32
            %select_n3A_1836 = arith.select %gt3A_1830, %add3A_1835, %scan3A_81 : i32
            %eq3A_1837 = vector.broadcast %add3A_1826 : i32 to vector<16xi32>
            %eq3A_1838 = arith.cmpi eq, %iota3A, %eq3A_1837 : vector<16xi32>
            %broadcast_in_dim3A_1839 = vector.broadcast %select_n3A_1836 : i32 to vector<16xi32>
            %select_n3A_1840 = arith.select %eq3A_1838, %broadcast_in_dim3A_1839, %select_n3A_1825 : vector<16xi1>, vector<16xi32>
            %add3A_1841 = arith.addi %add3A_1826, %squeeze3A_1828 : i32
            %slice3A_1842 = vector.extract_strided_slice %select_n3A_285 {offsets = [13], sizes = [1], strides = [1]} : vector<16xi32> to vector<1xi32>
            %squeeze3A_1843 = vector.extract %slice3A_1842[0] : i32 from vector<1xi32>
            %gt3A_1844 = arith.constant 0 : i32
            %gt3A_1845 = arith.cmpi sgt, %squeeze3A_1843, %gt3A_1844 : i32
            %add3A_1846 = arith.constant 80 : i32
            %add3A_1847 = arith.addi %mul3A_130, %add3A_1846 : i32
            %add3A_1848 = arith.constant 13 : i32
            %add3A_1849 = arith.addi %add3A_1847, %add3A_1848 : i32
            %add3A_1850 = arith.addi %mul3A_44, %add3A_1849 : i32
            %select_n3A_1851 = arith.select %gt3A_1845, %add3A_1850, %scan3A_81 : i32
            %eq3A_1852 = vector.broadcast %add3A_1841 : i32 to vector<16xi32>
            %eq3A_1853 = arith.cmpi eq, %iota3A, %eq3A_1852 : vector<16xi32>
            %broadcast_in_dim3A_1854 = vector.broadcast %select_n3A_1851 : i32 to vector<16xi32>
            %select_n3A_1855 = arith.select %eq3A_1853, %broadcast_in_dim3A_1854, %select_n3A_1840 : vector<16xi1>, vector<16xi32>
            %add3A_1856 = arith.addi %add3A_1841, %squeeze3A_1843 : i32
            %slice3A_1857 = vector.extract_strided_slice %select_n3A_285 {offsets = [14], sizes = [1], strides = [1]} : vector<16xi32> to vector<1xi32>
            %squeeze3A_1858 = vector.extract %slice3A_1857[0] : i32 from vector<1xi32>
            %gt3A_1859 = arith.constant 0 : i32
            %gt3A_1860 = arith.cmpi sgt, %squeeze3A_1858, %gt3A_1859 : i32
            %add3A_1861 = arith.constant 80 : i32
            %add3A_1862 = arith.addi %mul3A_130, %add3A_1861 : i32
            %add3A_1863 = arith.constant 14 : i32
            %add3A_1864 = arith.addi %add3A_1862, %add3A_1863 : i32
            %add3A_1865 = arith.addi %mul3A_44, %add3A_1864 : i32
            %select_n3A_1866 = arith.select %gt3A_1860, %add3A_1865, %scan3A_81 : i32
            %eq3A_1867 = vector.broadcast %add3A_1856 : i32 to vector<16xi32>
            %eq3A_1868 = arith.cmpi eq, %iota3A, %eq3A_1867 : vector<16xi32>
            %broadcast_in_dim3A_1869 = vector.broadcast %select_n3A_1866 : i32 to vector<16xi32>
            %select_n3A_1870 = arith.select %eq3A_1868, %broadcast_in_dim3A_1869, %select_n3A_1855 : vector<16xi1>, vector<16xi32>
            %add3A_1871 = arith.addi %add3A_1856, %squeeze3A_1858 : i32
            %slice3A_1872 = vector.extract_strided_slice %select_n3A_285 {offsets = [15], sizes = [1], strides = [1]} : vector<16xi32> to vector<1xi32>
            %squeeze3A_1873 = vector.extract %slice3A_1872[0] : i32 from vector<1xi32>
            %gt3A_1874 = arith.constant 0 : i32
            %gt3A_1875 = arith.cmpi sgt, %squeeze3A_1873, %gt3A_1874 : i32
            %add3A_1876 = arith.constant 80 : i32
            %add3A_1877 = arith.addi %mul3A_130, %add3A_1876 : i32
            %add3A_1878 = arith.constant 15 : i32
            %add3A_1879 = arith.addi %add3A_1877, %add3A_1878 : i32
            %add3A_1880 = arith.addi %mul3A_44, %add3A_1879 : i32
            %select_n3A_1881 = arith.select %gt3A_1875, %add3A_1880, %scan3A_81 : i32
            %eq3A_1882 = vector.broadcast %add3A_1871 : i32 to vector<16xi32>
            %eq3A_1883 = arith.cmpi eq, %iota3A, %eq3A_1882 : vector<16xi32>
            %broadcast_in_dim3A_1884 = vector.broadcast %select_n3A_1881 : i32 to vector<16xi32>
            %select_n3A_1885 = arith.select %eq3A_1883, %broadcast_in_dim3A_1884, %select_n3A_1870 : vector<16xi1>, vector<16xi32>
            %add3A_1886 = arith.addi %add3A_1871, %squeeze3A_1873 : i32
            %min3A_1887 = arith.constant 64 : i32
            %min3A_1888 = arith.minsi %add3A_1644, %min3A_1887 : i32
            %swap3A_1889 = arith.index_cast %min3A_1888 : i32 to index
            %swap3A_1890 = tpu.vector_load %arg15[%swap3A_1889] {strides = array<i32>} : memref<128xi32, #tpu.memory_space<vmem>>, vector<16xi32>,
            %swap3A_1891 = vector.shape_cast %swap3A_1890 : vector<16xi32> to vector<16xi32>
            %swap3A_1892 = vector.shape_cast %select_n3A_1885 : vector<16xi32> to vector<16xi32>
            tpu.vector_store %arg15[%swap3A_1889], %swap3A_1892 {strides = array<i32>} : memref<128xi32, #tpu.memory_space<vmem>>, vector<16xi32>,
            %add3A_1893 = arith.addi %add3A_1644, %add3A_1886 : i32
            %slice3A_1894 = vector.extract_strided_slice %select_n3A_311 {offsets = [0], sizes = [1], strides = [1]} : vector<16xi32> to vector<1xi32>
            %squeeze3A_1895 = vector.extract %slice3A_1894[0] : i32 from vector<1xi32>
            %gt3A_1896 = arith.constant 0 : i32
            %gt3A_1897 = arith.cmpi sgt, %squeeze3A_1895, %gt3A_1896 : i32
            %add3A_1898 = arith.constant 96 : i32
            %add3A_1899 = arith.addi %mul3A_130, %add3A_1898 : i32
            %add3A_1900 = arith.constant 0 : i32
            %add3A_1901 = arith.addi %add3A_1899, %add3A_1900 : i32
            %add3A_1902 = arith.addi %mul3A_44, %add3A_1901 : i32
            %select_n3A_1903 = arith.select %gt3A_1897, %add3A_1902, %scan3A_81 : i32
            %eq3A_1904 = arith.constant 0 : i32
            %eq3A_1905 = vector.broadcast %eq3A_1904 : i32 to vector<16xi32>
            %eq3A_1906 = arith.cmpi eq, %iota3A, %eq3A_1905 : vector<16xi32>
            %broadcast_in_dim3A_1907 = vector.broadcast %select_n3A_1903 : i32 to vector<16xi32>
            %select_n3A_1908 = arith.select %eq3A_1906, %broadcast_in_dim3A_1907, %add3A_80 : vector<16xi1>, vector<16xi32>
            %add3A_1909 = arith.constant 0 : i32
            %add3A_1910 = arith.addi %add3A_1909, %squeeze3A_1895 : i32
            %slice3A_1911 = vector.extract_strided_slice %select_n3A_311 {offsets = [1], sizes = [1], strides = [1]} : vector<16xi32> to vector<1xi32>
            %squeeze3A_1912 = vector.extract %slice3A_1911[0] : i32 from vector<1xi32>
            %gt3A_1913 = arith.constant 0 : i32
            %gt3A_1914 = arith.cmpi sgt, %squeeze3A_1912, %gt3A_1913 : i32
            %add3A_1915 = arith.constant 96 : i32
            %add3A_1916 = arith.addi %mul3A_130, %add3A_1915 : i32
            %add3A_1917 = arith.constant 1 : i32
            %add3A_1918 = arith.addi %add3A_1916, %add3A_1917 : i32
            %add3A_1919 = arith.addi %mul3A_44, %add3A_1918 : i32
            %select_n3A_1920 = arith.select %gt3A_1914, %add3A_1919, %scan3A_81 : i32
            %eq3A_1921 = vector.broadcast %add3A_1910 : i32 to vector<16xi32>
            %eq3A_1922 = arith.cmpi eq, %iota3A, %eq3A_1921 : vector<16xi32>
            %broadcast_in_dim3A_1923 = vector.broadcast %select_n3A_1920 : i32 to vector<16xi32>
            %select_n3A_1924 = arith.select %eq3A_1922, %broadcast_in_dim3A_1923, %select_n3A_1908 : vector<16xi1>, vector<16xi32>
            %add3A_1925 = arith.addi %add3A_1910, %squeeze3A_1912 : i32
            %slice3A_1926 = vector.extract_strided_slice %select_n3A_311 {offsets = [2], sizes = [1], strides = [1]} : vector<16xi32> to vector<1xi32>
            %squeeze3A_1927 = vector.extract %slice3A_1926[0] : i32 from vector<1xi32>
            %gt3A_1928 = arith.constant 0 : i32
            %gt3A_1929 = arith.cmpi sgt, %squeeze3A_1927, %gt3A_1928 : i32
            %add3A_1930 = arith.constant 96 : i32
            %add3A_1931 = arith.addi %mul3A_130, %add3A_1930 : i32
            %add3A_1932 = arith.constant 2 : i32
            %add3A_1933 = arith.addi %add3A_1931, %add3A_1932 : i32
            %add3A_1934 = arith.addi %mul3A_44, %add3A_1933 : i32
            %select_n3A_1935 = arith.select %gt3A_1929, %add3A_1934, %scan3A_81 : i32
            %eq3A_1936 = vector.broadcast %add3A_1925 : i32 to vector<16xi32>
            %eq3A_1937 = arith.cmpi eq, %iota3A, %eq3A_1936 : vector<16xi32>
            %broadcast_in_dim3A_1938 = vector.broadcast %select_n3A_1935 : i32 to vector<16xi32>
            %select_n3A_1939 = arith.select %eq3A_1937, %broadcast_in_dim3A_1938, %select_n3A_1924 : vector<16xi1>, vector<16xi32>
            %add3A_1940 = arith.addi %add3A_1925, %squeeze3A_1927 : i32
            %slice3A_1941 = vector.extract_strided_slice %select_n3A_311 {offsets = [3], sizes = [1], strides = [1]} : vector<16xi32> to vector<1xi32>
            %squeeze3A_1942 = vector.extract %slice3A_1941[0] : i32 from vector<1xi32>
            %gt3A_1943 = arith.constant 0 : i32
            %gt3A_1944 = arith.cmpi sgt, %squeeze3A_1942, %gt3A_1943 : i32
            %add3A_1945 = arith.constant 96 : i32
            %add3A_1946 = arith.addi %mul3A_130, %add3A_1945 : i32
            %add3A_1947 = arith.constant 3 : i32
            %add3A_1948 = arith.addi %add3A_1946, %add3A_1947 : i32
            %add3A_1949 = arith.addi %mul3A_44, %add3A_1948 : i32
            %select_n3A_1950 = arith.select %gt3A_1944, %add3A_1949, %scan3A_81 : i32
            %eq3A_1951 = vector.broadcast %add3A_1940 : i32 to vector<16xi32>
            %eq3A_1952 = arith.cmpi eq, %iota3A, %eq3A_1951 : vector<16xi32>
            %broadcast_in_dim3A_1953 = vector.broadcast %select_n3A_1950 : i32 to vector<16xi32>
            %select_n3A_1954 = arith.select %eq3A_1952, %broadcast_in_dim3A_1953, %select_n3A_1939 : vector<16xi1>, vector<16xi32>
            %add3A_1955 = arith.addi %add3A_1940, %squeeze3A_1942 : i32
            %slice3A_1956 = vector.extract_strided_slice %select_n3A_311 {offsets = [4], sizes = [1], strides = [1]} : vector<16xi32> to vector<1xi32>
            %squeeze3A_1957 = vector.extract %slice3A_1956[0] : i32 from vector<1xi32>
            %gt3A_1958 = arith.constant 0 : i32
            %gt3A_1959 = arith.cmpi sgt, %squeeze3A_1957, %gt3A_1958 : i32
            %add3A_1960 = arith.constant 96 : i32
            %add3A_1961 = arith.addi %mul3A_130, %add3A_1960 : i32
            %add3A_1962 = arith.constant 4 : i32
            %add3A_1963 = arith.addi %add3A_1961, %add3A_1962 : i32
            %add3A_1964 = arith.addi %mul3A_44, %add3A_1963 : i32
            %select_n3A_1965 = arith.select %gt3A_1959, %add3A_1964, %scan3A_81 : i32
            %eq3A_1966 = vector.broadcast %add3A_1955 : i32 to vector<16xi32>
            %eq3A_1967 = arith.cmpi eq, %iota3A, %eq3A_1966 : vector<16xi32>
            %broadcast_in_dim3A_1968 = vector.broadcast %select_n3A_1965 : i32 to vector<16xi32>
            %select_n3A_1969 = arith.select %eq3A_1967, %broadcast_in_dim3A_1968, %select_n3A_1954 : vector<16xi1>, vector<16xi32>
            %add3A_1970 = arith.addi %add3A_1955, %squeeze3A_1957 : i32
            %slice3A_1971 = vector.extract_strided_slice %select_n3A_311 {offsets = [5], sizes = [1], strides = [1]} : vector<16xi32> to vector<1xi32>
            %squeeze3A_1972 = vector.extract %slice3A_1971[0] : i32 from vector<1xi32>
            %gt3A_1973 = arith.constant 0 : i32
            %gt3A_1974 = arith.cmpi sgt, %squeeze3A_1972, %gt3A_1973 : i32
            %add3A_1975 = arith.constant 96 : i32
            %add3A_1976 = arith.addi %mul3A_130, %add3A_1975 : i32
            %add3A_1977 = arith.constant 5 : i32
            %add3A_1978 = arith.addi %add3A_1976, %add3A_1977 : i32
            %add3A_1979 = arith.addi %mul3A_44, %add3A_1978 : i32
            %select_n3A_1980 = arith.select %gt3A_1974, %add3A_1979, %scan3A_81 : i32
            %eq3A_1981 = vector.broadcast %add3A_1970 : i32 to vector<16xi32>
            %eq3A_1982 = arith.cmpi eq, %iota3A, %eq3A_1981 : vector<16xi32>
            %broadcast_in_dim3A_1983 = vector.broadcast %select_n3A_1980 : i32 to vector<16xi32>
            %select_n3A_1984 = arith.select %eq3A_1982, %broadcast_in_dim3A_1983, %select_n3A_1969 : vector<16xi1>, vector<16xi32>
            %add3A_1985 = arith.addi %add3A_1970, %squeeze3A_1972 : i32
            %slice3A_1986 = vector.extract_strided_slice %select_n3A_311 {offsets = [6], sizes = [1], strides = [1]} : vector<16xi32> to vector<1xi32>
            %squeeze3A_1987 = vector.extract %slice3A_1986[0] : i32 from vector<1xi32>
            %gt3A_1988 = arith.constant 0 : i32
            %gt3A_1989 = arith.cmpi sgt, %squeeze3A_1987, %gt3A_1988 : i32
            %add3A_1990 = arith.constant 96 : i32
            %add3A_1991 = arith.addi %mul3A_130, %add3A_1990 : i32
            %add3A_1992 = arith.constant 6 : i32
            %add3A_1993 = arith.addi %add3A_1991, %add3A_1992 : i32
            %add3A_1994 = arith.addi %mul3A_44, %add3A_1993 : i32
            %select_n3A_1995 = arith.select %gt3A_1989, %add3A_1994, %scan3A_81 : i32
            %eq3A_1996 = vector.broadcast %add3A_1985 : i32 to vector<16xi32>
            %eq3A_1997 = arith.cmpi eq, %iota3A, %eq3A_1996 : vector<16xi32>
            %broadcast_in_dim3A_1998 = vector.broadcast %select_n3A_1995 : i32 to vector<16xi32>
            %select_n3A_1999 = arith.select %eq3A_1997, %broadcast_in_dim3A_1998, %select_n3A_1984 : vector<16xi1>, vector<16xi32>
            %add3A_2000 = arith.addi %add3A_1985, %squeeze3A_1987 : i32
            %slice3A_2001 = vector.extract_strided_slice %select_n3A_311 {offsets = [7], sizes = [1], strides = [1]} : vector<16xi32> to vector<1xi32>
            %squeeze3A_2002 = vector.extract %slice3A_2001[0] : i32 from vector<1xi32>
            %gt3A_2003 = arith.constant 0 : i32
            %gt3A_2004 = arith.cmpi sgt, %squeeze3A_2002, %gt3A_2003 : i32
            %add3A_2005 = arith.constant 96 : i32
            %add3A_2006 = arith.addi %mul3A_130, %add3A_2005 : i32
            %add3A_2007 = arith.constant 7 : i32
            %add3A_2008 = arith.addi %add3A_2006, %add3A_2007 : i32
            %add3A_2009 = arith.addi %mul3A_44, %add3A_2008 : i32
            %select_n3A_2010 = arith.select %gt3A_2004, %add3A_2009, %scan3A_81 : i32
            %eq3A_2011 = vector.broadcast %add3A_2000 : i32 to vector<16xi32>
            %eq3A_2012 = arith.cmpi eq, %iota3A, %eq3A_2011 : vector<16xi32>
            %broadcast_in_dim3A_2013 = vector.broadcast %select_n3A_2010 : i32 to vector<16xi32>
            %select_n3A_2014 = arith.select %eq3A_2012, %broadcast_in_dim3A_2013, %select_n3A_1999 : vector<16xi1>, vector<16xi32>
            %add3A_2015 = arith.addi %add3A_2000, %squeeze3A_2002 : i32
            %slice3A_2016 = vector.extract_strided_slice %select_n3A_311 {offsets = [8], sizes = [1], strides = [1]} : vector<16xi32> to vector<1xi32>
            %squeeze3A_2017 = vector.extract %slice3A_2016[0] : i32 from vector<1xi32>
            %gt3A_2018 = arith.constant 0 : i32
            %gt3A_2019 = arith.cmpi sgt, %squeeze3A_2017, %gt3A_2018 : i32
            %add3A_2020 = arith.constant 96 : i32
            %add3A_2021 = arith.addi %mul3A_130, %add3A_2020 : i32
            %add3A_2022 = arith.constant 8 : i32
            %add3A_2023 = arith.addi %add3A_2021, %add3A_2022 : i32
            %add3A_2024 = arith.addi %mul3A_44, %add3A_2023 : i32
            %select_n3A_2025 = arith.select %gt3A_2019, %add3A_2024, %scan3A_81 : i32
            %eq3A_2026 = vector.broadcast %add3A_2015 : i32 to vector<16xi32>
            %eq3A_2027 = arith.cmpi eq, %iota3A, %eq3A_2026 : vector<16xi32>
            %broadcast_in_dim3A_2028 = vector.broadcast %select_n3A_2025 : i32 to vector<16xi32>
            %select_n3A_2029 = arith.select %eq3A_2027, %broadcast_in_dim3A_2028, %select_n3A_2014 : vector<16xi1>, vector<16xi32>
            %add3A_2030 = arith.addi %add3A_2015, %squeeze3A_2017 : i32
            %slice3A_2031 = vector.extract_strided_slice %select_n3A_311 {offsets = [9], sizes = [1], strides = [1]} : vector<16xi32> to vector<1xi32>
            %squeeze3A_2032 = vector.extract %slice3A_2031[0] : i32 from vector<1xi32>
            %gt3A_2033 = arith.constant 0 : i32
            %gt3A_2034 = arith.cmpi sgt, %squeeze3A_2032, %gt3A_2033 : i32
            %add3A_2035 = arith.constant 96 : i32
            %add3A_2036 = arith.addi %mul3A_130, %add3A_2035 : i32
            %add3A_2037 = arith.constant 9 : i32
            %add3A_2038 = arith.addi %add3A_2036, %add3A_2037 : i32
            %add3A_2039 = arith.addi %mul3A_44, %add3A_2038 : i32
            %select_n3A_2040 = arith.select %gt3A_2034, %add3A_2039, %scan3A_81 : i32
            %eq3A_2041 = vector.broadcast %add3A_2030 : i32 to vector<16xi32>
            %eq3A_2042 = arith.cmpi eq, %iota3A, %eq3A_2041 : vector<16xi32>
            %broadcast_in_dim3A_2043 = vector.broadcast %select_n3A_2040 : i32 to vector<16xi32>
            %select_n3A_2044 = arith.select %eq3A_2042, %broadcast_in_dim3A_2043, %select_n3A_2029 : vector<16xi1>, vector<16xi32>
            %add3A_2045 = arith.addi %add3A_2030, %squeeze3A_2032 : i32
            %slice3A_2046 = vector.extract_strided_slice %select_n3A_311 {offsets = [10], sizes = [1], strides = [1]} : vector<16xi32> to vector<1xi32>
            %squeeze3A_2047 = vector.extract %slice3A_2046[0] : i32 from vector<1xi32>
            %gt3A_2048 = arith.constant 0 : i32
            %gt3A_2049 = arith.cmpi sgt, %squeeze3A_2047, %gt3A_2048 : i32
            %add3A_2050 = arith.constant 96 : i32
            %add3A_2051 = arith.addi %mul3A_130, %add3A_2050 : i32
            %add3A_2052 = arith.constant 10 : i32
            %add3A_2053 = arith.addi %add3A_2051, %add3A_2052 : i32
            %add3A_2054 = arith.addi %mul3A_44, %add3A_2053 : i32
            %select_n3A_2055 = arith.select %gt3A_2049, %add3A_2054, %scan3A_81 : i32
            %eq3A_2056 = vector.broadcast %add3A_2045 : i32 to vector<16xi32>
            %eq3A_2057 = arith.cmpi eq, %iota3A, %eq3A_2056 : vector<16xi32>
            %broadcast_in_dim3A_2058 = vector.broadcast %select_n3A_2055 : i32 to vector<16xi32>
            %select_n3A_2059 = arith.select %eq3A_2057, %broadcast_in_dim3A_2058, %select_n3A_2044 : vector<16xi1>, vector<16xi32>
            %add3A_2060 = arith.addi %add3A_2045, %squeeze3A_2047 : i32
            %slice3A_2061 = vector.extract_strided_slice %select_n3A_311 {offsets = [11], sizes = [1], strides = [1]} : vector<16xi32> to vector<1xi32>
            %squeeze3A_2062 = vector.extract %slice3A_2061[0] : i32 from vector<1xi32>
            %gt3A_2063 = arith.constant 0 : i32
            %gt3A_2064 = arith.cmpi sgt, %squeeze3A_2062, %gt3A_2063 : i32
            %add3A_2065 = arith.constant 96 : i32
            %add3A_2066 = arith.addi %mul3A_130, %add3A_2065 : i32
            %add3A_2067 = arith.constant 11 : i32
            %add3A_2068 = arith.addi %add3A_2066, %add3A_2067 : i32
            %add3A_2069 = arith.addi %mul3A_44, %add3A_2068 : i32
            %select_n3A_2070 = arith.select %gt3A_2064, %add3A_2069, %scan3A_81 : i32
            %eq3A_2071 = vector.broadcast %add3A_2060 : i32 to vector<16xi32>
            %eq3A_2072 = arith.cmpi eq, %iota3A, %eq3A_2071 : vector<16xi32>
            %broadcast_in_dim3A_2073 = vector.broadcast %select_n3A_2070 : i32 to vector<16xi32>
            %select_n3A_2074 = arith.select %eq3A_2072, %broadcast_in_dim3A_2073, %select_n3A_2059 : vector<16xi1>, vector<16xi32>
            %add3A_2075 = arith.addi %add3A_2060, %squeeze3A_2062 : i32
            %slice3A_2076 = vector.extract_strided_slice %select_n3A_311 {offsets = [12], sizes = [1], strides = [1]} : vector<16xi32> to vector<1xi32>
            %squeeze3A_2077 = vector.extract %slice3A_2076[0] : i32 from vector<1xi32>
            %gt3A_2078 = arith.constant 0 : i32
            %gt3A_2079 = arith.cmpi sgt, %squeeze3A_2077, %gt3A_2078 : i32
            %add3A_2080 = arith.constant 96 : i32
            %add3A_2081 = arith.addi %mul3A_130, %add3A_2080 : i32
            %add3A_2082 = arith.constant 12 : i32
            %add3A_2083 = arith.addi %add3A_2081, %add3A_2082 : i32
            %add3A_2084 = arith.addi %mul3A_44, %add3A_2083 : i32
            %select_n3A_2085 = arith.select %gt3A_2079, %add3A_2084, %scan3A_81 : i32
            %eq3A_2086 = vector.broadcast %add3A_2075 : i32 to vector<16xi32>
            %eq3A_2087 = arith.cmpi eq, %iota3A, %eq3A_2086 : vector<16xi32>
            %broadcast_in_dim3A_2088 = vector.broadcast %select_n3A_2085 : i32 to vector<16xi32>
            %select_n3A_2089 = arith.select %eq3A_2087, %broadcast_in_dim3A_2088, %select_n3A_2074 : vector<16xi1>, vector<16xi32>
            %add3A_2090 = arith.addi %add3A_2075, %squeeze3A_2077 : i32
            %slice3A_2091 = vector.extract_strided_slice %select_n3A_311 {offsets = [13], sizes = [1], strides = [1]} : vector<16xi32> to vector<1xi32>
            %squeeze3A_2092 = vector.extract %slice3A_2091[0] : i32 from vector<1xi32>
            %gt3A_2093 = arith.constant 0 : i32
            %gt3A_2094 = arith.cmpi sgt, %squeeze3A_2092, %gt3A_2093 : i32
            %add3A_2095 = arith.constant 96 : i32
            %add3A_2096 = arith.addi %mul3A_130, %add3A_2095 : i32
            %add3A_2097 = arith.constant 13 : i32
            %add3A_2098 = arith.addi %add3A_2096, %add3A_2097 : i32
            %add3A_2099 = arith.addi %mul3A_44, %add3A_2098 : i32
            %select_n3A_2100 = arith.select %gt3A_2094, %add3A_2099, %scan3A_81 : i32
            %eq3A_2101 = vector.broadcast %add3A_2090 : i32 to vector<16xi32>
            %eq3A_2102 = arith.cmpi eq, %iota3A, %eq3A_2101 : vector<16xi32>
            %broadcast_in_dim3A_2103 = vector.broadcast %select_n3A_2100 : i32 to vector<16xi32>
            %select_n3A_2104 = arith.select %eq3A_2102, %broadcast_in_dim3A_2103, %select_n3A_2089 : vector<16xi1>, vector<16xi32>
            %add3A_2105 = arith.addi %add3A_2090, %squeeze3A_2092 : i32
            %slice3A_2106 = vector.extract_strided_slice %select_n3A_311 {offsets = [14], sizes = [1], strides = [1]} : vector<16xi32> to vector<1xi32>
            %squeeze3A_2107 = vector.extract %slice3A_2106[0] : i32 from vector<1xi32>
            %gt3A_2108 = arith.constant 0 : i32
            %gt3A_2109 = arith.cmpi sgt, %squeeze3A_2107, %gt3A_2108 : i32
            %add3A_2110 = arith.constant 96 : i32
            %add3A_2111 = arith.addi %mul3A_130, %add3A_2110 : i32
            %add3A_2112 = arith.constant 14 : i32
            %add3A_2113 = arith.addi %add3A_2111, %add3A_2112 : i32
            %add3A_2114 = arith.addi %mul3A_44, %add3A_2113 : i32
            %select_n3A_2115 = arith.select %gt3A_2109, %add3A_2114, %scan3A_81 : i32
            %eq3A_2116 = vector.broadcast %add3A_2105 : i32 to vector<16xi32>
            %eq3A_2117 = arith.cmpi eq, %iota3A, %eq3A_2116 : vector<16xi32>
            %broadcast_in_dim3A_2118 = vector.broadcast %select_n3A_2115 : i32 to vector<16xi32>
            %select_n3A_2119 = arith.select %eq3A_2117, %broadcast_in_dim3A_2118, %select_n3A_2104 : vector<16xi1>, vector<16xi32>
            %add3A_2120 = arith.addi %add3A_2105, %squeeze3A_2107 : i32
            %slice3A_2121 = vector.extract_strided_slice %select_n3A_311 {offsets = [15], sizes = [1], strides = [1]} : vector<16xi32> to vector<1xi32>
            %squeeze3A_2122 = vector.extract %slice3A_2121[0] : i32 from vector<1xi32>
            %gt3A_2123 = arith.constant 0 : i32
            %gt3A_2124 = arith.cmpi sgt, %squeeze3A_2122, %gt3A_2123 : i32
            %add3A_2125 = arith.constant 96 : i32
            %add3A_2126 = arith.addi %mul3A_130, %add3A_2125 : i32
            %add3A_2127 = arith.constant 15 : i32
            %add3A_2128 = arith.addi %add3A_2126, %add3A_2127 : i32
            %add3A_2129 = arith.addi %mul3A_44, %add3A_2128 : i32
            %select_n3A_2130 = arith.select %gt3A_2124, %add3A_2129, %scan3A_81 : i32
            %eq3A_2131 = vector.broadcast %add3A_2120 : i32 to vector<16xi32>
            %eq3A_2132 = arith.cmpi eq, %iota3A, %eq3A_2131 : vector<16xi32>
            %broadcast_in_dim3A_2133 = vector.broadcast %select_n3A_2130 : i32 to vector<16xi32>
            %select_n3A_2134 = arith.select %eq3A_2132, %broadcast_in_dim3A_2133, %select_n3A_2119 : vector<16xi1>, vector<16xi32>
            %add3A_2135 = arith.addi %add3A_2120, %squeeze3A_2122 : i32
            %min3A_2136 = arith.constant 64 : i32
            %min3A_2137 = arith.minsi %add3A_1893, %min3A_2136 : i32
            %swap3A_2138 = arith.index_cast %min3A_2137 : i32 to index
            %swap3A_2139 = tpu.vector_load %arg15[%swap3A_2138] {strides = array<i32>} : memref<128xi32, #tpu.memory_space<vmem>>, vector<16xi32>,
            %swap3A_2140 = vector.shape_cast %swap3A_2139 : vector<16xi32> to vector<16xi32>
            %swap3A_2141 = vector.shape_cast %select_n3A_2134 : vector<16xi32> to vector<16xi32>
            tpu.vector_store %arg15[%swap3A_2138], %swap3A_2141 {strides = array<i32>} : memref<128xi32, #tpu.memory_space<vmem>>, vector<16xi32>,
            %add3A_2142 = arith.addi %add3A_1893, %add3A_2135 : i32
            %slice3A_2143 = vector.extract_strided_slice %select_n3A_337 {offsets = [0], sizes = [1], strides = [1]} : vector<16xi32> to vector<1xi32>
            %squeeze3A_2144 = vector.extract %slice3A_2143[0] : i32 from vector<1xi32>
            %gt3A_2145 = arith.constant 0 : i32
            %gt3A_2146 = arith.cmpi sgt, %squeeze3A_2144, %gt3A_2145 : i32
            %add3A_2147 = arith.constant 112 : i32
            %add3A_2148 = arith.addi %mul3A_130, %add3A_2147 : i32
            %add3A_2149 = arith.constant 0 : i32
            %add3A_2150 = arith.addi %add3A_2148, %add3A_2149 : i32
            %add3A_2151 = arith.addi %mul3A_44, %add3A_2150 : i32
            %select_n3A_2152 = arith.select %gt3A_2146, %add3A_2151, %scan3A_81 : i32
            %eq3A_2153 = arith.constant 0 : i32
            %eq3A_2154 = vector.broadcast %eq3A_2153 : i32 to vector<16xi32>
            %eq3A_2155 = arith.cmpi eq, %iota3A, %eq3A_2154 : vector<16xi32>
            %broadcast_in_dim3A_2156 = vector.broadcast %select_n3A_2152 : i32 to vector<16xi32>
            %select_n3A_2157 = arith.select %eq3A_2155, %broadcast_in_dim3A_2156, %add3A_80 : vector<16xi1>, vector<16xi32>
            %add3A_2158 = arith.constant 0 : i32
            %add3A_2159 = arith.addi %add3A_2158, %squeeze3A_2144 : i32
            %slice3A_2160 = vector.extract_strided_slice %select_n3A_337 {offsets = [1], sizes = [1], strides = [1]} : vector<16xi32> to vector<1xi32>
            %squeeze3A_2161 = vector.extract %slice3A_2160[0] : i32 from vector<1xi32>
            %gt3A_2162 = arith.constant 0 : i32
            %gt3A_2163 = arith.cmpi sgt, %squeeze3A_2161, %gt3A_2162 : i32
            %add3A_2164 = arith.constant 112 : i32
            %add3A_2165 = arith.addi %mul3A_130, %add3A_2164 : i32
            %add3A_2166 = arith.constant 1 : i32
            %add3A_2167 = arith.addi %add3A_2165, %add3A_2166 : i32
            %add3A_2168 = arith.addi %mul3A_44, %add3A_2167 : i32
            %select_n3A_2169 = arith.select %gt3A_2163, %add3A_2168, %scan3A_81 : i32
            %eq3A_2170 = vector.broadcast %add3A_2159 : i32 to vector<16xi32>
            %eq3A_2171 = arith.cmpi eq, %iota3A, %eq3A_2170 : vector<16xi32>
            %broadcast_in_dim3A_2172 = vector.broadcast %select_n3A_2169 : i32 to vector<16xi32>
            %select_n3A_2173 = arith.select %eq3A_2171, %broadcast_in_dim3A_2172, %select_n3A_2157 : vector<16xi1>, vector<16xi32>
            %add3A_2174 = arith.addi %add3A_2159, %squeeze3A_2161 : i32
            %slice3A_2175 = vector.extract_strided_slice %select_n3A_337 {offsets = [2], sizes = [1], strides = [1]} : vector<16xi32> to vector<1xi32>
            %squeeze3A_2176 = vector.extract %slice3A_2175[0] : i32 from vector<1xi32>
            %gt3A_2177 = arith.constant 0 : i32
            %gt3A_2178 = arith.cmpi sgt, %squeeze3A_2176, %gt3A_2177 : i32
            %add3A_2179 = arith.constant 112 : i32
            %add3A_2180 = arith.addi %mul3A_130, %add3A_2179 : i32
            %add3A_2181 = arith.constant 2 : i32
            %add3A_2182 = arith.addi %add3A_2180, %add3A_2181 : i32
            %add3A_2183 = arith.addi %mul3A_44, %add3A_2182 : i32
            %select_n3A_2184 = arith.select %gt3A_2178, %add3A_2183, %scan3A_81 : i32
            %eq3A_2185 = vector.broadcast %add3A_2174 : i32 to vector<16xi32>
            %eq3A_2186 = arith.cmpi eq, %iota3A, %eq3A_2185 : vector<16xi32>
            %broadcast_in_dim3A_2187 = vector.broadcast %select_n3A_2184 : i32 to vector<16xi32>
            %select_n3A_2188 = arith.select %eq3A_2186, %broadcast_in_dim3A_2187, %select_n3A_2173 : vector<16xi1>, vector<16xi32>
            %add3A_2189 = arith.addi %add3A_2174, %squeeze3A_2176 : i32
            %slice3A_2190 = vector.extract_strided_slice %select_n3A_337 {offsets = [3], sizes = [1], strides = [1]} : vector<16xi32> to vector<1xi32>
            %squeeze3A_2191 = vector.extract %slice3A_2190[0] : i32 from vector<1xi32>
            %gt3A_2192 = arith.constant 0 : i32
            %gt3A_2193 = arith.cmpi sgt, %squeeze3A_2191, %gt3A_2192 : i32
            %add3A_2194 = arith.constant 112 : i32
            %add3A_2195 = arith.addi %mul3A_130, %add3A_2194 : i32
            %add3A_2196 = arith.constant 3 : i32
            %add3A_2197 = arith.addi %add3A_2195, %add3A_2196 : i32
            %add3A_2198 = arith.addi %mul3A_44, %add3A_2197 : i32
            %select_n3A_2199 = arith.select %gt3A_2193, %add3A_2198, %scan3A_81 : i32
            %eq3A_2200 = vector.broadcast %add3A_2189 : i32 to vector<16xi32>
            %eq3A_2201 = arith.cmpi eq, %iota3A, %eq3A_2200 : vector<16xi32>
            %broadcast_in_dim3A_2202 = vector.broadcast %select_n3A_2199 : i32 to vector<16xi32>
            %select_n3A_2203 = arith.select %eq3A_2201, %broadcast_in_dim3A_2202, %select_n3A_2188 : vector<16xi1>, vector<16xi32>
            %add3A_2204 = arith.addi %add3A_2189, %squeeze3A_2191 : i32
            %slice3A_2205 = vector.extract_strided_slice %select_n3A_337 {offsets = [4], sizes = [1], strides = [1]} : vector<16xi32> to vector<1xi32>
            %squeeze3A_2206 = vector.extract %slice3A_2205[0] : i32 from vector<1xi32>
            %gt3A_2207 = arith.constant 0 : i32
            %gt3A_2208 = arith.cmpi sgt, %squeeze3A_2206, %gt3A_2207 : i32
            %add3A_2209 = arith.constant 112 : i32
            %add3A_2210 = arith.addi %mul3A_130, %add3A_2209 : i32
            %add3A_2211 = arith.constant 4 : i32
            %add3A_2212 = arith.addi %add3A_2210, %add3A_2211 : i32
            %add3A_2213 = arith.addi %mul3A_44, %add3A_2212 : i32
            %select_n3A_2214 = arith.select %gt3A_2208, %add3A_2213, %scan3A_81 : i32
            %eq3A_2215 = vector.broadcast %add3A_2204 : i32 to vector<16xi32>
            %eq3A_2216 = arith.cmpi eq, %iota3A, %eq3A_2215 : vector<16xi32>
            %broadcast_in_dim3A_2217 = vector.broadcast %select_n3A_2214 : i32 to vector<16xi32>
            %select_n3A_2218 = arith.select %eq3A_2216, %broadcast_in_dim3A_2217, %select_n3A_2203 : vector<16xi1>, vector<16xi32>
            %add3A_2219 = arith.addi %add3A_2204, %squeeze3A_2206 : i32
            %slice3A_2220 = vector.extract_strided_slice %select_n3A_337 {offsets = [5], sizes = [1], strides = [1]} : vector<16xi32> to vector<1xi32>
            %squeeze3A_2221 = vector.extract %slice3A_2220[0] : i32 from vector<1xi32>
            %gt3A_2222 = arith.constant 0 : i32
            %gt3A_2223 = arith.cmpi sgt, %squeeze3A_2221, %gt3A_2222 : i32
            %add3A_2224 = arith.constant 112 : i32
            %add3A_2225 = arith.addi %mul3A_130, %add3A_2224 : i32
            %add3A_2226 = arith.constant 5 : i32
            %add3A_2227 = arith.addi %add3A_2225, %add3A_2226 : i32
            %add3A_2228 = arith.addi %mul3A_44, %add3A_2227 : i32
            %select_n3A_2229 = arith.select %gt3A_2223, %add3A_2228, %scan3A_81 : i32
            %eq3A_2230 = vector.broadcast %add3A_2219 : i32 to vector<16xi32>
            %eq3A_2231 = arith.cmpi eq, %iota3A, %eq3A_2230 : vector<16xi32>
            %broadcast_in_dim3A_2232 = vector.broadcast %select_n3A_2229 : i32 to vector<16xi32>
            %select_n3A_2233 = arith.select %eq3A_2231, %broadcast_in_dim3A_2232, %select_n3A_2218 : vector<16xi1>, vector<16xi32>
            %add3A_2234 = arith.addi %add3A_2219, %squeeze3A_2221 : i32
            %slice3A_2235 = vector.extract_strided_slice %select_n3A_337 {offsets = [6], sizes = [1], strides = [1]} : vector<16xi32> to vector<1xi32>
            %squeeze3A_2236 = vector.extract %slice3A_2235[0] : i32 from vector<1xi32>
            %gt3A_2237 = arith.constant 0 : i32
            %gt3A_2238 = arith.cmpi sgt, %squeeze3A_2236, %gt3A_2237 : i32
            %add3A_2239 = arith.constant 112 : i32
            %add3A_2240 = arith.addi %mul3A_130, %add3A_2239 : i32
            %add3A_2241 = arith.constant 6 : i32
            %add3A_2242 = arith.addi %add3A_2240, %add3A_2241 : i32
            %add3A_2243 = arith.addi %mul3A_44, %add3A_2242 : i32
            %select_n3A_2244 = arith.select %gt3A_2238, %add3A_2243, %scan3A_81 : i32
            %eq3A_2245 = vector.broadcast %add3A_2234 : i32 to vector<16xi32>
            %eq3A_2246 = arith.cmpi eq, %iota3A, %eq3A_2245 : vector<16xi32>
            %broadcast_in_dim3A_2247 = vector.broadcast %select_n3A_2244 : i32 to vector<16xi32>
            %select_n3A_2248 = arith.select %eq3A_2246, %broadcast_in_dim3A_2247, %select_n3A_2233 : vector<16xi1>, vector<16xi32>
            %add3A_2249 = arith.addi %add3A_2234, %squeeze3A_2236 : i32
            %slice3A_2250 = vector.extract_strided_slice %select_n3A_337 {offsets = [7], sizes = [1], strides = [1]} : vector<16xi32> to vector<1xi32>
            %squeeze3A_2251 = vector.extract %slice3A_2250[0] : i32 from vector<1xi32>
            %gt3A_2252 = arith.constant 0 : i32
            %gt3A_2253 = arith.cmpi sgt, %squeeze3A_2251, %gt3A_2252 : i32
            %add3A_2254 = arith.constant 112 : i32
            %add3A_2255 = arith.addi %mul3A_130, %add3A_2254 : i32
            %add3A_2256 = arith.constant 7 : i32
            %add3A_2257 = arith.addi %add3A_2255, %add3A_2256 : i32
            %add3A_2258 = arith.addi %mul3A_44, %add3A_2257 : i32
            %select_n3A_2259 = arith.select %gt3A_2253, %add3A_2258, %scan3A_81 : i32
            %eq3A_2260 = vector.broadcast %add3A_2249 : i32 to vector<16xi32>
            %eq3A_2261 = arith.cmpi eq, %iota3A, %eq3A_2260 : vector<16xi32>
            %broadcast_in_dim3A_2262 = vector.broadcast %select_n3A_2259 : i32 to vector<16xi32>
            %select_n3A_2263 = arith.select %eq3A_2261, %broadcast_in_dim3A_2262, %select_n3A_2248 : vector<16xi1>, vector<16xi32>
            %add3A_2264 = arith.addi %add3A_2249, %squeeze3A_2251 : i32
            %slice3A_2265 = vector.extract_strided_slice %select_n3A_337 {offsets = [8], sizes = [1], strides = [1]} : vector<16xi32> to vector<1xi32>
            %squeeze3A_2266 = vector.extract %slice3A_2265[0] : i32 from vector<1xi32>
            %gt3A_2267 = arith.constant 0 : i32
            %gt3A_2268 = arith.cmpi sgt, %squeeze3A_2266, %gt3A_2267 : i32
            %add3A_2269 = arith.constant 112 : i32
            %add3A_2270 = arith.addi %mul3A_130, %add3A_2269 : i32
            %add3A_2271 = arith.constant 8 : i32
            %add3A_2272 = arith.addi %add3A_2270, %add3A_2271 : i32
            %add3A_2273 = arith.addi %mul3A_44, %add3A_2272 : i32
            %select_n3A_2274 = arith.select %gt3A_2268, %add3A_2273, %scan3A_81 : i32
            %eq3A_2275 = vector.broadcast %add3A_2264 : i32 to vector<16xi32>
            %eq3A_2276 = arith.cmpi eq, %iota3A, %eq3A_2275 : vector<16xi32>
            %broadcast_in_dim3A_2277 = vector.broadcast %select_n3A_2274 : i32 to vector<16xi32>
            %select_n3A_2278 = arith.select %eq3A_2276, %broadcast_in_dim3A_2277, %select_n3A_2263 : vector<16xi1>, vector<16xi32>
            %add3A_2279 = arith.addi %add3A_2264, %squeeze3A_2266 : i32
            %slice3A_2280 = vector.extract_strided_slice %select_n3A_337 {offsets = [9], sizes = [1], strides = [1]} : vector<16xi32> to vector<1xi32>
            %squeeze3A_2281 = vector.extract %slice3A_2280[0] : i32 from vector<1xi32>
            %gt3A_2282 = arith.constant 0 : i32
            %gt3A_2283 = arith.cmpi sgt, %squeeze3A_2281, %gt3A_2282 : i32
            %add3A_2284 = arith.constant 112 : i32
            %add3A_2285 = arith.addi %mul3A_130, %add3A_2284 : i32
            %add3A_2286 = arith.constant 9 : i32
            %add3A_2287 = arith.addi %add3A_2285, %add3A_2286 : i32
            %add3A_2288 = arith.addi %mul3A_44, %add3A_2287 : i32
            %select_n3A_2289 = arith.select %gt3A_2283, %add3A_2288, %scan3A_81 : i32
            %eq3A_2290 = vector.broadcast %add3A_2279 : i32 to vector<16xi32>
            %eq3A_2291 = arith.cmpi eq, %iota3A, %eq3A_2290 : vector<16xi32>
            %broadcast_in_dim3A_2292 = vector.broadcast %select_n3A_2289 : i32 to vector<16xi32>
            %select_n3A_2293 = arith.select %eq3A_2291, %broadcast_in_dim3A_2292, %select_n3A_2278 : vector<16xi1>, vector<16xi32>
            %add3A_2294 = arith.addi %add3A_2279, %squeeze3A_2281 : i32
            %slice3A_2295 = vector.extract_strided_slice %select_n3A_337 {offsets = [10], sizes = [1], strides = [1]} : vector<16xi32> to vector<1xi32>
            %squeeze3A_2296 = vector.extract %slice3A_2295[0] : i32 from vector<1xi32>
            %gt3A_2297 = arith.constant 0 : i32
            %gt3A_2298 = arith.cmpi sgt, %squeeze3A_2296, %gt3A_2297 : i32
            %add3A_2299 = arith.constant 112 : i32
            %add3A_2300 = arith.addi %mul3A_130, %add3A_2299 : i32
            %add3A_2301 = arith.constant 10 : i32
            %add3A_2302 = arith.addi %add3A_2300, %add3A_2301 : i32
            %add3A_2303 = arith.addi %mul3A_44, %add3A_2302 : i32
            %select_n3A_2304 = arith.select %gt3A_2298, %add3A_2303, %scan3A_81 : i32
            %eq3A_2305 = vector.broadcast %add3A_2294 : i32 to vector<16xi32>
            %eq3A_2306 = arith.cmpi eq, %iota3A, %eq3A_2305 : vector<16xi32>
            %broadcast_in_dim3A_2307 = vector.broadcast %select_n3A_2304 : i32 to vector<16xi32>
            %select_n3A_2308 = arith.select %eq3A_2306, %broadcast_in_dim3A_2307, %select_n3A_2293 : vector<16xi1>, vector<16xi32>
            %add3A_2309 = arith.addi %add3A_2294, %squeeze3A_2296 : i32
            %slice3A_2310 = vector.extract_strided_slice %select_n3A_337 {offsets = [11], sizes = [1], strides = [1]} : vector<16xi32> to vector<1xi32>
            %squeeze3A_2311 = vector.extract %slice3A_2310[0] : i32 from vector<1xi32>
            %gt3A_2312 = arith.constant 0 : i32
            %gt3A_2313 = arith.cmpi sgt, %squeeze3A_2311, %gt3A_2312 : i32
            %add3A_2314 = arith.constant 112 : i32
            %add3A_2315 = arith.addi %mul3A_130, %add3A_2314 : i32
            %add3A_2316 = arith.constant 11 : i32
            %add3A_2317 = arith.addi %add3A_2315, %add3A_2316 : i32
            %add3A_2318 = arith.addi %mul3A_44, %add3A_2317 : i32
            %select_n3A_2319 = arith.select %gt3A_2313, %add3A_2318, %scan3A_81 : i32
            %eq3A_2320 = vector.broadcast %add3A_2309 : i32 to vector<16xi32>
            %eq3A_2321 = arith.cmpi eq, %iota3A, %eq3A_2320 : vector<16xi32>
            %broadcast_in_dim3A_2322 = vector.broadcast %select_n3A_2319 : i32 to vector<16xi32>
            %select_n3A_2323 = arith.select %eq3A_2321, %broadcast_in_dim3A_2322, %select_n3A_2308 : vector<16xi1>, vector<16xi32>
            %add3A_2324 = arith.addi %add3A_2309, %squeeze3A_2311 : i32
            %slice3A_2325 = vector.extract_strided_slice %select_n3A_337 {offsets = [12], sizes = [1], strides = [1]} : vector<16xi32> to vector<1xi32>
            %squeeze3A_2326 = vector.extract %slice3A_2325[0] : i32 from vector<1xi32>
            %gt3A_2327 = arith.constant 0 : i32
            %gt3A_2328 = arith.cmpi sgt, %squeeze3A_2326, %gt3A_2327 : i32
            %add3A_2329 = arith.constant 112 : i32
            %add3A_2330 = arith.addi %mul3A_130, %add3A_2329 : i32
            %add3A_2331 = arith.constant 12 : i32
            %add3A_2332 = arith.addi %add3A_2330, %add3A_2331 : i32
            %add3A_2333 = arith.addi %mul3A_44, %add3A_2332 : i32
            %select_n3A_2334 = arith.select %gt3A_2328, %add3A_2333, %scan3A_81 : i32
            %eq3A_2335 = vector.broadcast %add3A_2324 : i32 to vector<16xi32>
            %eq3A_2336 = arith.cmpi eq, %iota3A, %eq3A_2335 : vector<16xi32>
            %broadcast_in_dim3A_2337 = vector.broadcast %select_n3A_2334 : i32 to vector<16xi32>
            %select_n3A_2338 = arith.select %eq3A_2336, %broadcast_in_dim3A_2337, %select_n3A_2323 : vector<16xi1>, vector<16xi32>
            %add3A_2339 = arith.addi %add3A_2324, %squeeze3A_2326 : i32
            %slice3A_2340 = vector.extract_strided_slice %select_n3A_337 {offsets = [13], sizes = [1], strides = [1]} : vector<16xi32> to vector<1xi32>
            %squeeze3A_2341 = vector.extract %slice3A_2340[0] : i32 from vector<1xi32>
            %gt3A_2342 = arith.constant 0 : i32
            %gt3A_2343 = arith.cmpi sgt, %squeeze3A_2341, %gt3A_2342 : i32
            %add3A_2344 = arith.constant 112 : i32
            %add3A_2345 = arith.addi %mul3A_130, %add3A_2344 : i32
            %add3A_2346 = arith.constant 13 : i32
            %add3A_2347 = arith.addi %add3A_2345, %add3A_2346 : i32
            %add3A_2348 = arith.addi %mul3A_44, %add3A_2347 : i32
            %select_n3A_2349 = arith.select %gt3A_2343, %add3A_2348, %scan3A_81 : i32
            %eq3A_2350 = vector.broadcast %add3A_2339 : i32 to vector<16xi32>
            %eq3A_2351 = arith.cmpi eq, %iota3A, %eq3A_2350 : vector<16xi32>
            %broadcast_in_dim3A_2352 = vector.broadcast %select_n3A_2349 : i32 to vector<16xi32>
            %select_n3A_2353 = arith.select %eq3A_2351, %broadcast_in_dim3A_2352, %select_n3A_2338 : vector<16xi1>, vector<16xi32>
            %add3A_2354 = arith.addi %add3A_2339, %squeeze3A_2341 : i32
            %slice3A_2355 = vector.extract_strided_slice %select_n3A_337 {offsets = [14], sizes = [1], strides = [1]} : vector<16xi32> to vector<1xi32>
            %squeeze3A_2356 = vector.extract %slice3A_2355[0] : i32 from vector<1xi32>
            %gt3A_2357 = arith.constant 0 : i32
            %gt3A_2358 = arith.cmpi sgt, %squeeze3A_2356, %gt3A_2357 : i32
            %add3A_2359 = arith.constant 112 : i32
            %add3A_2360 = arith.addi %mul3A_130, %add3A_2359 : i32
            %add3A_2361 = arith.constant 14 : i32
            %add3A_2362 = arith.addi %add3A_2360, %add3A_2361 : i32
            %add3A_2363 = arith.addi %mul3A_44, %add3A_2362 : i32
            %select_n3A_2364 = arith.select %gt3A_2358, %add3A_2363, %scan3A_81 : i32
            %eq3A_2365 = vector.broadcast %add3A_2354 : i32 to vector<16xi32>
            %eq3A_2366 = arith.cmpi eq, %iota3A, %eq3A_2365 : vector<16xi32>
            %broadcast_in_dim3A_2367 = vector.broadcast %select_n3A_2364 : i32 to vector<16xi32>
            %select_n3A_2368 = arith.select %eq3A_2366, %broadcast_in_dim3A_2367, %select_n3A_2353 : vector<16xi1>, vector<16xi32>
            %add3A_2369 = arith.addi %add3A_2354, %squeeze3A_2356 : i32
            %slice3A_2370 = vector.extract_strided_slice %select_n3A_337 {offsets = [15], sizes = [1], strides = [1]} : vector<16xi32> to vector<1xi32>
            %squeeze3A_2371 = vector.extract %slice3A_2370[0] : i32 from vector<1xi32>
            %gt3A_2372 = arith.constant 0 : i32
            %gt3A_2373 = arith.cmpi sgt, %squeeze3A_2371, %gt3A_2372 : i32
            %add3A_2374 = arith.constant 112 : i32
            %add3A_2375 = arith.addi %mul3A_130, %add3A_2374 : i32
            %add3A_2376 = arith.constant 15 : i32
            %add3A_2377 = arith.addi %add3A_2375, %add3A_2376 : i32
            %add3A_2378 = arith.addi %mul3A_44, %add3A_2377 : i32
            %select_n3A_2379 = arith.select %gt3A_2373, %add3A_2378, %scan3A_81 : i32
            %eq3A_2380 = vector.broadcast %add3A_2369 : i32 to vector<16xi32>
            %eq3A_2381 = arith.cmpi eq, %iota3A, %eq3A_2380 : vector<16xi32>
            %broadcast_in_dim3A_2382 = vector.broadcast %select_n3A_2379 : i32 to vector<16xi32>
            %select_n3A_2383 = arith.select %eq3A_2381, %broadcast_in_dim3A_2382, %select_n3A_2368 : vector<16xi1>, vector<16xi32>
            %add3A_2384 = arith.addi %add3A_2369, %squeeze3A_2371 : i32
            %min3A_2385 = arith.constant 64 : i32
            %min3A_2386 = arith.minsi %add3A_2142, %min3A_2385 : i32
            %swap3A_2387 = arith.index_cast %min3A_2386 : i32 to index
            %swap3A_2388 = tpu.vector_load %arg15[%swap3A_2387] {strides = array<i32>} : memref<128xi32, #tpu.memory_space<vmem>>, vector<16xi32>,
            %swap3A_2389 = vector.shape_cast %swap3A_2388 : vector<16xi32> to vector<16xi32>
            %swap3A_2390 = vector.shape_cast %select_n3A_2383 : vector<16xi32> to vector<16xi32>
            tpu.vector_store %arg15[%swap3A_2387], %swap3A_2390 {strides = array<i32>} : memref<128xi32, #tpu.memory_space<vmem>>, vector<16xi32>,
            %add3A_2391 = arith.addi %add3A_2142, %add3A_2384 : i32
            scf.yield %add3A_2391 : i32
          }
          scf.yield %cond3A_400 : i32
        } else {
          scf.yield %scan3A_128 : i32
        }
        scf.yield %cond3A_394 : i32
      }
      %scan3A_88 = arith.constant 64 : i32
      %broadcast_in_dim3A_89 = arith.constant 0 : i32
      %broadcast_in_dim3A_90 = vector.broadcast %broadcast_in_dim3A_89 : i32 to vector<16xi32>
      %get3A_91 = arith.constant 0 : index
      %get3A_92 = tpu.vector_load %arg15[%get3A_91] {strides = array<i32>} : memref<128xi32, #tpu.memory_space<vmem>>, vector<16xi32>,
      %get3A_93 = vector.shape_cast %get3A_92 : vector<16xi32> to vector<16xi32>
      %slice3A_94 = vector.extract_strided_slice %get3A_93 {offsets = [0], sizes = [1], strides = [1]} : vector<16xi32> to vector<1xi32>
      %squeeze3A_95 = vector.extract %slice3A_94[0] : i32 from vector<1xi32>
      %add3A_96 = vector.broadcast %squeeze3A_95 : i32 to vector<16xi32>
      %add3A_97 = arith.addi %broadcast_in_dim3A_90, %add3A_96 : vector<16xi32>
      %lt3A_98 = vector.broadcast %scan3A_87 : i32 to vector<16xi32>
      %lt3A_99 = arith.cmpi slt, %iota3A, %lt3A_98 : vector<16xi32>
      %get3A_100 = arith.constant 0 : index
      %get3A_101 = tpu.vector_load %arg15[%get3A_100] {strides = array<i32>} : memref<128xi32, #tpu.memory_space<vmem>>, vector<16xi32>,
      %get3A_102 = vector.shape_cast %get3A_101 : vector<16xi32> to vector<16xi32>
      %select_n3A_103 = arith.select %lt3A_99, %get3A_102, %add3A_97 : vector<16xi1>, vector<16xi32>
      %add3A_104 = arith.constant 16 : i32
      %add3A_105 = vector.broadcast %add3A_104 : i32 to vector<16xi32>
      %add3A_106 = arith.addi %iota3A, %add3A_105 : vector<16xi32>
      %lt3A_107 = vector.broadcast %scan3A_87 : i32 to vector<16xi32>
      %lt3A_108 = arith.cmpi slt, %add3A_106, %lt3A_107 : vector<16xi32>
      %get3A_109 = arith.constant 16 : index
      %get3A_110 = tpu.vector_load %arg15[%get3A_109] {strides = array<i32>} : memref<128xi32, #tpu.memory_space<vmem>>, vector<16xi32>,
      %get3A_111 = vector.shape_cast %get3A_110 : vector<16xi32> to vector<16xi32>
      %select_n3A_112 = arith.select %lt3A_108, %get3A_111, %add3A_97 : vector<16xi1>, vector<16xi32>
      %mul3A_113 = arith.constant 32 : i32
      %mul3A_114 = arith.muli %scan3A_54, %mul3A_113 : i32
      %swap3A_115 = arith.index_cast %mul3A_114 : i32 to index
      %swap3A_116 = tpu.vector_load %arg16[%swap3A_115] {strides = array<i32>} : memref<8192xi32, #tpu.memory_space<vmem>>, vector<16xi32>,
      %swap3A_117 = vector.shape_cast %swap3A_116 : vector<16xi32> to vector<16xi32>
      %swap3A_118 = vector.shape_cast %select_n3A_103 : vector<16xi32> to vector<16xi32>
      tpu.vector_store %arg16[%swap3A_115], %swap3A_118 {strides = array<i32>} : memref<8192xi32, #tpu.memory_space<vmem>>, vector<16xi32>,
      %mul3A_119 = arith.constant 32 : i32
      %mul3A_120 = arith.muli %scan3A_54, %mul3A_119 : i32
      %add3A_121 = arith.constant 16 : i32
      %add3A_122 = arith.addi %mul3A_120, %add3A_121 : i32
      %swap3A_123 = arith.index_cast %add3A_122 : i32 to index
      %swap3A_124 = tpu.vector_load %arg16[%swap3A_123] {strides = array<i32>} : memref<8192xi32, #tpu.memory_space<vmem>>, vector<16xi32>,
      %swap3A_125 = vector.shape_cast %swap3A_124 : vector<16xi32> to vector<16xi32>
      %swap3A_126 = vector.shape_cast %select_n3A_112 : vector<16xi32> to vector<16xi32>
      tpu.vector_store %arg16[%swap3A_123], %swap3A_126 {strides = array<i32>} : memref<8192xi32, #tpu.memory_space<vmem>>, vector<16xi32>,
    }
    %scan3A_49 = arith.constant 256 : i32
    %mul3A_50 = arith.constant 256 : i32
    %mul3A_51 = arith.muli %add3A, %mul3A_50 : i32
    %mul3A_52 = arith.constant 32 : i32
    %mul3A_53 = arith.muli %mul3A_51, %mul3A_52 : i32
    "tpu.region"() ({
      %run_scoped3A = tpu.sem_alloc : memref<!tpu.dma_semaphore, #tpu.memory_space<semaphore_mem>>
      %dma_start3A = tpu.memref_slice %arg8[%mul3A_53] : memref<262144xi32, #tpu.memory_space<hbm>> -> memref<8192xi32, #tpu.memory_space<hbm>>
      %dma_start3A_54 = tpu.memref_slice %arg8[%mul3A_53] : memref<262144xi32, #tpu.memory_space<hbm>> -> memref<8192xi32, #tpu.memory_space<hbm>>
      tpu.enqueue_dma source(%arg16 : memref<8192xi32, #tpu.memory_space<vmem>>) target(%dma_start3A_54 : memref<8192xi32, #tpu.memory_space<hbm>>) target_semaphore(%run_scoped3A : memref<!tpu.dma_semaphore, #tpu.memory_space<semaphore_mem>>)
      %dma_wait3A = tpu.memref_slice %arg8[%mul3A_53] : memref<262144xi32, #tpu.memory_space<hbm>> -> memref<8192xi32, #tpu.memory_space<hbm>>
      %dma_wait3A_55 = tpu.memref_slice %arg8[%mul3A_53] : memref<262144xi32, #tpu.memory_space<hbm>> -> memref<8192xi32, #tpu.memory_space<hbm>>
      tpu.wait_dma2 semaphore(%run_scoped3A : memref<!tpu.dma_semaphore, #tpu.memory_space<semaphore_mem>>) src(%arg16 : memref<8192xi32, #tpu.memory_space<vmem>>) dst(%dma_wait3A_55 : memref<8192xi32, #tpu.memory_space<hbm>>)
      tpu.yield
    }) : () -> ()
    return
  }
}

#map = affine_map<(d0, d1) -> (0, 0)>
#map1 = affine_map<(d0, d1) -> (0)>
module attributes {stable_mosaic.version = 14 : i64} {
  func.func @gg(%arg0: i32, %arg1: i32, %arg2: memref<32768x40xf32, #tpu.memory_space<hbm>>, %arg3: memref<262144xi32, #tpu.memory_space<hbm>>, %arg4: memref<8192xf32, #tpu.memory_space<hbm>>, %arg5: memref<8192xf32, #tpu.memory_space<hbm>>, %arg6: memref<8192xf32, #tpu.memory_space<hbm>>, %arg7: memref<262144x40xf32, #tpu.memory_space<hbm>>, %arg8: memref<8192xi32, #tpu.memory_space<vmem>>, %arg9: memref<272xf32, #tpu.memory_space<vmem>>, %arg10: memref<272xf32, #tpu.memory_space<vmem>>, %arg11: memref<272xf32, #tpu.memory_space<vmem>>, %arg12: memref<1024x40xf32, #tpu.memory_space<vmem>>, %arg13: memref<!tpu.dma_semaphore, #tpu.memory_space<semaphore_mem>>) attributes {dimension_semantics = [#tpu.dimension_semantics<core_parallel>, #tpu.dimension_semantics<subcore_parallel>], iteration_bounds = array<i64: 2, 16>, scalar_prefetch = 0 : i64, scratch_operands = 6 : i64, tpu.core_type = #tpu.core_type<sc_vector_subcore>, window_params = [{transform_indices = #map}, {transform_indices = #map1}, {transform_indices = #map1}, {transform_indices = #map1}, {transform_indices = #map1}, {transform_indices = #map}]} {
    %mul3A = arith.constant 2 : i32
    %mul3A_0 = arith.muli %arg1, %mul3A : i32
    %add3A = arith.addi %mul3A_0, %arg0 : i32
    %mul3A_1 = arith.constant 8192 : i32
    %mul3A_2 = arith.muli %add3A, %mul3A_1 : i32
    "tpu.region"() ({
      %run_scoped3A = tpu.sem_alloc : memref<!tpu.dma_semaphore, #tpu.memory_space<semaphore_mem>>
      %dma_start3A = tpu.memref_slice %arg3[%mul3A_2] : memref<262144xi32, #tpu.memory_space<hbm>> -> memref<8192xi32, #tpu.memory_space<hbm>>
      %dma_start3A_11 = tpu.memref_slice %arg3[%mul3A_2] : memref<262144xi32, #tpu.memory_space<hbm>> -> memref<8192xi32, #tpu.memory_space<hbm>>
      tpu.enqueue_dma source(%dma_start3A_11 : memref<8192xi32, #tpu.memory_space<hbm>>) target(%arg8 : memref<8192xi32, #tpu.memory_space<vmem>>) target_semaphore(%run_scoped3A : memref<!tpu.dma_semaphore, #tpu.memory_space<semaphore_mem>>)
      %dma_wait3A = tpu.memref_slice %arg3[%mul3A_2] : memref<262144xi32, #tpu.memory_space<hbm>> -> memref<8192xi32, #tpu.memory_space<hbm>>
      %dma_wait3A_12 = tpu.memref_slice %arg3[%mul3A_2] : memref<262144xi32, #tpu.memory_space<hbm>> -> memref<8192xi32, #tpu.memory_space<hbm>>
      tpu.wait_dma2 semaphore(%run_scoped3A : memref<!tpu.dma_semaphore, #tpu.memory_space<semaphore_mem>>) src(%dma_wait3A_12 : memref<8192xi32, #tpu.memory_space<hbm>>) dst(%arg8 : memref<8192xi32, #tpu.memory_space<vmem>>)
      tpu.yield
    }) : () -> ()
    %mul3A_3 = arith.constant 256 : i32
    %mul3A_4 = arith.muli %add3A, %mul3A_3 : i32
    "tpu.region"() ({
      %run_scoped3A = tpu.sem_alloc : memref<!tpu.dma_semaphore, #tpu.memory_space<semaphore_mem>>
      %dma_start3A = arith.constant 0 : i32
      %dma_start3A_11 = tpu.memref_slice %arg9[%dma_start3A] : memref<272xf32, #tpu.memory_space<vmem>> -> memref<256xf32, #tpu.memory_space<vmem>>
      %dma_start3A_12 = tpu.memref_slice %arg4[%mul3A_4] : memref<8192xf32, #tpu.memory_space<hbm>> -> memref<256xf32, #tpu.memory_space<hbm>>
      %dma_start3A_13 = arith.constant 0 : i32
      %dma_start3A_14 = tpu.memref_slice %arg9[%dma_start3A_13] : memref<272xf32, #tpu.memory_space<vmem>> -> memref<256xf32, #tpu.memory_space<vmem>>
      %dma_start3A_15 = tpu.memref_slice %arg4[%mul3A_4] : memref<8192xf32, #tpu.memory_space<hbm>> -> memref<256xf32, #tpu.memory_space<hbm>>
      tpu.enqueue_dma source(%dma_start3A_15 : memref<256xf32, #tpu.memory_space<hbm>>) target(%dma_start3A_14 : memref<256xf32, #tpu.memory_space<vmem>>) target_semaphore(%run_scoped3A : memref<!tpu.dma_semaphore, #tpu.memory_space<semaphore_mem>>)
      %dma_wait3A = arith.constant 0 : i32
      %dma_wait3A_16 = tpu.memref_slice %arg9[%dma_wait3A] : memref<272xf32, #tpu.memory_space<vmem>> -> memref<256xf32, #tpu.memory_space<vmem>>
      %dma_wait3A_17 = tpu.memref_slice %arg4[%mul3A_4] : memref<8192xf32, #tpu.memory_space<hbm>> -> memref<256xf32, #tpu.memory_space<hbm>>
      %dma_wait3A_18 = arith.constant 0 : i32
      %dma_wait3A_19 = tpu.memref_slice %arg9[%dma_wait3A_18] : memref<272xf32, #tpu.memory_space<vmem>> -> memref<256xf32, #tpu.memory_space<vmem>>
      %dma_wait3A_20 = tpu.memref_slice %arg4[%mul3A_4] : memref<8192xf32, #tpu.memory_space<hbm>> -> memref<256xf32, #tpu.memory_space<hbm>>
      tpu.wait_dma2 semaphore(%run_scoped3A : memref<!tpu.dma_semaphore, #tpu.memory_space<semaphore_mem>>) src(%dma_wait3A_20 : memref<256xf32, #tpu.memory_space<hbm>>) dst(%dma_wait3A_19 : memref<256xf32, #tpu.memory_space<vmem>>)
      tpu.yield
    }) : () -> ()
    "tpu.region"() ({
      %run_scoped3A = tpu.sem_alloc : memref<!tpu.dma_semaphore, #tpu.memory_space<semaphore_mem>>
      %dma_start3A = arith.constant 0 : i32
      %dma_start3A_11 = tpu.memref_slice %arg10[%dma_start3A] : memref<272xf32, #tpu.memory_space<vmem>> -> memref<256xf32, #tpu.memory_space<vmem>>
      %dma_start3A_12 = tpu.memref_slice %arg5[%mul3A_4] : memref<8192xf32, #tpu.memory_space<hbm>> -> memref<256xf32, #tpu.memory_space<hbm>>
      %dma_start3A_13 = arith.constant 0 : i32
      %dma_start3A_14 = tpu.memref_slice %arg10[%dma_start3A_13] : memref<272xf32, #tpu.memory_space<vmem>> -> memref<256xf32, #tpu.memory_space<vmem>>
      %dma_start3A_15 = tpu.memref_slice %arg5[%mul3A_4] : memref<8192xf32, #tpu.memory_space<hbm>> -> memref<256xf32, #tpu.memory_space<hbm>>
      tpu.enqueue_dma source(%dma_start3A_15 : memref<256xf32, #tpu.memory_space<hbm>>) target(%dma_start3A_14 : memref<256xf32, #tpu.memory_space<vmem>>) target_semaphore(%run_scoped3A : memref<!tpu.dma_semaphore, #tpu.memory_space<semaphore_mem>>)
      %dma_wait3A = arith.constant 0 : i32
      %dma_wait3A_16 = tpu.memref_slice %arg10[%dma_wait3A] : memref<272xf32, #tpu.memory_space<vmem>> -> memref<256xf32, #tpu.memory_space<vmem>>
      %dma_wait3A_17 = tpu.memref_slice %arg5[%mul3A_4] : memref<8192xf32, #tpu.memory_space<hbm>> -> memref<256xf32, #tpu.memory_space<hbm>>
      %dma_wait3A_18 = arith.constant 0 : i32
      %dma_wait3A_19 = tpu.memref_slice %arg10[%dma_wait3A_18] : memref<272xf32, #tpu.memory_space<vmem>> -> memref<256xf32, #tpu.memory_space<vmem>>
      %dma_wait3A_20 = tpu.memref_slice %arg5[%mul3A_4] : memref<8192xf32, #tpu.memory_space<hbm>> -> memref<256xf32, #tpu.memory_space<hbm>>
      tpu.wait_dma2 semaphore(%run_scoped3A : memref<!tpu.dma_semaphore, #tpu.memory_space<semaphore_mem>>) src(%dma_wait3A_20 : memref<256xf32, #tpu.memory_space<hbm>>) dst(%dma_wait3A_19 : memref<256xf32, #tpu.memory_space<vmem>>)
      tpu.yield
    }) : () -> ()
    "tpu.region"() ({
      %run_scoped3A = tpu.sem_alloc : memref<!tpu.dma_semaphore, #tpu.memory_space<semaphore_mem>>
      %dma_start3A = arith.constant 0 : i32
      %dma_start3A_11 = tpu.memref_slice %arg11[%dma_start3A] : memref<272xf32, #tpu.memory_space<vmem>> -> memref<256xf32, #tpu.memory_space<vmem>>
      %dma_start3A_12 = tpu.memref_slice %arg6[%mul3A_4] : memref<8192xf32, #tpu.memory_space<hbm>> -> memref<256xf32, #tpu.memory_space<hbm>>
      %dma_start3A_13 = arith.constant 0 : i32
      %dma_start3A_14 = tpu.memref_slice %arg11[%dma_start3A_13] : memref<272xf32, #tpu.memory_space<vmem>> -> memref<256xf32, #tpu.memory_space<vmem>>
      %dma_start3A_15 = tpu.memref_slice %arg6[%mul3A_4] : memref<8192xf32, #tpu.memory_space<hbm>> -> memref<256xf32, #tpu.memory_space<hbm>>
      tpu.enqueue_dma source(%dma_start3A_15 : memref<256xf32, #tpu.memory_space<hbm>>) target(%dma_start3A_14 : memref<256xf32, #tpu.memory_space<vmem>>) target_semaphore(%run_scoped3A : memref<!tpu.dma_semaphore, #tpu.memory_space<semaphore_mem>>)
      %dma_wait3A = arith.constant 0 : i32
      %dma_wait3A_16 = tpu.memref_slice %arg11[%dma_wait3A] : memref<272xf32, #tpu.memory_space<vmem>> -> memref<256xf32, #tpu.memory_space<vmem>>
      %dma_wait3A_17 = tpu.memref_slice %arg6[%mul3A_4] : memref<8192xf32, #tpu.memory_space<hbm>> -> memref<256xf32, #tpu.memory_space<hbm>>
      %dma_wait3A_18 = arith.constant 0 : i32
      %dma_wait3A_19 = tpu.memref_slice %arg11[%dma_wait3A_18] : memref<272xf32, #tpu.memory_space<vmem>> -> memref<256xf32, #tpu.memory_space<vmem>>
      %dma_wait3A_20 = tpu.memref_slice %arg6[%mul3A_4] : memref<8192xf32, #tpu.memory_space<hbm>> -> memref<256xf32, #tpu.memory_space<hbm>>
      tpu.wait_dma2 semaphore(%run_scoped3A : memref<!tpu.dma_semaphore, #tpu.memory_space<semaphore_mem>>) src(%dma_wait3A_20 : memref<256xf32, #tpu.memory_space<hbm>>) dst(%dma_wait3A_19 : memref<256xf32, #tpu.memory_space<vmem>>)
      tpu.yield
    }) : () -> ()
    %iota3A = tpu.iota {dimensions = array<i32: 0>} : vector<16xi32>
    %broadcast_in_dim3A = arith.constant 0.000000e+00 : f32
    %broadcast_in_dim3A_5 = vector.broadcast %broadcast_in_dim3A : f32 to vector<16xf32>
    %scan3A = arith.constant 0 : i32
    %scan3A_6 = arith.constant 0 : i32
    %scan3A_7 = arith.constant 8 : i32
    %scan3A_8 = arith.addi %scan3A_6, %scan3A_7 : i32
    %scan3A_9 = arith.constant 1 : i32
    scf.for %scan3A_11 = %scan3A_6 to %scan3A_8 step %scan3A_9  : i32 {
      %mul3A_12 = arith.constant 1024 : i32
      %mul3A_13 = arith.muli %scan3A_11, %mul3A_12 : i32
      %add3A_14 = arith.constant 0 : i32
      %add3A_15 = arith.addi %mul3A_13, %add3A_14 : i32
      %dma_start3A = arith.constant 0 : i32
      %dma_start3A_16 = arith.constant 0 : i32
      %dma_start3A_17 = tpu.memref_slice %arg12[%dma_start3A, %dma_start3A_16] : memref<1024x40xf32, #tpu.memory_space<vmem>> -> memref<128x40xf32, #tpu.memory_space<vmem>>
      %dma_start3A_18 = tpu.memref_slice %arg8[%add3A_15] : memref<8192xi32, #tpu.memory_space<vmem>> -> memref<128xi32, #tpu.memory_space<vmem>>
      %dma_start3A_19 = arith.constant 0 : i32
      %dma_start3A_20 = arith.constant 0 : i32
      %dma_start3A_21 = tpu.memref_slice %arg2[%dma_start3A_19, %dma_start3A_20] : memref<32768x40xf32, #tpu.memory_space<hbm>> -> memref<32768x40xf32, #tpu.memory_space<hbm>>
      tpu.enqueue_indirect_dma source(%dma_start3A_21 : memref<32768x40xf32, #tpu.memory_space<hbm>>) target(%dma_start3A_17 : memref<128x40xf32, #tpu.memory_space<vmem>>) offsets(%dma_start3A_18 : memref<128xi32, #tpu.memory_space<vmem>>) semaphore(%arg13 : memref<!tpu.dma_semaphore, #tpu.memory_space<semaphore_mem>>)
      %mul3A_22 = arith.constant 1024 : i32
      %mul3A_23 = arith.muli %scan3A_11, %mul3A_22 : i32
      %add3A_24 = arith.constant 128 : i32
      %add3A_25 = arith.addi %mul3A_23, %add3A_24 : i32
      %dma_start3A_26 = arith.constant 128 : i32
      %dma_start3A_27 = arith.constant 0 : i32
      %dma_start3A_28 = tpu.memref_slice %arg12[%dma_start3A_26, %dma_start3A_27] : memref<1024x40xf32, #tpu.memory_space<vmem>> -> memref<128x40xf32, #tpu.memory_space<vmem>>
      %dma_start3A_29 = tpu.memref_slice %arg8[%add3A_25] : memref<8192xi32, #tpu.memory_space<vmem>> -> memref<128xi32, #tpu.memory_space<vmem>>
      %dma_start3A_30 = arith.constant 0 : i32
      %dma_start3A_31 = arith.constant 0 : i32
      %dma_start3A_32 = tpu.memref_slice %arg2[%dma_start3A_30, %dma_start3A_31] : memref<32768x40xf32, #tpu.memory_space<hbm>> -> memref<32768x40xf32, #tpu.memory_space<hbm>>
      tpu.enqueue_indirect_dma source(%dma_start3A_32 : memref<32768x40xf32, #tpu.memory_space<hbm>>) target(%dma_start3A_28 : memref<128x40xf32, #tpu.memory_space<vmem>>) offsets(%dma_start3A_29 : memref<128xi32, #tpu.memory_space<vmem>>) semaphore(%arg13 : memref<!tpu.dma_semaphore, #tpu.memory_space<semaphore_mem>>)
      %mul3A_33 = arith.constant 1024 : i32
      %mul3A_34 = arith.muli %scan3A_11, %mul3A_33 : i32
      %add3A_35 = arith.constant 256 : i32
      %add3A_36 = arith.addi %mul3A_34, %add3A_35 : i32
      %dma_start3A_37 = arith.constant 256 : i32
      %dma_start3A_38 = arith.constant 0 : i32
      %dma_start3A_39 = tpu.memref_slice %arg12[%dma_start3A_37, %dma_start3A_38] : memref<1024x40xf32, #tpu.memory_space<vmem>> -> memref<128x40xf32, #tpu.memory_space<vmem>>
      %dma_start3A_40 = tpu.memref_slice %arg8[%add3A_36] : memref<8192xi32, #tpu.memory_space<vmem>> -> memref<128xi32, #tpu.memory_space<vmem>>
      %dma_start3A_41 = arith.constant 0 : i32
      %dma_start3A_42 = arith.constant 0 : i32
      %dma_start3A_43 = tpu.memref_slice %arg2[%dma_start3A_41, %dma_start3A_42] : memref<32768x40xf32, #tpu.memory_space<hbm>> -> memref<32768x40xf32, #tpu.memory_space<hbm>>
      tpu.enqueue_indirect_dma source(%dma_start3A_43 : memref<32768x40xf32, #tpu.memory_space<hbm>>) target(%dma_start3A_39 : memref<128x40xf32, #tpu.memory_space<vmem>>) offsets(%dma_start3A_40 : memref<128xi32, #tpu.memory_space<vmem>>) semaphore(%arg13 : memref<!tpu.dma_semaphore, #tpu.memory_space<semaphore_mem>>)
      %mul3A_44 = arith.constant 1024 : i32
      %mul3A_45 = arith.muli %scan3A_11, %mul3A_44 : i32
      %add3A_46 = arith.constant 384 : i32
      %add3A_47 = arith.addi %mul3A_45, %add3A_46 : i32
      %dma_start3A_48 = arith.constant 384 : i32
      %dma_start3A_49 = arith.constant 0 : i32
      %dma_start3A_50 = tpu.memref_slice %arg12[%dma_start3A_48, %dma_start3A_49] : memref<1024x40xf32, #tpu.memory_space<vmem>> -> memref<128x40xf32, #tpu.memory_space<vmem>>
      %dma_start3A_51 = tpu.memref_slice %arg8[%add3A_47] : memref<8192xi32, #tpu.memory_space<vmem>> -> memref<128xi32, #tpu.memory_space<vmem>>
      %dma_start3A_52 = arith.constant 0 : i32
      %dma_start3A_53 = arith.constant 0 : i32
      %dma_start3A_54 = tpu.memref_slice %arg2[%dma_start3A_52, %dma_start3A_53] : memref<32768x40xf32, #tpu.memory_space<hbm>> -> memref<32768x40xf32, #tpu.memory_space<hbm>>
      tpu.enqueue_indirect_dma source(%dma_start3A_54 : memref<32768x40xf32, #tpu.memory_space<hbm>>) target(%dma_start3A_50 : memref<128x40xf32, #tpu.memory_space<vmem>>) offsets(%dma_start3A_51 : memref<128xi32, #tpu.memory_space<vmem>>) semaphore(%arg13 : memref<!tpu.dma_semaphore, #tpu.memory_space<semaphore_mem>>)
      %mul3A_55 = arith.constant 1024 : i32
      %mul3A_56 = arith.muli %scan3A_11, %mul3A_55 : i32
      %add3A_57 = arith.constant 512 : i32
      %add3A_58 = arith.addi %mul3A_56, %add3A_57 : i32
      %dma_start3A_59 = arith.constant 512 : i32
      %dma_start3A_60 = arith.constant 0 : i32
      %dma_start3A_61 = tpu.memref_slice %arg12[%dma_start3A_59, %dma_start3A_60] : memref<1024x40xf32, #tpu.memory_space<vmem>> -> memref<128x40xf32, #tpu.memory_space<vmem>>
      %dma_start3A_62 = tpu.memref_slice %arg8[%add3A_58] : memref<8192xi32, #tpu.memory_space<vmem>> -> memref<128xi32, #tpu.memory_space<vmem>>
      %dma_start3A_63 = arith.constant 0 : i32
      %dma_start3A_64 = arith.constant 0 : i32
      %dma_start3A_65 = tpu.memref_slice %arg2[%dma_start3A_63, %dma_start3A_64] : memref<32768x40xf32, #tpu.memory_space<hbm>> -> memref<32768x40xf32, #tpu.memory_space<hbm>>
      tpu.enqueue_indirect_dma source(%dma_start3A_65 : memref<32768x40xf32, #tpu.memory_space<hbm>>) target(%dma_start3A_61 : memref<128x40xf32, #tpu.memory_space<vmem>>) offsets(%dma_start3A_62 : memref<128xi32, #tpu.memory_space<vmem>>) semaphore(%arg13 : memref<!tpu.dma_semaphore, #tpu.memory_space<semaphore_mem>>)
      %mul3A_66 = arith.constant 1024 : i32
      %mul3A_67 = arith.muli %scan3A_11, %mul3A_66 : i32
      %add3A_68 = arith.constant 640 : i32
      %add3A_69 = arith.addi %mul3A_67, %add3A_68 : i32
      %dma_start3A_70 = arith.constant 640 : i32
      %dma_start3A_71 = arith.constant 0 : i32
      %dma_start3A_72 = tpu.memref_slice %arg12[%dma_start3A_70, %dma_start3A_71] : memref<1024x40xf32, #tpu.memory_space<vmem>> -> memref<128x40xf32, #tpu.memory_space<vmem>>
      %dma_start3A_73 = tpu.memref_slice %arg8[%add3A_69] : memref<8192xi32, #tpu.memory_space<vmem>> -> memref<128xi32, #tpu.memory_space<vmem>>
      %dma_start3A_74 = arith.constant 0 : i32
      %dma_start3A_75 = arith.constant 0 : i32
      %dma_start3A_76 = tpu.memref_slice %arg2[%dma_start3A_74, %dma_start3A_75] : memref<32768x40xf32, #tpu.memory_space<hbm>> -> memref<32768x40xf32, #tpu.memory_space<hbm>>
      tpu.enqueue_indirect_dma source(%dma_start3A_76 : memref<32768x40xf32, #tpu.memory_space<hbm>>) target(%dma_start3A_72 : memref<128x40xf32, #tpu.memory_space<vmem>>) offsets(%dma_start3A_73 : memref<128xi32, #tpu.memory_space<vmem>>) semaphore(%arg13 : memref<!tpu.dma_semaphore, #tpu.memory_space<semaphore_mem>>)
      %mul3A_77 = arith.constant 1024 : i32
      %mul3A_78 = arith.muli %scan3A_11, %mul3A_77 : i32
      %add3A_79 = arith.constant 768 : i32
      %add3A_80 = arith.addi %mul3A_78, %add3A_79 : i32
      %dma_start3A_81 = arith.constant 768 : i32
      %dma_start3A_82 = arith.constant 0 : i32
      %dma_start3A_83 = tpu.memref_slice %arg12[%dma_start3A_81, %dma_start3A_82] : memref<1024x40xf32, #tpu.memory_space<vmem>> -> memref<128x40xf32, #tpu.memory_space<vmem>>
      %dma_start3A_84 = tpu.memref_slice %arg8[%add3A_80] : memref<8192xi32, #tpu.memory_space<vmem>> -> memref<128xi32, #tpu.memory_space<vmem>>
      %dma_start3A_85 = arith.constant 0 : i32
      %dma_start3A_86 = arith.constant 0 : i32
      %dma_start3A_87 = tpu.memref_slice %arg2[%dma_start3A_85, %dma_start3A_86] : memref<32768x40xf32, #tpu.memory_space<hbm>> -> memref<32768x40xf32, #tpu.memory_space<hbm>>
      tpu.enqueue_indirect_dma source(%dma_start3A_87 : memref<32768x40xf32, #tpu.memory_space<hbm>>) target(%dma_start3A_83 : memref<128x40xf32, #tpu.memory_space<vmem>>) offsets(%dma_start3A_84 : memref<128xi32, #tpu.memory_space<vmem>>) semaphore(%arg13 : memref<!tpu.dma_semaphore, #tpu.memory_space<semaphore_mem>>)
      %mul3A_88 = arith.constant 1024 : i32
      %mul3A_89 = arith.muli %scan3A_11, %mul3A_88 : i32
      %add3A_90 = arith.constant 896 : i32
      %add3A_91 = arith.addi %mul3A_89, %add3A_90 : i32
      %dma_start3A_92 = arith.constant 896 : i32
      %dma_start3A_93 = arith.constant 0 : i32
      %dma_start3A_94 = tpu.memref_slice %arg12[%dma_start3A_92, %dma_start3A_93] : memref<1024x40xf32, #tpu.memory_space<vmem>> -> memref<128x40xf32, #tpu.memory_space<vmem>>
      %dma_start3A_95 = tpu.memref_slice %arg8[%add3A_91] : memref<8192xi32, #tpu.memory_space<vmem>> -> memref<128xi32, #tpu.memory_space<vmem>>
      %dma_start3A_96 = arith.constant 0 : i32
      %dma_start3A_97 = arith.constant 0 : i32
      %dma_start3A_98 = tpu.memref_slice %arg2[%dma_start3A_96, %dma_start3A_97] : memref<32768x40xf32, #tpu.memory_space<hbm>> -> memref<32768x40xf32, #tpu.memory_space<hbm>>
      tpu.enqueue_indirect_dma source(%dma_start3A_98 : memref<32768x40xf32, #tpu.memory_space<hbm>>) target(%dma_start3A_94 : memref<128x40xf32, #tpu.memory_space<vmem>>) offsets(%dma_start3A_95 : memref<128xi32, #tpu.memory_space<vmem>>) semaphore(%arg13 : memref<!tpu.dma_semaphore, #tpu.memory_space<semaphore_mem>>)
      %dma_wait3A = arith.constant 0 : i32
      %dma_wait3A_99 = arith.constant 0 : i32
      %dma_wait3A_100 = tpu.memref_slice %arg12[%dma_wait3A, %dma_wait3A_99] : memref<1024x40xf32, #tpu.memory_space<vmem>> -> memref<128x40xf32, #tpu.memory_space<vmem>>
      %dma_wait3A_101 = tpu.memref_slice %arg8[%add3A_15] : memref<8192xi32, #tpu.memory_space<vmem>> -> memref<128xi32, #tpu.memory_space<vmem>>
      %dma_wait3A_102 = arith.constant 0 : i32
      %dma_wait3A_103 = arith.constant 0 : i32
      %dma_wait3A_104 = tpu.memref_slice %arg2[%dma_wait3A_102, %dma_wait3A_103] : memref<32768x40xf32, #tpu.memory_space<hbm>> -> memref<32768x40xf32, #tpu.memory_space<hbm>>
      tpu.wait_indirect_dma semaphore(%arg13 : memref<!tpu.dma_semaphore, #tpu.memory_space<semaphore_mem>>) src(%dma_wait3A_104 : memref<32768x40xf32, #tpu.memory_space<hbm>>) dst(%dma_wait3A_100 : memref<128x40xf32, #tpu.memory_space<vmem>>)
      %dma_wait3A_105 = arith.constant 128 : i32
      %dma_wait3A_106 = arith.constant 0 : i32
      %dma_wait3A_107 = tpu.memref_slice %arg12[%dma_wait3A_105, %dma_wait3A_106] : memref<1024x40xf32, #tpu.memory_space<vmem>> -> memref<128x40xf32, #tpu.memory_space<vmem>>
      %dma_wait3A_108 = tpu.memref_slice %arg8[%add3A_25] : memref<8192xi32, #tpu.memory_space<vmem>> -> memref<128xi32, #tpu.memory_space<vmem>>
      %dma_wait3A_109 = arith.constant 0 : i32
      %dma_wait3A_110 = arith.constant 0 : i32
      %dma_wait3A_111 = tpu.memref_slice %arg2[%dma_wait3A_109, %dma_wait3A_110] : memref<32768x40xf32, #tpu.memory_space<hbm>> -> memref<32768x40xf32, #tpu.memory_space<hbm>>
      tpu.wait_indirect_dma semaphore(%arg13 : memref<!tpu.dma_semaphore, #tpu.memory_space<semaphore_mem>>) src(%dma_wait3A_111 : memref<32768x40xf32, #tpu.memory_space<hbm>>) dst(%dma_wait3A_107 : memref<128x40xf32, #tpu.memory_space<vmem>>)
      %dma_wait3A_112 = arith.constant 256 : i32
      %dma_wait3A_113 = arith.constant 0 : i32
      %dma_wait3A_114 = tpu.memref_slice %arg12[%dma_wait3A_112, %dma_wait3A_113] : memref<1024x40xf32, #tpu.memory_space<vmem>> -> memref<128x40xf32, #tpu.memory_space<vmem>>
      %dma_wait3A_115 = tpu.memref_slice %arg8[%add3A_36] : memref<8192xi32, #tpu.memory_space<vmem>> -> memref<128xi32, #tpu.memory_space<vmem>>
      %dma_wait3A_116 = arith.constant 0 : i32
      %dma_wait3A_117 = arith.constant 0 : i32
      %dma_wait3A_118 = tpu.memref_slice %arg2[%dma_wait3A_116, %dma_wait3A_117] : memref<32768x40xf32, #tpu.memory_space<hbm>> -> memref<32768x40xf32, #tpu.memory_space<hbm>>
      tpu.wait_indirect_dma semaphore(%arg13 : memref<!tpu.dma_semaphore, #tpu.memory_space<semaphore_mem>>) src(%dma_wait3A_118 : memref<32768x40xf32, #tpu.memory_space<hbm>>) dst(%dma_wait3A_114 : memref<128x40xf32, #tpu.memory_space<vmem>>)
      %dma_wait3A_119 = arith.constant 384 : i32
      %dma_wait3A_120 = arith.constant 0 : i32
      %dma_wait3A_121 = tpu.memref_slice %arg12[%dma_wait3A_119, %dma_wait3A_120] : memref<1024x40xf32, #tpu.memory_space<vmem>> -> memref<128x40xf32, #tpu.memory_space<vmem>>
      %dma_wait3A_122 = tpu.memref_slice %arg8[%add3A_47] : memref<8192xi32, #tpu.memory_space<vmem>> -> memref<128xi32, #tpu.memory_space<vmem>>
      %dma_wait3A_123 = arith.constant 0 : i32
      %dma_wait3A_124 = arith.constant 0 : i32
      %dma_wait3A_125 = tpu.memref_slice %arg2[%dma_wait3A_123, %dma_wait3A_124] : memref<32768x40xf32, #tpu.memory_space<hbm>> -> memref<32768x40xf32, #tpu.memory_space<hbm>>
      tpu.wait_indirect_dma semaphore(%arg13 : memref<!tpu.dma_semaphore, #tpu.memory_space<semaphore_mem>>) src(%dma_wait3A_125 : memref<32768x40xf32, #tpu.memory_space<hbm>>) dst(%dma_wait3A_121 : memref<128x40xf32, #tpu.memory_space<vmem>>)
      %dma_wait3A_126 = arith.constant 512 : i32
      %dma_wait3A_127 = arith.constant 0 : i32
      %dma_wait3A_128 = tpu.memref_slice %arg12[%dma_wait3A_126, %dma_wait3A_127] : memref<1024x40xf32, #tpu.memory_space<vmem>> -> memref<128x40xf32, #tpu.memory_space<vmem>>
      %dma_wait3A_129 = tpu.memref_slice %arg8[%add3A_58] : memref<8192xi32, #tpu.memory_space<vmem>> -> memref<128xi32, #tpu.memory_space<vmem>>
      %dma_wait3A_130 = arith.constant 0 : i32
      %dma_wait3A_131 = arith.constant 0 : i32
      %dma_wait3A_132 = tpu.memref_slice %arg2[%dma_wait3A_130, %dma_wait3A_131] : memref<32768x40xf32, #tpu.memory_space<hbm>> -> memref<32768x40xf32, #tpu.memory_space<hbm>>
      tpu.wait_indirect_dma semaphore(%arg13 : memref<!tpu.dma_semaphore, #tpu.memory_space<semaphore_mem>>) src(%dma_wait3A_132 : memref<32768x40xf32, #tpu.memory_space<hbm>>) dst(%dma_wait3A_128 : memref<128x40xf32, #tpu.memory_space<vmem>>)
      %dma_wait3A_133 = arith.constant 640 : i32
      %dma_wait3A_134 = arith.constant 0 : i32
      %dma_wait3A_135 = tpu.memref_slice %arg12[%dma_wait3A_133, %dma_wait3A_134] : memref<1024x40xf32, #tpu.memory_space<vmem>> -> memref<128x40xf32, #tpu.memory_space<vmem>>
      %dma_wait3A_136 = tpu.memref_slice %arg8[%add3A_69] : memref<8192xi32, #tpu.memory_space<vmem>> -> memref<128xi32, #tpu.memory_space<vmem>>
      %dma_wait3A_137 = arith.constant 0 : i32
      %dma_wait3A_138 = arith.constant 0 : i32
      %dma_wait3A_139 = tpu.memref_slice %arg2[%dma_wait3A_137, %dma_wait3A_138] : memref<32768x40xf32, #tpu.memory_space<hbm>> -> memref<32768x40xf32, #tpu.memory_space<hbm>>
      tpu.wait_indirect_dma semaphore(%arg13 : memref<!tpu.dma_semaphore, #tpu.memory_space<semaphore_mem>>) src(%dma_wait3A_139 : memref<32768x40xf32, #tpu.memory_space<hbm>>) dst(%dma_wait3A_135 : memref<128x40xf32, #tpu.memory_space<vmem>>)
      %dma_wait3A_140 = arith.constant 768 : i32
      %dma_wait3A_141 = arith.constant 0 : i32
      %dma_wait3A_142 = tpu.memref_slice %arg12[%dma_wait3A_140, %dma_wait3A_141] : memref<1024x40xf32, #tpu.memory_space<vmem>> -> memref<128x40xf32, #tpu.memory_space<vmem>>
      %dma_wait3A_143 = tpu.memref_slice %arg8[%add3A_80] : memref<8192xi32, #tpu.memory_space<vmem>> -> memref<128xi32, #tpu.memory_space<vmem>>
      %dma_wait3A_144 = arith.constant 0 : i32
      %dma_wait3A_145 = arith.constant 0 : i32
      %dma_wait3A_146 = tpu.memref_slice %arg2[%dma_wait3A_144, %dma_wait3A_145] : memref<32768x40xf32, #tpu.memory_space<hbm>> -> memref<32768x40xf32, #tpu.memory_space<hbm>>
      tpu.wait_indirect_dma semaphore(%arg13 : memref<!tpu.dma_semaphore, #tpu.memory_space<semaphore_mem>>) src(%dma_wait3A_146 : memref<32768x40xf32, #tpu.memory_space<hbm>>) dst(%dma_wait3A_142 : memref<128x40xf32, #tpu.memory_space<vmem>>)
      %dma_wait3A_147 = arith.constant 896 : i32
      %dma_wait3A_148 = arith.constant 0 : i32
      %dma_wait3A_149 = tpu.memref_slice %arg12[%dma_wait3A_147, %dma_wait3A_148] : memref<1024x40xf32, #tpu.memory_space<vmem>> -> memref<128x40xf32, #tpu.memory_space<vmem>>
      %dma_wait3A_150 = tpu.memref_slice %arg8[%add3A_91] : memref<8192xi32, #tpu.memory_space<vmem>> -> memref<128xi32, #tpu.memory_space<vmem>>
      %dma_wait3A_151 = arith.constant 0 : i32
      %dma_wait3A_152 = arith.constant 0 : i32
      %dma_wait3A_153 = tpu.memref_slice %arg2[%dma_wait3A_151, %dma_wait3A_152] : memref<32768x40xf32, #tpu.memory_space<hbm>> -> memref<32768x40xf32, #tpu.memory_space<hbm>>
      tpu.wait_indirect_dma semaphore(%arg13 : memref<!tpu.dma_semaphore, #tpu.memory_space<semaphore_mem>>) src(%dma_wait3A_153 : memref<32768x40xf32, #tpu.memory_space<hbm>>) dst(%dma_wait3A_149 : memref<128x40xf32, #tpu.memory_space<vmem>>)
      %scan3A_154 = arith.constant 0 : i32
      %scan3A_155 = arith.constant 0 : i32
      %scan3A_156 = arith.constant 32 : i32
      %scan3A_157 = arith.addi %scan3A_155, %scan3A_156 : i32
      %scan3A_158 = arith.constant 1 : i32
      scf.for %scan3A_165 = %scan3A_155 to %scan3A_157 step %scan3A_158  : i32 {
        %mul3A_166 = arith.constant 32 : i32
        %mul3A_167 = arith.muli %scan3A_11, %mul3A_166 : i32
        %add3A_168 = arith.addi %mul3A_167, %scan3A_165 : i32
        %get3A = arith.index_cast %add3A_168 : i32 to index
        %get3A_169 = tpu.vector_load %arg9[%get3A] {strides = array<i32>} : memref<272xf32, #tpu.memory_space<vmem>>, vector<16xf32>,
        %get3A_170 = vector.shape_cast %get3A_169 : vector<16xf32> to vector<16xf32>
        %slice3A = vector.extract_strided_slice %get3A_170 {offsets = [0], sizes = [1], strides = [1]} : vector<16xf32> to vector<1xf32>
        %squeeze3A = vector.extract %slice3A[0] : f32 from vector<1xf32>
        %get3A_171 = arith.index_cast %add3A_168 : i32 to index
        %get3A_172 = tpu.vector_load %arg10[%get3A_171] {strides = array<i32>} : memref<272xf32, #tpu.memory_space<vmem>>, vector<16xf32>,
        %get3A_173 = vector.shape_cast %get3A_172 : vector<16xf32> to vector<16xf32>
        %slice3A_174 = vector.extract_strided_slice %get3A_173 {offsets = [0], sizes = [1], strides = [1]} : vector<16xf32> to vector<1xf32>
        %squeeze3A_175 = vector.extract %slice3A_174[0] : f32 from vector<1xf32>
        %get3A_176 = arith.index_cast %add3A_168 : i32 to index
        %get3A_177 = tpu.vector_load %arg11[%get3A_176] {strides = array<i32>} : memref<272xf32, #tpu.memory_space<vmem>>, vector<16xf32>,
        %get3A_178 = vector.shape_cast %get3A_177 : vector<16xf32> to vector<16xf32>
        %slice3A_179 = vector.extract_strided_slice %get3A_178 {offsets = [0], sizes = [1], strides = [1]} : vector<16xf32> to vector<1xf32>
        %squeeze3A_180 = vector.extract %slice3A_179[0] : f32 from vector<1xf32>
        %eq3A = arith.constant 0 : i32
        %eq3A_181 = vector.broadcast %eq3A : i32 to vector<16xi32>
        %eq3A_182 = arith.cmpi eq, %iota3A, %eq3A_181 : vector<16xi32>
        %eq3A_183 = arith.constant 1 : i32
        %eq3A_184 = vector.broadcast %eq3A_183 : i32 to vector<16xi32>
        %eq3A_185 = arith.cmpi eq, %iota3A, %eq3A_184 : vector<16xi32>
        %eq3A_186 = arith.constant 2 : i32
        %eq3A_187 = vector.broadcast %eq3A_186 : i32 to vector<16xi32>
        %eq3A_188 = arith.cmpi eq, %iota3A, %eq3A_187 : vector<16xi32>
        %broadcast_in_dim3A_189 = vector.broadcast %squeeze3A_180 : f32 to vector<16xf32>
        %select_n3A = arith.select %eq3A_188, %broadcast_in_dim3A_189, %broadcast_in_dim3A_5 : vector<16xi1>, vector<16xf32>
        %broadcast_in_dim3A_190 = vector.broadcast %squeeze3A_175 : f32 to vector<16xf32>
        %select_n3A_191 = arith.select %eq3A_185, %broadcast_in_dim3A_190, %select_n3A : vector<16xi1>, vector<16xf32>
        %broadcast_in_dim3A_192 = vector.broadcast %squeeze3A : f32 to vector<16xf32>
        %select_n3A_193 = arith.select %eq3A_182, %broadcast_in_dim3A_192, %select_n3A_191 : vector<16xi1>, vector<16xf32>
        %mul3A_194 = arith.constant 32 : i32
        %mul3A_195 = arith.muli %scan3A_165, %mul3A_194 : i32
        %add3A_196 = arith.constant 0 : i32
        %add3A_197 = arith.addi %mul3A_195, %add3A_196 : i32
        %get3A_198 = arith.index_cast %add3A_197 : i32 to index
        %get3A_199 = arith.constant 0 : index
        %get3A_200 = tpu.vector_load %arg12[%get3A_198, %get3A_199] {strides = array<i32>} : memref<1024x40xf32, #tpu.memory_space<vmem>>, vector<1x16xf32>,
        %get3A_201 = vector.shape_cast %get3A_200 : vector<1x16xf32> to vector<16xf32>
        %sub3A = arith.subf %get3A_201, %select_n3A_193 : vector<16xf32>
        %swap3A = arith.index_cast %add3A_197 : i32 to index
        %swap3A_202 = arith.constant 0 : index
        %swap3A_203 = tpu.vector_load %arg12[%swap3A, %swap3A_202] {strides = array<i32>} : memref<1024x40xf32, #tpu.memory_space<vmem>>, vector<1x16xf32>,
        %swap3A_204 = vector.shape_cast %swap3A_203 : vector<1x16xf32> to vector<16xf32>
        %swap3A_205 = vector.shape_cast %sub3A : vector<16xf32> to vector<1x16xf32>
        tpu.vector_store %arg12[%swap3A, %swap3A_202], %swap3A_205 {strides = array<i32>} : memref<1024x40xf32, #tpu.memory_space<vmem>>, vector<1x16xf32>,
        %mul3A_206 = arith.constant 32 : i32
        %mul3A_207 = arith.muli %scan3A_165, %mul3A_206 : i32
        %add3A_208 = arith.constant 1 : i32
        %add3A_209 = arith.addi %mul3A_207, %add3A_208 : i32
        %get3A_210 = arith.index_cast %add3A_209 : i32 to index
        %get3A_211 = arith.constant 0 : index
        %get3A_212 = tpu.vector_load %arg12[%get3A_210, %get3A_211] {strides = array<i32>} : memref<1024x40xf32, #tpu.memory_space<vmem>>, vector<1x16xf32>,
        %get3A_213 = vector.shape_cast %get3A_212 : vector<1x16xf32> to vector<16xf32>
        %sub3A_214 = arith.subf %get3A_213, %select_n3A_193 : vector<16xf32>
        %swap3A_215 = arith.index_cast %add3A_209 : i32 to index
        %swap3A_216 = arith.constant 0 : index
        %swap3A_217 = tpu.vector_load %arg12[%swap3A_215, %swap3A_216] {strides = array<i32>} : memref<1024x40xf32, #tpu.memory_space<vmem>>, vector<1x16xf32>,
        %swap3A_218 = vector.shape_cast %swap3A_217 : vector<1x16xf32> to vector<16xf32>
        %swap3A_219 = vector.shape_cast %sub3A_214 : vector<16xf32> to vector<1x16xf32>
        tpu.vector_store %arg12[%swap3A_215, %swap3A_216], %swap3A_219 {strides = array<i32>} : memref<1024x40xf32, #tpu.memory_space<vmem>>, vector<1x16xf32>,
        %mul3A_220 = arith.constant 32 : i32
        %mul3A_221 = arith.muli %scan3A_165, %mul3A_220 : i32
        %add3A_222 = arith.constant 2 : i32
        %add3A_223 = arith.addi %mul3A_221, %add3A_222 : i32
        %get3A_224 = arith.index_cast %add3A_223 : i32 to index
        %get3A_225 = arith.constant 0 : index
        %get3A_226 = tpu.vector_load %arg12[%get3A_224, %get3A_225] {strides = array<i32>} : memref<1024x40xf32, #tpu.memory_space<vmem>>, vector<1x16xf32>,
        %get3A_227 = vector.shape_cast %get3A_226 : vector<1x16xf32> to vector<16xf32>
        %sub3A_228 = arith.subf %get3A_227, %select_n3A_193 : vector<16xf32>
        %swap3A_229 = arith.index_cast %add3A_223 : i32 to index
        %swap3A_230 = arith.constant 0 : index
        %swap3A_231 = tpu.vector_load %arg12[%swap3A_229, %swap3A_230] {strides = array<i32>} : memref<1024x40xf32, #tpu.memory_space<vmem>>, vector<1x16xf32>,
        %swap3A_232 = vector.shape_cast %swap3A_231 : vector<1x16xf32> to vector<16xf32>
        %swap3A_233 = vector.shape_cast %sub3A_228 : vector<16xf32> to vector<1x16xf32>
        tpu.vector_store %arg12[%swap3A_229, %swap3A_230], %swap3A_233 {strides = array<i32>} : memref<1024x40xf32, #tpu.memory_space<vmem>>, vector<1x16xf32>,
        %mul3A_234 = arith.constant 32 : i32
        %mul3A_235 = arith.muli %scan3A_165, %mul3A_234 : i32
        %add3A_236 = arith.constant 3 : i32
        %add3A_237 = arith.addi %mul3A_235, %add3A_236 : i32
        %get3A_238 = arith.index_cast %add3A_237 : i32 to index
        %get3A_239 = arith.constant 0 : index
        %get3A_240 = tpu.vector_load %arg12[%get3A_238, %get3A_239] {strides = array<i32>} : memref<1024x40xf32, #tpu.memory_space<vmem>>, vector<1x16xf32>,
        %get3A_241 = vector.shape_cast %get3A_240 : vector<1x16xf32> to vector<16xf32>
        %sub3A_242 = arith.subf %get3A_241, %select_n3A_193 : vector<16xf32>
        %swap3A_243 = arith.index_cast %add3A_237 : i32 to index
        %swap3A_244 = arith.constant 0 : index
        %swap3A_245 = tpu.vector_load %arg12[%swap3A_243, %swap3A_244] {strides = array<i32>} : memref<1024x40xf32, #tpu.memory_space<vmem>>, vector<1x16xf32>,
        %swap3A_246 = vector.shape_cast %swap3A_245 : vector<1x16xf32> to vector<16xf32>
        %swap3A_247 = vector.shape_cast %sub3A_242 : vector<16xf32> to vector<1x16xf32>
        tpu.vector_store %arg12[%swap3A_243, %swap3A_244], %swap3A_247 {strides = array<i32>} : memref<1024x40xf32, #tpu.memory_space<vmem>>, vector<1x16xf32>,
        %mul3A_248 = arith.constant 32 : i32
        %mul3A_249 = arith.muli %scan3A_165, %mul3A_248 : i32
        %add3A_250 = arith.constant 4 : i32
        %add3A_251 = arith.addi %mul3A_249, %add3A_250 : i32
        %get3A_252 = arith.index_cast %add3A_251 : i32 to index
        %get3A_253 = arith.constant 0 : index
        %get3A_254 = tpu.vector_load %arg12[%get3A_252, %get3A_253] {strides = array<i32>} : memref<1024x40xf32, #tpu.memory_space<vmem>>, vector<1x16xf32>,
        %get3A_255 = vector.shape_cast %get3A_254 : vector<1x16xf32> to vector<16xf32>
        %sub3A_256 = arith.subf %get3A_255, %select_n3A_193 : vector<16xf32>
        %swap3A_257 = arith.index_cast %add3A_251 : i32 to index
        %swap3A_258 = arith.constant 0 : index
        %swap3A_259 = tpu.vector_load %arg12[%swap3A_257, %swap3A_258] {strides = array<i32>} : memref<1024x40xf32, #tpu.memory_space<vmem>>, vector<1x16xf32>,
        %swap3A_260 = vector.shape_cast %swap3A_259 : vector<1x16xf32> to vector<16xf32>
        %swap3A_261 = vector.shape_cast %sub3A_256 : vector<16xf32> to vector<1x16xf32>
        tpu.vector_store %arg12[%swap3A_257, %swap3A_258], %swap3A_261 {strides = array<i32>} : memref<1024x40xf32, #tpu.memory_space<vmem>>, vector<1x16xf32>,
        %mul3A_262 = arith.constant 32 : i32
        %mul3A_263 = arith.muli %scan3A_165, %mul3A_262 : i32
        %add3A_264 = arith.constant 5 : i32
        %add3A_265 = arith.addi %mul3A_263, %add3A_264 : i32
        %get3A_266 = arith.index_cast %add3A_265 : i32 to index
        %get3A_267 = arith.constant 0 : index
        %get3A_268 = tpu.vector_load %arg12[%get3A_266, %get3A_267] {strides = array<i32>} : memref<1024x40xf32, #tpu.memory_space<vmem>>, vector<1x16xf32>,
        %get3A_269 = vector.shape_cast %get3A_268 : vector<1x16xf32> to vector<16xf32>
        %sub3A_270 = arith.subf %get3A_269, %select_n3A_193 : vector<16xf32>
        %swap3A_271 = arith.index_cast %add3A_265 : i32 to index
        %swap3A_272 = arith.constant 0 : index
        %swap3A_273 = tpu.vector_load %arg12[%swap3A_271, %swap3A_272] {strides = array<i32>} : memref<1024x40xf32, #tpu.memory_space<vmem>>, vector<1x16xf32>,
        %swap3A_274 = vector.shape_cast %swap3A_273 : vector<1x16xf32> to vector<16xf32>
        %swap3A_275 = vector.shape_cast %sub3A_270 : vector<16xf32> to vector<1x16xf32>
        tpu.vector_store %arg12[%swap3A_271, %swap3A_272], %swap3A_275 {strides = array<i32>} : memref<1024x40xf32, #tpu.memory_space<vmem>>, vector<1x16xf32>,
        %mul3A_276 = arith.constant 32 : i32
        %mul3A_277 = arith.muli %scan3A_165, %mul3A_276 : i32
        %add3A_278 = arith.constant 6 : i32
        %add3A_279 = arith.addi %mul3A_277, %add3A_278 : i32
        %get3A_280 = arith.index_cast %add3A_279 : i32 to index
        %get3A_281 = arith.constant 0 : index
        %get3A_282 = tpu.vector_load %arg12[%get3A_280, %get3A_281] {strides = array<i32>} : memref<1024x40xf32, #tpu.memory_space<vmem>>, vector<1x16xf32>,
        %get3A_283 = vector.shape_cast %get3A_282 : vector<1x16xf32> to vector<16xf32>
        %sub3A_284 = arith.subf %get3A_283, %select_n3A_193 : vector<16xf32>
        %swap3A_285 = arith.index_cast %add3A_279 : i32 to index
        %swap3A_286 = arith.constant 0 : index
        %swap3A_287 = tpu.vector_load %arg12[%swap3A_285, %swap3A_286] {strides = array<i32>} : memref<1024x40xf32, #tpu.memory_space<vmem>>, vector<1x16xf32>,
        %swap3A_288 = vector.shape_cast %swap3A_287 : vector<1x16xf32> to vector<16xf32>
        %swap3A_289 = vector.shape_cast %sub3A_284 : vector<16xf32> to vector<1x16xf32>
        tpu.vector_store %arg12[%swap3A_285, %swap3A_286], %swap3A_289 {strides = array<i32>} : memref<1024x40xf32, #tpu.memory_space<vmem>>, vector<1x16xf32>,
        %mul3A_290 = arith.constant 32 : i32
        %mul3A_291 = arith.muli %scan3A_165, %mul3A_290 : i32
        %add3A_292 = arith.constant 7 : i32
        %add3A_293 = arith.addi %mul3A_291, %add3A_292 : i32
        %get3A_294 = arith.index_cast %add3A_293 : i32 to index
        %get3A_295 = arith.constant 0 : index
        %get3A_296 = tpu.vector_load %arg12[%get3A_294, %get3A_295] {strides = array<i32>} : memref<1024x40xf32, #tpu.memory_space<vmem>>, vector<1x16xf32>,
        %get3A_297 = vector.shape_cast %get3A_296 : vector<1x16xf32> to vector<16xf32>
        %sub3A_298 = arith.subf %get3A_297, %select_n3A_193 : vector<16xf32>
        %swap3A_299 = arith.index_cast %add3A_293 : i32 to index
        %swap3A_300 = arith.constant 0 : index
        %swap3A_301 = tpu.vector_load %arg12[%swap3A_299, %swap3A_300] {strides = array<i32>} : memref<1024x40xf32, #tpu.memory_space<vmem>>, vector<1x16xf32>,
        %swap3A_302 = vector.shape_cast %swap3A_301 : vector<1x16xf32> to vector<16xf32>
        %swap3A_303 = vector.shape_cast %sub3A_298 : vector<16xf32> to vector<1x16xf32>
        tpu.vector_store %arg12[%swap3A_299, %swap3A_300], %swap3A_303 {strides = array<i32>} : memref<1024x40xf32, #tpu.memory_space<vmem>>, vector<1x16xf32>,
        %mul3A_304 = arith.constant 32 : i32
        %mul3A_305 = arith.muli %scan3A_165, %mul3A_304 : i32
        %add3A_306 = arith.constant 8 : i32
        %add3A_307 = arith.addi %mul3A_305, %add3A_306 : i32
        %get3A_308 = arith.index_cast %add3A_307 : i32 to index
        %get3A_309 = arith.constant 0 : index
        %get3A_310 = tpu.vector_load %arg12[%get3A_308, %get3A_309] {strides = array<i32>} : memref<1024x40xf32, #tpu.memory_space<vmem>>, vector<1x16xf32>,
        %get3A_311 = vector.shape_cast %get3A_310 : vector<1x16xf32> to vector<16xf32>
        %sub3A_312 = arith.subf %get3A_311, %select_n3A_193 : vector<16xf32>
        %swap3A_313 = arith.index_cast %add3A_307 : i32 to index
        %swap3A_314 = arith.constant 0 : index
        %swap3A_315 = tpu.vector_load %arg12[%swap3A_313, %swap3A_314] {strides = array<i32>} : memref<1024x40xf32, #tpu.memory_space<vmem>>, vector<1x16xf32>,
        %swap3A_316 = vector.shape_cast %swap3A_315 : vector<1x16xf32> to vector<16xf32>
        %swap3A_317 = vector.shape_cast %sub3A_312 : vector<16xf32> to vector<1x16xf32>
        tpu.vector_store %arg12[%swap3A_313, %swap3A_314], %swap3A_317 {strides = array<i32>} : memref<1024x40xf32, #tpu.memory_space<vmem>>, vector<1x16xf32>,
        %mul3A_318 = arith.constant 32 : i32
        %mul3A_319 = arith.muli %scan3A_165, %mul3A_318 : i32
        %add3A_320 = arith.constant 9 : i32
        %add3A_321 = arith.addi %mul3A_319, %add3A_320 : i32
        %get3A_322 = arith.index_cast %add3A_321 : i32 to index
        %get3A_323 = arith.constant 0 : index
        %get3A_324 = tpu.vector_load %arg12[%get3A_322, %get3A_323] {strides = array<i32>} : memref<1024x40xf32, #tpu.memory_space<vmem>>, vector<1x16xf32>,
        %get3A_325 = vector.shape_cast %get3A_324 : vector<1x16xf32> to vector<16xf32>
        %sub3A_326 = arith.subf %get3A_325, %select_n3A_193 : vector<16xf32>
        %swap3A_327 = arith.index_cast %add3A_321 : i32 to index
        %swap3A_328 = arith.constant 0 : index
        %swap3A_329 = tpu.vector_load %arg12[%swap3A_327, %swap3A_328] {strides = array<i32>} : memref<1024x40xf32, #tpu.memory_space<vmem>>, vector<1x16xf32>,
        %swap3A_330 = vector.shape_cast %swap3A_329 : vector<1x16xf32> to vector<16xf32>
        %swap3A_331 = vector.shape_cast %sub3A_326 : vector<16xf32> to vector<1x16xf32>
        tpu.vector_store %arg12[%swap3A_327, %swap3A_328], %swap3A_331 {strides = array<i32>} : memref<1024x40xf32, #tpu.memory_space<vmem>>, vector<1x16xf32>,
        %mul3A_332 = arith.constant 32 : i32
        %mul3A_333 = arith.muli %scan3A_165, %mul3A_332 : i32
        %add3A_334 = arith.constant 10 : i32
        %add3A_335 = arith.addi %mul3A_333, %add3A_334 : i32
        %get3A_336 = arith.index_cast %add3A_335 : i32 to index
        %get3A_337 = arith.constant 0 : index
        %get3A_338 = tpu.vector_load %arg12[%get3A_336, %get3A_337] {strides = array<i32>} : memref<1024x40xf32, #tpu.memory_space<vmem>>, vector<1x16xf32>,
        %get3A_339 = vector.shape_cast %get3A_338 : vector<1x16xf32> to vector<16xf32>
        %sub3A_340 = arith.subf %get3A_339, %select_n3A_193 : vector<16xf32>
        %swap3A_341 = arith.index_cast %add3A_335 : i32 to index
        %swap3A_342 = arith.constant 0 : index
        %swap3A_343 = tpu.vector_load %arg12[%swap3A_341, %swap3A_342] {strides = array<i32>} : memref<1024x40xf32, #tpu.memory_space<vmem>>, vector<1x16xf32>,
        %swap3A_344 = vector.shape_cast %swap3A_343 : vector<1x16xf32> to vector<16xf32>
        %swap3A_345 = vector.shape_cast %sub3A_340 : vector<16xf32> to vector<1x16xf32>
        tpu.vector_store %arg12[%swap3A_341, %swap3A_342], %swap3A_345 {strides = array<i32>} : memref<1024x40xf32, #tpu.memory_space<vmem>>, vector<1x16xf32>,
        %mul3A_346 = arith.constant 32 : i32
        %mul3A_347 = arith.muli %scan3A_165, %mul3A_346 : i32
        %add3A_348 = arith.constant 11 : i32
        %add3A_349 = arith.addi %mul3A_347, %add3A_348 : i32
        %get3A_350 = arith.index_cast %add3A_349 : i32 to index
        %get3A_351 = arith.constant 0 : index
        %get3A_352 = tpu.vector_load %arg12[%get3A_350, %get3A_351] {strides = array<i32>} : memref<1024x40xf32, #tpu.memory_space<vmem>>, vector<1x16xf32>,
        %get3A_353 = vector.shape_cast %get3A_352 : vector<1x16xf32> to vector<16xf32>
        %sub3A_354 = arith.subf %get3A_353, %select_n3A_193 : vector<16xf32>
        %swap3A_355 = arith.index_cast %add3A_349 : i32 to index
        %swap3A_356 = arith.constant 0 : index
        %swap3A_357 = tpu.vector_load %arg12[%swap3A_355, %swap3A_356] {strides = array<i32>} : memref<1024x40xf32, #tpu.memory_space<vmem>>, vector<1x16xf32>,
        %swap3A_358 = vector.shape_cast %swap3A_357 : vector<1x16xf32> to vector<16xf32>
        %swap3A_359 = vector.shape_cast %sub3A_354 : vector<16xf32> to vector<1x16xf32>
        tpu.vector_store %arg12[%swap3A_355, %swap3A_356], %swap3A_359 {strides = array<i32>} : memref<1024x40xf32, #tpu.memory_space<vmem>>, vector<1x16xf32>,
        %mul3A_360 = arith.constant 32 : i32
        %mul3A_361 = arith.muli %scan3A_165, %mul3A_360 : i32
        %add3A_362 = arith.constant 12 : i32
        %add3A_363 = arith.addi %mul3A_361, %add3A_362 : i32
        %get3A_364 = arith.index_cast %add3A_363 : i32 to index
        %get3A_365 = arith.constant 0 : index
        %get3A_366 = tpu.vector_load %arg12[%get3A_364, %get3A_365] {strides = array<i32>} : memref<1024x40xf32, #tpu.memory_space<vmem>>, vector<1x16xf32>,
        %get3A_367 = vector.shape_cast %get3A_366 : vector<1x16xf32> to vector<16xf32>
        %sub3A_368 = arith.subf %get3A_367, %select_n3A_193 : vector<16xf32>
        %swap3A_369 = arith.index_cast %add3A_363 : i32 to index
        %swap3A_370 = arith.constant 0 : index
        %swap3A_371 = tpu.vector_load %arg12[%swap3A_369, %swap3A_370] {strides = array<i32>} : memref<1024x40xf32, #tpu.memory_space<vmem>>, vector<1x16xf32>,
        %swap3A_372 = vector.shape_cast %swap3A_371 : vector<1x16xf32> to vector<16xf32>
        %swap3A_373 = vector.shape_cast %sub3A_368 : vector<16xf32> to vector<1x16xf32>
        tpu.vector_store %arg12[%swap3A_369, %swap3A_370], %swap3A_373 {strides = array<i32>} : memref<1024x40xf32, #tpu.memory_space<vmem>>, vector<1x16xf32>,
        %mul3A_374 = arith.constant 32 : i32
        %mul3A_375 = arith.muli %scan3A_165, %mul3A_374 : i32
        %add3A_376 = arith.constant 13 : i32
        %add3A_377 = arith.addi %mul3A_375, %add3A_376 : i32
        %get3A_378 = arith.index_cast %add3A_377 : i32 to index
        %get3A_379 = arith.constant 0 : index
        %get3A_380 = tpu.vector_load %arg12[%get3A_378, %get3A_379] {strides = array<i32>} : memref<1024x40xf32, #tpu.memory_space<vmem>>, vector<1x16xf32>,
        %get3A_381 = vector.shape_cast %get3A_380 : vector<1x16xf32> to vector<16xf32>
        %sub3A_382 = arith.subf %get3A_381, %select_n3A_193 : vector<16xf32>
        %swap3A_383 = arith.index_cast %add3A_377 : i32 to index
        %swap3A_384 = arith.constant 0 : index
        %swap3A_385 = tpu.vector_load %arg12[%swap3A_383, %swap3A_384] {strides = array<i32>} : memref<1024x40xf32, #tpu.memory_space<vmem>>, vector<1x16xf32>,
        %swap3A_386 = vector.shape_cast %swap3A_385 : vector<1x16xf32> to vector<16xf32>
        %swap3A_387 = vector.shape_cast %sub3A_382 : vector<16xf32> to vector<1x16xf32>
        tpu.vector_store %arg12[%swap3A_383, %swap3A_384], %swap3A_387 {strides = array<i32>} : memref<1024x40xf32, #tpu.memory_space<vmem>>, vector<1x16xf32>,
        %mul3A_388 = arith.constant 32 : i32
        %mul3A_389 = arith.muli %scan3A_165, %mul3A_388 : i32
        %add3A_390 = arith.constant 14 : i32
        %add3A_391 = arith.addi %mul3A_389, %add3A_390 : i32
        %get3A_392 = arith.index_cast %add3A_391 : i32 to index
        %get3A_393 = arith.constant 0 : index
        %get3A_394 = tpu.vector_load %arg12[%get3A_392, %get3A_393] {strides = array<i32>} : memref<1024x40xf32, #tpu.memory_space<vmem>>, vector<1x16xf32>,
        %get3A_395 = vector.shape_cast %get3A_394 : vector<1x16xf32> to vector<16xf32>
        %sub3A_396 = arith.subf %get3A_395, %select_n3A_193 : vector<16xf32>
        %swap3A_397 = arith.index_cast %add3A_391 : i32 to index
        %swap3A_398 = arith.constant 0 : index
        %swap3A_399 = tpu.vector_load %arg12[%swap3A_397, %swap3A_398] {strides = array<i32>} : memref<1024x40xf32, #tpu.memory_space<vmem>>, vector<1x16xf32>,
        %swap3A_400 = vector.shape_cast %swap3A_399 : vector<1x16xf32> to vector<16xf32>
        %swap3A_401 = vector.shape_cast %sub3A_396 : vector<16xf32> to vector<1x16xf32>
        tpu.vector_store %arg12[%swap3A_397, %swap3A_398], %swap3A_401 {strides = array<i32>} : memref<1024x40xf32, #tpu.memory_space<vmem>>, vector<1x16xf32>,
        %mul3A_402 = arith.constant 32 : i32
        %mul3A_403 = arith.muli %scan3A_165, %mul3A_402 : i32
        %add3A_404 = arith.constant 15 : i32
        %add3A_405 = arith.addi %mul3A_403, %add3A_404 : i32
        %get3A_406 = arith.index_cast %add3A_405 : i32 to index
        %get3A_407 = arith.constant 0 : index
        %get3A_408 = tpu.vector_load %arg12[%get3A_406, %get3A_407] {strides = array<i32>} : memref<1024x40xf32, #tpu.memory_space<vmem>>, vector<1x16xf32>,
        %get3A_409 = vector.shape_cast %get3A_408 : vector<1x16xf32> to vector<16xf32>
        %sub3A_410 = arith.subf %get3A_409, %select_n3A_193 : vector<16xf32>
        %swap3A_411 = arith.index_cast %add3A_405 : i32 to index
        %swap3A_412 = arith.constant 0 : index
        %swap3A_413 = tpu.vector_load %arg12[%swap3A_411, %swap3A_412] {strides = array<i32>} : memref<1024x40xf32, #tpu.memory_space<vmem>>, vector<1x16xf32>,
        %swap3A_414 = vector.shape_cast %swap3A_413 : vector<1x16xf32> to vector<16xf32>
        %swap3A_415 = vector.shape_cast %sub3A_410 : vector<16xf32> to vector<1x16xf32>
        tpu.vector_store %arg12[%swap3A_411, %swap3A_412], %swap3A_415 {strides = array<i32>} : memref<1024x40xf32, #tpu.memory_space<vmem>>, vector<1x16xf32>,
        %mul3A_416 = arith.constant 32 : i32
        %mul3A_417 = arith.muli %scan3A_165, %mul3A_416 : i32
        %add3A_418 = arith.constant 16 : i32
        %add3A_419 = arith.addi %mul3A_417, %add3A_418 : i32
        %get3A_420 = arith.index_cast %add3A_419 : i32 to index
        %get3A_421 = arith.constant 0 : index
        %get3A_422 = tpu.vector_load %arg12[%get3A_420, %get3A_421] {strides = array<i32>} : memref<1024x40xf32, #tpu.memory_space<vmem>>, vector<1x16xf32>,
        %get3A_423 = vector.shape_cast %get3A_422 : vector<1x16xf32> to vector<16xf32>
        %sub3A_424 = arith.subf %get3A_423, %select_n3A_193 : vector<16xf32>
        %swap3A_425 = arith.index_cast %add3A_419 : i32 to index
        %swap3A_426 = arith.constant 0 : index
        %swap3A_427 = tpu.vector_load %arg12[%swap3A_425, %swap3A_426] {strides = array<i32>} : memref<1024x40xf32, #tpu.memory_space<vmem>>, vector<1x16xf32>,
        %swap3A_428 = vector.shape_cast %swap3A_427 : vector<1x16xf32> to vector<16xf32>
        %swap3A_429 = vector.shape_cast %sub3A_424 : vector<16xf32> to vector<1x16xf32>
        tpu.vector_store %arg12[%swap3A_425, %swap3A_426], %swap3A_429 {strides = array<i32>} : memref<1024x40xf32, #tpu.memory_space<vmem>>, vector<1x16xf32>,
        %mul3A_430 = arith.constant 32 : i32
        %mul3A_431 = arith.muli %scan3A_165, %mul3A_430 : i32
        %add3A_432 = arith.constant 17 : i32
        %add3A_433 = arith.addi %mul3A_431, %add3A_432 : i32
        %get3A_434 = arith.index_cast %add3A_433 : i32 to index
        %get3A_435 = arith.constant 0 : index
        %get3A_436 = tpu.vector_load %arg12[%get3A_434, %get3A_435] {strides = array<i32>} : memref<1024x40xf32, #tpu.memory_space<vmem>>, vector<1x16xf32>,
        %get3A_437 = vector.shape_cast %get3A_436 : vector<1x16xf32> to vector<16xf32>
        %sub3A_438 = arith.subf %get3A_437, %select_n3A_193 : vector<16xf32>
        %swap3A_439 = arith.index_cast %add3A_433 : i32 to index
        %swap3A_440 = arith.constant 0 : index
        %swap3A_441 = tpu.vector_load %arg12[%swap3A_439, %swap3A_440] {strides = array<i32>} : memref<1024x40xf32, #tpu.memory_space<vmem>>, vector<1x16xf32>,
        %swap3A_442 = vector.shape_cast %swap3A_441 : vector<1x16xf32> to vector<16xf32>
        %swap3A_443 = vector.shape_cast %sub3A_438 : vector<16xf32> to vector<1x16xf32>
        tpu.vector_store %arg12[%swap3A_439, %swap3A_440], %swap3A_443 {strides = array<i32>} : memref<1024x40xf32, #tpu.memory_space<vmem>>, vector<1x16xf32>,
        %mul3A_444 = arith.constant 32 : i32
        %mul3A_445 = arith.muli %scan3A_165, %mul3A_444 : i32
        %add3A_446 = arith.constant 18 : i32
        %add3A_447 = arith.addi %mul3A_445, %add3A_446 : i32
        %get3A_448 = arith.index_cast %add3A_447 : i32 to index
        %get3A_449 = arith.constant 0 : index
        %get3A_450 = tpu.vector_load %arg12[%get3A_448, %get3A_449] {strides = array<i32>} : memref<1024x40xf32, #tpu.memory_space<vmem>>, vector<1x16xf32>,
        %get3A_451 = vector.shape_cast %get3A_450 : vector<1x16xf32> to vector<16xf32>
        %sub3A_452 = arith.subf %get3A_451, %select_n3A_193 : vector<16xf32>
        %swap3A_453 = arith.index_cast %add3A_447 : i32 to index
        %swap3A_454 = arith.constant 0 : index
        %swap3A_455 = tpu.vector_load %arg12[%swap3A_453, %swap3A_454] {strides = array<i32>} : memref<1024x40xf32, #tpu.memory_space<vmem>>, vector<1x16xf32>,
        %swap3A_456 = vector.shape_cast %swap3A_455 : vector<1x16xf32> to vector<16xf32>
        %swap3A_457 = vector.shape_cast %sub3A_452 : vector<16xf32> to vector<1x16xf32>
        tpu.vector_store %arg12[%swap3A_453, %swap3A_454], %swap3A_457 {strides = array<i32>} : memref<1024x40xf32, #tpu.memory_space<vmem>>, vector<1x16xf32>,
        %mul3A_458 = arith.constant 32 : i32
        %mul3A_459 = arith.muli %scan3A_165, %mul3A_458 : i32
        %add3A_460 = arith.constant 19 : i32
        %add3A_461 = arith.addi %mul3A_459, %add3A_460 : i32
        %get3A_462 = arith.index_cast %add3A_461 : i32 to index
        %get3A_463 = arith.constant 0 : index
        %get3A_464 = tpu.vector_load %arg12[%get3A_462, %get3A_463] {strides = array<i32>} : memref<1024x40xf32, #tpu.memory_space<vmem>>, vector<1x16xf32>,
        %get3A_465 = vector.shape_cast %get3A_464 : vector<1x16xf32> to vector<16xf32>
        %sub3A_466 = arith.subf %get3A_465, %select_n3A_193 : vector<16xf32>
        %swap3A_467 = arith.index_cast %add3A_461 : i32 to index
        %swap3A_468 = arith.constant 0 : index
        %swap3A_469 = tpu.vector_load %arg12[%swap3A_467, %swap3A_468] {strides = array<i32>} : memref<1024x40xf32, #tpu.memory_space<vmem>>, vector<1x16xf32>,
        %swap3A_470 = vector.shape_cast %swap3A_469 : vector<1x16xf32> to vector<16xf32>
        %swap3A_471 = vector.shape_cast %sub3A_466 : vector<16xf32> to vector<1x16xf32>
        tpu.vector_store %arg12[%swap3A_467, %swap3A_468], %swap3A_471 {strides = array<i32>} : memref<1024x40xf32, #tpu.memory_space<vmem>>, vector<1x16xf32>,
        %mul3A_472 = arith.constant 32 : i32
        %mul3A_473 = arith.muli %scan3A_165, %mul3A_472 : i32
        %add3A_474 = arith.constant 20 : i32
        %add3A_475 = arith.addi %mul3A_473, %add3A_474 : i32
        %get3A_476 = arith.index_cast %add3A_475 : i32 to index
        %get3A_477 = arith.constant 0 : index
        %get3A_478 = tpu.vector_load %arg12[%get3A_476, %get3A_477] {strides = array<i32>} : memref<1024x40xf32, #tpu.memory_space<vmem>>, vector<1x16xf32>,
        %get3A_479 = vector.shape_cast %get3A_478 : vector<1x16xf32> to vector<16xf32>
        %sub3A_480 = arith.subf %get3A_479, %select_n3A_193 : vector<16xf32>
        %swap3A_481 = arith.index_cast %add3A_475 : i32 to index
        %swap3A_482 = arith.constant 0 : index
        %swap3A_483 = tpu.vector_load %arg12[%swap3A_481, %swap3A_482] {strides = array<i32>} : memref<1024x40xf32, #tpu.memory_space<vmem>>, vector<1x16xf32>,
        %swap3A_484 = vector.shape_cast %swap3A_483 : vector<1x16xf32> to vector<16xf32>
        %swap3A_485 = vector.shape_cast %sub3A_480 : vector<16xf32> to vector<1x16xf32>
        tpu.vector_store %arg12[%swap3A_481, %swap3A_482], %swap3A_485 {strides = array<i32>} : memref<1024x40xf32, #tpu.memory_space<vmem>>, vector<1x16xf32>,
        %mul3A_486 = arith.constant 32 : i32
        %mul3A_487 = arith.muli %scan3A_165, %mul3A_486 : i32
        %add3A_488 = arith.constant 21 : i32
        %add3A_489 = arith.addi %mul3A_487, %add3A_488 : i32
        %get3A_490 = arith.index_cast %add3A_489 : i32 to index
        %get3A_491 = arith.constant 0 : index
        %get3A_492 = tpu.vector_load %arg12[%get3A_490, %get3A_491] {strides = array<i32>} : memref<1024x40xf32, #tpu.memory_space<vmem>>, vector<1x16xf32>,
        %get3A_493 = vector.shape_cast %get3A_492 : vector<1x16xf32> to vector<16xf32>
        %sub3A_494 = arith.subf %get3A_493, %select_n3A_193 : vector<16xf32>
        %swap3A_495 = arith.index_cast %add3A_489 : i32 to index
        %swap3A_496 = arith.constant 0 : index
        %swap3A_497 = tpu.vector_load %arg12[%swap3A_495, %swap3A_496] {strides = array<i32>} : memref<1024x40xf32, #tpu.memory_space<vmem>>, vector<1x16xf32>,
        %swap3A_498 = vector.shape_cast %swap3A_497 : vector<1x16xf32> to vector<16xf32>
        %swap3A_499 = vector.shape_cast %sub3A_494 : vector<16xf32> to vector<1x16xf32>
        tpu.vector_store %arg12[%swap3A_495, %swap3A_496], %swap3A_499 {strides = array<i32>} : memref<1024x40xf32, #tpu.memory_space<vmem>>, vector<1x16xf32>,
        %mul3A_500 = arith.constant 32 : i32
        %mul3A_501 = arith.muli %scan3A_165, %mul3A_500 : i32
        %add3A_502 = arith.constant 22 : i32
        %add3A_503 = arith.addi %mul3A_501, %add3A_502 : i32
        %get3A_504 = arith.index_cast %add3A_503 : i32 to index
        %get3A_505 = arith.constant 0 : index
        %get3A_506 = tpu.vector_load %arg12[%get3A_504, %get3A_505] {strides = array<i32>} : memref<1024x40xf32, #tpu.memory_space<vmem>>, vector<1x16xf32>,
        %get3A_507 = vector.shape_cast %get3A_506 : vector<1x16xf32> to vector<16xf32>
        %sub3A_508 = arith.subf %get3A_507, %select_n3A_193 : vector<16xf32>
        %swap3A_509 = arith.index_cast %add3A_503 : i32 to index
        %swap3A_510 = arith.constant 0 : index
        %swap3A_511 = tpu.vector_load %arg12[%swap3A_509, %swap3A_510] {strides = array<i32>} : memref<1024x40xf32, #tpu.memory_space<vmem>>, vector<1x16xf32>,
        %swap3A_512 = vector.shape_cast %swap3A_511 : vector<1x16xf32> to vector<16xf32>
        %swap3A_513 = vector.shape_cast %sub3A_508 : vector<16xf32> to vector<1x16xf32>
        tpu.vector_store %arg12[%swap3A_509, %swap3A_510], %swap3A_513 {strides = array<i32>} : memref<1024x40xf32, #tpu.memory_space<vmem>>, vector<1x16xf32>,
        %mul3A_514 = arith.constant 32 : i32
        %mul3A_515 = arith.muli %scan3A_165, %mul3A_514 : i32
        %add3A_516 = arith.constant 23 : i32
        %add3A_517 = arith.addi %mul3A_515, %add3A_516 : i32
        %get3A_518 = arith.index_cast %add3A_517 : i32 to index
        %get3A_519 = arith.constant 0 : index
        %get3A_520 = tpu.vector_load %arg12[%get3A_518, %get3A_519] {strides = array<i32>} : memref<1024x40xf32, #tpu.memory_space<vmem>>, vector<1x16xf32>,
        %get3A_521 = vector.shape_cast %get3A_520 : vector<1x16xf32> to vector<16xf32>
        %sub3A_522 = arith.subf %get3A_521, %select_n3A_193 : vector<16xf32>
        %swap3A_523 = arith.index_cast %add3A_517 : i32 to index
        %swap3A_524 = arith.constant 0 : index
        %swap3A_525 = tpu.vector_load %arg12[%swap3A_523, %swap3A_524] {strides = array<i32>} : memref<1024x40xf32, #tpu.memory_space<vmem>>, vector<1x16xf32>,
        %swap3A_526 = vector.shape_cast %swap3A_525 : vector<1x16xf32> to vector<16xf32>
        %swap3A_527 = vector.shape_cast %sub3A_522 : vector<16xf32> to vector<1x16xf32>
        tpu.vector_store %arg12[%swap3A_523, %swap3A_524], %swap3A_527 {strides = array<i32>} : memref<1024x40xf32, #tpu.memory_space<vmem>>, vector<1x16xf32>,
        %mul3A_528 = arith.constant 32 : i32
        %mul3A_529 = arith.muli %scan3A_165, %mul3A_528 : i32
        %add3A_530 = arith.constant 24 : i32
        %add3A_531 = arith.addi %mul3A_529, %add3A_530 : i32
        %get3A_532 = arith.index_cast %add3A_531 : i32 to index
        %get3A_533 = arith.constant 0 : index
        %get3A_534 = tpu.vector_load %arg12[%get3A_532, %get3A_533] {strides = array<i32>} : memref<1024x40xf32, #tpu.memory_space<vmem>>, vector<1x16xf32>,
        %get3A_535 = vector.shape_cast %get3A_534 : vector<1x16xf32> to vector<16xf32>
        %sub3A_536 = arith.subf %get3A_535, %select_n3A_193 : vector<16xf32>
        %swap3A_537 = arith.index_cast %add3A_531 : i32 to index
        %swap3A_538 = arith.constant 0 : index
        %swap3A_539 = tpu.vector_load %arg12[%swap3A_537, %swap3A_538] {strides = array<i32>} : memref<1024x40xf32, #tpu.memory_space<vmem>>, vector<1x16xf32>,
        %swap3A_540 = vector.shape_cast %swap3A_539 : vector<1x16xf32> to vector<16xf32>
        %swap3A_541 = vector.shape_cast %sub3A_536 : vector<16xf32> to vector<1x16xf32>
        tpu.vector_store %arg12[%swap3A_537, %swap3A_538], %swap3A_541 {strides = array<i32>} : memref<1024x40xf32, #tpu.memory_space<vmem>>, vector<1x16xf32>,
        %mul3A_542 = arith.constant 32 : i32
        %mul3A_543 = arith.muli %scan3A_165, %mul3A_542 : i32
        %add3A_544 = arith.constant 25 : i32
        %add3A_545 = arith.addi %mul3A_543, %add3A_544 : i32
        %get3A_546 = arith.index_cast %add3A_545 : i32 to index
        %get3A_547 = arith.constant 0 : index
        %get3A_548 = tpu.vector_load %arg12[%get3A_546, %get3A_547] {strides = array<i32>} : memref<1024x40xf32, #tpu.memory_space<vmem>>, vector<1x16xf32>,
        %get3A_549 = vector.shape_cast %get3A_548 : vector<1x16xf32> to vector<16xf32>
        %sub3A_550 = arith.subf %get3A_549, %select_n3A_193 : vector<16xf32>
        %swap3A_551 = arith.index_cast %add3A_545 : i32 to index
        %swap3A_552 = arith.constant 0 : index
        %swap3A_553 = tpu.vector_load %arg12[%swap3A_551, %swap3A_552] {strides = array<i32>} : memref<1024x40xf32, #tpu.memory_space<vmem>>, vector<1x16xf32>,
        %swap3A_554 = vector.shape_cast %swap3A_553 : vector<1x16xf32> to vector<16xf32>
        %swap3A_555 = vector.shape_cast %sub3A_550 : vector<16xf32> to vector<1x16xf32>
        tpu.vector_store %arg12[%swap3A_551, %swap3A_552], %swap3A_555 {strides = array<i32>} : memref<1024x40xf32, #tpu.memory_space<vmem>>, vector<1x16xf32>,
        %mul3A_556 = arith.constant 32 : i32
        %mul3A_557 = arith.muli %scan3A_165, %mul3A_556 : i32
        %add3A_558 = arith.constant 26 : i32
        %add3A_559 = arith.addi %mul3A_557, %add3A_558 : i32
        %get3A_560 = arith.index_cast %add3A_559 : i32 to index
        %get3A_561 = arith.constant 0 : index
        %get3A_562 = tpu.vector_load %arg12[%get3A_560, %get3A_561] {strides = array<i32>} : memref<1024x40xf32, #tpu.memory_space<vmem>>, vector<1x16xf32>,
        %get3A_563 = vector.shape_cast %get3A_562 : vector<1x16xf32> to vector<16xf32>
        %sub3A_564 = arith.subf %get3A_563, %select_n3A_193 : vector<16xf32>
        %swap3A_565 = arith.index_cast %add3A_559 : i32 to index
        %swap3A_566 = arith.constant 0 : index
        %swap3A_567 = tpu.vector_load %arg12[%swap3A_565, %swap3A_566] {strides = array<i32>} : memref<1024x40xf32, #tpu.memory_space<vmem>>, vector<1x16xf32>,
        %swap3A_568 = vector.shape_cast %swap3A_567 : vector<1x16xf32> to vector<16xf32>
        %swap3A_569 = vector.shape_cast %sub3A_564 : vector<16xf32> to vector<1x16xf32>
        tpu.vector_store %arg12[%swap3A_565, %swap3A_566], %swap3A_569 {strides = array<i32>} : memref<1024x40xf32, #tpu.memory_space<vmem>>, vector<1x16xf32>,
        %mul3A_570 = arith.constant 32 : i32
        %mul3A_571 = arith.muli %scan3A_165, %mul3A_570 : i32
        %add3A_572 = arith.constant 27 : i32
        %add3A_573 = arith.addi %mul3A_571, %add3A_572 : i32
        %get3A_574 = arith.index_cast %add3A_573 : i32 to index
        %get3A_575 = arith.constant 0 : index
        %get3A_576 = tpu.vector_load %arg12[%get3A_574, %get3A_575] {strides = array<i32>} : memref<1024x40xf32, #tpu.memory_space<vmem>>, vector<1x16xf32>,
        %get3A_577 = vector.shape_cast %get3A_576 : vector<1x16xf32> to vector<16xf32>
        %sub3A_578 = arith.subf %get3A_577, %select_n3A_193 : vector<16xf32>
        %swap3A_579 = arith.index_cast %add3A_573 : i32 to index
        %swap3A_580 = arith.constant 0 : index
        %swap3A_581 = tpu.vector_load %arg12[%swap3A_579, %swap3A_580] {strides = array<i32>} : memref<1024x40xf32, #tpu.memory_space<vmem>>, vector<1x16xf32>,
        %swap3A_582 = vector.shape_cast %swap3A_581 : vector<1x16xf32> to vector<16xf32>
        %swap3A_583 = vector.shape_cast %sub3A_578 : vector<16xf32> to vector<1x16xf32>
        tpu.vector_store %arg12[%swap3A_579, %swap3A_580], %swap3A_583 {strides = array<i32>} : memref<1024x40xf32, #tpu.memory_space<vmem>>, vector<1x16xf32>,
        %mul3A_584 = arith.constant 32 : i32
        %mul3A_585 = arith.muli %scan3A_165, %mul3A_584 : i32
        %add3A_586 = arith.constant 28 : i32
        %add3A_587 = arith.addi %mul3A_585, %add3A_586 : i32
        %get3A_588 = arith.index_cast %add3A_587 : i32 to index
        %get3A_589 = arith.constant 0 : index
        %get3A_590 = tpu.vector_load %arg12[%get3A_588, %get3A_589] {strides = array<i32>} : memref<1024x40xf32, #tpu.memory_space<vmem>>, vector<1x16xf32>,
        %get3A_591 = vector.shape_cast %get3A_590 : vector<1x16xf32> to vector<16xf32>
        %sub3A_592 = arith.subf %get3A_591, %select_n3A_193 : vector<16xf32>
        %swap3A_593 = arith.index_cast %add3A_587 : i32 to index
        %swap3A_594 = arith.constant 0 : index
        %swap3A_595 = tpu.vector_load %arg12[%swap3A_593, %swap3A_594] {strides = array<i32>} : memref<1024x40xf32, #tpu.memory_space<vmem>>, vector<1x16xf32>,
        %swap3A_596 = vector.shape_cast %swap3A_595 : vector<1x16xf32> to vector<16xf32>
        %swap3A_597 = vector.shape_cast %sub3A_592 : vector<16xf32> to vector<1x16xf32>
        tpu.vector_store %arg12[%swap3A_593, %swap3A_594], %swap3A_597 {strides = array<i32>} : memref<1024x40xf32, #tpu.memory_space<vmem>>, vector<1x16xf32>,
        %mul3A_598 = arith.constant 32 : i32
        %mul3A_599 = arith.muli %scan3A_165, %mul3A_598 : i32
        %add3A_600 = arith.constant 29 : i32
        %add3A_601 = arith.addi %mul3A_599, %add3A_600 : i32
        %get3A_602 = arith.index_cast %add3A_601 : i32 to index
        %get3A_603 = arith.constant 0 : index
        %get3A_604 = tpu.vector_load %arg12[%get3A_602, %get3A_603] {strides = array<i32>} : memref<1024x40xf32, #tpu.memory_space<vmem>>, vector<1x16xf32>,
        %get3A_605 = vector.shape_cast %get3A_604 : vector<1x16xf32> to vector<16xf32>
        %sub3A_606 = arith.subf %get3A_605, %select_n3A_193 : vector<16xf32>
        %swap3A_607 = arith.index_cast %add3A_601 : i32 to index
        %swap3A_608 = arith.constant 0 : index
        %swap3A_609 = tpu.vector_load %arg12[%swap3A_607, %swap3A_608] {strides = array<i32>} : memref<1024x40xf32, #tpu.memory_space<vmem>>, vector<1x16xf32>,
        %swap3A_610 = vector.shape_cast %swap3A_609 : vector<1x16xf32> to vector<16xf32>
        %swap3A_611 = vector.shape_cast %sub3A_606 : vector<16xf32> to vector<1x16xf32>
        tpu.vector_store %arg12[%swap3A_607, %swap3A_608], %swap3A_611 {strides = array<i32>} : memref<1024x40xf32, #tpu.memory_space<vmem>>, vector<1x16xf32>,
        %mul3A_612 = arith.constant 32 : i32
        %mul3A_613 = arith.muli %scan3A_165, %mul3A_612 : i32
        %add3A_614 = arith.constant 30 : i32
        %add3A_615 = arith.addi %mul3A_613, %add3A_614 : i32
        %get3A_616 = arith.index_cast %add3A_615 : i32 to index
        %get3A_617 = arith.constant 0 : index
        %get3A_618 = tpu.vector_load %arg12[%get3A_616, %get3A_617] {strides = array<i32>} : memref<1024x40xf32, #tpu.memory_space<vmem>>, vector<1x16xf32>,
        %get3A_619 = vector.shape_cast %get3A_618 : vector<1x16xf32> to vector<16xf32>
        %sub3A_620 = arith.subf %get3A_619, %select_n3A_193 : vector<16xf32>
        %swap3A_621 = arith.index_cast %add3A_615 : i32 to index
        %swap3A_622 = arith.constant 0 : index
        %swap3A_623 = tpu.vector_load %arg12[%swap3A_621, %swap3A_622] {strides = array<i32>} : memref<1024x40xf32, #tpu.memory_space<vmem>>, vector<1x16xf32>,
        %swap3A_624 = vector.shape_cast %swap3A_623 : vector<1x16xf32> to vector<16xf32>
        %swap3A_625 = vector.shape_cast %sub3A_620 : vector<16xf32> to vector<1x16xf32>
        tpu.vector_store %arg12[%swap3A_621, %swap3A_622], %swap3A_625 {strides = array<i32>} : memref<1024x40xf32, #tpu.memory_space<vmem>>, vector<1x16xf32>,
        %mul3A_626 = arith.constant 32 : i32
        %mul3A_627 = arith.muli %scan3A_165, %mul3A_626 : i32
        %add3A_628 = arith.constant 31 : i32
        %add3A_629 = arith.addi %mul3A_627, %add3A_628 : i32
        %get3A_630 = arith.index_cast %add3A_629 : i32 to index
        %get3A_631 = arith.constant 0 : index
        %get3A_632 = tpu.vector_load %arg12[%get3A_630, %get3A_631] {strides = array<i32>} : memref<1024x40xf32, #tpu.memory_space<vmem>>, vector<1x16xf32>,
        %get3A_633 = vector.shape_cast %get3A_632 : vector<1x16xf32> to vector<16xf32>
        %sub3A_634 = arith.subf %get3A_633, %select_n3A_193 : vector<16xf32>
        %swap3A_635 = arith.index_cast %add3A_629 : i32 to index
        %swap3A_636 = arith.constant 0 : index
        %swap3A_637 = tpu.vector_load %arg12[%swap3A_635, %swap3A_636] {strides = array<i32>} : memref<1024x40xf32, #tpu.memory_space<vmem>>, vector<1x16xf32>,
        %swap3A_638 = vector.shape_cast %swap3A_637 : vector<1x16xf32> to vector<16xf32>
        %swap3A_639 = vector.shape_cast %sub3A_634 : vector<16xf32> to vector<1x16xf32>
        tpu.vector_store %arg12[%swap3A_635, %swap3A_636], %swap3A_639 {strides = array<i32>} : memref<1024x40xf32, #tpu.memory_space<vmem>>, vector<1x16xf32>,
      }
      %scan3A_159 = arith.constant 32 : i32
      %mul3A_160 = arith.constant 8192 : i32
      %mul3A_161 = arith.muli %add3A, %mul3A_160 : i32
      %mul3A_162 = arith.constant 1024 : i32
      %mul3A_163 = arith.muli %scan3A_11, %mul3A_162 : i32
      %add3A_164 = arith.addi %mul3A_161, %mul3A_163 : i32
      "tpu.region"() ({
        %run_scoped3A = tpu.sem_alloc : memref<!tpu.dma_semaphore, #tpu.memory_space<semaphore_mem>>
        %dma_start3A_165 = arith.constant 0 : i32
        %dma_start3A_166 = tpu.memref_slice %arg7[%add3A_164, %dma_start3A_165] : memref<262144x40xf32, #tpu.memory_space<hbm>> -> memref<1024x40xf32, #tpu.memory_space<hbm>>
        %dma_start3A_167 = arith.constant 0 : i32
        %dma_start3A_168 = tpu.memref_slice %arg7[%add3A_164, %dma_start3A_167] : memref<262144x40xf32, #tpu.memory_space<hbm>> -> memref<1024x40xf32, #tpu.memory_space<hbm>>
        tpu.enqueue_dma source(%arg12 : memref<1024x40xf32, #tpu.memory_space<vmem>>) target(%dma_start3A_168 : memref<1024x40xf32, #tpu.memory_space<hbm>>) target_semaphore(%run_scoped3A : memref<!tpu.dma_semaphore, #tpu.memory_space<semaphore_mem>>)
        %dma_wait3A_169 = arith.constant 0 : i32
        %dma_wait3A_170 = tpu.memref_slice %arg7[%add3A_164, %dma_wait3A_169] : memref<262144x40xf32, #tpu.memory_space<hbm>> -> memref<1024x40xf32, #tpu.memory_space<hbm>>
        %dma_wait3A_171 = arith.constant 0 : i32
        %dma_wait3A_172 = tpu.memref_slice %arg7[%add3A_164, %dma_wait3A_171] : memref<262144x40xf32, #tpu.memory_space<hbm>> -> memref<1024x40xf32, #tpu.memory_space<hbm>>
        tpu.wait_dma2 semaphore(%run_scoped3A : memref<!tpu.dma_semaphore, #tpu.memory_space<semaphore_mem>>) src(%arg12 : memref<1024x40xf32, #tpu.memory_space<vmem>>) dst(%dma_wait3A_172 : memref<1024x40xf32, #tpu.memory_space<hbm>>)
        tpu.yield
      }) : () -> ()
    }
    %scan3A_10 = arith.constant 8 : i32
    return
  }
}

module attributes {stable_mosaic.version = 14 : i64} {
  func.func @_fps_body2(%arg0: memref<32x1024xf32, #tpu.memory_space<vmem>>, %arg1: memref<32x1024xf32, #tpu.memory_space<vmem>>, %arg2: memref<32x1024xf32, #tpu.memory_space<vmem>>, %arg3: memref<4x16x128xi32, #tpu.memory_space<vmem>>, %arg4: memref<4x16x128xf32, #tpu.memory_space<vmem>>, %arg5: memref<4x16x128xf32, #tpu.memory_space<vmem>>, %arg6: memref<4x16x128xf32, #tpu.memory_space<vmem>>) attributes {dimension_semantics = [], scalar_prefetch = 0 : i64, scratch_operands = 0 : i64, tpu.core_type = #tpu.core_type<tc>} {
    %get3A = arith.constant 0 : index
    %get3A_0 = arith.constant 0 : index
    %get3A_1 = vector.load %arg0[%get3A, %get3A_0] : memref<32x1024xf32, #tpu.memory_space<vmem>>, vector<8x1024xf32>
    %get3A_2 = arith.constant 8 : index
    %get3A_3 = arith.constant 0 : index
    %get3A_4 = vector.load %arg0[%get3A_2, %get3A_3] : memref<32x1024xf32, #tpu.memory_space<vmem>>, vector<8x1024xf32>
    %get3A_5 = arith.constant 16 : index
    %get3A_6 = arith.constant 0 : index
    %get3A_7 = vector.load %arg0[%get3A_5, %get3A_6] : memref<32x1024xf32, #tpu.memory_space<vmem>>, vector<8x1024xf32>
    %get3A_8 = arith.constant 24 : index
    %get3A_9 = arith.constant 0 : index
    %get3A_10 = vector.load %arg0[%get3A_8, %get3A_9] : memref<32x1024xf32, #tpu.memory_space<vmem>>, vector<8x1024xf32>
    %get3A_11 = arith.constant 0 : index
    %get3A_12 = arith.constant 0 : index
    %get3A_13 = vector.load %arg1[%get3A_11, %get3A_12] : memref<32x1024xf32, #tpu.memory_space<vmem>>, vector<8x1024xf32>
    %get3A_14 = arith.constant 8 : index
    %get3A_15 = arith.constant 0 : index
    %get3A_16 = vector.load %arg1[%get3A_14, %get3A_15] : memref<32x1024xf32, #tpu.memory_space<vmem>>, vector<8x1024xf32>
    %get3A_17 = arith.constant 16 : index
    %get3A_18 = arith.constant 0 : index
    %get3A_19 = vector.load %arg1[%get3A_17, %get3A_18] : memref<32x1024xf32, #tpu.memory_space<vmem>>, vector<8x1024xf32>
    %get3A_20 = arith.constant 24 : index
    %get3A_21 = arith.constant 0 : index
    %get3A_22 = vector.load %arg1[%get3A_20, %get3A_21] : memref<32x1024xf32, #tpu.memory_space<vmem>>, vector<8x1024xf32>
    %get3A_23 = arith.constant 0 : index
    %get3A_24 = arith.constant 0 : index
    %get3A_25 = vector.load %arg2[%get3A_23, %get3A_24] : memref<32x1024xf32, #tpu.memory_space<vmem>>, vector<8x1024xf32>
    %get3A_26 = arith.constant 8 : index
    %get3A_27 = arith.constant 0 : index
    %get3A_28 = vector.load %arg2[%get3A_26, %get3A_27] : memref<32x1024xf32, #tpu.memory_space<vmem>>, vector<8x1024xf32>
    %get3A_29 = arith.constant 16 : index
    %get3A_30 = arith.constant 0 : index
    %get3A_31 = vector.load %arg2[%get3A_29, %get3A_30] : memref<32x1024xf32, #tpu.memory_space<vmem>>, vector<8x1024xf32>
    %get3A_32 = arith.constant 24 : index
    %get3A_33 = arith.constant 0 : index
    %get3A_34 = vector.load %arg2[%get3A_32, %get3A_33] : memref<32x1024xf32, #tpu.memory_space<vmem>>, vector<8x1024xf32>
    %iota3A = tpu.iota {dimensions = array<i32: 0>} : vector<8x1024xi32>
    %mul3A = arith.constant 1024 : i32
    %mul3A_35 = vector.broadcast %mul3A : i32 to vector<8x1024xi32>
    %mul3A_36 = arith.muli %iota3A, %mul3A_35 : vector<8x1024xi32>
    %iota3A_37 = tpu.iota {dimensions = array<i32: 1>} : vector<8x1024xi32>
    %add3A = arith.addi %mul3A_36, %iota3A_37 : vector<8x1024xi32>
    %iota3A_38 = tpu.iota {dimensions = array<i32: 0>} : vector<16x128xi32>
    %mul3A_39 = arith.constant 128 : i32
    %mul3A_40 = vector.broadcast %mul3A_39 : i32 to vector<16x128xi32>
    %mul3A_41 = arith.muli %iota3A_38, %mul3A_40 : vector<16x128xi32>
    %iota3A_42 = tpu.iota {dimensions = array<i32: 1>} : vector<16x128xi32>
    %add3A_43 = arith.addi %mul3A_41, %iota3A_42 : vector<16x128xi32>
    %broadcast_in_dim3A = arith.constant 1.000000e+10 : f32
    %broadcast_in_dim3A_44 = vector.broadcast %broadcast_in_dim3A : f32 to vector<8x1024xf32>
    %broadcast_in_dim3A_45 = arith.constant 0.000000e+00 : f32
    %broadcast_in_dim3A_46 = vector.broadcast %broadcast_in_dim3A_45 : f32 to vector<16x128xf32>
    %broadcast_in_dim3A_47 = arith.constant 0 : i32
    %broadcast_in_dim3A_48 = vector.broadcast %broadcast_in_dim3A_47 : i32 to vector<16x128xi32>
    %scan3A = arith.constant 0 : i32
    %scan3A_49 = arith.constant 0 : i32
    %scan3A_50 = arith.constant 0 : i32
    %scan3A_51 = arith.constant 0 : i32
    %scan3A_52 = arith.constant 0 : i32
    %scan3A_53 = arith.constant 2048 : i32
    %scan3A_54 = arith.addi %scan3A_52, %scan3A_53 : i32
    %scan3A_55 = arith.constant 1 : i32
    %scan3A_56:24 = scf.for %scan3A_153 = %scan3A_52 to %scan3A_54 step %scan3A_55 iter_args(%scan3A_154 = %broadcast_in_dim3A_44, %scan3A_155 = %broadcast_in_dim3A_44, %scan3A_156 = %broadcast_in_dim3A_44, %scan3A_157 = %broadcast_in_dim3A_44, %scan3A_158 = %scan3A, %scan3A_159 = %scan3A_49, %scan3A_160 = %scan3A_50, %scan3A_161 = %scan3A_51, %scan3A_162 = %broadcast_in_dim3A_48, %scan3A_163 = %broadcast_in_dim3A_48, %scan3A_164 = %broadcast_in_dim3A_48, %scan3A_165 = %broadcast_in_dim3A_48, %scan3A_166 = %broadcast_in_dim3A_46, %scan3A_167 = %broadcast_in_dim3A_46, %scan3A_168 = %broadcast_in_dim3A_46, %scan3A_169 = %broadcast_in_dim3A_46, %scan3A_170 = %broadcast_in_dim3A_46, %scan3A_171 = %broadcast_in_dim3A_46, %scan3A_172 = %broadcast_in_dim3A_46, %scan3A_173 = %broadcast_in_dim3A_46, %scan3A_174 = %broadcast_in_dim3A_46, %scan3A_175 = %broadcast_in_dim3A_46, %scan3A_176 = %broadcast_in_dim3A_46, %scan3A_177 = %broadcast_in_dim3A_46) -> (vector<8x1024xf32>, vector<8x1024xf32>, vector<8x1024xf32>, vector<8x1024xf32>, i32, i32, i32, i32, vector<16x128xi32>, vector<16x128xi32>, vector<16x128xi32>, vector<16x128xi32>, vector<16x128xf32>, vector<16x128xf32>, vector<16x128xf32>, vector<16x128xf32>, vector<16x128xf32>, vector<16x128xf32>, vector<16x128xf32>, vector<16x128xf32>, vector<16x128xf32>, vector<16x128xf32>, vector<16x128xf32>, vector<16x128xf32>)  : i32 {
      %eq3A = vector.broadcast %scan3A_153 : i32 to vector<16x128xi32>
      %eq3A_178 = arith.cmpi eq, %add3A_43, %eq3A : vector<16x128xi32>
      %broadcast_in_dim3A_179 = vector.broadcast %scan3A_158 : i32 to vector<16x128xi32>
      %select_n3A = arith.select %eq3A_178, %broadcast_in_dim3A_179, %scan3A_162 : vector<16x128xi1>, vector<16x128xi32>
      %eq3A_180 = vector.broadcast %scan3A_158 : i32 to vector<8x1024xi32>
      %eq3A_181 = arith.cmpi eq, %add3A, %eq3A_180 : vector<8x1024xi32>
      %jit3A = arith.constant 0.000000e+00 : f32
      %broadcast_in_dim3A_182 = vector.broadcast %jit3A : f32 to vector<8x1024xf32>
      %select_n3A_183 = arith.select %eq3A_181, %get3A_1, %broadcast_in_dim3A_182 : vector<8x1024xi1>, vector<8x1024xf32>
      %reduce_sum3A = vector.shape_cast %select_n3A_183 : vector<8x1024xf32> to vector<1x8x1024xf32>
      %reduce_sum3A_184 = arith.constant dense<0.000000e+00> : vector<1xf32>
      %reduce_sum3A_185 = vector.multi_reduction <add>, %reduce_sum3A, %reduce_sum3A_184 [1, 2] : vector<1x8x1024xf32> to vector<1xf32>
      %reduce_sum3A_186 = vector.shape_cast %reduce_sum3A_185 : vector<1xf32> to vector<1x1x1xf32>
      %reduce_sum3A_187 = vector.extract %reduce_sum3A_186[0, 0, 0] : f32 from vector<1x1x1xf32>
      %jit3A_188 = arith.constant 0.000000e+00 : f32
      %broadcast_in_dim3A_189 = vector.broadcast %jit3A_188 : f32 to vector<8x1024xf32>
      %select_n3A_190 = arith.select %eq3A_181, %get3A_13, %broadcast_in_dim3A_189 : vector<8x1024xi1>, vector<8x1024xf32>
      %reduce_sum3A_191 = vector.shape_cast %select_n3A_190 : vector<8x1024xf32> to vector<1x8x1024xf32>
      %reduce_sum3A_192 = arith.constant dense<0.000000e+00> : vector<1xf32>
      %reduce_sum3A_193 = vector.multi_reduction <add>, %reduce_sum3A_191, %reduce_sum3A_192 [1, 2] : vector<1x8x1024xf32> to vector<1xf32>
      %reduce_sum3A_194 = vector.shape_cast %reduce_sum3A_193 : vector<1xf32> to vector<1x1x1xf32>
      %reduce_sum3A_195 = vector.extract %reduce_sum3A_194[0, 0, 0] : f32 from vector<1x1x1xf32>
      %jit3A_196 = arith.constant 0.000000e+00 : f32
      %broadcast_in_dim3A_197 = vector.broadcast %jit3A_196 : f32 to vector<8x1024xf32>
      %select_n3A_198 = arith.select %eq3A_181, %get3A_25, %broadcast_in_dim3A_197 : vector<8x1024xi1>, vector<8x1024xf32>
      %reduce_sum3A_199 = vector.shape_cast %select_n3A_198 : vector<8x1024xf32> to vector<1x8x1024xf32>
      %reduce_sum3A_200 = arith.constant dense<0.000000e+00> : vector<1xf32>
      %reduce_sum3A_201 = vector.multi_reduction <add>, %reduce_sum3A_199, %reduce_sum3A_200 [1, 2] : vector<1x8x1024xf32> to vector<1xf32>
      %reduce_sum3A_202 = vector.shape_cast %reduce_sum3A_201 : vector<1xf32> to vector<1x1x1xf32>
      %reduce_sum3A_203 = vector.extract %reduce_sum3A_202[0, 0, 0] : f32 from vector<1x1x1xf32>
      %broadcast_in_dim3A_204 = vector.broadcast %reduce_sum3A_187 : f32 to vector<16x128xf32>
      %select_n3A_205 = arith.select %eq3A_178, %broadcast_in_dim3A_204, %scan3A_166 : vector<16x128xi1>, vector<16x128xf32>
      %broadcast_in_dim3A_206 = vector.broadcast %reduce_sum3A_195 : f32 to vector<16x128xf32>
      %select_n3A_207 = arith.select %eq3A_178, %broadcast_in_dim3A_206, %scan3A_170 : vector<16x128xi1>, vector<16x128xf32>
      %broadcast_in_dim3A_208 = vector.broadcast %reduce_sum3A_203 : f32 to vector<16x128xf32>
      %select_n3A_209 = arith.select %eq3A_178, %broadcast_in_dim3A_208, %scan3A_174 : vector<16x128xi1>, vector<16x128xf32>
      %sub3A = vector.broadcast %reduce_sum3A_187 : f32 to vector<8x1024xf32>
      %sub3A_210 = arith.subf %get3A_1, %sub3A : vector<8x1024xf32>
      %sub3A_211 = vector.broadcast %reduce_sum3A_195 : f32 to vector<8x1024xf32>
      %sub3A_212 = arith.subf %get3A_13, %sub3A_211 : vector<8x1024xf32>
      %sub3A_213 = vector.broadcast %reduce_sum3A_203 : f32 to vector<8x1024xf32>
      %sub3A_214 = arith.subf %get3A_25, %sub3A_213 : vector<8x1024xf32>
      %mul3A_215 = arith.mulf %sub3A_210, %sub3A_210 : vector<8x1024xf32>
      %mul3A_216 = arith.mulf %sub3A_214, %sub3A_214 : vector<8x1024xf32>
      %add3A_217 = arith.addf %mul3A_215, %mul3A_216 : vector<8x1024xf32>
      %mul3A_218 = arith.mulf %sub3A_212, %sub3A_212 : vector<8x1024xf32>
      %add3A_219 = arith.addf %add3A_217, %mul3A_218 : vector<8x1024xf32>
      %min3A = arith.minimumf %scan3A_154, %add3A_219 : vector<8x1024xf32>
      %reduce_max3A = vector.shape_cast %min3A : vector<8x1024xf32> to vector<1x8x1024xf32>
      %reduce_max3A_220 = arith.constant dense<0xFF800000> : vector<1xf32>
      %reduce_max3A_221 = vector.multi_reduction <maximumf>, %reduce_max3A, %reduce_max3A_220 [1, 2] : vector<1x8x1024xf32> to vector<1xf32>
      %reduce_max3A_222 = vector.shape_cast %reduce_max3A_221 : vector<1xf32> to vector<1x1x1xf32>
      %reduce_max3A_223 = vector.extract %reduce_max3A_222[0, 0, 0] : f32 from vector<1x1x1xf32>
      %eq3A_224 = vector.broadcast %reduce_max3A_223 : f32 to vector<8x1024xf32>
      %eq3A_225 = arith.cmpf oeq, %min3A, %eq3A_224 : vector<8x1024xf32>
      %jit3A_226 = arith.constant 8192 : i32
      %broadcast_in_dim3A_227 = vector.broadcast %jit3A_226 : i32 to vector<8x1024xi32>
      %select_n3A_228 = arith.select %eq3A_225, %add3A, %broadcast_in_dim3A_227 : vector<8x1024xi1>, vector<8x1024xi32>
      %reduce_min3A = vector.shape_cast %select_n3A_228 : vector<8x1024xi32> to vector<1x8x1024xi32>
      %reduce_min3A_229 = arith.constant dense<2147483647> : vector<1xi32>
      %reduce_min3A_230 = vector.multi_reduction <minsi>, %reduce_min3A, %reduce_min3A_229 [1, 2] : vector<1x8x1024xi32> to vector<1xi32>
      %reduce_min3A_231 = vector.shape_cast %reduce_min3A_230 : vector<1xi32> to vector<1x1x1xi32>
      %reduce_min3A_232 = vector.extract %reduce_min3A_231[0, 0, 0] : i32 from vector<1x1x1xi32>
      %broadcast_in_dim3A_233 = vector.broadcast %scan3A_159 : i32 to vector<16x128xi32>
      %select_n3A_234 = arith.select %eq3A_178, %broadcast_in_dim3A_233, %scan3A_163 : vector<16x128xi1>, vector<16x128xi32>
      %eq3A_235 = vector.broadcast %scan3A_159 : i32 to vector<8x1024xi32>
      %eq3A_236 = arith.cmpi eq, %add3A, %eq3A_235 : vector<8x1024xi32>
      %jit3A_237 = arith.constant 0.000000e+00 : f32
      %broadcast_in_dim3A_238 = vector.broadcast %jit3A_237 : f32 to vector<8x1024xf32>
      %select_n3A_239 = arith.select %eq3A_236, %get3A_4, %broadcast_in_dim3A_238 : vector<8x1024xi1>, vector<8x1024xf32>
      %reduce_sum3A_240 = vector.shape_cast %select_n3A_239 : vector<8x1024xf32> to vector<1x8x1024xf32>
      %reduce_sum3A_241 = arith.constant dense<0.000000e+00> : vector<1xf32>
      %reduce_sum3A_242 = vector.multi_reduction <add>, %reduce_sum3A_240, %reduce_sum3A_241 [1, 2] : vector<1x8x1024xf32> to vector<1xf32>
      %reduce_sum3A_243 = vector.shape_cast %reduce_sum3A_242 : vector<1xf32> to vector<1x1x1xf32>
      %reduce_sum3A_244 = vector.extract %reduce_sum3A_243[0, 0, 0] : f32 from vector<1x1x1xf32>
      %jit3A_245 = arith.constant 0.000000e+00 : f32
      %broadcast_in_dim3A_246 = vector.broadcast %jit3A_245 : f32 to vector<8x1024xf32>
      %select_n3A_247 = arith.select %eq3A_236, %get3A_16, %broadcast_in_dim3A_246 : vector<8x1024xi1>, vector<8x1024xf32>
      %reduce_sum3A_248 = vector.shape_cast %select_n3A_247 : vector<8x1024xf32> to vector<1x8x1024xf32>
      %reduce_sum3A_249 = arith.constant dense<0.000000e+00> : vector<1xf32>
      %reduce_sum3A_250 = vector.multi_reduction <add>, %reduce_sum3A_248, %reduce_sum3A_249 [1, 2] : vector<1x8x1024xf32> to vector<1xf32>
      %reduce_sum3A_251 = vector.shape_cast %reduce_sum3A_250 : vector<1xf32> to vector<1x1x1xf32>
      %reduce_sum3A_252 = vector.extract %reduce_sum3A_251[0, 0, 0] : f32 from vector<1x1x1xf32>
      %jit3A_253 = arith.constant 0.000000e+00 : f32
      %broadcast_in_dim3A_254 = vector.broadcast %jit3A_253 : f32 to vector<8x1024xf32>
      %select_n3A_255 = arith.select %eq3A_236, %get3A_28, %broadcast_in_dim3A_254 : vector<8x1024xi1>, vector<8x1024xf32>
      %reduce_sum3A_256 = vector.shape_cast %select_n3A_255 : vector<8x1024xf32> to vector<1x8x1024xf32>
      %reduce_sum3A_257 = arith.constant dense<0.000000e+00> : vector<1xf32>
      %reduce_sum3A_258 = vector.multi_reduction <add>, %reduce_sum3A_256, %reduce_sum3A_257 [1, 2] : vector<1x8x1024xf32> to vector<1xf32>
      %reduce_sum3A_259 = vector.shape_cast %reduce_sum3A_258 : vector<1xf32> to vector<1x1x1xf32>
      %reduce_sum3A_260 = vector.extract %reduce_sum3A_259[0, 0, 0] : f32 from vector<1x1x1xf32>
      %broadcast_in_dim3A_261 = vector.broadcast %reduce_sum3A_244 : f32 to vector<16x128xf32>
      %select_n3A_262 = arith.select %eq3A_178, %broadcast_in_dim3A_261, %scan3A_167 : vector<16x128xi1>, vector<16x128xf32>
      %broadcast_in_dim3A_263 = vector.broadcast %reduce_sum3A_252 : f32 to vector<16x128xf32>
      %select_n3A_264 = arith.select %eq3A_178, %broadcast_in_dim3A_263, %scan3A_171 : vector<16x128xi1>, vector<16x128xf32>
      %broadcast_in_dim3A_265 = vector.broadcast %reduce_sum3A_260 : f32 to vector<16x128xf32>
      %select_n3A_266 = arith.select %eq3A_178, %broadcast_in_dim3A_265, %scan3A_175 : vector<16x128xi1>, vector<16x128xf32>
      %sub3A_267 = vector.broadcast %reduce_sum3A_244 : f32 to vector<8x1024xf32>
      %sub3A_268 = arith.subf %get3A_4, %sub3A_267 : vector<8x1024xf32>
      %sub3A_269 = vector.broadcast %reduce_sum3A_252 : f32 to vector<8x1024xf32>
      %sub3A_270 = arith.subf %get3A_16, %sub3A_269 : vector<8x1024xf32>
      %sub3A_271 = vector.broadcast %reduce_sum3A_260 : f32 to vector<8x1024xf32>
      %sub3A_272 = arith.subf %get3A_28, %sub3A_271 : vector<8x1024xf32>
      %mul3A_273 = arith.mulf %sub3A_268, %sub3A_268 : vector<8x1024xf32>
      %mul3A_274 = arith.mulf %sub3A_272, %sub3A_272 : vector<8x1024xf32>
      %add3A_275 = arith.addf %mul3A_273, %mul3A_274 : vector<8x1024xf32>
      %mul3A_276 = arith.mulf %sub3A_270, %sub3A_270 : vector<8x1024xf32>
      %add3A_277 = arith.addf %add3A_275, %mul3A_276 : vector<8x1024xf32>
      %min3A_278 = arith.minimumf %scan3A_155, %add3A_277 : vector<8x1024xf32>
      %reduce_max3A_279 = vector.shape_cast %min3A_278 : vector<8x1024xf32> to vector<1x8x1024xf32>
      %reduce_max3A_280 = arith.constant dense<0xFF800000> : vector<1xf32>
      %reduce_max3A_281 = vector.multi_reduction <maximumf>, %reduce_max3A_279, %reduce_max3A_280 [1, 2] : vector<1x8x1024xf32> to vector<1xf32>
      %reduce_max3A_282 = vector.shape_cast %reduce_max3A_281 : vector<1xf32> to vector<1x1x1xf32>
      %reduce_max3A_283 = vector.extract %reduce_max3A_282[0, 0, 0] : f32 from vector<1x1x1xf32>
      %eq3A_284 = vector.broadcast %reduce_max3A_283 : f32 to vector<8x1024xf32>
      %eq3A_285 = arith.cmpf oeq, %min3A_278, %eq3A_284 : vector<8x1024xf32>
      %jit3A_286 = arith.constant 8192 : i32
      %broadcast_in_dim3A_287 = vector.broadcast %jit3A_286 : i32 to vector<8x1024xi32>
      %select_n3A_288 = arith.select %eq3A_285, %add3A, %broadcast_in_dim3A_287 : vector<8x1024xi1>, vector<8x1024xi32>
      %reduce_min3A_289 = vector.shape_cast %select_n3A_288 : vector<8x1024xi32> to vector<1x8x1024xi32>
      %reduce_min3A_290 = arith.constant dense<2147483647> : vector<1xi32>
      %reduce_min3A_291 = vector.multi_reduction <minsi>, %reduce_min3A_289, %reduce_min3A_290 [1, 2] : vector<1x8x1024xi32> to vector<1xi32>
      %reduce_min3A_292 = vector.shape_cast %reduce_min3A_291 : vector<1xi32> to vector<1x1x1xi32>
      %reduce_min3A_293 = vector.extract %reduce_min3A_292[0, 0, 0] : i32 from vector<1x1x1xi32>
      %broadcast_in_dim3A_294 = vector.broadcast %scan3A_160 : i32 to vector<16x128xi32>
      %select_n3A_295 = arith.select %eq3A_178, %broadcast_in_dim3A_294, %scan3A_164 : vector<16x128xi1>, vector<16x128xi32>
      %eq3A_296 = vector.broadcast %scan3A_160 : i32 to vector<8x1024xi32>
      %eq3A_297 = arith.cmpi eq, %add3A, %eq3A_296 : vector<8x1024xi32>
      %jit3A_298 = arith.constant 0.000000e+00 : f32
      %broadcast_in_dim3A_299 = vector.broadcast %jit3A_298 : f32 to vector<8x1024xf32>
      %select_n3A_300 = arith.select %eq3A_297, %get3A_7, %broadcast_in_dim3A_299 : vector<8x1024xi1>, vector<8x1024xf32>
      %reduce_sum3A_301 = vector.shape_cast %select_n3A_300 : vector<8x1024xf32> to vector<1x8x1024xf32>
      %reduce_sum3A_302 = arith.constant dense<0.000000e+00> : vector<1xf32>
      %reduce_sum3A_303 = vector.multi_reduction <add>, %reduce_sum3A_301, %reduce_sum3A_302 [1, 2] : vector<1x8x1024xf32> to vector<1xf32>
      %reduce_sum3A_304 = vector.shape_cast %reduce_sum3A_303 : vector<1xf32> to vector<1x1x1xf32>
      %reduce_sum3A_305 = vector.extract %reduce_sum3A_304[0, 0, 0] : f32 from vector<1x1x1xf32>
      %jit3A_306 = arith.constant 0.000000e+00 : f32
      %broadcast_in_dim3A_307 = vector.broadcast %jit3A_306 : f32 to vector<8x1024xf32>
      %select_n3A_308 = arith.select %eq3A_297, %get3A_19, %broadcast_in_dim3A_307 : vector<8x1024xi1>, vector<8x1024xf32>
      %reduce_sum3A_309 = vector.shape_cast %select_n3A_308 : vector<8x1024xf32> to vector<1x8x1024xf32>
      %reduce_sum3A_310 = arith.constant dense<0.000000e+00> : vector<1xf32>
      %reduce_sum3A_311 = vector.multi_reduction <add>, %reduce_sum3A_309, %reduce_sum3A_310 [1, 2] : vector<1x8x1024xf32> to vector<1xf32>
      %reduce_sum3A_312 = vector.shape_cast %reduce_sum3A_311 : vector<1xf32> to vector<1x1x1xf32>
      %reduce_sum3A_313 = vector.extract %reduce_sum3A_312[0, 0, 0] : f32 from vector<1x1x1xf32>
      %jit3A_314 = arith.constant 0.000000e+00 : f32
      %broadcast_in_dim3A_315 = vector.broadcast %jit3A_314 : f32 to vector<8x1024xf32>
      %select_n3A_316 = arith.select %eq3A_297, %get3A_31, %broadcast_in_dim3A_315 : vector<8x1024xi1>, vector<8x1024xf32>
      %reduce_sum3A_317 = vector.shape_cast %select_n3A_316 : vector<8x1024xf32> to vector<1x8x1024xf32>
      %reduce_sum3A_318 = arith.constant dense<0.000000e+00> : vector<1xf32>
      %reduce_sum3A_319 = vector.multi_reduction <add>, %reduce_sum3A_317, %reduce_sum3A_318 [1, 2] : vector<1x8x1024xf32> to vector<1xf32>
      %reduce_sum3A_320 = vector.shape_cast %reduce_sum3A_319 : vector<1xf32> to vector<1x1x1xf32>
      %reduce_sum3A_321 = vector.extract %reduce_sum3A_320[0, 0, 0] : f32 from vector<1x1x1xf32>
      %broadcast_in_dim3A_322 = vector.broadcast %reduce_sum3A_305 : f32 to vector<16x128xf32>
      %select_n3A_323 = arith.select %eq3A_178, %broadcast_in_dim3A_322, %scan3A_168 : vector<16x128xi1>, vector<16x128xf32>
      %broadcast_in_dim3A_324 = vector.broadcast %reduce_sum3A_313 : f32 to vector<16x128xf32>
      %select_n3A_325 = arith.select %eq3A_178, %broadcast_in_dim3A_324, %scan3A_172 : vector<16x128xi1>, vector<16x128xf32>
      %broadcast_in_dim3A_326 = vector.broadcast %reduce_sum3A_321 : f32 to vector<16x128xf32>
      %select_n3A_327 = arith.select %eq3A_178, %broadcast_in_dim3A_326, %scan3A_176 : vector<16x128xi1>, vector<16x128xf32>
      %sub3A_328 = vector.broadcast %reduce_sum3A_305 : f32 to vector<8x1024xf32>
      %sub3A_329 = arith.subf %get3A_7, %sub3A_328 : vector<8x1024xf32>
      %sub3A_330 = vector.broadcast %reduce_sum3A_313 : f32 to vector<8x1024xf32>
      %sub3A_331 = arith.subf %get3A_19, %sub3A_330 : vector<8x1024xf32>
      %sub3A_332 = vector.broadcast %reduce_sum3A_321 : f32 to vector<8x1024xf32>
      %sub3A_333 = arith.subf %get3A_31, %sub3A_332 : vector<8x1024xf32>
      %mul3A_334 = arith.mulf %sub3A_329, %sub3A_329 : vector<8x1024xf32>
      %mul3A_335 = arith.mulf %sub3A_333, %sub3A_333 : vector<8x1024xf32>
      %add3A_336 = arith.addf %mul3A_334, %mul3A_335 : vector<8x1024xf32>
      %mul3A_337 = arith.mulf %sub3A_331, %sub3A_331 : vector<8x1024xf32>
      %add3A_338 = arith.addf %add3A_336, %mul3A_337 : vector<8x1024xf32>
      %min3A_339 = arith.minimumf %scan3A_156, %add3A_338 : vector<8x1024xf32>
      %reduce_max3A_340 = vector.shape_cast %min3A_339 : vector<8x1024xf32> to vector<1x8x1024xf32>
      %reduce_max3A_341 = arith.constant dense<0xFF800000> : vector<1xf32>
      %reduce_max3A_342 = vector.multi_reduction <maximumf>, %reduce_max3A_340, %reduce_max3A_341 [1, 2] : vector<1x8x1024xf32> to vector<1xf32>
      %reduce_max3A_343 = vector.shape_cast %reduce_max3A_342 : vector<1xf32> to vector<1x1x1xf32>
      %reduce_max3A_344 = vector.extract %reduce_max3A_343[0, 0, 0] : f32 from vector<1x1x1xf32>
      %eq3A_345 = vector.broadcast %reduce_max3A_344 : f32 to vector<8x1024xf32>
      %eq3A_346 = arith.cmpf oeq, %min3A_339, %eq3A_345 : vector<8x1024xf32>
      %jit3A_347 = arith.constant 8192 : i32
      %broadcast_in_dim3A_348 = vector.broadcast %jit3A_347 : i32 to vector<8x1024xi32>
      %select_n3A_349 = arith.select %eq3A_346, %add3A, %broadcast_in_dim3A_348 : vector<8x1024xi1>, vector<8x1024xi32>
      %reduce_min3A_350 = vector.shape_cast %select_n3A_349 : vector<8x1024xi32> to vector<1x8x1024xi32>
      %reduce_min3A_351 = arith.constant dense<2147483647> : vector<1xi32>
      %reduce_min3A_352 = vector.multi_reduction <minsi>, %reduce_min3A_350, %reduce_min3A_351 [1, 2] : vector<1x8x1024xi32> to vector<1xi32>
      %reduce_min3A_353 = vector.shape_cast %reduce_min3A_352 : vector<1xi32> to vector<1x1x1xi32>
      %reduce_min3A_354 = vector.extract %reduce_min3A_353[0, 0, 0] : i32 from vector<1x1x1xi32>
      %broadcast_in_dim3A_355 = vector.broadcast %scan3A_161 : i32 to vector<16x128xi32>
      %select_n3A_356 = arith.select %eq3A_178, %broadcast_in_dim3A_355, %scan3A_165 : vector<16x128xi1>, vector<16x128xi32>
      %eq3A_357 = vector.broadcast %scan3A_161 : i32 to vector<8x1024xi32>
      %eq3A_358 = arith.cmpi eq, %add3A, %eq3A_357 : vector<8x1024xi32>
      %jit3A_359 = arith.constant 0.000000e+00 : f32
      %broadcast_in_dim3A_360 = vector.broadcast %jit3A_359 : f32 to vector<8x1024xf32>
      %select_n3A_361 = arith.select %eq3A_358, %get3A_10, %broadcast_in_dim3A_360 : vector<8x1024xi1>, vector<8x1024xf32>
      %reduce_sum3A_362 = vector.shape_cast %select_n3A_361 : vector<8x1024xf32> to vector<1x8x1024xf32>
      %reduce_sum3A_363 = arith.constant dense<0.000000e+00> : vector<1xf32>
      %reduce_sum3A_364 = vector.multi_reduction <add>, %reduce_sum3A_362, %reduce_sum3A_363 [1, 2] : vector<1x8x1024xf32> to vector<1xf32>
      %reduce_sum3A_365 = vector.shape_cast %reduce_sum3A_364 : vector<1xf32> to vector<1x1x1xf32>
      %reduce_sum3A_366 = vector.extract %reduce_sum3A_365[0, 0, 0] : f32 from vector<1x1x1xf32>
      %jit3A_367 = arith.constant 0.000000e+00 : f32
      %broadcast_in_dim3A_368 = vector.broadcast %jit3A_367 : f32 to vector<8x1024xf32>
      %select_n3A_369 = arith.select %eq3A_358, %get3A_22, %broadcast_in_dim3A_368 : vector<8x1024xi1>, vector<8x1024xf32>
      %reduce_sum3A_370 = vector.shape_cast %select_n3A_369 : vector<8x1024xf32> to vector<1x8x1024xf32>
      %reduce_sum3A_371 = arith.constant dense<0.000000e+00> : vector<1xf32>
      %reduce_sum3A_372 = vector.multi_reduction <add>, %reduce_sum3A_370, %reduce_sum3A_371 [1, 2] : vector<1x8x1024xf32> to vector<1xf32>
      %reduce_sum3A_373 = vector.shape_cast %reduce_sum3A_372 : vector<1xf32> to vector<1x1x1xf32>
      %reduce_sum3A_374 = vector.extract %reduce_sum3A_373[0, 0, 0] : f32 from vector<1x1x1xf32>
      %jit3A_375 = arith.constant 0.000000e+00 : f32
      %broadcast_in_dim3A_376 = vector.broadcast %jit3A_375 : f32 to vector<8x1024xf32>
      %select_n3A_377 = arith.select %eq3A_358, %get3A_34, %broadcast_in_dim3A_376 : vector<8x1024xi1>, vector<8x1024xf32>
      %reduce_sum3A_378 = vector.shape_cast %select_n3A_377 : vector<8x1024xf32> to vector<1x8x1024xf32>
      %reduce_sum3A_379 = arith.constant dense<0.000000e+00> : vector<1xf32>
      %reduce_sum3A_380 = vector.multi_reduction <add>, %reduce_sum3A_378, %reduce_sum3A_379 [1, 2] : vector<1x8x1024xf32> to vector<1xf32>
      %reduce_sum3A_381 = vector.shape_cast %reduce_sum3A_380 : vector<1xf32> to vector<1x1x1xf32>
      %reduce_sum3A_382 = vector.extract %reduce_sum3A_381[0, 0, 0] : f32 from vector<1x1x1xf32>
      %broadcast_in_dim3A_383 = vector.broadcast %reduce_sum3A_366 : f32 to vector<16x128xf32>
      %select_n3A_384 = arith.select %eq3A_178, %broadcast_in_dim3A_383, %scan3A_169 : vector<16x128xi1>, vector<16x128xf32>
      %broadcast_in_dim3A_385 = vector.broadcast %reduce_sum3A_374 : f32 to vector<16x128xf32>
      %select_n3A_386 = arith.select %eq3A_178, %broadcast_in_dim3A_385, %scan3A_173 : vector<16x128xi1>, vector<16x128xf32>
      %broadcast_in_dim3A_387 = vector.broadcast %reduce_sum3A_382 : f32 to vector<16x128xf32>
      %select_n3A_388 = arith.select %eq3A_178, %broadcast_in_dim3A_387, %scan3A_177 : vector<16x128xi1>, vector<16x128xf32>
      %sub3A_389 = vector.broadcast %reduce_sum3A_366 : f32 to vector<8x1024xf32>
      %sub3A_390 = arith.subf %get3A_10, %sub3A_389 : vector<8x1024xf32>
      %sub3A_391 = vector.broadcast %reduce_sum3A_374 : f32 to vector<8x1024xf32>
      %sub3A_392 = arith.subf %get3A_22, %sub3A_391 : vector<8x1024xf32>
      %sub3A_393 = vector.broadcast %reduce_sum3A_382 : f32 to vector<8x1024xf32>
      %sub3A_394 = arith.subf %get3A_34, %sub3A_393 : vector<8x1024xf32>
      %mul3A_395 = arith.mulf %sub3A_390, %sub3A_390 : vector<8x1024xf32>
      %mul3A_396 = arith.mulf %sub3A_394, %sub3A_394 : vector<8x1024xf32>
      %add3A_397 = arith.addf %mul3A_395, %mul3A_396 : vector<8x1024xf32>
      %mul3A_398 = arith.mulf %sub3A_392, %sub3A_392 : vector<8x1024xf32>
      %add3A_399 = arith.addf %add3A_397, %mul3A_398 : vector<8x1024xf32>
      %min3A_400 = arith.minimumf %scan3A_157, %add3A_399 : vector<8x1024xf32>
      %reduce_max3A_401 = vector.shape_cast %min3A_400 : vector<8x1024xf32> to vector<1x8x1024xf32>
      %reduce_max3A_402 = arith.constant dense<0xFF800000> : vector<1xf32>
      %reduce_max3A_403 = vector.multi_reduction <maximumf>, %reduce_max3A_401, %reduce_max3A_402 [1, 2] : vector<1x8x1024xf32> to vector<1xf32>
      %reduce_max3A_404 = vector.shape_cast %reduce_max3A_403 : vector<1xf32> to vector<1x1x1xf32>
      %reduce_max3A_405 = vector.extract %reduce_max3A_404[0, 0, 0] : f32 from vector<1x1x1xf32>
      %eq3A_406 = vector.broadcast %reduce_max3A_405 : f32 to vector<8x1024xf32>
      %eq3A_407 = arith.cmpf oeq, %min3A_400, %eq3A_406 : vector<8x1024xf32>
      %jit3A_408 = arith.constant 8192 : i32
      %broadcast_in_dim3A_409 = vector.broadcast %jit3A_408 : i32 to vector<8x1024xi32>
      %select_n3A_410 = arith.select %eq3A_407, %add3A, %broadcast_in_dim3A_409 : vector<8x1024xi1>, vector<8x1024xi32>
      %reduce_min3A_411 = vector.shape_cast %select_n3A_410 : vector<8x1024xi32> to vector<1x8x1024xi32>
      %reduce_min3A_412 = arith.constant dense<2147483647> : vector<1xi32>
      %reduce_min3A_413 = vector.multi_reduction <minsi>, %reduce_min3A_411, %reduce_min3A_412 [1, 2] : vector<1x8x1024xi32> to vector<1xi32>
      %reduce_min3A_414 = vector.shape_cast %reduce_min3A_413 : vector<1xi32> to vector<1x1x1xi32>
      %reduce_min3A_415 = vector.extract %reduce_min3A_414[0, 0, 0] : i32 from vector<1x1x1xi32>
      scf.yield %min3A, %min3A_278, %min3A_339, %min3A_400, %reduce_min3A_232, %reduce_min3A_293, %reduce_min3A_354, %reduce_min3A_415, %select_n3A, %select_n3A_234, %select_n3A_295, %select_n3A_356, %select_n3A_205, %select_n3A_262, %select_n3A_323, %select_n3A_384, %select_n3A_207, %select_n3A_264, %select_n3A_325, %select_n3A_386, %select_n3A_209, %select_n3A_266, %select_n3A_327, %select_n3A_388 : vector<8x1024xf32>, vector<8x1024xf32>, vector<8x1024xf32>, vector<8x1024xf32>, i32, i32, i32, i32, vector<16x128xi32>, vector<16x128xi32>, vector<16x128xi32>, vector<16x128xi32>, vector<16x128xf32>, vector<16x128xf32>, vector<16x128xf32>, vector<16x128xf32>, vector<16x128xf32>, vector<16x128xf32>, vector<16x128xf32>, vector<16x128xf32>, vector<16x128xf32>, vector<16x128xf32>, vector<16x128xf32>, vector<16x128xf32>
    }
    %scan3A_57 = arith.constant 2048 : i32
    %swap3A = arith.constant 0 : index
    %swap3A_58 = arith.constant 0 : index
    %swap3A_59 = arith.constant 0 : index
    %swap3A_60 = vector.load %arg3[%swap3A, %swap3A_58, %swap3A_59] : memref<4x16x128xi32, #tpu.memory_space<vmem>>, vector<1x16x128xi32>
    %swap3A_61 = vector.shape_cast %swap3A_60 : vector<1x16x128xi32> to vector<16x128xi32>
    %swap3A_62 = vector.shape_cast %scan3A_56#8 : vector<16x128xi32> to vector<1x16x128xi32>
    tpu.vector_store %arg3[%swap3A, %swap3A_58, %swap3A_59], %swap3A_62 {strides = array<i32>} : memref<4x16x128xi32, #tpu.memory_space<vmem>>, vector<1x16x128xi32>,
    %swap3A_63 = arith.constant 0 : index
    %swap3A_64 = arith.constant 0 : index
    %swap3A_65 = arith.constant 0 : index
    %swap3A_66 = vector.load %arg4[%swap3A_63, %swap3A_64, %swap3A_65] : memref<4x16x128xf32, #tpu.memory_space<vmem>>, vector<1x16x128xf32>
    %swap3A_67 = vector.shape_cast %swap3A_66 : vector<1x16x128xf32> to vector<16x128xf32>
    %swap3A_68 = vector.shape_cast %scan3A_56#12 : vector<16x128xf32> to vector<1x16x128xf32>
    tpu.vector_store %arg4[%swap3A_63, %swap3A_64, %swap3A_65], %swap3A_68 {strides = array<i32>} : memref<4x16x128xf32, #tpu.memory_space<vmem>>, vector<1x16x128xf32>,
    %swap3A_69 = arith.constant 0 : index
    %swap3A_70 = arith.constant 0 : index
    %swap3A_71 = arith.constant 0 : index
    %swap3A_72 = vector.load %arg5[%swap3A_69, %swap3A_70, %swap3A_71] : memref<4x16x128xf32, #tpu.memory_space<vmem>>, vector<1x16x128xf32>
    %swap3A_73 = vector.shape_cast %swap3A_72 : vector<1x16x128xf32> to vector<16x128xf32>
    %swap3A_74 = vector.shape_cast %scan3A_56#16 : vector<16x128xf32> to vector<1x16x128xf32>
    tpu.vector_store %arg5[%swap3A_69, %swap3A_70, %swap3A_71], %swap3A_74 {strides = array<i32>} : memref<4x16x128xf32, #tpu.memory_space<vmem>>, vector<1x16x128xf32>,
    %swap3A_75 = arith.constant 0 : index
    %swap3A_76 = arith.constant 0 : index
    %swap3A_77 = arith.constant 0 : index
    %swap3A_78 = vector.load %arg6[%swap3A_75, %swap3A_76, %swap3A_77] : memref<4x16x128xf32, #tpu.memory_space<vmem>>, vector<1x16x128xf32>
    %swap3A_79 = vector.shape_cast %swap3A_78 : vector<1x16x128xf32> to vector<16x128xf32>
    %swap3A_80 = vector.shape_cast %scan3A_56#20 : vector<16x128xf32> to vector<1x16x128xf32>
    tpu.vector_store %arg6[%swap3A_75, %swap3A_76, %swap3A_77], %swap3A_80 {strides = array<i32>} : memref<4x16x128xf32, #tpu.memory_space<vmem>>, vector<1x16x128xf32>,
    %swap3A_81 = arith.constant 1 : index
    %swap3A_82 = arith.constant 0 : index
    %swap3A_83 = arith.constant 0 : index
    %swap3A_84 = vector.load %arg3[%swap3A_81, %swap3A_82, %swap3A_83] : memref<4x16x128xi32, #tpu.memory_space<vmem>>, vector<1x16x128xi32>
    %swap3A_85 = vector.shape_cast %swap3A_84 : vector<1x16x128xi32> to vector<16x128xi32>
    %swap3A_86 = vector.shape_cast %scan3A_56#9 : vector<16x128xi32> to vector<1x16x128xi32>
    tpu.vector_store %arg3[%swap3A_81, %swap3A_82, %swap3A_83], %swap3A_86 {strides = array<i32>} : memref<4x16x128xi32, #tpu.memory_space<vmem>>, vector<1x16x128xi32>,
    %swap3A_87 = arith.constant 1 : index
    %swap3A_88 = arith.constant 0 : index
    %swap3A_89 = arith.constant 0 : index
    %swap3A_90 = vector.load %arg4[%swap3A_87, %swap3A_88, %swap3A_89] : memref<4x16x128xf32, #tpu.memory_space<vmem>>, vector<1x16x128xf32>
    %swap3A_91 = vector.shape_cast %swap3A_90 : vector<1x16x128xf32> to vector<16x128xf32>
    %swap3A_92 = vector.shape_cast %scan3A_56#13 : vector<16x128xf32> to vector<1x16x128xf32>
    tpu.vector_store %arg4[%swap3A_87, %swap3A_88, %swap3A_89], %swap3A_92 {strides = array<i32>} : memref<4x16x128xf32, #tpu.memory_space<vmem>>, vector<1x16x128xf32>,
    %swap3A_93 = arith.constant 1 : index
    %swap3A_94 = arith.constant 0 : index
    %swap3A_95 = arith.constant 0 : index
    %swap3A_96 = vector.load %arg5[%swap3A_93, %swap3A_94, %swap3A_95] : memref<4x16x128xf32, #tpu.memory_space<vmem>>, vector<1x16x128xf32>
    %swap3A_97 = vector.shape_cast %swap3A_96 : vector<1x16x128xf32> to vector<16x128xf32>
    %swap3A_98 = vector.shape_cast %scan3A_56#17 : vector<16x128xf32> to vector<1x16x128xf32>
    tpu.vector_store %arg5[%swap3A_93, %swap3A_94, %swap3A_95], %swap3A_98 {strides = array<i32>} : memref<4x16x128xf32, #tpu.memory_space<vmem>>, vector<1x16x128xf32>,
    %swap3A_99 = arith.constant 1 : index
    %swap3A_100 = arith.constant 0 : index
    %swap3A_101 = arith.constant 0 : index
    %swap3A_102 = vector.load %arg6[%swap3A_99, %swap3A_100, %swap3A_101] : memref<4x16x128xf32, #tpu.memory_space<vmem>>, vector<1x16x128xf32>
    %swap3A_103 = vector.shape_cast %swap3A_102 : vector<1x16x128xf32> to vector<16x128xf32>
    %swap3A_104 = vector.shape_cast %scan3A_56#21 : vector<16x128xf32> to vector<1x16x128xf32>
    tpu.vector_store %arg6[%swap3A_99, %swap3A_100, %swap3A_101], %swap3A_104 {strides = array<i32>} : memref<4x16x128xf32, #tpu.memory_space<vmem>>, vector<1x16x128xf32>,
    %swap3A_105 = arith.constant 2 : index
    %swap3A_106 = arith.constant 0 : index
    %swap3A_107 = arith.constant 0 : index
    %swap3A_108 = vector.load %arg3[%swap3A_105, %swap3A_106, %swap3A_107] : memref<4x16x128xi32, #tpu.memory_space<vmem>>, vector<1x16x128xi32>
    %swap3A_109 = vector.shape_cast %swap3A_108 : vector<1x16x128xi32> to vector<16x128xi32>
    %swap3A_110 = vector.shape_cast %scan3A_56#10 : vector<16x128xi32> to vector<1x16x128xi32>
    tpu.vector_store %arg3[%swap3A_105, %swap3A_106, %swap3A_107], %swap3A_110 {strides = array<i32>} : memref<4x16x128xi32, #tpu.memory_space<vmem>>, vector<1x16x128xi32>,
    %swap3A_111 = arith.constant 2 : index
    %swap3A_112 = arith.constant 0 : index
    %swap3A_113 = arith.constant 0 : index
    %swap3A_114 = vector.load %arg4[%swap3A_111, %swap3A_112, %swap3A_113] : memref<4x16x128xf32, #tpu.memory_space<vmem>>, vector<1x16x128xf32>
    %swap3A_115 = vector.shape_cast %swap3A_114 : vector<1x16x128xf32> to vector<16x128xf32>
    %swap3A_116 = vector.shape_cast %scan3A_56#14 : vector<16x128xf32> to vector<1x16x128xf32>
    tpu.vector_store %arg4[%swap3A_111, %swap3A_112, %swap3A_113], %swap3A_116 {strides = array<i32>} : memref<4x16x128xf32, #tpu.memory_space<vmem>>, vector<1x16x128xf32>,
    %swap3A_117 = arith.constant 2 : index
    %swap3A_118 = arith.constant 0 : index
    %swap3A_119 = arith.constant 0 : index
    %swap3A_120 = vector.load %arg5[%swap3A_117, %swap3A_118, %swap3A_119] : memref<4x16x128xf32, #tpu.memory_space<vmem>>, vector<1x16x128xf32>
    %swap3A_121 = vector.shape_cast %swap3A_120 : vector<1x16x128xf32> to vector<16x128xf32>
    %swap3A_122 = vector.shape_cast %scan3A_56#18 : vector<16x128xf32> to vector<1x16x128xf32>
    tpu.vector_store %arg5[%swap3A_117, %swap3A_118, %swap3A_119], %swap3A_122 {strides = array<i32>} : memref<4x16x128xf32, #tpu.memory_space<vmem>>, vector<1x16x128xf32>,
    %swap3A_123 = arith.constant 2 : index
    %swap3A_124 = arith.constant 0 : index
    %swap3A_125 = arith.constant 0 : index
    %swap3A_126 = vector.load %arg6[%swap3A_123, %swap3A_124, %swap3A_125] : memref<4x16x128xf32, #tpu.memory_space<vmem>>, vector<1x16x128xf32>
    %swap3A_127 = vector.shape_cast %swap3A_126 : vector<1x16x128xf32> to vector<16x128xf32>
    %swap3A_128 = vector.shape_cast %scan3A_56#22 : vector<16x128xf32> to vector<1x16x128xf32>
    tpu.vector_store %arg6[%swap3A_123, %swap3A_124, %swap3A_125], %swap3A_128 {strides = array<i32>} : memref<4x16x128xf32, #tpu.memory_space<vmem>>, vector<1x16x128xf32>,
    %swap3A_129 = arith.constant 3 : index
    %swap3A_130 = arith.constant 0 : index
    %swap3A_131 = arith.constant 0 : index
    %swap3A_132 = vector.load %arg3[%swap3A_129, %swap3A_130, %swap3A_131] : memref<4x16x128xi32, #tpu.memory_space<vmem>>, vector<1x16x128xi32>
    %swap3A_133 = vector.shape_cast %swap3A_132 : vector<1x16x128xi32> to vector<16x128xi32>
    %swap3A_134 = vector.shape_cast %scan3A_56#11 : vector<16x128xi32> to vector<1x16x128xi32>
    tpu.vector_store %arg3[%swap3A_129, %swap3A_130, %swap3A_131], %swap3A_134 {strides = array<i32>} : memref<4x16x128xi32, #tpu.memory_space<vmem>>, vector<1x16x128xi32>,
    %swap3A_135 = arith.constant 3 : index
    %swap3A_136 = arith.constant 0 : index
    %swap3A_137 = arith.constant 0 : index
    %swap3A_138 = vector.load %arg4[%swap3A_135, %swap3A_136, %swap3A_137] : memref<4x16x128xf32, #tpu.memory_space<vmem>>, vector<1x16x128xf32>
    %swap3A_139 = vector.shape_cast %swap3A_138 : vector<1x16x128xf32> to vector<16x128xf32>
    %swap3A_140 = vector.shape_cast %scan3A_56#15 : vector<16x128xf32> to vector<1x16x128xf32>
    tpu.vector_store %arg4[%swap3A_135, %swap3A_136, %swap3A_137], %swap3A_140 {strides = array<i32>} : memref<4x16x128xf32, #tpu.memory_space<vmem>>, vector<1x16x128xf32>,
    %swap3A_141 = arith.constant 3 : index
    %swap3A_142 = arith.constant 0 : index
    %swap3A_143 = arith.constant 0 : index
    %swap3A_144 = vector.load %arg5[%swap3A_141, %swap3A_142, %swap3A_143] : memref<4x16x128xf32, #tpu.memory_space<vmem>>, vector<1x16x128xf32>
    %swap3A_145 = vector.shape_cast %swap3A_144 : vector<1x16x128xf32> to vector<16x128xf32>
    %swap3A_146 = vector.shape_cast %scan3A_56#19 : vector<16x128xf32> to vector<1x16x128xf32>
    tpu.vector_store %arg5[%swap3A_141, %swap3A_142, %swap3A_143], %swap3A_146 {strides = array<i32>} : memref<4x16x128xf32, #tpu.memory_space<vmem>>, vector<1x16x128xf32>,
    %swap3A_147 = arith.constant 3 : index
    %swap3A_148 = arith.constant 0 : index
    %swap3A_149 = arith.constant 0 : index
    %swap3A_150 = vector.load %arg6[%swap3A_147, %swap3A_148, %swap3A_149] : memref<4x16x128xf32, #tpu.memory_space<vmem>>, vector<1x16x128xf32>
    %swap3A_151 = vector.shape_cast %swap3A_150 : vector<1x16x128xf32> to vector<16x128xf32>
    %swap3A_152 = vector.shape_cast %scan3A_56#23 : vector<16x128xf32> to vector<1x16x128xf32>
    tpu.vector_store %arg6[%swap3A_147, %swap3A_148, %swap3A_149], %swap3A_152 {strides = array<i32>} : memref<4x16x128xf32, #tpu.memory_space<vmem>>, vector<1x16x128xf32>,
    return
  }
}

</mosaic_0001>

<sc_bundles>
// kernel: kernel.5.cloned.1.call-start
scs
__scs_entry_jumppad:
0x0: {  	(pc) =	sbr.rel $0x88, $3  }
0x1: {  	(tag) =	ssettag $0x0;
	lr =	simm.s32 $0x1  }
0x2: {  	[smem:$0x3F99] =	sst lr;
	_ =	strace $0xD0000000  }
0x3: {  	_ = 	snop  }
0x4: {  	_ = 	snop  }
0x5: {  	_ = 	snop  }
0x6: {  	_ = 	snop  }
0x7: {  	_ = 	snop  }
__scs_overlays_trampoline_lowered:
0x8: {  	[smem:$0x3FA8] =	sst s0  }
0x9: {  	[smem:$0x3FA9] =	sst s1  }
0xa: {  	[smem:$0x3FAA] =	sst s2  }
0xb: {  	[smem:$0x3FAB] =	sst s3  }
0xc: {  	[smem:$0x3FAC] =	sst s4  }
0xd: {  	[smem:$0x3FAD] =	sst s5  }
0xe: {  	[smem:$0x3FAE] =	sst s6  }
0xf: {  	[smem:$0x3FAF] =	sst s7  }
0x10: {  	[smem:$0x3FB0] =	sst s8  }
0x11: {  	[smem:$0x3FB1] =	sst s9;
	s0 =	simm.s32 @!p0 $0x0  }
0x12: {  	s1 =	sld [smem:$0x3F97];
	s0 =	simm.s32 @p0 $0x1  }
0x13: {  	[smem:$0x3FB2] =	sst s0;
	s0 =	simm.s32 @!p1 $0x0  }
0x14: {  	s2 =	sld [smem:$0x3F96];
	s0 =	simm.s32 @p1 $0x1  }
0x15: {  	[smem:$0x3FB3] =	sst s0;
	s0 =	simm.s32 @!p2 $0x0  }
0x16: {  	s3 =	sld [smem:$0x3FDB];
	s0 =	simm.s32 @p2 $0x1  }
0x17: {  	s4 =	simm.s32 $0x1BF5;
	[smem:$0x3FB5] =	sst s0  }
0x18: {  	s0 =	sld [smem:$0x3F98];
	_ =	swait.ge [sflag:s4], $0x0  }
0x19: {  	s7 =	sld [smem:$0x3F99]  }
0x1a: {  	s8 =	sadd.s32 $0xFFFFE003, lr  }
0x1b: {  	s9 =	sadd.s32 $0xFFFFFEF7, lr;
	s5 =	simm.s32 $0xFFFFFFFF;
	p2 =	slt.u32 s8, $0xFFFFF086  }
0x1c: {  	p1 =	slt.u32 s9, $0xF7A;
	s5 =	simm.s32 @!p2 $0x0  }
0x1d: {  	s5 =	simm.s32 @p1 $0x1;
	p0 =	seq.s32 s7, s2  }
0x1e: {  	s7 =	smul.u32 @!p0 $0xF7A, s2;
	p2 =	seq.s32 @!p0 s5, $0x0  }
0x1f: {  	s9 =	smul.u32 $0xF7A, s1;
	s8 =	simm.s32 @!p0 $0x1BF5;
	p2 =	por !p2, p0  }
0x20: {  	[sflag:s8] =	ssyncset.s32 @!p0 $0xFFFFF086;
	s6 =	sadd.s32 @!p0 s3, s7;
	s7 =	simm.s32 @!p0 $0x108  }
0x21: {  	s3 =	sadd.s32 s3, s9;
	s6 =	sadd.s32 @!p0 $0x88, s6;
	s7 =	simm.s32 @p2 $0x1082  }
0x22: {  	[simem:s7], [sflag:s8] =	dma.local @!p0 [hbm:s6], $0xF7A  }
0x23: {  	s9 =	sor.u32 $0xD0000000, s2;
	s6 =	simm.s32 $0x108;
	_ =	swait.ge @!p0 [sflag:s8], $0x0  }
0x24: {  	s3 =	sadd.s32 $0x88, s3;
	s6 =	simm.s32 @!p1 $0x1082;
	[sflag:s4] =	ssyncset.s32 $0xFFFFF086  }
0x25: {  	[simem:s6], [sflag:s4] =	dma.local [hbm:s3], $0xF7A  }
0x26: {  	[smem:$0x3F99] =	sst s1;
	(tag) =	ssettag s2;
	_ =	strace s9  }
0x27: {  	s1 =	sld [smem:$0x3FA9]  }
0x28: {  	s2 =	sld [smem:$0x3FAA]  }
0x29: {  	s4 =	sld [smem:$0x3FAC]  }
0x2a: {  	p0 =	seq.s32 s5, $0x0;
	s5 =	sld [smem:$0x3FAD]  }
0x2b: {  	s6 =	sld [smem:$0x3FAE]  }
0x2c: {  	s7 =	sld [smem:$0x3FAF]  }
0x2d: {  	s3 =	simm.s32 $0x108;
	s8 =	sld [smem:$0x3FB0]  }
0x2e: {  	s3 =	simm.s32 @!p0 $0x1082;
	s9 =	sld [smem:$0x3FB1]  }
0x2f: {  	lr =	sadd.s32 s0, s3;
	s0 =	sld [smem:$0x3FA8]  }
0x30: {  	s3 =	sld [smem:$0x3FAB]  }
0x31: {  	[smem:$0x3FB4] =	sst s10  }
0x32: {  	s10 =	sld [smem:$0x3FB2];
	_ =	sdelay $0x3  }
0x33: {  	p0 =	seq.s32 s10, $0x1;
	s10 =	sld [smem:$0x3FB4];
	_ =	sdelay $0x3  }
0x34: {  	[smem:$0x3FB4] =	sst s10  }
0x35: {  	s10 =	sld [smem:$0x3FB3];
	_ =	sdelay $0x3  }
0x36: {  	p1 =	seq.s32 s10, $0x1;
	s10 =	sld [smem:$0x3FB4];
	_ =	sdelay $0x3  }
0x37: {  	[smem:$0x3FB4] =	sst s10  }
0x38: {  	s10 =	sld [smem:$0x3FB5]  }
0x39: {  	_ = 	snop;
	(pc) =	sbr.ind lr, $3  }
0x3a: {  	_ = 	snop  }
0x3b: {  	_ = 	snop  }
0x3c: {  	p2 =	seq.s32 s10, $0x1;
	s10 =	sld [smem:$0x3FB4]  }
0x3d: {  	_ =	shalt  }
0x3e: {  	_ =	shalt  }
0x3f: {  	_ =	shalt  }
0x40: {  	_ =	shalt  }
0x41: {  	_ =	shalt  }
0x42: {  	_ =	shalt  }
0x43: {  	_ =	shalt  }
0x44: {  	_ =	shalt  }
0x45: {  	_ =	shalt  }
0x46: {  	_ =	shalt  }
0x47: {  	_ =	shalt  }
0x48: {  	_ =	shalt  }
0x49: {  	_ =	shalt  }
0x4a: {  	_ =	shalt  }
0x4b: {  	_ =	shalt  }
0x4c: {  	_ =	shalt  }
0x4d: {  	_ =	shalt  }
0x4e: {  	_ =	shalt  }
0x4f: {  	_ =	shalt  }
0x50: {  	_ =	shalt  }
0x51: {  	_ =	shalt  }
0x52: {  	_ =	shalt  }
0x53: {  	_ =	shalt  }
0x54: {  	_ =	shalt  }
0x55: {  	_ =	shalt  }
0x56: {  	_ =	shalt  }
0x57: {  	_ =	shalt  }
0x58: {  	_ =	shalt  }
0x59: {  	_ =	shalt  }
0x5a: {  	_ =	shalt  }
0x5b: {  	_ =	shalt  }
0x5c: {  	_ =	shalt  }
0x5d: {  	_ =	shalt  }
0x5e: {  	_ =	shalt  }
0x5f: {  	_ =	shalt  }
0x60: {  	_ =	shalt  }
0x61: {  	_ =	shalt  }
0x62: {  	_ =	shalt  }
0x63: {  	_ =	shalt  }
0x64: {  	_ =	shalt  }
0x65: {  	_ =	shalt  }
0x66: {  	_ =	shalt  }
0x67: {  	_ =	shalt  }
0x68: {  	_ =	shalt  }
0x69: {  	_ =	shalt  }
0x6a: {  	_ =	shalt  }
0x6b: {  	_ =	shalt  }
0x6c: {  	_ =	shalt  }
0x6d: {  	_ =	shalt  }
0x6e: {  	_ =	shalt  }
0x6f: {  	_ =	shalt  }
0x70: {  	_ =	shalt  }
0x71: {  	_ =	shalt  }
0x72: {  	_ =	shalt  }
0x73: {  	_ =	shalt  }
0x74: {  	_ =	shalt  }
0x75: {  	_ =	shalt  }
0x76: {  	_ =	shalt  }
0x77: {  	_ =	shalt  }
0x78: {  	_ =	shalt  }
0x79: {  	_ =	shalt  }
0x7a: {  	_ =	shalt  }
0x7b: {  	_ =	shalt  }
0x7c: {  	_ =	shalt  }
0x7d: {  	_ =	shalt  }
0x7e: {  	_ =	shalt  }
0x7f: {  	_ =	shalt  }
0x80: {  	_ =	shalt  }
0x81: {  	_ =	shalt  }
0x82: {  	_ =	shalt  }
0x83: {  	_ =	shalt  }
0x84: {  	_ =	shalt  }
0x85: {  	_ =	shalt  }
0x86: {  	_ =	shalt  }
0x87: {  	_ =	shalt  }
.Lfunc_end0:
.L_simem_size_0:
called_computation_lowered:
.L_overlay_start_0:
0x88: {  	s2 =	sld [smem:$0x3FD9]  }
0x89: {  	s3 =	sld [smem:$0x3FFE];
	_ =	sdelay $0x1  }
0x8a: {  	s1 =	srdreg.scid  }
0x8b: {  	s0 =	sand.u32 $0x1, s1  }
0x8c: {  	s14 =	sshll.u32 s0, $0xA;
	s2 =	sadd.s32 s3, s2  }
0x8d: {  	s2 =	sadd.s32 s2, s14  }
0x8e: {  	[smem:$0x3FC0] =	sst s2  }
0x8f: {  	_ = 	snop  }
0x90: {  	s2 =	sld [smem:$0x3FD0];
	_ =	sdelay $0x2  }
0x91: {  	s15 =	simm.s32 $0xA;
	s4 =	simm.s32 $0x10  }
0x92: {  	[smem:s4], [sflag:s15] =	dma.local [hbm:s2], $0x1  }
0x93: {  	_ =	swait.eq [sflag:s15], $0x1  }
0x94: {  	[sflag:s15] =	ssyncset.done $0x0  }
0x95: {  	[sflag:s15] =	ssyncadd.s32 $0xFFFFFFFF  }
0x96: {  	s16 =	sld [smem:$0x11];
	(tm) =	ssettm $0x1  }
0x97: {  	s17 =	sld [smem:$0x3FFB];
	_ =	sdelay $0x3  }
0x98: {  	_ =	strace s17  }
0x99: {  	s3 =	sld [smem:$0x3FFC];
	_ =	sdelay $0x3  }
0x9a: {  	_ =	strace s3  }
0x9b: {  	s3 =	sld [smem:$0x3FFD];
	_ =	sdelay $0x3  }
0x9c: {  	_ =	strace s3  }
0x9d: {  	_ =	strace $0x8FFFFFFF  }
0x9e: {  	s18 =	sld [smem:$0x3FDB];
	_ =	sdelay $0x1  }
0x9f: {  	s19 =	simm.s32 $_scs_section_size  }
0xa0: {  	s5 =	simm.s32 $_size__tile_overlayer_lowered;
	s6 =	simm.s32 $_tile_overlayer_lowered  }
0xa1: {  	s22 =	simm.s32 $0x1BFF;
	s21 =	sshll.u32 s6, $0x1;
	s3 =	sadd.s32 s19, s18  }
0xa2: {  	s7 =	simm.s32 $0x0;
	s20 =	sshll.u32 s5, $0x1;
	s5 =	sadd.s32 s21, s3  }
0xa3: {  	[timem:s7], [sflag:s22] =	dma.local [hbm:s5], s20  }
0xa4: {  	_ =	swait.ge [sflag:s22], s20  }
0xa5: {  	s4 =	ssub.s32 $0x0, s20;
	[sflag:s22] =	ssyncset.done $0x0  }
0xa6: {  	[sflag:s22] =	ssyncadd.s32 s4;
	_ =	sdelay $0x1  }
0xa7: {  	s23 =	simm.s32 $0x1B8B  }
0xa8: {  	_ =	swait.ge [sflag:s23], $0x1  }
0xa9: {  	[sflag:s23] =	ssyncset.done $0x0  }
0xaa: {  	s25 =	simm.s32 $0x1B8E;
	s24 =	sld [smem:$0x3FFE];
	[sflag:s23] =	ssyncadd.s32 $0xFFFFFFFF  }
0xab: {  	s26 =	simm.s32 $execute0_lowered;
	[smem:$0x3FD2] =	sst s25  }
0xac: {  	s5 =	sshll.u32 s26, $0x1;
	_ =	strace $0x80000046;
	[dreg:$0x1] =	wrdreg $0xFFFFFFFF  }
0xad: {  	s28 =	simm.s32 $_size_execute0_lowered;
	s3 =	sadd.s32 s3, s5;
	[dreg:$0x0] =	wrdreg $0x0  }
0xae: {  	s5 =	sshll.u32 s28, $0x1;
	[dreg:$0x2] =	wrdreg s3  }
0xaf: {  	[dreg:$0x3] =	wrdreg s5  }
0xb0: {  	[dreg:$0x4] =	wrdreg $0xC0  }
0xb1: {  	_ =	task [dreg:s7], $0x5FFFF  }
0xb2: {  	[dreg:$0x1] =	wrdreg $0xFFFFFFFF  }
0xb3: {  	[dreg:$0x0] =	wrdreg $0x60  }
0xb4: {  	[dreg:$0x2] =	wrdreg s24  }
0xb5: {  	[dreg:$0x3] =	wrdreg s16  }
0xb6: {  	[dreg:$0x4] =	wrdreg $0x9  }
0xb7: {  	_ =	task.clear_ibuf [dreg:s7], $0x5FFFF;
	_ =	strace $0x90000046  }
0xb8: {  	s29 =	simm.s32 $0x9;
	_ =	strace $0x80000048  }
0xb9: {  	_ =	swait.ge [sflag:s29], $0x1  }
0xba: {  	[sflag:s29] =	ssyncadd.s32 $0xFFFFFFFF  }
0xbb: {  	_ =	strace $0x90000048  }
0xbc: {  	_ =	sfence  }
0xbd: {  	s30 =	sld [smem:$0x0];
	_ =	sdelay $0x2  }
0xbe: {  	s31 =	sshll.u32 s1, $0xD;
	s1 =	sshrl.u32 s1, $0x2  }
0xbf: {  	s3 =	sand.u32 $0x4000, s31;
	s1 =	sadd.s32 s1, s30  }
0xc0: {  	s0 =	sor.u32 s3, s0;
	s1 =	sshll.u32 s1, $0x11  }
0xc1: {  	s0 =	sor.u32 s1, s0  }
0xc2: {  	s0 =	sadd.s32 $0x8F2B, s0  }
0xc3: {  	[sflag:s0] =	ssyncadd.remote.s32 $0x1  }
0xc4: {  	_ =	sfence.sel $0xFFFF  }
0xc5: {  	[dreg:$0x0] =	wrdreg $0xFFFFFFFF;
	(pc) =	sbr.abs _section_cstart, $3  }
0xc6: {  	[dreg:$0x1] =	wrdreg $0xFFFFFFFF  }
0xc7: {  	_ =	task.clear_ibuf [dreg:s7], $0x2FFFF;
	_ =	strace $0x9FFFFFFF  }
0xc8: {  	(tm) =	ssettm $0x7FFFFFFF  }
0xc9: {  	_ =	shalt  }
tec
execute0_lowered:
.L_overlay_start_1:
0x0: {  	(tag) =	ssettag $0x1  }
0x1: {  	s0 =	rddreg [dreg:$0x0]  }
0x2: {  	s1 =	rddreg [dreg:$0x1]  }
0x3: {  	s4 =	stileid.u32;
	s2 =	srdreg.scid  }
0x4: {  	s8 =	simm.s32 $0x0;
	s2 =	sand.u32 $0x1, s2;
	s3 =	sshll.u32 s4, $0x1  }
0x5: {  	[smem:$0x7FF] =	sst s8;
	s4 =	sshrl.u32 s4, $0x2;
	s3 =	sor.u32 s2, s3  }
0x6: {  	_ =	strace $0x80000047;
	s6 =	sshll.u32 s4, $0x8;
	s7 =	sshll.u32 s4, $0xA  }
0x7: {  	s2 =	ssub.s32 $0x2, s2;
	s12 =	sshll.u32 s4, $0xD;
	s7 =	sadd.s32 s7, s0  }
0x8: {  	s5 =	sshll.u32 s3, $0x5;
	[dreg:$0x3] =	wrdreg s12;
	s24 =	sadd.s32 $0x800, s7  }
0x9: {  	s23 =	sshrl.u32 s2, $0x1;
	s25 =	sadd.s32 $0x3400, s7;
	[dreg:$0x4] =	wrdreg s24  }
0xa: {  	s3 =	sshll.u32 s3, $0xA;
	s26 =	sadd.s32 $0x2400, s7;
	[dreg:$0x5] =	wrdreg s25  }
0xb: {  	s5 =	sand.u32 $0xE0, s5;
	s30 =	sadd.s32 s1, s3;
	[dreg:$0x6] =	wrdreg s26  }
0xc: {  	s2 =	ssub.s32 s2, s23;
	s5 =	sor.u32 s6, s5;
	[dreg:$0xa] =	wrdreg s30  }
.Ltmp0:
0xd: {  	s31 =	smax.u32 s2, $0x1;
	s0 =	sadd.s32 s5, s0;
	(pc) =	sbr.rel .LBB2_1-.Ltmp0, $4  }
0xe: {  	[dreg:$0xb] =	wrdreg s31;
	s28 =	sadd.s32 $0x1800, s0  }
0xf: {  	s29 =	sadd.s32 $0x2000, s0;
	[dreg:$0x7] =	wrdreg s28  }
0x10: {  	v1 =	vlaneseq.u32;
	v2 =	vimm.s32 $0x0;
	s0 =	sadd.s32 $0x1C00, s0;
	[dreg:$0x8] =	wrdreg s29  }
0x11: {  	vm0 =	vcmask $0x300;
	v3 =	vor.u32 $0x10, v1;
	v0 =	vmov s12;
	s1 =	simm.s32 $0x1;
	s2 =	simm.s32 $0x0;
	[dreg:$0x9] =	wrdreg s0  }
.LBB2_9:
0x12: {  	s8 =	simm.s32 $0x0;
	s0 =	rddreg [dreg:$0xa];
	s1 =	simm.s32 $0x6500  }
0x13: {  	[hbm4b:s0+s8] =	stream.linear.scatter [tilespmem:s1], [sflag:$0x1], $0x2000, $0x38;
	[tilespmem:$0x8500] =	vst v63  }
0x14: {  	s1 =	simm.s32 $0x1  }
0x15: {  	_ =	swait.ge [sflag:s1], $0x2000  }
0x16: {  	s2 =	rddreg [dreg:$0xc]  }
0x17: {  	s31 =	rddreg [dreg:$0xb];
	s2 =	sadd.s32 $0x1, s2  }
0x18: {  	p0 =	sne.s32 s2, s31  }
.Ltmp1:
0x19: {  	_ = 	snop;
	(pc) =	sbr.rel @!p0 .LBB2_10-.Ltmp1, $3  }
0x1a: {  	_ =	sdelay $0x1  }
0x1b: {  	[sflag:s1] =	ssyncset.done $0x0  }
0x1c: {  	[sflag:s1] =	ssyncadd.s32 $0xFFFFE000  }
.LBB2_1:
0x1d: {  	[dreg:$0xc] =	wrdreg s2  }
0x1e: {  	s0 =	rddreg [dreg:$0x4]  }
0x1f: {  	[tilespmem:s8], [sflag:$0x1] =	stream.linear.gather [hbm4b:s0+s8], $0x2000, $0x38;
	[tilespmem:$0x8500] =	vst v63  }
0x20: {  	_ =	swait.ge [sflag:s1], $0x2000  }
0x21: {  	[sflag:s1] =	ssyncset.done $0x0  }
0x22: {  	s22 =	simm.s32 $0x2000;
	s21 =	rddreg [dreg:$0x5];
	[sflag:s1] =	ssyncadd.s32 $0xFFFFE000  }
0x23: {  	[tilespmem:s22], [sflag:$0x1] =	stream.linear.gather [hbm4b:s21+s8], $0x2000, $0x38;
	[tilespmem:$0x8500] =	vst v63  }
0x24: {  	_ =	swait.ge [sflag:s1], $0x2000  }
0x25: {  	[sflag:s1] =	ssyncset.done $0x0  }
0x26: {  	s24 =	simm.s32 $0x4000;
	s23 =	rddreg [dreg:$0x6];
	[sflag:s1] =	ssyncadd.s32 $0xFFFFE000  }
0x27: {  	[tilespmem:s24], [sflag:$0x1] =	stream.linear.gather [hbm4b:s23+s8], $0x2000, $0x38;
	[tilespmem:$0x8500] =	vst v63  }
0x28: {  	_ =	swait.ge [sflag:s1], $0x2000  }
0x29: {  	[sflag:s1] =	ssyncset.done $0x0  }
0x2a: {  	s26 =	simm.s32 $0x6000;
	s25 =	rddreg [dreg:$0x7];
	[sflag:s1] =	ssyncadd.s32 $0xFFFFE000  }
0x2b: {  	[tilespmem:s26], [sflag:$0x1] =	stream.linear.gather [hbm4b:s25+s8], $0x100, $0x38;
	[tilespmem:$0x8500] =	vst v63  }
0x2c: {  	_ =	swait.ge [sflag:s1], $0x100  }
0x2d: {  	[sflag:s1] =	ssyncset.done $0x0  }
0x2e: {  	s29 =	simm.s32 $0x6180;
	s28 =	rddreg [dreg:$0x8];
	[sflag:s1] =	ssyncadd.s32 $0xFFFFFF00  }
0x2f: {  	[tilespmem:s29], [sflag:$0x1] =	stream.linear.gather [hbm4b:s28+s8], $0x100, $0x38;
	[tilespmem:$0x8500] =	vst v63  }
0x30: {  	_ =	swait.ge [sflag:s1], $0x100  }
0x31: {  	s31 =	simm.s32 $0x6300;
	[sflag:s1] =	ssyncset.done $0x0  }
.Ltmp2:
0x32: {  	s30 =	rddreg [dreg:$0x9];
	[sflag:s1] =	ssyncadd.s32 $0xFFFFFF00;
	(pc) =	sbr.rel .LBB2_2-.Ltmp2, $4  }
0x33: {  	[tilespmem:s31], [sflag:$0x1] =	stream.linear.gather [hbm4b:s30+s8], $0x100, $0x38;
	[tilespmem:$0x8500] =	vst v63  }
0x34: {  	_ =	swait.ge [sflag:s1], $0x100  }
0x35: {  	[sflag:s1] =	ssyncset.done $0x0  }
0x36: {  	[sflag:s1] =	ssyncadd.s32 $0xFFFFFF00;
	s1 =	simm.s32 $0x0  }
.LBB2_8:
0x37: {  	v4 =	vld [tilespmem:$0x6480];
	_ =	sdelay $0x1  }
0x38: {  	s1 =	rddreg [dreg:$0xd]  }
0x39: {  	v5 =	vld [tilespmem:$0x6490];
	s0 =	sshll.u32 s1, $0x5;
	s1 =	sadd.s32 $0x1, s1  }
0x3a: {  	p0 =	sne.s32 s1, $0x100  }
.Ltmp3:
0x3b: {  	v7 =	vmov s18;
	v6 =	vbroadcast v4, $0x0;
	(pc) =	sbr.rel @!p0 .LBB2_9-.Ltmp3, $4  }
0x3c: {  	vm1 =	vgt.s32 v7, v1  }
0x3d: {  	s0 =	sand.u32 $0x3FFFFFE0, s0;
	v4 =	vsel vm1, v4, v6;
	vm1 =	vgt.s32 v7, v3  }
0x3e: {  	v5 =	vsel vm1, v5, v6;
	[tilespmem:s0+$0x6500] =	vst v4  }
0x3f: {  	[tilespmem:s0+$0x6510] =	vst v5  }
.LBB2_2:
.Ltmp4:
0x40: {  	(pc) =	sbr.rel .LBB2_3-.Ltmp4, $4  }
0x41: {  	_ = 	snop  }
0x42: {  	v4 =	vld.msk [tilespmem:s1+$0x6000 ss:$0x0], $0xffff  }
0x43: {  	v5 =	vld.msk [tilespmem:s1+$0x6180 ss:$0x0], $0xffff;
	[dreg:$0xd] =	wrdreg s1;
	s18 =	simm.s32 $0x0;
	s3 =	simm.s32 $0x40  }
0x44: {  	v6 =	vld.msk [tilespmem:s1+$0x6300 ss:$0x0], $0xffff;
	[tilespmem:$0x6480] =	vst v0;
	s4 =	simm.s32 $0x2040;
	s5 =	simm.s32 $0x4040;
	s15 =	simm.s32 $0x0  }
.LBB2_6:
0x45: {  	(v2sf) =	vpush v14, $0x0  }
0x46: {  	(v2sf) =	vpush v14, $0x1  }
0x47: {  	(v2sf) =	vpush v14, $0x2  }
0x48: {  	(v2sf) =	vpush v14, $0x3  }
0x49: {  	(v2sf) =	vpush v14, $0x4  }
0x4a: {  	(v2sf) =	vpush v14, $0x5  }
0x4b: {  	(v2sf) =	vpush v14, $0x6  }
0x4c: {  	(v2sf) =	vpush v14, $0x7  }
0x4d: {  	(v2sf) =	vpush v14, $0x8  }
0x4e: {  	(v2sf) =	vpush v14, $0x9  }
0x4f: {  	(v2sf) =	vpush v14, $0xA  }
0x50: {  	(v2sf) =	vpush v14, $0xB  }
0x51: {  	(v2sf) =	vpush v14, $0xC  }
0x52: {  	(v2sf) =	vpush v14, $0xD  }
0x53: {  	(v2sf) =	vpush v14, $0xE  }
0x54: {  	[dreg:$0x1b] =	wrdreg s4;
	s4 =	spop (v2sf);
	(v2sf) =	vpush v14, $0xF  }
0x55: {  	[dreg:$0x1e] =	wrdreg s5;
	s5 =	spop (v2sf);
	(v2sf) =	vpush v12, $0x0  }
0x56: {  	s11 =	spop (v2sf);
	(v2sf) =	vpush v12, $0x1  }
0x57: {  	s13 =	spop (v2sf);
	(v2sf) =	vpush v12, $0x2  }
0x58: {  	[dreg:$0x13] =	wrdreg s3;
	s3 =	spop (v2sf);
	(v2sf) =	vpush v12, $0x3  }
0x59: {  	s21 =	spop (v2sf);
	(v2sf) =	vpush v12, $0x4  }
0x5a: {  	s24 =	spop (v2sf);
	(v2sf) =	vpush v12, $0x5  }
0x5b: {  	s25 =	spop (v2sf);
	(v2sf) =	vpush v12, $0x6  }
0x5c: {  	s2 =	spop (v2sf);
	(v2sf) =	vpush v12, $0x7  }
0x5d: {  	s7 =	spop (v2sf);
	(v2sf) =	vpush v12, $0x8  }
0x5e: {  	s1 =	spop (v2sf);
	(v2sf) =	vpush v12, $0x9  }
0x5f: {  	s0 =	spop (v2sf);
	(v2sf) =	vpush v12, $0xA  }
0x60: {  	s31 =	spop (v2sf);
	(v2sf) =	vpush v12, $0xB  }
0x61: {  	s14 =	spop (v2sf);
	(v2sf) =	vpush v12, $0xC  }
0x62: {  	s16 =	spop (v2sf);
	(v2sf) =	vpush v12, $0xD  }
0x63: {  	s28 =	spop (v2sf);
	(v2sf) =	vpush v12, $0xE  }
0x64: {  	s6 =	spop (v2sf);
	(v2sf) =	vpush v12, $0xF  }
0x65: {  	s8 =	spop (v2sf);
	(v2sf) =	vpush v13, $0x0  }
0x66: {  	s17 =	spop (v2sf);
	(v2sf) =	vpush v13, $0x1  }
0x67: {  	s19 =	spop (v2sf);
	(v2sf) =	vpush v13, $0x2  }
0x68: {  	s20 =	spop (v2sf);
	(v2sf) =	vpush v13, $0x3  }
0x69: {  	s22 =	spop (v2sf);
	(v2sf) =	vpush v13, $0x4  }
0x6a: {  	[smem:$0x756] =	sst s0;
	s30 =	spop (v2sf);
	(v2sf) =	vpush v13, $0x5  }
0x6b: {  	[smem:$0x75A] =	sst s19;
	s19 =	spop (v2sf);
	(v2sf) =	vpush v13, $0x6  }
0x6c: {  	[smem:$0x757] =	sst s14;
	s23 =	spop (v2sf);
	(v2sf) =	vpush v13, $0x7  }
0x6d: {  	[smem:$0x75D] =	sst s23;
	(v2sf) =	vpush v13, $0x8;
	s23 =	spop (v2sf)  }
0x6e: {  	[smem:$0x758] =	sst s16;
	(v2sf) =	vpush v13, $0x9;
	s26 =	spop (v2sf)  }
0x6f: {  	[smem:$0x759] =	sst s17;
	(v2sf) =	vpush v13, $0xA;
	s29 =	spop (v2sf)  }
0x70: {  	[smem:$0x75B] =	sst s20;
	(v2sf) =	vpush v13, $0xB;
	s9 =	spop (v2sf)  }
0x71: {  	[smem:$0x75F] =	sst s29;
	(v2sf) =	vpush v13, $0xC;
	s29 =	spop (v2sf)  }
0x72: {  	[smem:$0x75C] =	sst s22;
	(v2sf) =	vpush v13, $0xD;
	s10 =	spop (v2sf)  }
0x73: {  	[smem:$0x765] =	sst s23;
	(v2sf) =	vpush v13, $0xE;
	s14 =	spop (v2sf)  }
0x74: {  	[smem:$0x760] =	sst s9;
	(v2sf) =	vpush v13, $0xF;
	s9 =	spop (v2sf)  }
0x75: {  	[smem:$0x772] =	sst s10;
	(v2sf) =	vpush v11, $0x0;
	s10 =	spop (v2sf)  }
0x76: {  	[smem:$0x75E] =	sst s26;
	(v2sf) =	vpush v11, $0x1;
	s16 =	spop (v2sf)  }
0x77: {  	[smem:$0x76F] =	sst s29;
	(v2sf) =	vpush v11, $0x2;
	s17 =	spop (v2sf)  }
0x78: {  	[smem:$0x761] =	sst s14;
	(v2sf) =	vpush v11, $0x3;
	s20 =	spop (v2sf)  }
0x79: {  	[smem:$0x780] =	sst s16;
	(v2sf) =	vpush v11, $0x4;
	s22 =	spop (v2sf)  }
0x7a: {  	[smem:$0x782] =	sst s17;
	(v2sf) =	vpush v11, $0x5;
	s26 =	spop (v2sf)  }
0x7b: {  	[smem:$0x785] =	sst s20;
	(v2sf) =	vpush v11, $0x6;
	s14 =	spop (v2sf)  }
0x7c: {  	[smem:$0x78A] =	sst s22;
	(v2sf) =	vpush v11, $0x7;
	s16 =	spop (v2sf)  }
0x7d: {  	[smem:$0x78D] =	sst s26;
	(v2sf) =	vpush v11, $0x8;
	s17 =	spop (v2sf)  }
0x7e: {  	[smem:$0x78F] =	sst s14;
	(v2sf) =	vpush v11, $0x9;
	s20 =	spop (v2sf)  }
0x7f: {  	[smem:$0x793] =	sst s16;
	(v2sf) =	vpush v11, $0xA;
	s22 =	spop (v2sf)  }
0x80: {  	[smem:$0x796] =	sst s17;
	(v2sf) =	vpush v11, $0xB;
	s26 =	spop (v2sf)  }
0x81: {  	[smem:$0x767] =	sst s20;
	(v2sf) =	vpush v11, $0xC;
	s14 =	spop (v2sf)  }
0x82: {  	[smem:$0x79E] =	sst s22;
	(v2sf) =	vpush v11, $0xD;
	s16 =	spop (v2sf)  }
0x83: {  	[smem:$0x7A3] =	sst s26;
	(v2sf) =	vpush v11, $0xE;
	s17 =	spop (v2sf)  }
0x84: {  	[smem:$0x7A7] =	sst s14;
	(v2sf) =	vpush v11, $0xF;
	s0 =	spop (v2sf)  }
0x85: {  	[smem:$0x7AD] =	sst s16;
	(v2sf) =	vpush v10, $0x0;
	s14 =	spop (v2sf)  }
0x86: {  	[smem:$0x774] =	sst s17;
	(v2sf) =	vpush v10, $0x1;
	s16 =	spop (v2sf)  }
0x87: {  	[smem:$0x77C] =	sst s16;
	(v2sf) =	vpush v10, $0x2  }
0x88: {  	s16 =	spop (v2sf);
	[dreg:$0xe] =	wrdreg s15  }
0x89: {  	[smem:$0x783] =	sst s16;
	s20 =	spop (v2sf)  }
0x8a: {  	(v2sf) =	vpush v10, $0x3;
	[smem:$0x786] =	sst s20;
	s22 =	spop (v2sf)  }
0x8b: {  	[smem:$0x788] =	sst s22;
	s26 =	spop (v2sf)  }
0x8c: {  	(v2sf) =	vpush v10, $0x4;
	[smem:$0x78E] =	sst s26;
	s17 =	spop (v2sf)  }
0x8d: {  	[smem:$0x790] =	sst s17;
	s20 =	spop (v2sf)  }
0x8e: {  	(v2sf) =	vpush v10, $0x5;
	[smem:$0x791] =	sst s20;
	s22 =	spop (v2sf)  }
0x8f: {  	(v2sf) =	vpush v10, $0x6;
	[smem:$0x797] =	sst s22;
	s26 =	spop (v2sf)  }
0x90: {  	[smem:$0x798] =	sst s26;
	s17 =	spop (v2sf)  }
0x91: {  	(v2sf) =	vpush v10, $0x7;
	[smem:$0x79B] =	sst s17;
	s20 =	spop (v2sf)  }
0x92: {  	(v2sf) =	vpush v10, $0x8;
	[smem:$0x7A0] =	sst s20;
	s22 =	spop (v2sf)  }
0x93: {  	p0 =	seq.s32 s4, $0x0;
	[smem:$0x7A6] =	sst s22;
	s26 =	spop (v2sf)  }
0x94: {  	(v2sf) =	vpush v10, $0x9;
	[smem:$0x7AA] =	sst s26;
	s26 =	sadd.s32 s15, s12;
	s12 =	spop (v2sf)  }
0x95: {  	(v2sf) =	vpush v10, $0xA;
	[smem:$0x7AE] =	sst s12;
	s16 =	smov.u32 s26;
	s12 =	spop (v2sf)  }
0x96: {  	s17 =	sadd.s32 $0x1, s26;
	s16 =	simm.s32 @p0 $0x40000000;
	p0 =	seq.s32 s5, $0x0  }
0x97: {  	(v2sf) =	vpush v10, $0xB;
	[smem:$0x763] =	sst s16;
	s16 =	spop (v2sf);
	s17 =	simm.s32 @p0 $0x40000000  }
0x98: {  	(v2sf) =	vpush v10, $0xC;
	s20 =	spop (v2sf);
	[smem:$0x766] =	sst s17  }
0x99: {  	[smem:$0x7B7] =	sst s20;
	s17 =	spop (v2sf)  }
0x9a: {  	(v2sf) =	vpush v10, $0xD;
	p0 =	seq.s32 s11, $0x0;
	s20 =	sadd.s32 s5, s4;
	[smem:$0x7BB] =	sst s17  }
0x9b: {  	(v2sf) =	vpush v10, $0xE;
	s17 =	sadd.s32 $0x2, s26;
	s22 =	spop (v2sf);
	[smem:$0x764] =	sst s20  }
0x9c: {  	[smem:$0x7BE] =	sst s22;
	s17 =	simm.s32 @p0 $0x40000000  }
0x9d: {  	(v2sf) =	vpush v10, $0xF;
	p0 =	seq.s32 s13, $0x0;
	[smem:$0x768] =	sst s17;
	s17 =	spop (v2sf)  }
0x9e: {  	[smem:$0x7C0] =	sst s17;
	s17 =	sadd.s32 $0x3, s26;
	s22 =	spop (v2sf)  }
0x9f: {  	[smem:$0x7C3] =	sst s22;
	s17 =	simm.s32 @p0 $0x40000000  }
0xa0: {  	p0 =	seq.s32 s3, $0x0;
	[smem:$0x769] =	sst s17;
	s17 =	spop (v2sf)  }
0xa1: {  	(v2sf) =	vpush v9, $0x0;
	[smem:$0x7C4] =	sst s17;
	s17 =	sadd.s32 $0x4, s26;
	s22 =	spop (v2sf)  }
0xa2: {  	(v2sf) =	vpush v9, $0x1;
	[smem:$0x7C6] =	sst s22;
	s17 =	simm.s32 @p0 $0x40000000  }
0xa3: {  	(v2sf) =	vpush v9, $0x2;
	p0 =	seq.s32 s21, $0x0;
	[smem:$0x76A] =	sst s17;
	s17 =	spop (v2sf)  }
0xa4: {  	(v2sf) =	vpush v9, $0x3;
	[smem:$0x7C9] =	sst s17;
	s17 =	sadd.s32 $0x5, s26;
	s22 =	spop (v2sf)  }
0xa5: {  	(v2sf) =	vpush v9, $0x4;
	[smem:$0x7CB] =	sst s22;
	s17 =	simm.s32 @p0 $0x40000000  }
0xa6: {  	p0 =	seq.s32 s24, $0x0;
	[smem:$0x76B] =	sst s17;
	s17 =	spop (v2sf)  }
0xa7: {  	(v2sf) =	vpush v9, $0x5;
	[smem:$0x7CD] =	sst s17;
	s17 =	sadd.s32 $0x6, s26;
	s22 =	spop (v2sf)  }
0xa8: {  	p2 =	seq.s32 s2, $0x0;
	[smem:$0x7CE] =	sst s22;
	s17 =	simm.s32 @p0 $0x40000000  }
0xa9: {  	p0 =	seq.s32 s25, $0x0;
	[smem:$0x76C] =	sst s17;
	s17 =	spop (v2sf)  }
0xaa: {  	(v2sf) =	vpush v9, $0x6;
	[smem:$0x7D0] =	sst s17;
	s17 =	sadd.s32 $0x7, s26;
	s22 =	spop (v2sf)  }
0xab: {  	p4 =	seq.s32 s7, $0x0;
	[smem:$0x7D2] =	sst s22;
	s17 =	simm.s32 @p0 $0x40000000  }
0xac: {  	p5 =	seq.s32 s6, $0x0;
	(v2sf) =	vpush v9, $0x7;
	s22 =	spop (v2sf);
	[smem:$0x76D] =	sst s17  }
0xad: {  	p0 =	seq.s32 s10, $0x0;
	s10 =	sadd.s32 s10, s9;
	[smem:$0x7D4] =	sst s22  }
0xae: {  	(v2sf) =	vpush v9, $0x8;
	s17 =	smov.u32 s2;
	s2 =	sadd.s32 $0x8, s26;
	s22 =	sadd.s32 s8, s6  }
0xaf: {  	s6 =	simm.s32 @!p0 $0x0;
	[smem:$0x77F] =	sst s10;
	s2 =	simm.s32 @p2 $0x40000000  }
0xb0: {  	(v2sf) =	vpush v9, $0x9;
	s4 =	spop (v2sf);
	s6 =	simm.s32 @p0 $0x1;
	[smem:$0x76E] =	sst s2  }
0xb1: {  	p6 =	seq.s32 s1, $0x0;
	s5 =	spop (v2sf);
	[smem:$0x762] =	sst s6  }
0xb2: {  	p3 =	seq.s32 s8, $0x0;
	(v2sf) =	vpush v9, $0xA;
	s2 =	spop (v2sf);
	s6 =	sld [smem:$0x756]  }
0xb3: {  	[smem:$0x7DA] =	sst s2;
	s2 =	smov.u32 s7;
	s7 =	spop (v2sf)  }
0xb4: {  	[smem:$0x7DF] =	sst s7;
	s7 =	sadd.s32 $0x9, s26;
	s8 =	spop (v2sf)  }
0xb5: {  	(v2sf) =	vpush v9, $0xB;
	p2 =	seq.s32 s9, $0x0;
	[smem:$0x7E1] =	sst s8;
	s7 =	simm.s32 @p4 $0x40000000  }
0xb6: {  	p0 =	seq.s32 s14, $0x0;
	s8 =	spop (v2sf);
	[smem:$0x770] =	sst s7  }
0xb7: {  	(v2sf) =	vpush v9, $0xC;
	p4 =	seq.s32 s0, $0x0;
	s0 =	sadd.s32 s14, s0;
	[smem:$0x7E3] =	sst s8  }
0xb8: {  	s14 =	sadd.s32 s16, s12;
	s8 =	smov.u32 s1;
	[smem:$0x79F] =	sst s0  }
0xb9: {  	(v2sf) =	vpush v9, $0xD;
	s9 =	spop (v2sf);
	s1 =	simm.s32 @!p0 $0x0;
	[smem:$0x7DB] =	sst s14  }
0xba: {  	p1 =	seq.s32 s12, $0x0;
	[dreg:$0x1f] =	wrdreg s9;
	s1 =	simm.s32 @p0 $0x1  }
0xbb: {  	s0 =	simm.s32 @!p1 $0x0;
	s10 =	spop (v2sf);
	[smem:$0x77E] =	sst s1  }
0xbc: {  	(v2sf) =	vpush v9, $0xE;
	s0 =	simm.s32 @p1 $0x1;
	[dreg:$0x1d] =	wrdreg s10  }
0xbd: {  	(v2sf) =	vpush v9, $0xF;
	s1 =	sadd.s32 $0xA, s26;
	s7 =	spop (v2sf);
	[smem:$0x7B4] =	sst s0  }
0xbe: {  	p1 =	seq.s32 s16, $0x0;
	s1 =	simm.s32 @p6 $0x40000000;
	[dreg:$0x1c] =	wrdreg s7  }
0xbf: {  	(v2sf) =	vpush v8, $0x0;
	s0 =	simm.s32 @!p1 $0x0;
	s9 =	spop (v2sf);
	[smem:$0x771] =	sst s1  }
0xc0: {  	(v2sf) =	vpush v8, $0x1;
	s0 =	simm.s32 @p1 $0x1;
	[dreg:$0x1a] =	wrdreg s9  }
0xc1: {  	p0 =	seq.s32 s6, $0x0;
	[smem:$0x7BA] =	sst s0;
	s10 =	spop (v2sf)  }
0xc2: {  	s1 =	sadd.s32 $0xB, s26;
	s9 =	sadd.s32 s5, s4;
	[dreg:$0x19] =	wrdreg s10  }
0xc3: {  	p1 =	seq.s32 s4, $0x0;
	s1 =	simm.s32 @p0 $0x40000000;
	[smem:$0x7DE] =	sst s9  }
0xc4: {  	s0 =	simm.s32 @!p1 $0x0;
	s16 =	spop (v2sf);
	[smem:$0x773] =	sst s1  }
0xc5: {  	s0 =	simm.s32 @p1 $0x1;
	p1 =	seq.s32 s5, $0x0;
	[dreg:$0x18] =	wrdreg s16  }
0xc6: {  	[smem:$0x7D9] =	sst s0;
	s1 =	spop (v2sf);
	s0 =	simm.s32 @!p1 $0x0  }
0xc7: {  	[dreg:$0x17] =	wrdreg s1;
	s0 =	simm.s32 @p1 $0x1  }
0xc8: {  	s7 =	spop (v2sf);
	[smem:$0x7DC] =	sst s0  }
0xc9: {  	p0 =	seq.s32 s31, $0x0;
	s1 =	sadd.s32 $0xC, s26;
	[dreg:$0x16] =	wrdreg s7  }
0xca: {  	s1 =	simm.s32 @p0 $0x40000000;
	s7 =	sld [smem:$0x757]  }
0xcb: {  	s10 =	spop (v2sf);
	[smem:$0x775] =	sst s1  }
0xcc: {  	[dreg:$0x15] =	wrdreg s10;
	s12 =	spop (v2sf)  }
0xcd: {  	s9 =	sadd.s32 $0xE, s26;
	s1 =	sadd.s32 $0xD, s26;
	[dreg:$0x14] =	wrdreg s12  }
0xce: {  	s14 =	spop (v2sf);
	s12 =	sadd.s32 s11, s20;
	s20 =	sld [smem:$0x75A]  }
0xcf: {  	p0 =	seq.s32 s7, $0x0;
	p6 =	seq.s32 s14, $0x0;
	s16 =	spop (v2sf)  }
0xd0: {  	s11 =	sadd.s32 s13, s12;
	v28 =	vmov s12;
	s12 =	sld [smem:$0x769];
	s1 =	simm.s32 @p0 $0x40000000  }
0xd1: {  	s4 =	simm.s32 @!p6 $0x0;
	s0 =	sadd.s32 s16, s14;
	[smem:$0x777] =	sst s1  }
0xd2: {  	s13 =	sadd.s32 s3, s11;
	s1 =	sld [smem:$0x758];
	s4 =	simm.s32 @p6 $0x1  }
0xd3: {  	p6 =	seq.s32 s16, $0x0;
	[dreg:$0x12] =	wrdreg s0;
	s0 =	sadd.s32 $0x10, s26  }
0xd4: {  	s14 =	sadd.s32 s21, s13;
	[smem:$0x7E9] =	sst s4;
	s5 =	simm.s32 @!p6 $0x0  }
0xd5: {  	s0 =	simm.s32 @p5 $0x40000000;
	s24 =	sadd.s32 s24, s14;
	v31 =	vmov s14;
	s14 =	sld [smem:$0x76C]  }
0xd6: {  	s5 =	simm.s32 @p6 $0x1;
	[smem:$0x77A] =	sst s0;
	s0 =	sadd.s32 $0x11, s26  }
0xd7: {  	p1 =	seq.s32 s1, $0x0;
	[smem:$0x7EA] =	sst s5;
	s0 =	simm.s32 @p3 $0x40000000  }
0xd8: {  	p0 =	seq.s32 s28, $0x0;
	s9 =	simm.s32 @p1 $0x40000000;
	[smem:$0x77B] =	sst s0  }
0xd9: {  	p1 =	seq.s32 s20, $0x0;
	s0 =	sadd.s32 $0x13, s26;
	[smem:$0x778] =	sst s9  }
0xda: {  	s9 =	sadd.s32 s18, s28;
	s28 =	sld [smem:$0x759];
	s0 =	simm.s32 @p1 $0x40000000  }
0xdb: {  	s3 =	sadd.s32 $0x14, s26;
	s4 =	sadd.s32 $0x12, s26;
	[smem:$0x781] =	sst s0  }
0xdc: {  	s16 =	sadd.s32 s25, s24;
	s5 =	sadd.s32 $0xF, s26;
	s0 =	sld [smem:$0x75B]  }
0xdd: {  	s17 =	sadd.s32 s17, s16;
	s5 =	simm.s32 @p0 $0x40000000;
	p0 =	slt.s32 s18, $0x40  }
0xde: {  	v33 =	vmov s16;
	s16 =	sld [smem:$0x771];
	s18 =	simm.s32 @!p0 $0x40;
	p0 =	seq.s32 s28, $0x0  }
0xdf: {  	[smem:$0x78B] =	sst s5;
	s4 =	simm.s32 @p0 $0x40000000;
	p0 =	seq.s32 s0, $0x0  }
0xe0: {  	[smem:$0x77D] =	sst s4;
	s3 =	simm.s32 @p0 $0x40000000  }
0xe1: {  	[smem:$0x784] =	sst s3  }
0xe2: {  	p1 =	seq.s32 s30, $0x0;
	s4 =	sadd.s32 $0x16, s26;
	s3 =	sld [smem:$0x75C]  }
0xe3: {  	[dreg:$0xf] =	wrdreg s18;
	s4 =	simm.s32 @p1 $0x40000000  }
0xe4: {  	v34 =	vmov s17;
	p1 =	seq.s32 s23, $0x0;
	s23 =	sadd.s32 s2, s17;
	s17 =	sld [smem:$0x772]  }
0xe5: {  	s5 =	sadd.s32 $0x15, s26;
	[smem:$0x789] =	sst s4;
	p0 =	seq.s32 s3, $0x0  }
0xe6: {  	s4 =	sadd.s32 $0x17, s26;
	s5 =	simm.s32 @p0 $0x40000000;
	p0 =	seq.s32 s19, $0x0  }
0xe7: {  	[smem:$0x787] =	sst s5;
	s4 =	simm.s32 @p0 $0x40000000  }
0xe8: {  	s5 =	sadd.s32 $0x19, s26;
	[smem:$0x78C] =	sst s4  }
0xe9: {  	s4 =	sld [smem:$0x75D];
	s5 =	simm.s32 @p1 $0x40000000  }
0xea: {  	[smem:$0x799] =	sst s5  }
0xeb: {  	s10 =	sadd.s32 $0x18, s26;
	s25 =	smov.u32 s19;
	s5 =	sld [smem:$0x75E]  }
0xec: {  	s2 =	sadd.s32 $0x1A, s26;
	s18 =	sadd.s32 s8, s23;
	s8 =	sld [smem:$0x760]  }
0xed: {  	s21 =	sadd.s32 s6, s18;
	s6 =	sld [smem:$0x75F];
	p0 =	seq.s32 s4, $0x0  }
0xee: {  	s19 =	sadd.s32 $0x1B, s26;
	s10 =	simm.s32 @p0 $0x40000000;
	p0 =	seq.s32 s5, $0x0  }
0xef: {  	p1 =	seq.s32 s8, $0x0;
	[smem:$0x792] =	sst s10;
	s2 =	simm.s32 @p0 $0x40000000  }
0xf0: {  	p0 =	seq.s32 s6, $0x0;
	s10 =	sadd.s32 $0x1C, s26;
	[smem:$0x7A1] =	sst s2  }
0xf1: {  	s19 =	simm.s32 @p0 $0x40000000;
	p0 =	seq.s32 s29, $0x0;
	s29 =	sld [smem:$0x772]  }
0xf2: {  	s10 =	simm.s32 @p1 $0x40000000;
	[smem:$0x7A8] =	sst s19  }
0xf3: {  	s2 =	sadd.s32 $0x1D, s26;
	[smem:$0x7AF] =	sst s10  }
0xf4: {  	s19 =	sadd.s32 s31, s21;
	s2 =	simm.s32 @p0 $0x40000000;
	s31 =	sld [smem:$0x761]  }
0xf5: {  	s10 =	sadd.s32 $0x1E, s26;
	s15 =	sadd.s32 s7, s19;
	[smem:$0x7B5] =	sst s2  }
0xf6: {  	v38 =	vmov s19;
	s19 =	sld [smem:$0x77D];
	s7 =	sadd.s32 s1, s15;
	p0 =	seq.s32 s29, $0x0  }
0xf7: {  	[smem:$0x779] =	sst s7;
	s10 =	simm.s32 @p0 $0x40000000  }
0xf8: {  	[smem:$0x7BC] =	sst s10  }
0xf9: {  	s2 =	sadd.s32 $0x1F, s26;
	p1 =	seq.s32 s31, $0x0;
	s10 =	sld [smem:$0x780]  }
0xfa: {  	v39 =	vmov s15;
	s2 =	simm.s32 @p1 $0x40000000;
	s15 =	sld [smem:$0x779]  }
0xfb: {  	[smem:$0x7C1] =	sst s2  }
0xfc: {  	s2 =	sadd.s32 s7, s9;
	s9 =	sld [smem:$0x762];
	s7 =	smov.u32 s22  }
0xfd: {  	s1 =	sadd.s32 s31, s2;
	p0 =	slt.s32 s2, $0x40;
	v17 =	vmov s7;
	s7 =	sld [smem:$0x79B]  }
0xfe: {  	[smem:$0x776] =	sst s1;
	s2 =	simm.s32 @!p0 $0x40  }
0xff: {  	s29 =	sadd.s32 $0x21, s26;
	s31 =	sadd.s32 $0x20, s26;
	[dreg:$0x10] =	wrdreg s2  }
0x100: {  	s31 =	simm.s32 @p2 $0x40000000;
	s2 =	sadd.s32 s28, s22;
	s22 =	sld [smem:$0x782]  }
0x101: {  	s1 =	sadd.s32 $0x22, s26;
	p0 =	seq.s32 s9, $0x1;
	s28 =	sld [smem:$0x785]  }
0x102: {  	v41 =	vmov s15;
	s15 =	sld [smem:$0x77C];
	s29 =	simm.s32 @p0 $0x40000000;
	p0 =	seq.s32 s10, $0x0  }
0x103: {  	s9 =	sadd.s32 $0x23, s26;
	v51 =	vmov s31;
	s31 =	sld [smem:$0x791];
	s1 =	simm.s32 @p0 $0x40000000  }
0x104: {  	[smem:$0x795] =	sst s1;
	p0 =	seq.s32 s22, $0x0;
	p1 =	seq.s32 s28, $0x0  }
0x105: {  	s1 =	sadd.s32 $0x24, s26;
	s22 =	sld [smem:$0x78F];
	s9 =	simm.s32 @p0 $0x40000000  }
0x106: {  	(v2sf) =	vpush v8, $0x2;
	s1 =	simm.s32 @p1 $0x40000000;
	[smem:$0x79A] =	sst s9  }
0x107: {  	[smem:$0x79D] =	sst s1  }
0x108: {  	s9 =	sadd.s32 s20, s2;
	s1 =	sld [smem:$0x78A]  }
0x109: {  	(v2sf) =	vpush v8, $0x3;
	s20 =	sadd.s32 s0, s9;
	s0 =	sadd.s32 $0x25, s26;
	v44 =	vmov s9;
	s9 =	sld [smem:$0x785]  }
0x10a: {  	p1 =	seq.s32 s22, $0x0;
	s28 =	sadd.s32 s3, s20;
	s3 =	sld [smem:$0x78D]  }
0x10b: {  	(v2sf) =	vpush v8, $0x4;
	v45 =	vmov s20;
	s20 =	sld [smem:$0x78F];
	p0 =	seq.s32 s1, $0x0;
	s10 =	sadd.s32 s30, s28  }
0x10c: {  	s0 =	simm.s32 @p0 $0x40000000;
	s30 =	sadd.s32 s25, s10;
	s25 =	sld [smem:$0x793]  }
0x10d: {  	s1 =	sadd.s32 $0x26, s26;
	[smem:$0x7A2] =	sst s0;
	p0 =	seq.s32 s3, $0x0  }
0x10e: {  	(v2sf) =	vpush v8, $0x5;
	s0 =	sadd.s32 $0x27, s26;
	s3 =	sld [smem:$0x763];
	s1 =	simm.s32 @p0 $0x40000000  }
0x10f: {  	s0 =	simm.s32 @p1 $0x40000000;
	[smem:$0x7A5] =	sst s1  }
0x110: {  	[smem:$0x7A9] =	sst s0  }
0x111: {  	s1 =	sadd.s32 s4, s30;
	s4 =	sld [smem:$0x796]  }
0x112: {  	(v2sf) =	vpush v8, $0x6;
	p0 =	seq.s32 s25, $0x0;
	s0 =	sadd.s32 $0x28, s26;
	s25 =	sld [smem:$0x764]  }
0x113: {  	s0 =	simm.s32 @p0 $0x40000000;
	[smem:$0x794] =	sst s1  }
0x114: {  	[smem:$0x7AC] =	sst s0  }
0x115: {  	v46 =	vmov s28;
	s0 =	spop (v2sf);
	s28 =	sld [smem:$0x794]  }
0x116: {  	[smem:$0x7EB] =	sst s0  }
0x117: {  	p0 =	seq.s32 s4, $0x0;
	s4 =	sld [smem:$0x765]  }
0x118: {  	s22 =	spop (v2sf);
	s0 =	sadd.s32 $0x29, s26;
	v16 =	vmov s25;
	s25 =	sld [smem:$0x766]  }
0x119: {  	[smem:$0x7ED] =	sst s22;
	s0 =	simm.s32 @p0 $0x40000000  }
0x11a: {  	s22 =	spop (v2sf);
	[smem:$0x7B0] =	sst s0  }
0x11b: {  	[smem:$0x7EE] =	sst s22  }
0x11c: {  	(v2sf) =	vpush v8, $0x7;
	s22 =	sld [smem:$0x767]  }
0x11d: {  	v27 =	vbroadcast v14, $0x0;
	(v2sf) =	vpush v8, $0x8;
	s0 =	spop (v2sf);
	v56 =	vmov s28;
	s28 =	sld [smem:$0x7A1]  }
0x11e: {  	vm1 =	veq.s32 v1, $0x0;
	v15 =	vmov s3;
	[smem:$0x7F0] =	sst s0  }
0x11f: {  	vm2 =	veq.s32 v27, v1;
	v15 =	vnsel vm1, $0x40000000, v15;
	s3 =	sadd.s32 s4, s1;
	s4 =	sld [smem:$0x768]  }
0x120: {  	(v2sf) =	vpush v8, $0x9;
	v14 =	vsel vm2, s25, v15;
	s25 =	sld [smem:$0x79E]  }
0x121: {  	v29 =	vmov s11;
	s11 =	spop (v2sf);
	[smem:$0x79C] =	sst s3  }
0x122: {  	[smem:$0x7F1] =	sst s11  }
0x123: {  	(v2sf) =	vpush v8, $0xA;
	s3 =	sadd.s32 s5, s3;
	s11 =	sld [smem:$0x76B]  }
0x124: {  	vm2 =	veq.s32 v16, v1;
	[smem:$0x7A4] =	sst s3  }
0x125: {  	s5 =	sadd.s32 s6, s3;
	v14 =	vsel vm2, s4, v14;
	s4 =	sld [smem:$0x76A]  }
0x126: {  	s1 =	sadd.s32 $0x2A, s26;
	p0 =	seq.s32 s22, $0x0;
	[smem:$0x7AB] =	sst s5  }
0x127: {  	(v2sf) =	vpush v8, $0xB;
	s1 =	simm.s32 @p0 $0x40000000;
	p0 =	seq.s32 s25, $0x0;
	s25 =	sld [smem:$0x76D]  }
0x128: {  	s3 =	sadd.s32 s8, s5;
	s5 =	sld [smem:$0x76E]  }
0x129: {  	vm2 =	veq.s32 v28, v1;
	[smem:$0x7B3] =	sst s1  }
0x12a: {  	v14 =	vsel vm2, s12, v14;
	s12 =	sld [smem:$0x7A3]  }
0x12b: {  	s1 =	spop (v2sf);
	[smem:$0x7B2] =	sst s3  }
0x12c: {  	(v2sf) =	vpush v8, $0xC;
	[smem:$0x7F2] =	sst s1;
	s6 =	spop (v2sf)  }
0x12d: {  	s1 =	sadd.s32 $0x2B, s26;
	[smem:$0x7F3] =	sst s6  }
0x12e: {  	s1 =	simm.s32 @p0 $0x40000000;
	s6 =	sld [smem:$0x76F]  }
0x12f: {  	(v2sf) =	vpush v8, $0xD;
	v30 =	vmov s13;
	s13 =	spop (v2sf);
	[smem:$0x7B6] =	sst s1  }
0x130: {  	[smem:$0x7F4] =	sst s13  }
0x131: {  	p0 =	seq.s32 s12, $0x0;
	s12 =	sld [smem:$0x770]  }
0x132: {  	v32 =	vmov s24;
	s24 =	spop (v2sf);
	s13 =	sld [smem:$0x7AD]  }
0x133: {  	(v2sf) =	vpush v8, $0xE;
	s1 =	sadd.s32 $0x2C, s26;
	[smem:$0x7F5] =	sst s24  }
0x134: {  	vm2 =	veq.s32 v29, v1;
	s1 =	simm.s32 @p0 $0x40000000;
	s24 =	sld [smem:$0x773]  }
0x135: {  	v14 =	vsel vm2, s4, v14;
	vm2 =	veq.s32 v30, v1;
	[smem:$0x7B9] =	sst s1  }
0x136: {  	(v2sf) =	vpush v8, $0xF;
	v14 =	vsel vm2, s11, v14;
	vm2 =	veq.s32 v31, v1;
	s4 =	spop (v2sf);
	s1 =	sld [smem:$0x7A7]  }
0x137: {  	v14 =	vsel vm2, s14, v14;
	vm2 =	veq.s32 v32, v1;
	[smem:$0x7F6] =	sst s4  }
0x138: {  	v14 =	vsel vm2, s25, v14;
	s25 =	sld [smem:$0x774]  }
0x139: {  	s8 =	sadd.s32 s6, s3;
	s6 =	sld [smem:$0x775]  }
0x13a: {  	s4 =	sld [smem:$0x780]  }
0x13b: {  	s11 =	spop (v2sf);
	[smem:$0x7B8] =	sst s8  }
0x13c: {  	[smem:$0x7F7] =	sst s11  }
0x13d: {  	v37 =	vmov s21;
	s21 =	sadd.s32 s17, s8;
	s8 =	sld [smem:$0x776]  }
0x13e: {  	s14 =	spop (v2sf);
	s17 =	sld [smem:$0x77B]  }
0x13f: {  	(v2sf) =	vpush v7, $0x0;
	vm2 =	veq.s32 v33, v1;
	[smem:$0x7F8] =	sst s14  }
0x140: {  	(v2sf) =	vpush v7, $0x1;
	v14 =	vsel vm2, s5, v14;
	vm2 =	veq.s32 v34, v1;
	[smem:$0x7BF] =	sst s21  }
0x141: {  	v14 =	vsel vm2, s12, v14;
	s12 =	sld [smem:$0x777]  }
0x142: {  	v35 =	vmov s23;
	s23 =	spop (v2sf);
	s14 =	sld [smem:$0x778]  }
0x143: {  	vm2 =	veq.s32 v35, v1;
	[smem:$0x7F9] =	sst s23  }
0x144: {  	v14 =	vsel vm2, s16, v14;
	s16 =	sld [smem:$0x77A]  }
0x145: {  	s5 =	spop (v2sf);
	s23 =	sld [smem:$0x77F]  }
0x146: {  	[smem:$0x7FA] =	sst s5  }
0x147: {  	s0 =	sadd.s32 s21, s8;
	s21 =	sld [smem:$0x77E]  }
0x148: {  	v36 =	vmov s18;
	p0 =	seq.s32 s1, $0x0;
	s1 =	sadd.s32 $0x2D, s26;
	s5 =	sld [smem:$0x781]  }
0x149: {  	vm2 =	veq.s32 v36, v1;
	s1 =	simm.s32 @p0 $0x40000000;
	s8 =	sld [smem:$0x784]  }
0x14a: {  	s18 =	sadd.s32 $0x2E, s26;
	v14 =	vsel vm2, s24, v14;
	vm2 =	veq.s32 v37, v1;
	[smem:$0x7BD] =	sst s1  }
0x14b: {  	p0 =	seq.s32 s13, $0x0;
	v14 =	vsel vm2, s6, v14;
	s3 =	sadd.s32 s25, s0;
	s6 =	sld [smem:$0x782]  }
0x14c: {  	s18 =	simm.s32 @p0 $0x40000000;
	vm2 =	veq.s32 v38, v1;
	[smem:$0x7B1] =	sst s3  }
0x14d: {  	p0 =	seq.s32 s25, $0x0;
	s1 =	sadd.s32 $0x2F, s26;
	v14 =	vsel vm2, s12, v14;
	s12 =	sld [smem:$0x789]  }
0x14e: {  	s11 =	spop (v2sf);
	s1 =	simm.s32 @p0 $0x40000000;
	v42 =	vmov s16;
	s16 =	sld [smem:$0x78B]  }
0x14f: {  	s13 =	spop (v2sf);
	[smem:$0x7C2] =	sst s1  }
0x150: {  	p2 =	seq.s32 s13, $0x0;
	s1 =	sadd.s32 s13, s11;
	s13 =	sld [smem:$0x783]  }
0x151: {  	p3 =	seq.s32 s11, $0x0;
	vm2 =	veq.s32 v39, v1;
	s11 =	sld [smem:$0x787]  }
0x152: {  	v14 =	vsel vm2, s14, v14;
	s14 =	sld [smem:$0x78A]  }
0x153: {  	v40 =	vbroadcast v12, $0x0;
	p0 =	slt.s32 s0, $0x40;
	p1 =	seq.s32 s21, $0x1;
	s21 =	sld [smem:$0x792]  }
0x154: {  	s0 =	simm.s32 @!p0 $0x40;
	[smem:$0x7FB] =	sst s1  }
0x155: {  	v16 =	vnsel vm1, $0x40000000, v42;
	vm2 =	veq.s32 v40, v1;
	[dreg:$0x11] =	wrdreg s0  }
0x156: {  	v12 =	vsel vm2, s17, v16;
	s17 =	sld [smem:$0x78C]  }
0x157: {  	p0 =	seq.s32 s15, $0x0;
	vm2 =	veq.s32 v17, v1;
	s1 =	sadd.s32 $0x32, s26;
	s0 =	sld [smem:$0x78E]  }
0x158: {  	v43 =	vmov s2;
	v12 =	vsel vm2, s19, v12;
	s1 =	simm.s32 @p0 $0x40000000;
	s19 =	sld [smem:$0x78D]  }
0x159: {  	s25 =	sadd.s32 $0x31, s26;
	s3 =	sadd.s32 $0x33, s26;
	vm2 =	veq.s32 v43, v1;
	[smem:$0x7C5] =	sst s1  }
0x15a: {  	s25 =	simm.s32 @p1 $0x40000000;
	v12 =	vsel vm2, s5, v12;
	vm2 =	veq.s32 v44, v1;
	p0 =	seq.s32 s13, $0x0;
	s5 =	sld [smem:$0x788]  }
0x15b: {  	v52 =	vmov s23;
	s1 =	sadd.s32 s4, s23;
	s23 =	sld [smem:$0x793];
	v12 =	vsel vm2, s8, v12;
	s3 =	simm.s32 @p0 $0x40000000;
	vm2 =	veq.s32 v45, v1  }
0x15c: {  	v47 =	vmov s10;
	s4 =	sadd.s32 $0x35, s26;
	s2 =	sadd.s32 s6, s1;
	[smem:$0x7C7] =	sst s3;
	v12 =	vsel vm2, s11, v12;
	vm2 =	veq.s32 v46, v1  }
0x15d: {  	v49 =	vbroadcast v13, $0x0;
	vm3 =	veq.s32 v47, v1;
	s3 =	sadd.s32 s9, s2;
	s9 =	sld [smem:$0x786];
	p1 =	seq.s32 s5, $0x0;
	v17 =	vsel vm2, s12, v12  }
0x15e: {  	s4 =	simm.s32 @p1 $0x40000000;
	v48 =	vsel vm3, s17, v17;
	s17 =	sld [smem:$0x798]  }
0x15f: {  	v53 =	vnsel vm1, $0x40000000, v51;
	vm3 =	veq.s32 v49, v1;
	[smem:$0x7CA] =	sst s4  }
0x160: {  	s10 =	sadd.s32 $0x38, s26;
	v50 =	vmov s30;
	vm2 =	veq.s32 v41, v1;
	v55 =	vsel vm3, s29, v53;
	s29 =	sld [smem:$0x795]  }
0x161: {  	v12 =	vsel vm2, s16, v14;
	vm2 =	veq.s32 v50, v1;
	p1 =	seq.s32 s31, $0x0;
	s4 =	sadd.s32 s14, s3;
	s14 =	sld [smem:$0x799]  }
0x162: {  	v54 =	vsel vm2, s21, v48;
	s10 =	simm.s32 @p1 $0x40000000;
	s21 =	sld [smem:$0x79C]  }
0x163: {  	s6 =	sadd.s32 $0x34, s26;
	p0 =	seq.s32 s9, $0x0;
	[smem:$0x7CF] =	sst s10  }
0x164: {  	s6 =	simm.s32 @p0 $0x40000000;
	s10 =	sld [smem:$0x796]  }
0x165: {  	s8 =	sadd.s32 $0x36, s26;
	[smem:$0x7C8] =	sst s6  }
0x166: {  	p0 =	seq.s32 s0, $0x0;
	s6 =	sadd.s32 s19, s4;
	s19 =	sld [smem:$0x797]  }
0x167: {  	v61 =	vmov s4;
	s8 =	simm.s32 @p0 $0x40000000;
	s4 =	sld [smem:$0x7A0]  }
0x168: {  	[smem:$0x7CC] =	sst s8  }
0x169: {  	s8 =	sld [smem:$0x790]  }
0x16a: {  	vm2 =	veq.s32 v52, v1;
	s11 =	sadd.s32 s20, s6;
	s20 =	sld [smem:$0x79A]  }
0x16b: {  	v14 =	vsel vm2, s29, v55;
	s29 =	sld [smem:$0x7A2]  }
0x16c: {  	s30 =	sadd.s32 $0x37, s26;
	v57 =	vmov s1;
	s1 =	sadd.s32 $0x39, s26;
	v59 =	vmov s21;
	s21 =	sld [smem:$0x7A4]  }
0x16d: {  	p1 =	seq.s32 s7, $0x0;
	s12 =	sadd.s32 s23, s11;
	s23 =	sld [smem:$0x79E]  }
0x16e: {  	vm3 =	veq.s32 v57, v1;
	v20 =	vmov s11;
	s11 =	sld [smem:$0x7AC];
	s16 =	sadd.s32 s10, s12;
	s10 =	sadd.s32 $0x3B, s26  }
0x16f: {  	p0 =	seq.s32 s8, $0x0;
	v14 =	vsel vm3, s20, v14;
	s10 =	simm.s32 @p1 $0x40000000;
	s20 =	sld [smem:$0x7A3]  }
0x170: {  	s30 =	simm.s32 @p0 $0x40000000;
	p0 =	seq.s32 s19, $0x0;
	[smem:$0x7D5] =	sst s10  }
0x171: {  	vm2 =	veq.s32 v56, v1;
	s10 =	sld [smem:$0x79F];
	s1 =	simm.s32 @p0 $0x40000000  }
0x172: {  	v13 =	vsel vm2, s14, v54;
	s14 =	sadd.s32 $0x3A, s26;
	p0 =	seq.s32 s17, $0x0;
	[smem:$0x7D1] =	sst s1  }
0x173: {  	s1 =	sadd.s32 s22, s16;
	s22 =	sld [smem:$0x79D];
	s14 =	simm.s32 @p0 $0x40000000  }
0x174: {  	[smem:$0x7D3] =	sst s14  }
0x175: {  	v60 =	vmov s3;
	s3 =	sadd.s32 s23, s1;
	s23 =	sld [smem:$0x7A7]  }
0x176: {  	p0 =	seq.s32 s4, $0x0;
	v25 =	vmov s1;
	s1 =	sld [smem:$0x7BE]  }
0x177: {  	s14 =	sadd.s32 s15, s10;
	s15 =	sadd.s32 $0x3C, s26;
	v34 =	vmov s10;
	s10 =	sld [smem:$0x7C5]  }
0x178: {  	v58 =	vmov s2;
	s15 =	simm.s32 @p0 $0x40000000;
	s20 =	sadd.s32 s20, s3;
	v26 =	vmov s3;
	s3 =	sld [smem:$0x7B9]  }
0x179: {  	vm2 =	veq.s32 v58, v1;
	[smem:$0x7D7] =	sst s15  }
0x17a: {  	v14 =	vsel vm2, s22, v14;
	vm2 =	veq.s32 v59, v1;
	s22 =	sld [smem:$0x7A5]  }
0x17b: {  	vm3 =	veq.s32 v60, v1;
	v13 =	vsel vm2, s28, v13;
	s28 =	sld [smem:$0x7A8]  }
0x17c: {  	s15 =	sadd.s32 s13, s14;
	v14 =	vsel vm3, s29, v14;
	s29 =	sld [smem:$0x7A9]  }
0x17d: {  	v63 =	vmov s6;
	s9 =	sadd.s32 s9, s15;
	s6 =	sadd.s32 s23, s20;
	s23 =	sld [smem:$0x7AA]  }
0x17e: {  	v62 =	vmov s21;
	vm2 =	veq.s32 v61, v1;
	s5 =	sadd.s32 s5, s9;
	v37 =	vmov s9;
	s9 =	sld [smem:$0x7CC]  }
0x17f: {  	v14 =	vsel vm2, s22, v14;
	s22 =	sld [smem:$0x7A6];
	vm2 =	veq.s32 v62, v1  }
0x180: {  	vm3 =	veq.s32 v63, v1;
	v13 =	vsel vm2, s28, v13;
	s28 =	sld [smem:$0x7AD]  }
0x181: {  	s21 =	sadd.s32 s0, s5;
	v14 =	vsel vm3, s29, v14;
	s29 =	sld [smem:$0x7AF]  }
0x182: {  	vm2 =	veq.s32 v20, v1;
	s8 =	sadd.s32 s8, s21;
	v39 =	vmov s21;
	s21 =	sld [smem:$0x7CF]  }
0x183: {  	s2 =	sadd.s32 $0x3D, s26;
	v22 =	vmov s12;
	s12 =	sadd.s32 $0x3F, s26;
	v14 =	vsel vm2, s11, v14;
	s11 =	sld [smem:$0x7AE]  }
0x184: {  	v23 =	vmov s16;
	s16 =	sadd.s32 s31, s8;
	s31 =	sld [smem:$0x7B0];
	p0 =	seq.s32 s22, $0x0  }
0x185: {  	s2 =	simm.s32 @p0 $0x40000000;
	s0 =	sadd.s32 s28, s6;
	s28 =	sld [smem:$0x7B1]  }
0x186: {  	s13 =	sadd.s32 $0x3E, s26;
	p0 =	seq.s32 s23, $0x0;
	[smem:$0x7D8] =	sst s2  }
0x187: {  	vm3 =	veq.s32 v22, v1;
	s2 =	sld [smem:$0x7AB];
	s13 =	simm.s32 @p0 $0x40000000;
	p0 =	seq.s32 s11, $0x0  }
0x188: {  	v14 =	vsel vm3, s31, v14;
	s31 =	sld [smem:$0x7B3];
	s12 =	simm.s32 @p0 $0x40000000  }
0x189: {  	[smem:$0x7E6] =	sst s12  }
0x18a: {  	s12 =	sadd.s32 s19, s16;
	s19 =	sld [smem:$0x7B4]  }
0x18b: {  	v41 =	vmov s16;
	s16 =	sld [smem:$0x7D0]  }
0x18c: {  	v21 =	vmov s2;
	s2 =	sadd.s32 s0, s28;
	s28 =	sld [smem:$0x7B5]  }
0x18d: {  	v31 =	vmov s0;
	s0 =	sld [smem:$0x7C6];
	vm2 =	veq.s32 v21, v1  }
0x18e: {  	s11 =	sadd.s32 s11, s2;
	p0 =	slt.s32 s2, $0x40;
	v13 =	vsel vm2, s29, v13;
	s29 =	sld [smem:$0x7B2]  }
0x18f: {  	[smem:$0x7D6] =	sst s11;
	s2 =	simm.s32 @!p0 $0x40  }
0x190: {  	vm2 =	veq.s32 v23, v1;
	[smem:$0x7FC] =	sst s2  }
0x191: {  	v14 =	vsel vm2, s31, v14;
	s31 =	sld [smem:$0x7B8]  }
0x192: {  	s2 =	sld [smem:$0x7B7]  }
0x193: {  	s11 =	sadd.s32 $0x40, s26;
	p0 =	seq.s32 s19, $0x1;
	v24 =	vmov s29;
	s29 =	sld [smem:$0x7B6]  }
0x194: {  	s11 =	simm.s32 @p0 $0x40000000;
	v27 =	vmov s31;
	s31 =	sld [smem:$0x7DB]  }
0x195: {  	v49 =	vmov s11;
	s11 =	sld [smem:$0x7DB];
	vm2 =	veq.s32 v24, v1  }
0x196: {  	vm3 =	veq.s32 v25, v1;
	v13 =	vsel vm2, s28, v13;
	s28 =	sld [smem:$0x7BA]  }
0x197: {  	v29 =	vmov s6;
	p0 =	seq.s32 s2, $0x0;
	vm2 =	veq.s32 v26, v1;
	v14 =	vsel vm3, s29, v14;
	s6 =	sadd.s32 s2, s31;
	s2 =	sld [smem:$0x7BB]  }
0x198: {  	v14 =	vsel vm2, s3, v14;
	s3 =	sld [smem:$0x7BC]  }
0x199: {  	s24 =	sadd.s32 $0x30, s26;
	s31 =	sld [smem:$0x7BF]  }
0x19a: {  	s17 =	sadd.s32 s17, s12;
	s19 =	sadd.s32 $0x42, s26;
	[smem:$0x7DD] =	sst s6  }
0x19b: {  	s19 =	simm.s32 @p0 $0x40000000;
	p1 =	seq.s32 s28, $0x1;
	s28 =	sld [smem:$0x7BD]  }
0x19c: {  	p0 =	seq.s32 s2, $0x0;
	v30 =	vmov s31;
	s31 =	sadd.s32 s2, s6;
	s2 =	sld [smem:$0x7C1]  }
0x19d: {  	s24 =	simm.s32 @p4 $0x40000000;
	s7 =	sadd.s32 s7, s17;
	vm2 =	veq.s32 v27, v1;
	s6 =	sld [smem:$0x7C2]  }
0x19e: {  	v28 =	vmov s20;
	s20 =	sadd.s32 $0x43, s26;
	v44 =	vmov s7;
	v13 =	vsel vm2, s3, v13;
	s3 =	sadd.s32 s4, s7;
	s7 =	sld [smem:$0x7D4]  }
0x19f: {  	v38 =	vmov s5;
	s5 =	sadd.s32 $0x49, s26;
	s20 =	simm.s32 @p0 $0x40000000;
	[smem:$0x7E0] =	sst s31  }
0x1a0: {  	vm3 =	veq.s32 v28, v1;
	p0 =	seq.s32 s1, $0x0;
	s4 =	sadd.s32 s1, s31;
	s1 =	sld [smem:$0x7C0]  }
0x1a1: {  	v40 =	vmov s8;
	s8 =	sadd.s32 $0x4C, s26;
	vm2 =	veq.s32 v29, v1;
	v14 =	vsel vm3, s28, v14;
	s28 =	sadd.s32 $0x44, s26;
	s31 =	sld [smem:$0x7C3]  }
0x1a2: {  	vm3 =	veq.s32 v31, v1;
	v14 =	vsel vm2, s18, v14;
	s28 =	simm.s32 @p0 $0x40000000;
	vm2 =	veq.s32 v30, v1;
	[smem:$0x7E2] =	sst s4;
	s18 =	sadd.s32 $0x45, s26  }
0x1a3: {  	v32 =	vbroadcast v11, $0x0;
	v13 =	vsel vm2, s2, v13;
	v11 =	vsel vm3, s6, v14;
	s6 =	sadd.s32 $0x46, s26;
	s2 =	sadd.s32 s22, s3;
	s22 =	sld [smem:$0x7C7]  }
0x1a4: {  	v33 =	vmov s24;
	p0 =	seq.s32 s1, $0x0;
	s24 =	sadd.s32 s1, s4;
	s1 =	sld [smem:$0x7C4]  }
0x1a5: {  	v14 =	vnsel vm1, $0x40000000, v33;
	vm2 =	veq.s32 v32, v1;
	s4 =	sld [smem:$0x7CA];
	s18 =	simm.s32 @p0 $0x40000000;
	p0 =	seq.s32 s31, $0x0  }
0x1a6: {  	v35 =	vmov s14;
	v14 =	vsel vm2, s25, v14;
	vm2 =	veq.s32 v34, v1;
	s14 =	sadd.s32 s31, s24;
	s31 =	sadd.s32 s23, s2;
	s23 =	sld [smem:$0x7C8]  }
0x1a7: {  	v36 =	vmov s15;
	s25 =	sadd.s32 $0x47, s26;
	v14 =	vsel vm2, s10, v14;
	vm2 =	veq.s32 v35, v1;
	s6 =	simm.s32 @p0 $0x40000000;
	[smem:$0x7E4] =	sst s14  }
0x1a8: {  	v14 =	vsel vm2, s22, v14;
	vm2 =	veq.s32 v36, v1;
	p0 =	seq.s32 s1, $0x0;
	s15 =	sadd.s32 s1, s14;
	s1 =	sld [smem:$0x7CD]  }
0x1a9: {  	s10 =	sadd.s32 $0x48, s26;
	s25 =	simm.s32 @p0 $0x40000000;
	v14 =	vsel vm2, s23, v14;
	s23 =	sld [smem:$0x7C9]  }
0x1aa: {  	p0 =	seq.s32 s0, $0x0;
	vm2 =	veq.s32 v37, v1;
	s22 =	sadd.s32 s0, s15;
	s0 =	sld [smem:$0x7CB]  }
0x1ab: {  	s14 =	sadd.s32 $0x4A, s26;
	s10 =	simm.s32 @p0 $0x40000000;
	[smem:$0x7E5] =	sst s22;
	v14 =	vsel vm2, s4, v14;
	vm2 =	veq.s32 v38, v1  }
0x1ac: {  	s4 =	sld [smem:$0x7CE];
	v14 =	vsel vm2, s9, v14;
	vm2 =	veq.s32 v39, v1;
	s9 =	sadd.s32 $0x4B, s26;
	p0 =	seq.s32 s23, $0x0  }
0x1ad: {  	v14 =	vsel vm2, s30, v14;
	s30 =	sld [smem:$0x7D1];
	s5 =	simm.s32 @p0 $0x40000000;
	p0 =	seq.s32 s0, $0x0  }
0x1ae: {  	s23 =	sadd.s32 s23, s22;
	s14 =	simm.s32 @p0 $0x40000000;
	p0 =	seq.s32 s1, $0x0  }
0x1af: {  	vm2 =	veq.s32 v40, v1;
	s22 =	sld [smem:$0x7D7];
	s9 =	simm.s32 @p0 $0x40000000;
	p0 =	seq.s32 s4, $0x0  }
0x1b0: {  	v14 =	vsel vm2, s21, v14;
	vm2 =	veq.s32 v41, v1;
	s21 =	sadd.s32 $0x4D, s26;
	s8 =	simm.s32 @p0 $0x40000000;
	p0 =	seq.s32 s16, $0x0  }
0x1b1: {  	v14 =	vsel vm2, s30, v14;
	s30 =	sld [smem:$0x7D2];
	s21 =	simm.s32 @p0 $0x40000000  }
0x1b2: {  	[smem:$0x7E8] =	sst s21  }
0x1b3: {  	s21 =	sld [smem:$0x7D3]  }
0x1b4: {  	v42 =	vmov s12;
	v46 =	vmov s2;
	s2 =	sadd.s32 s0, s23;
	s0 =	sld [smem:$0x7E1]  }
0x1b5: {  	v43 =	vmov s17;
	s17 =	sadd.s32 $0x4E, s26;
	v58 =	vmov s23;
	s23 =	rddreg [dreg:$0x17];
	vm2 =	veq.s32 v42, v1;
	p0 =	seq.s32 s30, $0x0  }
0x1b6: {  	s17 =	simm.s32 @p0 $0x40000000;
	v14 =	vsel vm2, s21, v14;
	s21 =	sld [smem:$0x7D5]  }
0x1b7: {  	[smem:$0x7EC] =	sst s17  }
0x1b8: {  	s12 =	sadd.s32 $0x4F, s26;
	p0 =	seq.s32 s7, $0x0;
	s17 =	sld [smem:$0x7D8];
	vm2 =	veq.s32 v43, v1  }
0x1b9: {  	s12 =	simm.s32 @p0 $0x40000000;
	v14 =	vsel vm2, s21, v14;
	s21 =	sld [smem:$0x7D6]  }
0x1ba: {  	v45 =	vmov s3;
	[smem:$0x7EF] =	sst s12;
	vm2 =	veq.s32 v44, v1  }
0x1bb: {  	v14 =	vsel vm2, s22, v14;
	vm2 =	veq.s32 v45, v1;
	s22 =	sld [smem:$0x7D9]  }
0x1bc: {  	v48 =	vmov s31;
	v14 =	vsel vm2, s17, v14;
	vm2 =	veq.s32 v46, v1;
	s3 =	sadd.s32 s31, s21;
	s31 =	sld [smem:$0x7DA]  }
0x1bd: {  	v47 =	vbroadcast v10, $0x0;
	v14 =	vsel vm2, s13, v14;
	s13 =	sld [smem:$0x7DD];
	s12 =	sadd.s32 s7, s3  }
0x1be: {  	s29 =	sadd.s32 $0x41, s26;
	[smem:$0x7E7] =	sst s12  }
0x1bf: {  	v16 =	vnsel vm1, $0x40000000, v49;
	v50 =	vmov s11;
	s29 =	simm.s32 @p1 $0x40000000;
	vm2 =	veq.s32 v47, v1;
	p0 =	slt.s32 s3, $0x40;
	s12 =	sld [smem:$0x7DC]  }
0x1c0: {  	v10 =	vsel vm2, s29, v16;
	vm2 =	veq.s32 v50, v1;
	s3 =	simm.s32 @!p0 $0x40;
	p0 =	seq.s32 s22, $0x1;
	s22 =	sld [smem:$0x7DE]  }
0x1c1: {  	v10 =	vsel vm2, s19, v10;
	s19 =	sld [smem:$0x7E0]  }
0x1c2: {  	s11 =	sadd.s32 $0x53, s26;
	[smem:$0x7FD] =	sst s3  }
0x1c3: {  	s17 =	sadd.s32 $0x51, s26;
	s21 =	sadd.s32 $0x50, s26;
	v51 =	vmov s13;
	s13 =	sld [smem:$0x7DF]  }
0x1c4: {  	s21 =	simm.s32 @p0 $0x40000000;
	s3 =	sadd.s32 s1, s2;
	s1 =	sld [smem:$0x7E3]  }
0x1c5: {  	s7 =	sadd.s32 $0x52, s26;
	p0 =	seq.s32 s31, $0x0;
	v62 =	vmov s21;
	s21 =	rddreg [dreg:$0x19]  }
0x1c6: {  	s7 =	simm.s32 @p0 $0x40000000;
	vm2 =	veq.s32 v51, v1;
	s29 =	sadd.s32 s31, s22;
	s31 =	sld [smem:$0x7E2]  }
0x1c7: {  	p1 =	seq.s32 s12, $0x1;
	v10 =	vsel vm2, s20, v10;
	s20 =	sadd.s32 s4, s3;
	s4 =	sld [smem:$0x7E4]  }
0x1c8: {  	v23 =	vmov s3;
	s12 =	sadd.s32 $0x54, s26;
	v63 =	vmov s22;
	s22 =	sld [smem:$0x7E7];
	s3 =	sadd.s32 $0x63, s26  }
0x1c9: {  	v54 =	vmov s24;
	s17 =	simm.s32 @p1 $0x40000000;
	s24 =	sadd.s32 s16, s20;
	s16 =	rddreg [dreg:$0x1d]  }
0x1ca: {  	v52 =	vmov s19;
	p0 =	seq.s32 s13, $0x0;
	s19 =	sadd.s32 s13, s29;
	v24 =	vmov s29;
	s29 =	rddreg [dreg:$0x15]  }
0x1cb: {  	vm2 =	veq.s32 v52, v1;
	s13 =	sadd.s32 $0x55, s26;
	v26 =	vmov s20;
	s20 =	sld [smem:$0x7E9];
	s11 =	simm.s32 @p0 $0x40000000  }
0x1cc: {  	p0 =	seq.s32 s0, $0x0;
	v10 =	vsel vm2, s28, v10;
	s28 =	sadd.s32 s0, s19;
	s0 =	sadd.s32 $0x57, s26  }
0x1cd: {  	v53 =	vmov s31;
	s12 =	simm.s32 @p0 $0x40000000;
	s31 =	sadd.s32 s30, s24;
	s30 =	sld [smem:$0x7E6]  }
0x1ce: {  	v29 =	vmov s24;
	p0 =	seq.s32 s1, $0x0;
	v55 =	vmov s4;
	s4 =	sadd.s32 $0x56, s26;
	s24 =	sld [smem:$0x7EB];
	vm2 =	veq.s32 v53, v1  }
0x1cf: {  	v56 =	vmov s15;
	s15 =	sadd.s32 s1, s28;
	s13 =	simm.s32 @p0 $0x40000000;
	v10 =	vsel vm2, s18, v10;
	vm2 =	veq.s32 v54, v1;
	s18 =	rddreg [dreg:$0x1f]  }
0x1d0: {  	s22 =	sadd.s32 s31, s22;
	p0 =	seq.s32 s18, $0x0;
	v10 =	vsel vm2, s6, v10;
	vm2 =	veq.s32 v55, v1;
	s6 =	sld [smem:$0x7E5]  }
0x1d1: {  	s4 =	simm.s32 @p0 $0x40000000;
	v10 =	vsel vm2, s25, v10;
	p0 =	seq.s32 s16, $0x0;
	s25 =	rddreg [dreg:$0x1c]  }
0x1d2: {  	v32 =	vmov s31;
	s31 =	sld [smem:$0x7F0];
	vm2 =	veq.s32 v56, v1;
	s0 =	simm.s32 @p0 $0x40000000;
	p0 =	seq.s32 s25, $0x0  }
0x1d3: {  	v10 =	vsel vm2, s10, v10;
	s10 =	sadd.s32 $0x58, s26;
	v57 =	vmov s6;
	s6 =	sadd.s32 s18, s15;
	s18 =	rddreg [dreg:$0x1a]  }
0x1d4: {  	v25 =	vmov s19;
	s19 =	sadd.s32 $0x5E, s26;
	v28 =	vmov s15;
	s10 =	simm.s32 @p0 $0x40000000;
	s15 =	sld [smem:$0x7E8]  }
0x1d5: {  	vm2 =	veq.s32 v57, v1;
	s1 =	sadd.s32 s16, s6;
	p0 =	seq.s32 s18, $0x0;
	v30 =	vmov s6;
	s6 =	sadd.s32 $0x64, s26  }
0x1d6: {  	vm3 =	veq.s32 v58, v1;
	v16 =	vsel vm2, s5, v10;
	s16 =	sadd.s32 s25, s1;
	s5 =	sadd.s32 $0x59, s26;
	s25 =	rddreg [dreg:$0x16]  }
0x1d7: {  	v60 =	vbroadcast v9, $0x0;
	vm2 =	veq.s32 v48, v1;
	v59 =	vsel vm3, s14, v16;
	s5 =	simm.s32 @p0 $0x40000000;
	p0 =	seq.s32 s21, $0x0;
	s14 =	sadd.s32 $0x5A, s26  }
0x1d8: {  	v61 =	vmov s2;
	v20 =	vnsel vm1, $0x40000000, v62;
	v10 =	vsel vm2, s30, v14;
	s2 =	sadd.s32 s18, s16;
	s30 =	rddreg [dreg:$0x18];
	s18 =	sadd.s32 $0x5D, s26  }
0x1d9: {  	vm2 =	veq.s32 v61, v1;
	vm3 =	veq.s32 v60, v1;
	v33 =	vmov s16;
	s16 =	sadd.s32 $0x66, s26;
	s14 =	simm.s32 @p0 $0x40000000;
	s21 =	sadd.s32 s21, s2  }
0x1da: {  	v21 =	vsel vm2, s9, v59;
	v22 =	vsel vm3, s17, v20;
	vm2 =	veq.s32 v63, v1;
	p0 =	seq.s32 s30, $0x0;
	s9 =	sadd.s32 $0x5B, s26;
	s17 =	sadd.s32 $0x5C, s26  }
0x1db: {  	vm3 =	veq.s32 v24, v1;
	v14 =	vsel vm2, s7, v22;
	s9 =	simm.s32 @p0 $0x40000000;
	p0 =	seq.s32 s23, $0x0;
	vm2 =	veq.s32 v23, v1;
	s7 =	sadd.s32 $0x5F, s26  }
0x1dc: {  	s17 =	simm.s32 @p0 $0x40000000;
	p0 =	seq.s32 s25, $0x0;
	v9 =	vsel vm2, s8, v21;
	v14 =	vsel vm3, s11, v14;
	vm2 =	veq.s32 v25, v1;
	s8 =	sadd.s32 $0x61, s26  }
0x1dd: {  	v27 =	vmov s28;
	s18 =	simm.s32 @p0 $0x40000000;
	p0 =	seq.s32 s29, $0x0;
	v14 =	vsel vm2, s12, v14;
	s12 =	rddreg [dreg:$0x14]  }
0x1de: {  	vm3 =	veq.s32 v27, v1;
	s11 =	sadd.s32 $0x65, s26;
	s19 =	simm.s32 @p0 $0x40000000;
	p0 =	seq.s32 s12, $0x0  }
0x1df: {  	(v2sf) =	vpush v7, $0x2;
	vm2 =	veq.s32 v26, v1;
	s28 =	sadd.s32 s12, s22;
	v14 =	vsel vm3, s13, v14;
	s13 =	sadd.s32 s30, s21;
	s12 =	sadd.s32 $0x60, s26  }
0x1e0: {  	v9 =	vsel vm2, s15, v9;
	vm2 =	veq.s32 v28, v1;
	s30 =	sld [smem:$0x7EC];
	s7 =	simm.s32 @p0 $0x40000000;
	p0 =	slt.s32 s22, $0x40  }
0x1e1: {  	vm3 =	veq.s32 v30, v1;
	v14 =	vsel vm2, s4, v14;
	s4 =	sadd.s32 s23, s13;
	s23 =	sld [smem:$0x7EA];
	v36 =	vmov s13;
	s13 =	sadd.s32 $0x67, s26  }
0x1e2: {  	v31 =	vmov s1;
	vm2 =	veq.s32 v29, v1;
	s22 =	simm.s32 @!p0 $0x40;
	p0 =	seq.s32 s20, $0x1;
	v14 =	vsel vm3, s0, v14;
	s0 =	sld [smem:$0x7ED]  }
0x1e3: {  	s20 =	sadd.s32 $0x62, s26;
	s12 =	simm.s32 @p0 $0x40000000;
	v9 =	vsel vm2, s30, v9;
	vm2 =	veq.s32 v31, v1;
	s30 =	sld [smem:$0x7EF]  }
0x1e4: {  	p0 =	seq.s32 s23, $0x1;
	v14 =	vsel vm2, s10, v14;
	s10 =	sadd.s32 s25, s4;
	s23 =	rddreg [dreg:$0x12]  }
0x1e5: {  	vm3 =	veq.s32 v33, v1;
	s25 =	sld [smem:$0x7EE];
	v39 =	vmov s12;
	s12 =	sadd.s32 $0x69, s26;
	s8 =	simm.s32 @p0 $0x40000000  }
0x1e6: {  	(v2sf) =	vpush v7, $0x3;
	p0 =	seq.s32 s24, $0x0;
	s1 =	sadd.s32 s24, s23;
	v14 =	vsel vm3, s5, v14;
	s5 =	sld [smem:$0x7F1]  }
0x1e7: {  	v34 =	vmov s2;
	s2 =	sadd.s32 s29, s10;
	v38 =	vmov s10;
	v40 =	vmov s23;
	s23 =	sld [smem:$0x7F5];
	s10 =	sadd.s32 $0x6A, s26  }
0x1e8: {  	vm2 =	veq.s32 v32, v1;
	s29 =	sld [smem:$0x7F6];
	s20 =	simm.s32 @p0 $0x40000000;
	p0 =	seq.s32 s0, $0x0  }
0x1e9: {  	(v2sf) =	vpush v7, $0x4;
	v37 =	vmov s4;
	s24 =	sadd.s32 s0, s1;
	v9 =	vsel vm2, s30, v9;
	s4 =	sadd.s32 s2, s28;
	s30 =	sld [smem:$0x7F4]  }
0x1ea: {  	s0 =	sadd.s32 $0x6B, s26;
	v41 =	vmov s1;
	s1 =	sadd.s32 $0x6F, s26;
	s3 =	simm.s32 @p0 $0x40000000  }
0x1eb: {  	(v2sf) =	vpush v7, $0x5;
	v35 =	vmov s21;
	vm2 =	veq.s32 v34, v1;
	p0 =	seq.s32 s25, $0x0;
	s21 =	sadd.s32 s25, s24;
	s25 =	sld [smem:$0x7F7]  }
0x1ec: {  	v14 =	vsel vm2, s14, v14;
	vm2 =	veq.s32 v35, v1;
	s14 =	sadd.s32 $0x68, s26;
	v42 =	vmov s24;
	s24 =	sld [smem:$0x7FA];
	s6 =	simm.s32 @p0 $0x40000000  }
0x1ed: {  	v8 =	vbroadcast v8, $0x0;
	p0 =	seq.s32 s31, $0x0;
	s15 =	sadd.s32 s31, s21;
	v14 =	vsel vm2, s9, v14;
	vm2 =	veq.s32 v36, v1;
	s9 =	sld [smem:$0x7F2]  }
0x1ee: {  	v43 =	vmov s21;
	s21 =	spop (v2sf);
	s11 =	simm.s32 @p0 $0x40000000;
	p0 =	seq.s32 s5, $0x0;
	v14 =	vsel vm2, s17, v14;
	vm2 =	veq.s32 v37, v1  }
0x1ef: {  	v16 =	vnsel vm1, $0x40000000, v39;
	s28 =	sadd.s32 s5, s15;
	s5 =	sadd.s32 $0x6E, s26;
	v14 =	vsel vm2, s18, v14;
	s18 =	sld [smem:$0x7F3];
	vm2 =	veq.s32 v8, v1  }
0x1f0: {  	s16 =	simm.s32 @p0 $0x40000000;
	p0 =	seq.s32 s9, $0x0;
	s17 =	sadd.s32 s9, s28;
	v8 =	vsel vm2, s8, v16;
	vm2 =	veq.s32 v40, v1  }
0x1f1: {  	(v2sf) =	vpush v7, $0x6;
	s9 =	sadd.s32 $0x6C, s26;
	s8 =	sadd.s32 $0x6D, s26;
	v8 =	vsel vm2, s20, v8;
	vm2 =	veq.s32 v38, v1;
	s20 =	sld [smem:$0x7F8]  }
0x1f2: {  	(v2sf) =	vpush v7, $0x7;
	vm3 =	veq.s32 v41, v1;
	s13 =	simm.s32 @p0 $0x40000000;
	p0 =	seq.s32 s18, $0x0;
	v14 =	vsel vm2, s19, v14;
	s19 =	sld [smem:$0x7F9]  }
0x1f3: {  	(v2sf) =	vpush v7, $0x8;
	v8 =	vsel vm3, s3, v8;
	vm2 =	veq.s32 v42, v1;
	s18 =	sadd.s32 s18, s17;
	s3 =	sadd.s32 $0x73, s26;
	s14 =	simm.s32 @p0 $0x40000000  }
0x1f4: {  	v44 =	vmov s15;
	p0 =	seq.s32 s30, $0x0;
	v8 =	vsel vm2, s6, v8;
	vm2 =	veq.s32 v43, v1;
	s6 =	sadd.s32 s24, s4;
	s15 =	sadd.s32 s30, s18  }
0x1f5: {  	s12 =	simm.s32 @p0 $0x40000000;
	p0 =	seq.s32 s23, $0x0;
	v8 =	vsel vm2, s11, v8;
	s11 =	sadd.s32 $0x70, s26  }
0x1f6: {  	(v2sf) =	vpush v7, $0x9;
	v46 =	vmov s2;
	s2 =	sadd.s32 s23, s15;
	s23 =	spop (v2sf);
	v53 =	vmov s15;
	s15 =	rddreg [dreg:$0xe]  }
0x1f7: {  	(v2sf) =	vpush v7, $0xA;
	v45 =	vmov s28;
	vm2 =	veq.s32 v44, v1;
	s10 =	simm.s32 @p0 $0x40000000;
	p0 =	seq.s32 s29, $0x0;
	s11 =	simm.s32 @p3 $0x40000000  }
0x1f8: {  	v8 =	vsel vm2, s16, v8;
	vm2 =	veq.s32 v45, v1;
	s16 =	sadd.s32 $0x71, s26;
	s30 =	spop (v2sf);
	s0 =	simm.s32 @p0 $0x40000000  }
0x1f9: {  	p0 =	seq.s32 s25, $0x0;
	v16 =	vsel vm2, s13, v8;
	v8 =	vmov s17;
	s16 =	simm.s32 @p2 $0x40000000;
	s17 =	sadd.s32 $0x72, s26  }
0x1fa: {  	(v2sf) =	vpush v7, $0xB;
	v49 =	vbroadcast v7, $0x0;
	v48 =	vmov s18;
	s18 =	spop (v2sf);
	s9 =	simm.s32 @p0 $0x40000000;
	p0 =	seq.s32 s20, $0x0  }
0x1fb: {  	vm2 =	veq.s32 v46, v1;
	v50 =	vmov s11;
	s11 =	sadd.s32 $0x76, s26;
	vm3 =	veq.s32 v8, v1;
	s8 =	simm.s32 @p0 $0x40000000;
	p0 =	seq.s32 s19, $0x0  }
0x1fc: {  	v8 =	vsel vm2, s7, v14;
	vm2 =	veq.s32 v48, v1;
	v47 =	vsel vm3, s14, v16;
	s5 =	simm.s32 @p0 $0x40000000;
	p0 =	seq.s32 s24, $0x0;
	s24 =	sld [smem:$0x7FB]  }
0x1fd: {  	v16 =	vnsel vm1, $0x40000000, v50;
	vm1 =	veq.s32 v49, v1;
	v14 =	vsel vm2, s12, v47;
	s12 =	sadd.s32 $0x74, s26;
	s1 =	simm.s32 @p0 $0x40000000;
	p0 =	slt.s32 s4, $0x40  }
0x1fe: {  	v15 =	vsel vm1, s16, v16;
	s16 =	sadd.s32 $0x75, s26;
	s4 =	simm.s32 @!p0 $0x40;
	p0 =	seq.s32 s21, $0x0  }
0x1ff: {  	(v2sf) =	vpush v7, $0xC;
	s17 =	simm.s32 @p0 $0x40000000;
	p0 =	seq.s32 s23, $0x0;
	s28 =	sadd.s32 s21, s24  }
0x200: {  	s21 =	spop (v2sf);
	s3 =	simm.s32 @p0 $0x40000000;
	s31 =	sadd.s32 s23, s28  }
0x201: {  	(v2sf) =	vpush v7, $0xD;
	p0 =	seq.s32 s30, $0x0;
	v52 =	vmov s28;
	s23 =	spop (v2sf);
	s28 =	sadd.s32 s29, s2  }
0x202: {  	(v2sf) =	vpush v7, $0xE;
	v51 =	vmov s24;
	s12 =	simm.s32 @p0 $0x40000000;
	s13 =	sadd.s32 s30, s31;
	p0 =	seq.s32 s18, $0x0  }
0x203: {  	vm1 =	veq.s32 v51, v1;
	v54 =	vmov s31;
	s24 =	spop (v2sf);
	s31 =	sadd.s32 s25, s28;
	s25 =	rddreg [dreg:$0x11]  }
0x204: {  	(v2sf) =	vpush v7, $0xF;
	v15 =	vsel vm1, s17, v15;
	vm1 =	veq.s32 v52, v1;
	s16 =	simm.s32 @p0 $0x40000000;
	s14 =	sadd.s32 s18, s13;
	p0 =	seq.s32 s21, $0x0  }
0x205: {  	v15 =	vsel vm1, s3, v15;
	vm1 =	veq.s32 v53, v1;
	vm2 =	veq.s32 v54, v1;
	s29 =	spop (v2sf);
	s11 =	simm.s32 @p0 $0x40000000;
	s7 =	sadd.s32 s21, s14  }
0x206: {  	v7 =	vmov s13;
	v14 =	vsel vm1, s10, v14;
	v15 =	vsel vm2, s12, v15;
	p0 =	seq.s32 s23, $0x0;
	s10 =	sadd.s32 $0x77, s26;
	s30 =	spop (v2sf)  }
0x207: {  	vm1 =	veq.s32 v7, v1;
	v7 =	vmov s2;
	v55 =	vmov s14;
	s14 =	sadd.s32 $0x78, s26;
	s2 =	sadd.s32 $0x7B, s26;
	s21 =	rddreg [dreg:$0xf]  }
0x208: {  	s12 =	rddreg [dreg:$0x3];
	v15 =	vsel vm1, s16, v15;
	s10 =	simm.s32 @p0 $0x40000000;
	vm1 =	veq.s32 v7, v1;
	v7 =	vmov s7;
	s7 =	sadd.s32 s23, s7  }
0x209: {  	vm2 =	veq.s32 v55, v1;
	p0 =	seq.s32 s24, $0x0;
	s13 =	spop (v2sf);
	s16 =	sadd.s32 s20, s31  }
0x20a: {  	v14 =	vsel vm1, s0, v14;
	v15 =	vsel vm2, s11, v15;
	vm1 =	veq.s32 v7, v1;
	s14 =	simm.s32 @p0 $0x40000000;
	p0 =	seq.s32 s29, $0x0;
	s0 =	sadd.s32 $0x79, s26  }
0x20b: {  	v7 =	vmov s28;
	v56 =	vmov s7;
	s3 =	sadd.s32 s24, s7;
	s20 =	sadd.s32 s19, s16;
	s24 =	rddreg [dreg:$0x10];
	v15 =	vsel vm1, s10, v15  }
0x20c: {  	s7 =	sadd.s32 $0x7C, s26;
	s28 =	sld [smem:$0x7FC];
	s0 =	simm.s32 @p0 $0x40000000;
	vm1 =	veq.s32 v7, v1;
	vm2 =	veq.s32 v56, v1;
	v7 =	vmov s3  }
0x20d: {  	s3 =	sadd.s32 s29, s3;
	p0 =	seq.s32 s30, $0x0;
	s10 =	sadd.s32 $0x7A, s26;
	v14 =	vsel vm1, s9, v14;
	v15 =	vsel vm2, s14, v15;
	vm1 =	veq.s32 v7, v1  }
0x20e: {  	s14 =	spop (v2sf);
	s10 =	simm.s32 @p0 $0x40000000;
	v7 =	vmov s31;
	v57 =	vmov s3;
	s17 =	sadd.s32 s30, s3;
	v15 =	vsel vm1, s0, v15  }
0x20f: {  	p0 =	seq.s32 s13, $0x0;
	s3 =	sadd.s32 $0x7D, s26;
	s30 =	sld [smem:$0x7FD];
	vm1 =	veq.s32 v7, v1;
	vm2 =	veq.s32 v57, v1;
	v7 =	vmov s17  }
0x210: {  	s18 =	spop (v2sf);
	s2 =	simm.s32 @p0 $0x40000000;
	s0 =	sadd.s32 s13, s17;
	v14 =	vsel vm1, s8, v14;
	v15 =	vsel vm2, s10, v15;
	vm1 =	veq.s32 v7, v1  }
0x211: {  	[tilespmem:s21+$0x6480] =	vst v12;
	p0 =	seq.s32 s14, $0x0;
	v7 =	vmov s16;
	v59 =	vmov s0;
	s0 =	sadd.s32 s14, s0;
	s23 =	spop (v2sf);
	v58 =	vsel vm1, s2, v15  }
0x212: {  	[tilespmem:s24+$0x6480] =	vst v13;
	s7 =	simm.s32 @p0 $0x40000000;
	p0 =	seq.s32 s18, $0x0;
	vm1 =	veq.s32 v7, v1;
	vm2 =	veq.s32 v59, v1;
	v7 =	vmov s0;
	s0 =	sadd.s32 s18, s0  }
0x213: {  	[tilespmem:s25+$0x6480] =	vst v11;
	s3 =	simm.s32 @p0 $0x40000000;
	p0 =	seq.s32 s23, $0x0;
	s29 =	spop (v2sf);
	v60 =	vsel vm1, s5, v14;
	v12 =	vsel vm2, s7, v58;
	vm1 =	veq.s32 v7, v1  }
0x214: {  	[tilespmem:s28+$0x6480] =	vst v10;
	s5 =	sadd.s32 s20, s6;
	v7 =	vmov s20;
	v62 =	vmov s0;
	s0 =	sadd.s32 s23, s0;
	v61 =	vsel vm1, s3, v12;
	s3 =	sadd.s32 $0x7E, s26  }
0x215: {  	[tilespmem:s30+$0x6480] =	vst v9;
	s6 =	sadd.s32 $0x7F, s26;
	vm1 =	veq.s32 v7, v1;
	vm2 =	veq.s32 v62, v1;
	v7 =	vmov s0;
	s3 =	simm.s32 @p0 $0x40000000;
	p0 =	seq.s32 s29, $0x0  }
0x216: {  	[tilespmem:s22+$0x6480] =	vst v8;
	v8 =	vsel vm1, s1, v60;
	vm1 =	veq.s32 v7, v1;
	v63 =	vsel vm2, s3, v61;
	s3 =	rddreg [dreg:$0x13];
	s6 =	simm.s32 @p0 $0x40000000;
	p0 =	slt.s32 s5, $0x40  }
0x217: {  	s31 =	sadd.s32 s29, s5;
	[tilespmem:s4+$0x6480] =	vst v8;
	s4 =	rddreg [dreg:$0x1b];
	v7 =	vsel vm1, s6, v63;
	s5 =	simm.s32 @!p0 $0x40  }
0x218: {  	s18 =	sadd.s32 s0, s31;
	[tilespmem:s5+$0x6480] =	vst v7;
	s5 =	rddreg [dreg:$0x1e]  }
.LBB2_7:
0x219: {  	s15 =	sadd.s32 $0x80, s15  }
0x21a: {  	p0 =	sne.s32 s15, $0x2000  }
.Ltmp5:
0x21b: {  	_ = 	snop;
	(pc) =	sbr.rel @!p0 .LBB2_8-.Ltmp5, $2  }
0x21c: {  	_ =	sdelay $0x2  }
0x21d: {  	s3 =	sadd.s32 $0x80, s3;
	s4 =	sadd.s32 $0x80, s4;
	s5 =	sadd.s32 $0x80, s5  }
.LBB2_3:
0x21e: {  	v7 =	vld [tilespmem:s3+$0xFFFFFFC0]  }
0x21f: {  	v8 =	vld [tilespmem:s4+$0xFFFFFFC0]  }
0x220: {  	v9 =	vld [tilespmem:s5+$0xFFFFFFC0]  }
0x221: {  	v10 =	vld [tilespmem:s3+$0xFFFFFFD0]  }
0x222: {  	v11 =	vld [tilespmem:s5+$0xFFFFFFD0]  }
0x223: {  	v12 =	vld [tilespmem:s4+$0xFFFFFFD0]  }
0x224: {  	v13 =	vld [tilespmem:s3+$0xFFFFFFE0]  }
0x225: {  	v14 =	vld [tilespmem:s5+$0xFFFFFFE0];
	v7 =	vsub.f32 v7, v4;
	v9 =	vsub.f32 v9, v6  }
0x226: {  	v15 =	vld [tilespmem:s4+$0xFFFFFFE0]  }
0x227: {  	v16 =	vld [tilespmem:s3+$0xFFFFFFF0];
	v10 =	vsub.f32 v10, v4;
	v7 =	vmul.f32 v7, v7;
	v9 =	vmul.f32 v9, v9  }
0x228: {  	v17 =	vld [tilespmem:s5+$0xFFFFFFF0];
	v11 =	vsub.f32 v11, v6  }
0x229: {  	v18 =	vld [tilespmem:s5+$0x0];
	v7 =	vadd.f32 v9, v7;
	v9 =	vmul.f32 v10, v10  }
0x22a: {  	v56 =	vld [tilespmem:s4+$0x0];
	v10 =	vmul.f32 v11, v11;
	v11 =	vsub.f32 v13, v4;
	v13 =	vsub.f32 v14, v6  }
0x22b: {  	v19 =	vld [tilespmem:s3+$0x10];
	v8 =	vsub.f32 v8, v5;
	v12 =	vsub.f32 v12, v5  }
0x22c: {  	v15 =	vsub.f32 v15, v5;
	v14 =	vld [tilespmem:s4+$0xFFFFFFF0];
	v11 =	vmul.f32 v11, v11;
	v13 =	vmul.f32 v13, v13  }
0x22d: {  	v17 =	vsub.f32 v17, v6;
	v8 =	vmul.f32 v8, v8;
	v9 =	vadd.f32 v10, v9;
	v10 =	vld [tilespmem:s3+$0x0]  }
0x22e: {  	v12 =	vmul.f32 v12, v12;
	v11 =	vadd.f32 v13, v11;
	v13 =	vmul.f32 v15, v15;
	v15 =	vld [tilespmem:s5+$0x10]  }
0x22f: {  	v16 =	vsub.f32 v16, v4;
	v55 =	vmul.f32 v17, v17;
	v17 =	vsub.f32 v56, v5  }
0x230: {  	v60 =	vld [tilespmem:s5+$0x30];
	v7 =	vadd.f32 v7, v8;
	v9 =	vadd.f32 v9, v12  }
0x231: {  	v8 =	vmul.f32 v16, v16;
	v11 =	vadd.f32 v11, v13;
	v13 =	vsub.f32 v14, v5  }
0x232: {  	v57 =	vld [tilespmem:s3+$0x20];
	vm1 =	vle.f32 v7, $9.999999770e-03;
	v7 =	vsub.f32 v10, v4;
	v10 =	vsub.f32 v18, v6  }
0x233: {  	v59 =	vld [tilespmem:s3+$0x30];
	v14 =	vsub.f32 v19, v4;
	v13 =	vmul.f32 v13, v13;
	v15 =	vsub.f32 v15, v6  }
0x234: {  	v12 =	vld [tilespmem:s4+$0x10];
	v8 =	vadd.f32 v55, v8;
	v7 =	vmul.f32 v7, v7;
	v10 =	vmul.f32 v10, v10  }
0x235: {  	v58 =	vld [tilespmem:s5+$0x20];
	v61 =	vsub.f32 v60, v6;
	v14 =	vmul.f32 v14, v14;
	v15 =	vmul.f32 v15, v15  }
0x236: {  	v8 =	vadd.f32 v8, v13;
	v7 =	vadd.f32 v10, v7;
	v10 =	vmul.f32 v17, v17  }
0x237: {  	v16 =	vmul.f32 v61, v61;
	vm4 =	vle.f32 v9, $9.999999770e-03;
	v9 =	vadd.f32 v15, v14;
	v15 =	vld [tilespmem:s4+$0x20]  }
0x238: {  	vm5 =	vle.f32 v11, $9.999999770e-03;
	vm2 =	vle.f32 v8, $9.999999770e-03;
	v8 =	vld [tilespmem:s4+$0x30];
	v7 =	vadd.f32 v7, v10  }
0x239: {  	v11 =	vsub.f32 v59, v4;
	v12 =	vsub.f32 v12, v5;
	v13 =	vsel vm5, $0x1, v2  }
0x23a: {  	v10 =	vsub.f32 v58, v6;
	vm3 =	vle.f32 v7, $9.999999770e-03;
	v7 =	vsub.f32 v57, v4  }
0x23b: {  	v62 =	vmul.f32 v11, v11;
	v12 =	vmul.f32 v12, v12;
	v14 =	vsel vm1, $0x1, v2  }
0x23c: {  	v10 =	vmul.f32 v10, v10;
	v7 =	vmul.f32 v7, v7;
	v15 =	vsub.f32 v15, v5  }
0x23d: {  	v11 =	vsel vm2, $0x1, v2;
	v9 =	vadd.f32 v9, v12;
	v8 =	vsub.f32 v8, v5  }
0x23e: {  	v12 =	vsel vm4, $0x1, v2;
	v7 =	vadd.f32 v10, v7;
	v10 =	vmul.f32 v15, v15  }
0x23f: {  	v63 =	vadd.s32 v14, v12;
	v8 =	vmul.f32 v8, v8;
	v15 =	vadd.f32 v16, v62  }
0x240: {  	vm6 =	vle.f32 v9, $9.999999770e-03;
	v16 =	vadd.s32 v13, v63;
	v7 =	vadd.f32 v7, v10  }
0x241: {  	v10 =	vsel vm3, $0x1, v2;
	v15 =	vadd.f32 v15, v8;
	v8 =	vadd.s32 v11, v16  }
0x242: {  	v9 =	vsel vm6, $0x1, v2;
	vm7 =	vle.f32 v7, $9.999999770e-03;
	v7 =	vadd.s32 v10, v8  }
0x243: {  	vm8 =	vle.f32 v15, $9.999999770e-03;
	v8 =	vsel vm7, $0x1, v2;
	v15 =	vadd.s32 v9, v7  }
0x244: {  	v7 =	vsel vm8, $0x1, v2;
	v15 =	vadd.s32 v8, v15  }
0x245: {  	v15 =	vadd.s32 v7, v15  }
0x246: {  	(v2sf) =	vpush v15, $0x0  }
0x247: {  	(v2sf) =	vpush v15, $0x1  }
0x248: {  	(v2sf) =	vpush v15, $0x2  }
0x249: {  	(v2sf) =	vpush v15, $0x3  }
0x24a: {  	(v2sf) =	vpush v15, $0x4  }
0x24b: {  	(v2sf) =	vpush v15, $0x5  }
0x24c: {  	(v2sf) =	vpush v15, $0x6  }
0x24d: {  	(v2sf) =	vpush v15, $0x7  }
0x24e: {  	(v2sf) =	vpush v15, $0x8  }
0x24f: {  	(v2sf) =	vpush v15, $0x9  }
0x250: {  	(v2sf) =	vpush v15, $0xA  }
0x251: {  	(v2sf) =	vpush v15, $0xB  }
0x252: {  	(v2sf) =	vpush v15, $0xC  }
0x253: {  	(v2sf) =	vpush v15, $0xD  }
0x254: {  	(v2sf) =	vpush v15, $0xE  }
0x255: {  	s0 =	spop (v2sf);
	(v2sf) =	vpush v15, $0xF  }
0x256: {  	s1 =	spop (v2sf)  }
0x257: {  	s0 =	sadd.s32 s1, s0;
	s16 =	spop (v2sf)  }
0x258: {  	s0 =	sadd.s32 s16, s0;
	s17 =	spop (v2sf)  }
0x259: {  	s0 =	sadd.s32 s17, s0;
	s19 =	spop (v2sf)  }
0x25a: {  	s0 =	sadd.s32 s19, s0;
	s20 =	spop (v2sf)  }
0x25b: {  	s0 =	sadd.s32 s20, s0;
	s21 =	spop (v2sf)  }
0x25c: {  	s0 =	sadd.s32 s21, s0;
	s22 =	spop (v2sf)  }
0x25d: {  	s0 =	sadd.s32 s22, s0;
	s23 =	spop (v2sf)  }
0x25e: {  	s0 =	sadd.s32 s23, s0;
	s24 =	spop (v2sf)  }
0x25f: {  	s0 =	sadd.s32 s24, s0;
	s25 =	spop (v2sf)  }
0x260: {  	s0 =	sadd.s32 s25, s0;
	s26 =	spop (v2sf)  }
0x261: {  	s0 =	sadd.s32 s26, s0;
	s28 =	spop (v2sf)  }
0x262: {  	s0 =	sadd.s32 s28, s0;
	s29 =	spop (v2sf)  }
0x263: {  	s0 =	sadd.s32 s29, s0;
	s30 =	spop (v2sf)  }
0x264: {  	s0 =	sadd.s32 s30, s0;
	s31 =	spop (v2sf)  }
0x265: {  	s0 =	sadd.s32 s31, s0  }
0x266: {  	p0 =	slt.s32 s0, $0x1  }
.Ltmp6:
0x267: {  	_ = 	snop;
	(pc) =	sbr.rel @p0 .LBB2_7-.Ltmp6, $1  }
0x268: {  	_ =	sdelay $0x3  }
0x269: {  	p0 =	sne.s32 s0, $0x1  }
.Ltmp7:
0x26a: {  	_ = 	snop;
	(pc) =	sbr.rel @p0 .LBB2_6-.Ltmp7, $1  }
0x26b: {  	_ =	sdelay $0x3  }
0x26c: {  	s0 =	sadd.s32 $0x10, s15  }
0x26d: {  	s1 =	sadd.s32 $0x20, s15;
	v7 =	vor.u32 s15, v1;
	v8 =	vor.u32 s0, v1  }
0x26e: {  	s7 =	sadd.s32 $0x30, s15;
	v7 =	vnsel vm1, $0x0, v7;
	v9 =	vor.u32 s1, v1;
	v8 =	vnsel vm4, $0x0, v8  }
0x26f: {  	s8 =	sadd.s32 $0x40, s15;
	v59 =	vor.u32 s7, v1;
	v7 =	vadd.s32 v7, v8;
	v8 =	vnsel vm5, $0x0, v9  }
0x270: {  	s9 =	sadd.s32 $0x50, s15;
	v60 =	vor.u32 s8, v1;
	v7 =	vadd.s32 v8, v7;
	v8 =	vnsel vm2, $0x0, v59  }
0x271: {  	s10 =	sadd.s32 $0x60, s15;
	v61 =	vor.u32 s9, v1;
	v7 =	vadd.s32 v8, v7;
	v8 =	vnsel vm3, $0x0, v60  }
0x272: {  	s11 =	sadd.s32 $0x70, s15;
	v62 =	vor.u32 s10, v1;
	v7 =	vadd.s32 v8, v7;
	v8 =	vnsel vm6, $0x0, v61  }
0x273: {  	v63 =	vor.u32 s11, v1;
	v7 =	vadd.s32 v8, v7;
	v8 =	vnsel vm7, $0x0, v62  }
0x274: {  	v7 =	vadd.s32 v8, v7;
	v8 =	vnsel vm8, $0x0, v63  }
0x275: {  	v7 =	vadd.s32 v8, v7  }
0x276: {  	(v2sf) =	vpush v7, $0x0  }
0x277: {  	(v2sf) =	vpush v7, $0x1;
	_ =	sdelay $0x1  }
0x278: {  	(v2sf) =	vpush v7, $0x2  }
0x279: {  	(v2sf) =	vpush v7, $0x3  }
0x27a: {  	(v2sf) =	vpush v7, $0x4  }
0x27b: {  	(v2sf) =	vpush v7, $0x5  }
0x27c: {  	(v2sf) =	vpush v7, $0x6  }
0x27d: {  	(v2sf) =	vpush v7, $0x7  }
0x27e: {  	(v2sf) =	vpush v7, $0x8  }
0x27f: {  	(v2sf) =	vpush v7, $0x9  }
0x280: {  	(v2sf) =	vpush v7, $0xA  }
0x281: {  	(v2sf) =	vpush v7, $0xB  }
0x282: {  	(v2sf) =	vpush v7, $0xC  }
0x283: {  	(v2sf) =	vpush v7, $0xD  }
0x284: {  	s13 =	spop (v2sf);
	(v2sf) =	vpush v7, $0xE  }
0x285: {  	s14 =	spop (v2sf);
	(v2sf) =	vpush v7, $0xF  }
0x286: {  	s1 =	sadd.s32 s12, s14  }
0x287: {  	s2 =	spop (v2sf);
	s0 =	sadd.s32 s13, s1  }
0x288: {  	s16 =	spop (v2sf);
	s0 =	sadd.s32 s2, s0  }
0x289: {  	s17 =	spop (v2sf);
	s0 =	sadd.s32 s16, s0  }
0x28a: {  	s19 =	spop (v2sf);
	s0 =	sadd.s32 s17, s0  }
0x28b: {  	s20 =	spop (v2sf);
	s0 =	sadd.s32 s19, s0  }
0x28c: {  	s21 =	spop (v2sf);
	s0 =	sadd.s32 s20, s0  }
0x28d: {  	s22 =	spop (v2sf);
	s0 =	sadd.s32 s21, s0  }
0x28e: {  	s23 =	spop (v2sf);
	s0 =	sadd.s32 s22, s0  }
0x28f: {  	s24 =	spop (v2sf);
	s0 =	sadd.s32 s23, s0  }
0x290: {  	s25 =	spop (v2sf);
	s0 =	sadd.s32 s24, s0  }
0x291: {  	s26 =	spop (v2sf);
	s0 =	sadd.s32 s25, s0  }
0x292: {  	s28 =	spop (v2sf);
	s0 =	sadd.s32 s26, s0  }
0x293: {  	s29 =	spop (v2sf);
	s0 =	sadd.s32 s28, s0  }
.Ltmp8:
0x294: {  	s30 =	spop (v2sf);
	s0 =	sadd.s32 s29, s0;
	(pc) =	sbr.rel .LBB2_7-.Ltmp8, $4  }
0x295: {  	s0 =	sadd.s32 s30, s0  }
0x296: {  	p0 =	slt.s32 s18, $0x40;
	v7 =	vmov s0  }
0x297: {  	s31 =	sadd.s32 $0x1, s18;
	s18 =	simm.s32 @!p0 $0x40;
	v7 =	vnsel vm0, $0x40000000, v7  }
0x298: {  	[tilespmem:s18+$0x6480] =	vst v7;
	s18 =	smov.u32 s31  }
.LBB2_10:
0x299: {  	_ =	sfence.sel $0x180000  }
0x29a: {  	[bflag:$0x0] =	sbarrier.arrive $0xFFFF  }
0x29b: {  	_ =	strace $0x90000047  }
0x29c: {  	s0 =	stileid.u32;
	[bflag:$0x2] =	sbarrier.arrive $0xFFFF  }
0x29d: {  	p0 =	sne.s32 s0, $0x0;
	s0 =	rddreg [dreg:$0x2]  }
0x29e: {  	s0 =	sadd.s32 @!p0 $0x100000, s0  }
0x29f: {  	[sflag:s0] =	ssyncadd.tile.s32 @!p0 $0x1;
	_ =	shalt  }
.Lfunc_end2:
_tile_overlayer_lowered:
.L_overlay_start_2:
0x2a0: {  	(tag) =	ssettag $0x2  }
0x2a1: {  	s0 =	rddreg [dreg:$0x0];
	s2 =	stileid.u32  }
0x2a2: {  	s1 =	rddreg [dreg:$0x1];
	p0 =	sne.s32 s2, $0x0  }
0x2a3: {  	s3 =	rddreg [dreg:$0x2];
	[bflag:$0x3] =	sbarrier.arrive $0xFFFF;
	s2 =	simm.s32 @!p0 $0x1C01  }
0x2a4: {  	[timem:s3], [sflag:s2] =	dma.local @!p0 [hbm:s0], s1  }
0x2a5: {  	s0 =	simm.s32 @!p0 $0x1  }
0x2a6: {  	_ =	swait.ge @!p0 [sflag:s0], s1  }
0x2a7: {  	s1 =	ssub.s32 @!p0 $0x0, s1;
	[sflag:s0] =	ssyncset.done @!p0 $0x0  }
0x2a8: {  	[sflag:s0] =	ssyncadd.s32 @!p0 s1  }
0x2a9: {  	[bflag:$0x3] =	sbarrier.arrive $0xFFFF  }
0x2aa: {  	_ =	shalt  }

// kernel: kernel.8.cloned.1.call-start
scs
__scs_entry_jumppad:
0x0: {  	(pc) =	sbr.rel $0x88, $3  }
0x1: {  	(tag) =	ssettag $0x0;
	lr =	simm.s32 $0x1  }
0x2: {  	[smem:$0x3F99] =	sst lr;
	_ =	strace $0xD0000000  }
0x3: {  	_ = 	snop  }
0x4: {  	_ = 	snop  }
0x5: {  	_ = 	snop  }
0x6: {  	_ = 	snop  }
0x7: {  	_ = 	snop  }
__scs_overlays_trampoline_lowered:
0x8: {  	[smem:$0x3FA8] =	sst s0  }
0x9: {  	[smem:$0x3FA9] =	sst s1  }
0xa: {  	[smem:$0x3FAA] =	sst s2  }
0xb: {  	[smem:$0x3FAB] =	sst s3  }
0xc: {  	[smem:$0x3FAC] =	sst s4  }
0xd: {  	[smem:$0x3FAD] =	sst s5  }
0xe: {  	[smem:$0x3FAE] =	sst s6  }
0xf: {  	[smem:$0x3FAF] =	sst s7  }
0x10: {  	[smem:$0x3FB0] =	sst s8  }
0x11: {  	[smem:$0x3FB1] =	sst s9;
	s0 =	simm.s32 @!p0 $0x0  }
0x12: {  	s1 =	sld [smem:$0x3F97];
	s0 =	simm.s32 @p0 $0x1  }
0x13: {  	[smem:$0x3FB2] =	sst s0;
	s0 =	simm.s32 @!p1 $0x0  }
0x14: {  	s2 =	sld [smem:$0x3F96];
	s0 =	simm.s32 @p1 $0x1  }
0x15: {  	[smem:$0x3FB3] =	sst s0;
	s0 =	simm.s32 @!p2 $0x0  }
0x16: {  	s3 =	sld [smem:$0x3FDB];
	s0 =	simm.s32 @p2 $0x1  }
0x17: {  	s4 =	simm.s32 $0x1BF5;
	[smem:$0x3FB5] =	sst s0  }
0x18: {  	s0 =	sld [smem:$0x3F98];
	_ =	swait.ge [sflag:s4], $0x0  }
0x19: {  	s7 =	sld [smem:$0x3F99]  }
0x1a: {  	s8 =	sadd.s32 $0xFFFFE003, lr  }
0x1b: {  	s9 =	sadd.s32 $0xFFFFFEF7, lr;
	s5 =	simm.s32 $0xFFFFFFFF;
	p2 =	slt.u32 s8, $0xFFFFF086  }
0x1c: {  	p1 =	slt.u32 s9, $0xF7A;
	s5 =	simm.s32 @!p2 $0x0  }
0x1d: {  	s5 =	simm.s32 @p1 $0x1;
	p0 =	seq.s32 s7, s2  }
0x1e: {  	s7 =	smul.u32 @!p0 $0xF7A, s2;
	p2 =	seq.s32 @!p0 s5, $0x0  }
0x1f: {  	s9 =	smul.u32 $0xF7A, s1;
	s8 =	simm.s32 @!p0 $0x1BF5;
	p2 =	por !p2, p0  }
0x20: {  	[sflag:s8] =	ssyncset.s32 @!p0 $0xFFFFF086;
	s6 =	sadd.s32 @!p0 s3, s7;
	s7 =	simm.s32 @!p0 $0x108  }
0x21: {  	s3 =	sadd.s32 s3, s9;
	s6 =	sadd.s32 @!p0 $0x88, s6;
	s7 =	simm.s32 @p2 $0x1082  }
0x22: {  	[simem:s7], [sflag:s8] =	dma.local @!p0 [hbm:s6], $0xF7A  }
0x23: {  	s9 =	sor.u32 $0xD0000000, s2;
	s6 =	simm.s32 $0x108;
	_ =	swait.ge @!p0 [sflag:s8], $0x0  }
0x24: {  	s3 =	sadd.s32 $0x88, s3;
	s6 =	simm.s32 @!p1 $0x1082;
	[sflag:s4] =	ssyncset.s32 $0xFFFFF086  }
0x25: {  	[simem:s6], [sflag:s4] =	dma.local [hbm:s3], $0xF7A  }
0x26: {  	[smem:$0x3F99] =	sst s1;
	(tag) =	ssettag s2;
	_ =	strace s9  }
0x27: {  	s1 =	sld [smem:$0x3FA9]  }
0x28: {  	s2 =	sld [smem:$0x3FAA]  }
0x29: {  	s4 =	sld [smem:$0x3FAC]  }
0x2a: {  	p0 =	seq.s32 s5, $0x0;
	s5 =	sld [smem:$0x3FAD]  }
0x2b: {  	s6 =	sld [smem:$0x3FAE]  }
0x2c: {  	s7 =	sld [smem:$0x3FAF]  }
0x2d: {  	s3 =	simm.s32 $0x108;
	s8 =	sld [smem:$0x3FB0]  }
0x2e: {  	s3 =	simm.s32 @!p0 $0x1082;
	s9 =	sld [smem:$0x3FB1]  }
0x2f: {  	lr =	sadd.s32 s0, s3;
	s0 =	sld [smem:$0x3FA8]  }
0x30: {  	s3 =	sld [smem:$0x3FAB]  }
0x31: {  	[smem:$0x3FB4] =	sst s10  }
0x32: {  	s10 =	sld [smem:$0x3FB2];
	_ =	sdelay $0x3  }
0x33: {  	p0 =	seq.s32 s10, $0x1;
	s10 =	sld [smem:$0x3FB4];
	_ =	sdelay $0x3  }
0x34: {  	[smem:$0x3FB4] =	sst s10  }
0x35: {  	s10 =	sld [smem:$0x3FB3];
	_ =	sdelay $0x3  }
0x36: {  	p1 =	seq.s32 s10, $0x1;
	s10 =	sld [smem:$0x3FB4];
	_ =	sdelay $0x3  }
0x37: {  	[smem:$0x3FB4] =	sst s10  }
0x38: {  	s10 =	sld [smem:$0x3FB5]  }
0x39: {  	_ = 	snop;
	(pc) =	sbr.ind lr, $3  }
0x3a: {  	_ = 	snop  }
0x3b: {  	_ = 	snop  }
0x3c: {  	p2 =	seq.s32 s10, $0x1;
	s10 =	sld [smem:$0x3FB4]  }
0x3d: {  	_ =	shalt  }
0x3e: {  	_ =	shalt  }
0x3f: {  	_ =	shalt  }
0x40: {  	_ =	shalt  }
0x41: {  	_ =	shalt  }
0x42: {  	_ =	shalt  }
0x43: {  	_ =	shalt  }
0x44: {  	_ =	shalt  }
0x45: {  	_ =	shalt  }
0x46: {  	_ =	shalt  }
0x47: {  	_ =	shalt  }
0x48: {  	_ =	shalt  }
0x49: {  	_ =	shalt  }
0x4a: {  	_ =	shalt  }
0x4b: {  	_ =	shalt  }
0x4c: {  	_ =	shalt  }
0x4d: {  	_ =	shalt  }
0x4e: {  	_ =	shalt  }
0x4f: {  	_ =	shalt  }
0x50: {  	_ =	shalt  }
0x51: {  	_ =	shalt  }
0x52: {  	_ =	shalt  }
0x53: {  	_ =	shalt  }
0x54: {  	_ =	shalt  }
0x55: {  	_ =	shalt  }
0x56: {  	_ =	shalt  }
0x57: {  	_ =	shalt  }
0x58: {  	_ =	shalt  }
0x59: {  	_ =	shalt  }
0x5a: {  	_ =	shalt  }
0x5b: {  	_ =	shalt  }
0x5c: {  	_ =	shalt  }
0x5d: {  	_ =	shalt  }
0x5e: {  	_ =	shalt  }
0x5f: {  	_ =	shalt  }
0x60: {  	_ =	shalt  }
0x61: {  	_ =	shalt  }
0x62: {  	_ =	shalt  }
0x63: {  	_ =	shalt  }
0x64: {  	_ =	shalt  }
0x65: {  	_ =	shalt  }
0x66: {  	_ =	shalt  }
0x67: {  	_ =	shalt  }
0x68: {  	_ =	shalt  }
0x69: {  	_ =	shalt  }
0x6a: {  	_ =	shalt  }
0x6b: {  	_ =	shalt  }
0x6c: {  	_ =	shalt  }
0x6d: {  	_ =	shalt  }
0x6e: {  	_ =	shalt  }
0x6f: {  	_ =	shalt  }
0x70: {  	_ =	shalt  }
0x71: {  	_ =	shalt  }
0x72: {  	_ =	shalt  }
0x73: {  	_ =	shalt  }
0x74: {  	_ =	shalt  }
0x75: {  	_ =	shalt  }
0x76: {  	_ =	shalt  }
0x77: {  	_ =	shalt  }
0x78: {  	_ =	shalt  }
0x79: {  	_ =	shalt  }
0x7a: {  	_ =	shalt  }
0x7b: {  	_ =	shalt  }
0x7c: {  	_ =	shalt  }
0x7d: {  	_ =	shalt  }
0x7e: {  	_ =	shalt  }
0x7f: {  	_ =	shalt  }
0x80: {  	_ =	shalt  }
0x81: {  	_ =	shalt  }
0x82: {  	_ =	shalt  }
0x83: {  	_ =	shalt  }
0x84: {  	_ =	shalt  }
0x85: {  	_ =	shalt  }
0x86: {  	_ =	shalt  }
0x87: {  	_ =	shalt  }
.Lfunc_end0:
.L_simem_size_0:
called_computation.1_lowered:
.L_overlay_start_0:
0x88: {  	s2 =	sld [smem:$0x3FD9]  }
0x89: {  	s3 =	sld [smem:$0x3FFE];
	_ =	sdelay $0x1  }
0x8a: {  	s1 =	srdreg.scid  }
0x8b: {  	s0 =	sand.u32 $0x1, s1  }
0x8c: {  	s14 =	sshll.u32 s0, $0xA;
	s2 =	sadd.s32 s3, s2  }
0x8d: {  	s2 =	sadd.s32 s2, s14  }
0x8e: {  	[smem:$0x3FC0] =	sst s2  }
0x8f: {  	_ = 	snop  }
0x90: {  	s2 =	sld [smem:$0x3FD0];
	_ =	sdelay $0x2  }
0x91: {  	s15 =	simm.s32 $0xA;
	s4 =	simm.s32 $0x10  }
0x92: {  	[smem:s4], [sflag:s15] =	dma.local [hbm:s2], $0x1  }
0x93: {  	_ =	swait.eq [sflag:s15], $0x1  }
0x94: {  	[sflag:s15] =	ssyncset.done $0x0  }
0x95: {  	[sflag:s15] =	ssyncadd.s32 $0xFFFFFFFF  }
0x96: {  	s16 =	sld [smem:$0x11];
	(tm) =	ssettm $0x1  }
0x97: {  	s17 =	sld [smem:$0x3FFB];
	_ =	sdelay $0x3  }
0x98: {  	_ =	strace s17  }
0x99: {  	s3 =	sld [smem:$0x3FFC];
	_ =	sdelay $0x3  }
0x9a: {  	_ =	strace s3  }
0x9b: {  	s3 =	sld [smem:$0x3FFD];
	_ =	sdelay $0x3  }
0x9c: {  	_ =	strace s3  }
0x9d: {  	_ =	strace $0x8FFFFFFF  }
0x9e: {  	s18 =	sld [smem:$0x3FDB];
	_ =	sdelay $0x1  }
0x9f: {  	s19 =	simm.s32 $_scs_section_size  }
0xa0: {  	s5 =	simm.s32 $_size__tile_overlayer_lowered;
	s6 =	simm.s32 $_tile_overlayer_lowered  }
0xa1: {  	s22 =	simm.s32 $0x1BFF;
	s21 =	sshll.u32 s6, $0x1;
	s3 =	sadd.s32 s19, s18  }
0xa2: {  	s7 =	simm.s32 $0x0;
	s20 =	sshll.u32 s5, $0x1;
	s5 =	sadd.s32 s21, s3  }
0xa3: {  	[timem:s7], [sflag:s22] =	dma.local [hbm:s5], s20  }
0xa4: {  	_ =	swait.ge [sflag:s22], s20  }
0xa5: {  	s4 =	ssub.s32 $0x0, s20;
	[sflag:s22] =	ssyncset.done $0x0  }
0xa6: {  	[sflag:s22] =	ssyncadd.s32 s4;
	_ =	sdelay $0x1  }
0xa7: {  	s23 =	simm.s32 $0x1B8B  }
0xa8: {  	_ =	swait.ge [sflag:s23], $0x1  }
0xa9: {  	[sflag:s23] =	ssyncset.done $0x0  }
0xaa: {  	s25 =	simm.s32 $0x1B8E;
	s24 =	sld [smem:$0x3FFE];
	[sflag:s23] =	ssyncadd.s32 $0xFFFFFFFF  }
0xab: {  	s26 =	simm.s32 $execute0_lowered;
	[smem:$0x3FD2] =	sst s25  }
0xac: {  	s5 =	sshll.u32 s26, $0x1;
	_ =	strace $0x80000049;
	[dreg:$0x1] =	wrdreg $0xFFFFFFFF  }
0xad: {  	s28 =	simm.s32 $_size_execute0_lowered;
	s3 =	sadd.s32 s3, s5;
	[dreg:$0x0] =	wrdreg $0x0  }
0xae: {  	s5 =	sshll.u32 s28, $0x1;
	[dreg:$0x2] =	wrdreg s3  }
0xaf: {  	[dreg:$0x3] =	wrdreg s5  }
0xb0: {  	[dreg:$0x4] =	wrdreg $0xC0  }
0xb1: {  	_ =	task [dreg:s7], $0x5FFFF  }
0xb2: {  	[dreg:$0x1] =	wrdreg $0xFFFFFFFF  }
0xb3: {  	[dreg:$0x0] =	wrdreg $0x60  }
0xb4: {  	[dreg:$0x2] =	wrdreg s24  }
0xb5: {  	[dreg:$0x3] =	wrdreg s16  }
0xb6: {  	[dreg:$0x4] =	wrdreg $0x9  }
0xb7: {  	_ =	task.clear_ibuf [dreg:s7], $0x5FFFF;
	_ =	strace $0x90000049  }
0xb8: {  	s29 =	simm.s32 $0x9;
	_ =	strace $0x8000004B  }
0xb9: {  	_ =	swait.ge [sflag:s29], $0x1  }
0xba: {  	[sflag:s29] =	ssyncadd.s32 $0xFFFFFFFF  }
0xbb: {  	_ =	strace $0x9000004B  }
0xbc: {  	_ =	sfence  }
0xbd: {  	s30 =	sld [smem:$0x0];
	_ =	sdelay $0x2  }
0xbe: {  	s31 =	sshll.u32 s1, $0xD;
	s1 =	sshrl.u32 s1, $0x2  }
0xbf: {  	s3 =	sand.u32 $0x4000, s31;
	s1 =	sadd.s32 s1, s30  }
0xc0: {  	s0 =	sor.u32 s3, s0;
	s1 =	sshll.u32 s1, $0x11  }
0xc1: {  	s0 =	sor.u32 s1, s0  }
0xc2: {  	s0 =	sadd.s32 $0x8F2B, s0  }
0xc3: {  	[sflag:s0] =	ssyncadd.remote.s32 $0x1  }
0xc4: {  	_ =	sfence.sel $0xFFFF  }
0xc5: {  	[dreg:$0x0] =	wrdreg $0xFFFFFFFF;
	(pc) =	sbr.abs _section_cstart, $3  }
0xc6: {  	[dreg:$0x1] =	wrdreg $0xFFFFFFFF  }
0xc7: {  	_ =	task.clear_ibuf [dreg:s7], $0x2FFFF;
	_ =	strace $0x9FFFFFFF  }
0xc8: {  	(tm) =	ssettm $0x7FFFFFFF  }
0xc9: {  	_ =	shalt  }
tec
execute0_lowered:
.L_overlay_start_1:
0x0: {  	(tag) =	ssettag $0x1  }
0x1: {  	s0 =	rddreg [dreg:$0x0]  }
0x2: {  	s6 =	rddreg [dreg:$0x1]  }
0x3: {  	s3 =	srdreg.scid;
	s1 =	stileid.u32  }
0x4: {  	s2 =	simm.s32 $0x0;
	s11 =	simm.s32 $0x2;
	s12 =	simm.s32 $0x80  }
0x5: {  	s13 =	simm.s32 $0x2330;
	s14 =	simm.s32 $0x3730;
	s15 =	simm.s32 $0x4B30  }
0x6: {  	s16 =	simm.s32 $0x5F30;
	s17 =	simm.s32 $0x7330;
	s18 =	simm.s32 $0x8730  }
0x7: {  	s19 =	simm.s32 $0x9B30;
	s20 =	simm.s32 $0xAF30;
	s21 =	simm.s32 $0x1  }
0x8: {  	s3 =	sand.u32 $0x1, s3;
	s4 =	sshll.u32 s1, $0x1;
	[smem:$0x7FF] =	sst s2  }
0x9: {  	s22 =	simm.s32 $0x0;
	s5 =	sor.u32 s3, s4;
	_ =	strace $0x8000004A  }
0xa: {  	s7 =	ssub.s32 $0x2, s3;
	s3 =	sadd.s32 $0x4400, s0;
	s4 =	sshll.u32 s5, $0x5  }
0xb: {  	s8 =	sshrl.u32 s7, $0x1;
	s30 =	sshll.u32 s5, $0xA;
	s5 =	sshll.u32 s5, $0xD  }
0xc: {  	s9 =	sadd.s32 s4, s0;
	s4 =	sadd.s32 $0x2C400, s0;
	s31 =	sadd.s32 s6, s30  }
0xd: {  	s29 =	ssub.s32 s7, s8;
	[dreg:$0x3] =	wrdreg s31;
	s7 =	sadd.s32 $0x1800, s9  }
0xe: {  	vm0 =	vcmask $0xB08;
	vm1 =	vcmask $0x3F08;
	vm2 =	vmmov $0x1;
	s8 =	sadd.s32 $0x2000, s9;
	s9 =	sadd.s32 $0x1C00, s9;
	s10 =	smax.u32 s29, $0x1  }
.LBB2_1:
0xf: {  	s0 =	rddreg [dreg:$0x3]  }
0x10: {  	[tilespmem:s2], [sflag:$0x2] =	stream.linear.gather [hbm4b:s0+s2], $0x2000, $0x38;
	[tilespmem:$0xC330] =	vst v63  }
0x11: {  	_ =	swait.ge [sflag:s11], $0x2000  }
0x12: {  	[sflag:s11] =	ssyncset.done $0x0  }
0x13: {  	s23 =	simm.s32 $0x2000;
	[sflag:s11] =	ssyncadd.s32 $0xFFFFE000  }
0x14: {  	[tilespmem:s23], [sflag:$0x2] =	stream.linear.gather [hbm4b:s7+s2], $0x100, $0x38;
	[tilespmem:$0xC330] =	vst v63  }
0x15: {  	_ =	swait.ge [sflag:s11], $0x100  }
0x16: {  	[sflag:s11] =	ssyncset.done $0x0  }
0x17: {  	s24 =	simm.s32 $0x2110;
	[sflag:s11] =	ssyncadd.s32 $0xFFFFFF00  }
0x18: {  	[tilespmem:s24], [sflag:$0x2] =	stream.linear.gather [hbm4b:s8+s2], $0x100, $0x38;
	[tilespmem:$0xC330] =	vst v63  }
0x19: {  	_ =	swait.ge [sflag:s11], $0x100  }
0x1a: {  	[sflag:s11] =	ssyncset.done $0x0  }
0x1b: {  	s25 =	simm.s32 $0x2220;
	[sflag:s11] =	ssyncadd.s32 $0xFFFFFF00  }
0x1c: {  	[tilespmem:s25], [sflag:$0x2] =	stream.linear.gather [hbm4b:s9+s2], $0x100, $0x38;
	[tilespmem:$0xC330] =	vst v63  }
0x1d: {  	_ =	swait.ge [sflag:s11], $0x100  }
0x1e: {  	[sflag:s11] =	ssyncset.done $0x0  }
0x1f: {  	s26 =	simm.s32 $0x0;
	[sflag:s11] =	ssyncadd.s32 $0xFFFFFF00  }
.LBB2_2:
0x20: {  	s28 =	sshll.u32 s26, $0xA  }
0x21: {  	[tilespmem:s13], [sflag:$0x1] =	stream.indirect.gather [hbm4b:s3+s12], $0x28, s28, s12, $0xb8;
	[tilespmem:$0xC330] =	vst v63  }
0x22: {  	s0 =	sor.u32 $0x80, s28  }
0x23: {  	[tilespmem:s14], [sflag:$0x1] =	stream.indirect.gather [hbm4b:s3+s12], $0x28, s0, s12, $0xb8;
	[tilespmem:$0xC330] =	vst v63  }
0x24: {  	s1 =	sor.u32 $0x100, s28  }
0x25: {  	[tilespmem:s15], [sflag:$0x1] =	stream.indirect.gather [hbm4b:s3+s12], $0x28, s1, s12, $0xb8;
	[tilespmem:$0xC330] =	vst v63  }
0x26: {  	s6 =	sor.u32 $0x180, s28  }
0x27: {  	[tilespmem:s16], [sflag:$0x1] =	stream.indirect.gather [hbm4b:s3+s12], $0x28, s6, s12, $0xb8;
	[tilespmem:$0xC330] =	vst v63  }
0x28: {  	s1 =	sor.u32 $0x200, s28  }
0x29: {  	[tilespmem:s17], [sflag:$0x1] =	stream.indirect.gather [hbm4b:s3+s12], $0x28, s1, s12, $0xb8;
	[tilespmem:$0xC330] =	vst v63  }
0x2a: {  	s6 =	sor.u32 $0x280, s28  }
0x2b: {  	[tilespmem:s18], [sflag:$0x1] =	stream.indirect.gather [hbm4b:s3+s12], $0x28, s6, s12, $0xb8;
	[tilespmem:$0xC330] =	vst v63  }
0x2c: {  	s1 =	sor.u32 $0x300, s28  }
0x2d: {  	[tilespmem:s19], [sflag:$0x1] =	stream.indirect.gather [hbm4b:s3+s12], $0x28, s1, s12, $0xb8;
	[tilespmem:$0xC330] =	vst v63  }
0x2e: {  	s6 =	sor.u32 $0x380, s28  }
0x2f: {  	[tilespmem:s20], [sflag:$0x1] =	stream.indirect.gather [hbm4b:s3+s12], $0x28, s6, s12, $0xb8;
	[tilespmem:$0xC330] =	vst v63  }
0x30: {  	_ =	swait.ge [sflag:s21], $0x1400  }
0x31: {  	[sflag:s21] =	ssyncset.done $0x0  }
0x32: {  	[sflag:s21] =	ssyncadd.s32 $0xFFFFEC00  }
0x33: {  	_ =	swait.ge [sflag:s21], $0x1400  }
0x34: {  	[sflag:s21] =	ssyncset.done $0x0  }
0x35: {  	[sflag:s21] =	ssyncadd.s32 $0xFFFFEC00  }
0x36: {  	_ =	swait.ge [sflag:s21], $0x1400  }
0x37: {  	[sflag:s21] =	ssyncset.done $0x0  }
0x38: {  	[sflag:s21] =	ssyncadd.s32 $0xFFFFEC00  }
0x39: {  	_ =	swait.ge [sflag:s21], $0x1400  }
0x3a: {  	[sflag:s21] =	ssyncset.done $0x0  }
0x3b: {  	[sflag:s21] =	ssyncadd.s32 $0xFFFFEC00  }
0x3c: {  	_ =	swait.ge [sflag:s21], $0x1400  }
0x3d: {  	[sflag:s21] =	ssyncset.done $0x0  }
0x3e: {  	[sflag:s21] =	ssyncadd.s32 $0xFFFFEC00  }
0x3f: {  	_ =	swait.ge [sflag:s21], $0x1400  }
0x40: {  	[sflag:s21] =	ssyncset.done $0x0  }
0x41: {  	[sflag:s21] =	ssyncadd.s32 $0xFFFFEC00  }
0x42: {  	_ =	swait.ge [sflag:s21], $0x1400  }
0x43: {  	[sflag:s21] =	ssyncset.done $0x0  }
0x44: {  	[sflag:s21] =	ssyncadd.s32 $0xFFFFEC00  }
0x45: {  	_ =	swait.ge [sflag:s21], $0x1400  }
0x46: {  	[sflag:s21] =	ssyncset.done $0x0  }
0x47: {  	s30 =	simm.s32 $0x25B0;
	[sflag:s21] =	ssyncadd.s32 $0xFFFFEC00  }
0x48: {  	v1 =	vld [tilespmem:s30+$0x258]  }
0x49: {  	v2 =	vld [tilespmem:s30+$0x230]  }
0x4a: {  	v3 =	vld [tilespmem:s30+$0x208]  }
0x4b: {  	v4 =	vld [tilespmem:s30+$0x1E0]  }
0x4c: {  	v5 =	vld [tilespmem:s30+$0x1B8]  }
0x4d: {  	v0 =	vmov s23;
	v6 =	vld [tilespmem:s30+$0x190]  }
0x4e: {  	v7 =	vld [tilespmem:s30+$0x168]  }
0x4f: {  	s1 =	sadd.s32 $0x0, s25;
	v8 =	vld [tilespmem:s30+$0x140]  }
0x50: {  	s29 =	sadd.s32 $0x0, s24;
	v9 =	vld.msk [tilespmem:s1+$0x0 ss:$0x0], $0xffff  }
0x51: {  	s6 =	simm.s32 $0x0;
	v10 =	vld.msk [tilespmem:s29+$0x0 ss:$0x0], $0xffff  }
0x52: {  	v11 =	vld.idx.msk [tilespmem:v0+s6+$0x0 ss:$0x1], $0xffff  }
0x53: {  	v12 =	vld [tilespmem:s30+$0x118]  }
0x54: {  	v13 =	vld [tilespmem:s30+$0xF0]  }
0x55: {  	v14 =	vld [tilespmem:s30+$0xC8];
	v9 =	vnsel vm0, $0x0, v9  }
0x56: {  	v15 =	vld [tilespmem:s30+$0xA0];
	v9 =	vsel vm1, v9, v10  }
0x57: {  	v17 =	vld [tilespmem:s30+$0x0];
	v16 =	vsel vm2, v11, v9  }
0x58: {  	v18 =	vld [tilespmem:s30+$0xFFFFFDA8];
	v1 =	vsub.f32 v1, v16  }
0x59: {  	v10 =	vld [tilespmem:s30+$0x78];
	v2 =	vsub.f32 v2, v16  }
0x5a: {  	v9 =	vld [tilespmem:s30+$0x50];
	v3 =	vsub.f32 v3, v16;
	[tilespmem:s30+$0x258] =	vst v1  }
0x5b: {  	v11 =	vld [tilespmem:s30+$0x28];
	v4 =	vsub.f32 v4, v16;
	[tilespmem:s30+$0x230] =	vst v2  }
0x5c: {  	v5 =	vsub.f32 v5, v16;
	v1 =	vld [tilespmem:s30+$0xFFFFFFD8];
	[tilespmem:s30+$0x208] =	vst v3  }
0x5d: {  	v6 =	vsub.f32 v6, v16;
	v2 =	vld [tilespmem:s30+$0xFFFFFFB0];
	[tilespmem:s30+$0x1E0] =	vst v4  }
0x5e: {  	v7 =	vsub.f32 v7, v16;
	v3 =	vld [tilespmem:s30+$0xFFFFFF88];
	[tilespmem:s30+$0x1B8] =	vst v5  }
0x5f: {  	v8 =	vsub.f32 v8, v16;
	v4 =	vld [tilespmem:s30+$0xFFFFFF60];
	[tilespmem:s30+$0x190] =	vst v6  }
0x60: {  	v12 =	vsub.f32 v12, v16;
	v5 =	vld [tilespmem:s30+$0xFFFFFF38];
	[tilespmem:s30+$0x168] =	vst v7  }
0x61: {  	v13 =	vsub.f32 v13, v16;
	v6 =	vld [tilespmem:s30+$0xFFFFFF10];
	[tilespmem:s30+$0x140] =	vst v8  }
0x62: {  	v14 =	vsub.f32 v14, v16;
	v7 =	vld [tilespmem:s30+$0xFFFFFEE8];
	[tilespmem:s30+$0x118] =	vst v12  }
0x63: {  	v15 =	vsub.f32 v15, v16;
	v8 =	vld [tilespmem:s30+$0xFFFFFEC0];
	[tilespmem:s30+$0xF0] =	vst v13  }
0x64: {  	v17 =	vsub.f32 v17, v16;
	v12 =	vld [tilespmem:s30+$0xFFFFFE98];
	[tilespmem:s30+$0xC8] =	vst v14  }
0x65: {  	v18 =	vsub.f32 v18, v16;
	v13 =	vld [tilespmem:s30+$0xFFFFFE70];
	[tilespmem:s30+$0xA0] =	vst v15  }
0x66: {  	v14 =	vld [tilespmem:s30+$0xFFFFFE48];
	[tilespmem:s30+$0x0] =	vst v17;
	v10 =	vsub.f32 v10, v16  }
0x67: {  	v15 =	vld [tilespmem:s30+$0xFFFFFE20];
	[tilespmem:s30+$0xFFFFFDA8] =	vst v18;
	v9 =	vsub.f32 v9, v16  }
0x68: {  	v17 =	vld [tilespmem:s30+$0xFFFFFD80];
	v11 =	vsub.f32 v11, v16;
	[tilespmem:s30+$0x78] =	vst v10  }
0x69: {  	v10 =	vld [tilespmem:s30+$0xFFFFFDF8];
	[tilespmem:s30+$0x50] =	vst v9;
	v1 =	vsub.f32 v1, v16  }
0x6a: {  	s29 =	simm.s32 $0x2AB0;
	v9 =	vld [tilespmem:s30+$0xFFFFFDD0];
	[tilespmem:s30+$0x28] =	vst v11;
	v2 =	vsub.f32 v2, v16  }
0x6b: {  	v3 =	vsub.f32 v3, v16;
	v11 =	vsub.f32 v5, v16;
	v5 =	vld [tilespmem:s29+$0x1E0];
	[tilespmem:s30+$0xFFFFFFD8] =	vst v1  }
0x6c: {  	v4 =	vsub.f32 v4, v16;
	v19 =	vsub.f32 v7, v16;
	v7 =	vld [tilespmem:s29+$0x190];
	[tilespmem:s30+$0xFFFFFFB0] =	vst v2  }
0x6d: {  	v1 =	vld [tilespmem:s29+$0x258];
	[tilespmem:s30+$0xFFFFFF88] =	vst v3  }
0x6e: {  	v6 =	vsub.f32 v6, v16;
	v2 =	vld [tilespmem:s29+$0x230];
	[tilespmem:s30+$0xFFFFFF60] =	vst v4  }
0x6f: {  	v3 =	vld [tilespmem:s29+$0x208];
	[tilespmem:s30+$0xFFFFFF38] =	vst v11  }
0x70: {  	v8 =	vsub.f32 v8, v16;
	v4 =	vld [tilespmem:s29+$0x1B8];
	[tilespmem:s30+$0xFFFFFF10] =	vst v6  }
0x71: {  	v12 =	vsub.f32 v12, v16;
	[tilespmem:s30+$0xFFFFFEE8] =	vst v19;
	v6 =	vld [tilespmem:s29+$0x168]  }
0x72: {  	v13 =	vsub.f32 v13, v16;
	[tilespmem:s30+$0xFFFFFEC0] =	vst v8;
	v11 =	vld [tilespmem:s29+$0x140]  }
0x73: {  	v14 =	vsub.f32 v14, v16;
	[tilespmem:s30+$0xFFFFFE98] =	vst v12;
	v8 =	vld [tilespmem:s29+$0x118]  }
0x74: {  	v15 =	vsub.f32 v15, v16;
	[tilespmem:s30+$0xFFFFFE70] =	vst v13;
	v12 =	vld [tilespmem:s29+$0xF0]  }
0x75: {  	[tilespmem:s30+$0xFFFFFE48] =	vst v14;
	v13 =	vld [tilespmem:s29+$0xA0];
	v10 =	vsub.f32 v10, v16  }
0x76: {  	[tilespmem:s30+$0xFFFFFE20] =	vst v15;
	v14 =	vsub.f32 v9, v16;
	v9 =	vld [tilespmem:s29+$0xC8]  }
0x77: {  	v15 =	vsub.f32 v17, v16;
	[tilespmem:s30+$0xFFFFFDF8] =	vst v10;
	v10 =	vld [tilespmem:s29+$0x78]  }
0x78: {  	s31 =	simm.s32 $0x8;
	s0 =	simm.s32 $0x1;
	[tilespmem:s30+$0xFFFFFDD0] =	vst v14;
	v14 =	vld [tilespmem:s29+$0x50]  }
.LBB2_3:
0x79: {  	p0 =	sne.s32 s31, $0x7C;
	s1 =	sadd.s32 s0, s25;
	v16 =	vld [tilespmem:s29+$0x28];
	[tilespmem:s30+$0xFFFFFD80] =	vst v15;
	s30 =	smov.u32 s29  }
0x7a: {  	s6 =	sadd.s32 s0, s24;
	v15 =	vld.msk [tilespmem:s1+$0x0 ss:$0x0], $0xffff  }
0x7b: {  	v17 =	vld.msk [tilespmem:s6+$0x0 ss:$0x0], $0xffff  }
0x7c: {  	v18 =	vld.idx.msk [tilespmem:v0+s0+$0x0 ss:$0x1], $0xffff  }
0x7d: {  	v19 =	vld [tilespmem:s29+$0x0]  }
0x7e: {  	v20 =	vld [tilespmem:s29+$0xFFFFFFD8]  }
0x7f: {  	v21 =	vld [tilespmem:s29+$0xFFFFFFB0]  }
0x80: {  	v15 =	vnsel vm0, $0x0, v15;
	v22 =	vld [tilespmem:s29+$0xFFFFFF88]  }
0x81: {  	v15 =	vsel vm1, v15, v17;
	v17 =	vld [tilespmem:s29+$0xFFFFFF60]  }
0x82: {  	v18 =	vsel vm2, v18, v15;
	v15 =	vld [tilespmem:s29+$0xFFFFFF38]  }
0x83: {  	v2 =	vsub.f32 v2, v18;
	v1 =	vsub.f32 v1, v18;
	v23 =	vld [tilespmem:s29+$0xFFFFFF10]  }
0x84: {  	v5 =	vsub.f32 v5, v18;
	v3 =	vsub.f32 v3, v18;
	v24 =	vld [tilespmem:s29+$0xFFFFFEE8]  }
0x85: {  	v7 =	vsub.f32 v7, v18;
	v4 =	vsub.f32 v4, v18;
	v25 =	vld [tilespmem:s29+$0xFFFFFEC0];
	[tilespmem:s29+$0x258] =	vst v1  }
0x86: {  	v11 =	vsub.f32 v11, v18;
	v6 =	vsub.f32 v6, v18;
	v1 =	vld [tilespmem:s29+$0xFFFFFE98];
	[tilespmem:s29+$0x230] =	vst v2  }
0x87: {  	v12 =	vsub.f32 v12, v18;
	v8 =	vsub.f32 v8, v18;
	v2 =	vld [tilespmem:s29+$0xFFFFFE70];
	[tilespmem:s29+$0x208] =	vst v3  }
0x88: {  	v13 =	vsub.f32 v13, v18;
	v9 =	vsub.f32 v9, v18;
	v3 =	vld [tilespmem:s29+$0xFFFFFE48];
	[tilespmem:s29+$0x1E0] =	vst v5  }
0x89: {  	v14 =	vsub.f32 v14, v18;
	v10 =	vsub.f32 v10, v18;
	v5 =	vld [tilespmem:s29+$0xFFFFFE20];
	[tilespmem:s29+$0x1B8] =	vst v4  }
0x8a: {  	v19 =	vsub.f32 v19, v18;
	v16 =	vsub.f32 v16, v18;
	v4 =	vld [tilespmem:s29+$0xFFFFFDF8];
	[tilespmem:s29+$0x190] =	vst v7  }
0x8b: {  	v20 =	vsub.f32 v20, v18;
	v21 =	vsub.f32 v21, v18;
	v7 =	vld [tilespmem:s29+$0xFFFFFDD0];
	[tilespmem:s29+$0x168] =	vst v6  }
0x8c: {  	v22 =	vsub.f32 v22, v18;
	v17 =	vsub.f32 v17, v18;
	v6 =	vld [tilespmem:s29+$0xFFFFFDA8];
	[tilespmem:s29+$0x140] =	vst v11  }
0x8d: {  	v26 =	vsub.f32 v15, v18;
	v23 =	vsub.f32 v23, v18;
	v11 =	vld [tilespmem:s29+$0xFFFFFD80];
	[tilespmem:s29+$0x118] =	vst v8  }
0x8e: {  	v24 =	vsub.f32 v24, v18;
	v8 =	vsub.f32 v25, v18;
	[tilespmem:s29+$0xF0] =	vst v12  }
0x8f: {  	v25 =	vsub.f32 v1, v18;
	v12 =	vsub.f32 v2, v18;
	[tilespmem:s29+$0xC8] =	vst v9  }
0x90: {  	v27 =	vsub.f32 v5, v18;
	v9 =	vsub.f32 v3, v18;
	[tilespmem:s29+$0xA0] =	vst v13  }
0x91: {  	v29 =	vsub.f32 v4, v18;
	v28 =	vsub.f32 v7, v18;
	[tilespmem:s29+$0x78] =	vst v10  }
0x92: {  	v15 =	vsub.f32 v11, v18;
	v18 =	vsub.f32 v6, v18;
	[tilespmem:s29+$0x50] =	vst v14  }
0x93: {  	[tilespmem:s29+$0x28] =	vst v16  }
0x94: {  	[tilespmem:s29+$0x0] =	vst v19  }
0x95: {  	s29 =	sadd.s32 $0x500, s29;
	[tilespmem:s30+$0xFFFFFFD8] =	vst v20  }
0x96: {  	v1 =	vld [tilespmem:s29+$0x258];
	[tilespmem:s30+$0xFFFFFFB0] =	vst v21  }
0x97: {  	v2 =	vld [tilespmem:s29+$0x230];
	[tilespmem:s30+$0xFFFFFF88] =	vst v22  }
0x98: {  	v3 =	vld [tilespmem:s29+$0x208];
	[tilespmem:s30+$0xFFFFFF60] =	vst v17  }
0x99: {  	v5 =	vld [tilespmem:s29+$0x1E0];
	[tilespmem:s30+$0xFFFFFF38] =	vst v26  }
0x9a: {  	v4 =	vld [tilespmem:s29+$0x1B8];
	[tilespmem:s30+$0xFFFFFF10] =	vst v23  }
0x9b: {  	v7 =	vld [tilespmem:s29+$0x190];
	[tilespmem:s30+$0xFFFFFEE8] =	vst v24  }
0x9c: {  	v6 =	vld [tilespmem:s29+$0x168];
	[tilespmem:s30+$0xFFFFFEC0] =	vst v8  }
0x9d: {  	v11 =	vld [tilespmem:s29+$0x140];
	[tilespmem:s30+$0xFFFFFE98] =	vst v25  }
0x9e: {  	v8 =	vld [tilespmem:s29+$0x118];
	[tilespmem:s30+$0xFFFFFE70] =	vst v12  }
.Ltmp0:
0x9f: {  	v12 =	vld [tilespmem:s29+$0xF0];
	[tilespmem:s30+$0xFFFFFE48] =	vst v9;
	(pc) =	sbr.rel @p0 .LBB2_3-.Ltmp0, $4  }
0xa0: {  	v9 =	vld [tilespmem:s29+$0xC8];
	[tilespmem:s30+$0xFFFFFE20] =	vst v27  }
0xa1: {  	v13 =	vld [tilespmem:s29+$0xA0];
	[tilespmem:s30+$0xFFFFFDF8] =	vst v29  }
0xa2: {  	v10 =	vld [tilespmem:s29+$0x78];
	[tilespmem:s30+$0xFFFFFDD0] =	vst v28  }
0xa3: {  	s0 =	sshra.s32 s31, $0x2;
	s31 =	sadd.s32 $0x4, s31;
	v14 =	vld [tilespmem:s29+$0x50];
	[tilespmem:s30+$0xFFFFFDA8] =	vst v18  }
0xa4: {  	_ = 	snop  }
0xa5: {  	s1 =	sadd.s32 s0, s25;
	[tilespmem:s30+$0xFFFFFD80] =	vst v15  }
0xa6: {  	s6 =	sadd.s32 s0, s24;
	v15 =	vld.msk [tilespmem:s1+$0x0 ss:$0x0], $0xffff  }
0xa7: {  	v16 =	vld.msk [tilespmem:s6+$0x0 ss:$0x0], $0xffff  }
0xa8: {  	v0 =	vld.idx.msk [tilespmem:v0+s0+$0x0 ss:$0x1], $0xffff;
	_ =	sdelay $0x2  }
0xa9: {  	v15 =	vnsel vm0, $0x0, v15  }
0xaa: {  	v15 =	vsel vm1, v15, v16  }
0xab: {  	v0 =	vsel vm2, v0, v15  }
0xac: {  	v1 =	vsub.f32 v1, v0  }
0xad: {  	v2 =	vsub.f32 v2, v0  }
0xae: {  	v3 =	vsub.f32 v3, v0;
	[tilespmem:s29+$0x258] =	vst v1  }
0xaf: {  	v32 =	vsub.f32 v5, v0;
	[tilespmem:s29+$0x230] =	vst v2  }
0xb0: {  	v33 =	vsub.f32 v4, v0;
	[tilespmem:s29+$0x208] =	vst v3  }
0xb1: {  	v34 =	vsub.f32 v7, v0;
	[tilespmem:s29+$0x1E0] =	vst v32  }
0xb2: {  	v35 =	vsub.f32 v6, v0;
	[tilespmem:s29+$0x1B8] =	vst v33  }
0xb3: {  	v36 =	vsub.f32 v11, v0;
	[tilespmem:s29+$0x190] =	vst v34  }
0xb4: {  	v37 =	vsub.f32 v8, v0;
	[tilespmem:s29+$0x168] =	vst v35  }
0xb5: {  	v44 =	vld [tilespmem:s29+$0xFFFFFFB0];
	v39 =	vsub.f32 v12, v0;
	[tilespmem:s29+$0x140] =	vst v36  }
0xb6: {  	v46 =	vld [tilespmem:s29+$0xFFFFFF88];
	v41 =	vsub.f32 v9, v0;
	[tilespmem:s29+$0x118] =	vst v37  }
0xb7: {  	v48 =	vld [tilespmem:s29+$0xFFFFFF60];
	v43 =	vsub.f32 v13, v0;
	[tilespmem:s29+$0xF0] =	vst v39  }
0xb8: {  	v49 =	vld [tilespmem:s29+$0xFFFFFF38];
	v45 =	vsub.f32 v10, v0;
	[tilespmem:s29+$0xC8] =	vst v41  }
0xb9: {  	v50 =	vld [tilespmem:s29+$0xFFFFFF10];
	v47 =	vsub.f32 v14, v0;
	[tilespmem:s29+$0xA0] =	vst v43  }
0xba: {  	v56 =	vld [tilespmem:s29+$0xFFFFFE20];
	v4 =	vsub.f32 v44, v0;
	[tilespmem:s29+$0x78] =	vst v45  }
0xbb: {  	v57 =	vld [tilespmem:s29+$0xFFFFFDF8];
	v5 =	vsub.f32 v46, v0;
	[tilespmem:s29+$0x50] =	vst v47  }
0xbc: {  	v58 =	vld [tilespmem:s29+$0xFFFFFDD0];
	v6 =	vsub.f32 v48, v0;
	[tilespmem:s29+$0xFFFFFFB0] =	vst v4  }
0xbd: {  	v38 =	vld [tilespmem:s29+$0x28];
	v7 =	vsub.f32 v49, v0;
	[tilespmem:s29+$0xFFFFFF88] =	vst v5  }
0xbe: {  	v40 =	vld [tilespmem:s29+$0x0];
	v8 =	vsub.f32 v50, v0;
	[tilespmem:s29+$0xFFFFFF60] =	vst v6  }
0xbf: {  	v42 =	vld [tilespmem:s29+$0xFFFFFFD8];
	v61 =	vsub.f32 v56, v0;
	[tilespmem:s29+$0xFFFFFF38] =	vst v7  }
0xc0: {  	v54 =	vld [tilespmem:s29+$0xFFFFFE70];
	v62 =	vsub.f32 v57, v0;
	[tilespmem:s29+$0xFFFFFF10] =	vst v8  }
0xc1: {  	v55 =	vld [tilespmem:s29+$0xFFFFFE48];
	v63 =	vsub.f32 v58, v0;
	[tilespmem:s29+$0xFFFFFE20] =	vst v61  }
0xc2: {  	v51 =	vld [tilespmem:s29+$0xFFFFFEE8];
	v1 =	vsub.f32 v38, v0;
	[tilespmem:s29+$0xFFFFFDF8] =	vst v62  }
0xc3: {  	v52 =	vld [tilespmem:s29+$0xFFFFFEC0];
	v2 =	vsub.f32 v40, v0;
	[tilespmem:s29+$0xFFFFFDD0] =	vst v63  }
0xc4: {  	v53 =	vld [tilespmem:s29+$0xFFFFFE98];
	v3 =	vsub.f32 v42, v0;
	[tilespmem:s29+$0x28] =	vst v1  }
0xc5: {  	v59 =	vld [tilespmem:s29+$0xFFFFFDA8];
	v4 =	vsub.f32 v54, v0;
	[tilespmem:s29+$0x0] =	vst v2  }
0xc6: {  	v60 =	vld [tilespmem:s29+$0xFFFFFD80];
	v5 =	vsub.f32 v55, v0;
	[tilespmem:s29+$0xFFFFFFD8] =	vst v3  }
0xc7: {  	v1 =	vsub.f32 v51, v0;
	[tilespmem:s29+$0xFFFFFE70] =	vst v4  }
0xc8: {  	v2 =	vsub.f32 v52, v0;
	[tilespmem:s29+$0xFFFFFE48] =	vst v5  }
0xc9: {  	v3 =	vsub.f32 v53, v0;
	[tilespmem:s29+$0xFFFFFEE8] =	vst v1  }
0xca: {  	s31 =	sadd.s32 s5, s28;
	[tilespmem:s29+$0xFFFFFEC0] =	vst v2;
	v1 =	vsub.f32 v59, v0  }
0xcb: {  	s26 =	sadd.s32 $0x1, s26;
	s0 =	smul.u32 $0x5, s31;
	[tilespmem:s29+$0xFFFFFE98] =	vst v3;
	v0 =	vsub.f32 v60, v0  }
0xcc: {  	p0 =	sne.s32 s26, $0x8;
	[tilespmem:s29+$0xFFFFFDA8] =	vst v1  }
.Ltmp1:
0xcd: {  	s0 =	sadd.s32 s4, s0;
	[tilespmem:s29+$0xFFFFFD80] =	vst v0;
	(pc) =	sbr.rel @p0 .LBB2_2-.Ltmp1, $4  }
0xce: {  	[hbm4b:s0+s2] =	stream.linear.scatter [tilespmem:s13], [sflag:$0x2], $0xA000, $0x38;
	[tilespmem:$0xC330] =	vst v63  }
0xcf: {  	_ =	swait.ge [sflag:s11], $0xA000  }
0xd0: {  	s23 =	sadd.s32 $0x20, s23;
	[sflag:s11] =	ssyncset.done $0x0  }
0xd1: {  	s24 =	sadd.s32 $0x20, s24;
	s25 =	sadd.s32 $0x20, s25;
	[sflag:s11] =	ssyncadd.s32 $0xFFFF6000  }
0xd2: {  	s22 =	sadd.s32 $0x1, s22  }
0xd3: {  	p0 =	sne.s32 s22, s10  }
.Ltmp2:
0xd4: {  	_ = 	snop;
	(pc) =	sbr.rel @p0 .LBB2_1-.Ltmp2, $1  }
0xd5: {  	_ =	sdelay $0x3  }
0xd6: {  	_ =	sfence.sel $0x180000  }
0xd7: {  	[bflag:$0x0] =	sbarrier.arrive $0xFFFF  }
0xd8: {  	_ =	strace $0x9000004A  }
0xd9: {  	s0 =	stileid.u32;
	[bflag:$0x2] =	sbarrier.arrive $0xFFFF  }
0xda: {  	p0 =	sne.s32 s0, $0x0;
	s0 =	rddreg [dreg:$0x2]  }
0xdb: {  	s0 =	sadd.s32 @!p0 $0x100000, s0  }
0xdc: {  	[sflag:s0] =	ssyncadd.tile.s32 @!p0 $0x1;
	_ =	shalt  }
.Lfunc_end2:
_tile_overlayer_lowered:
.L_overlay_start_2:
0xdd: {  	(tag) =	ssettag $0x2  }
0xde: {  	s0 =	rddreg [dreg:$0x0];
	s2 =	stileid.u32  }
0xdf: {  	s1 =	rddreg [dreg:$0x1];
	p0 =	sne.s32 s2, $0x0  }
0xe0: {  	s3 =	rddreg [dreg:$0x2];
	[bflag:$0x3] =	sbarrier.arrive $0xFFFF;
	s2 =	simm.s32 @!p0 $0x1C02  }
0xe1: {  	[timem:s3], [sflag:s2] =	dma.local @!p0 [hbm:s0], s1  }
0xe2: {  	s0 =	simm.s32 @!p0 $0x2  }
0xe3: {  	_ =	swait.ge @!p0 [sflag:s0], s1  }
0xe4: {  	s1 =	ssub.s32 @!p0 $0x0, s1;
	[sflag:s0] =	ssyncset.done @!p0 $0x0  }
0xe5: {  	[sflag:s0] =	ssyncadd.s32 @!p0 s1  }
0xe6: {  	[bflag:$0x3] =	sbarrier.arrive $0xFFFF  }
0xe7: {  	_ =	shalt  }

</sc_bundles>
